<compile_context>
chip_gen: v7x
topology: tpu7x:2x2x1
jax: 0.10.2.dev20260603
libtpu: 0.0.44.dev20260713+nightly
codegen_flags: <defaults>
</compile_context>

<pallas_src>
import functools

import jax
import jax.numpy as jnp
from jax import lax
from jax.experimental import pallas as pl
from jax.experimental.pallas import tpu as pltpu
from jax.experimental.pallas import tpu_sc as plsc

N = 100000
E = 1600000
NPAD = 100352
ROWS_PER_TILE = NPAD // 16
NE_PAD = 1638400
NB = NE_PAD // 128
SB = 5
R = 1024
GRID = NPAD // R

_mesh = plsc.VectorSubcoreMesh(core_axis_name="c", subcore_axis_name="s")


@functools.partial(
    pl.kernel,
    out_type=jax.ShapeDtypeStruct((2, NPAD), jnp.float32),
    mesh=_mesh,
    scratch_types=[
        pltpu.VMEM((2, 8, 128), jnp.int32),
        pltpu.VMEM((128,), jnp.float32),
        pltpu.SemaphoreType.DMA,
        pltpu.SemaphoreType.DMA,
        pltpu.SemaphoreType.DMA,
        pltpu.SemaphoreType.DMA,
        pltpu.VMEM_SHARED((NPAD,), jnp.float32),
    ],
)
def _deg_kernel(dst2d, zeros1d, out, idx_v, ones_v,
                ssem0, ssem1, isem0, isem1, acc):
    c = lax.axis_index("c")
    s = lax.axis_index("s")
    rs = s * ROWS_PER_TILE
    ssem = (ssem0, ssem1)
    isem = (isem0, isem1)

    @pl.loop(0, 8)
    def _fill(i):
        ones_v[pl.ds(i * 16, 16)] = jnp.ones((16,), jnp.float32)

    pltpu.sync_copy(zeros1d.at[pl.ds(rs, ROWS_PER_TILE)],
                    acc.at[pl.ds(rs, ROWS_PER_TILE)])
    plsc.subcore_barrier()

    base = c * (NB // 2) + s * (NB // 32)
    n_super = NB // 32 // 8

    def _drain_ones(sem):
        pltpu.make_async_copy(zeros1d.at[pl.ds(0, 128)],
                              ones_v, sem).wait()

    def _drain_didx(sem):
        pltpu.make_async_copy(dst2d.at[pl.ds(0, 8)], idx_v.at[0], sem).wait()

    pltpu.sync_copy(dst2d.at[pl.ds(base, 8)], idx_v.at[0])

    @pl.loop(0, n_super // 2)
    def _scatter(g):
        for b in range(2):
            o = 1 - b
            nxt = g * 2 + b + 1

            if b == 0:
                @pl.when(g > 0)
                def _():
                    for j in range(8):
                        _drain_ones(ssem[o])
            else:
                for j in range(8):
                    _drain_ones(ssem[o])

            @pl.when(nxt < n_super)
            def _():
                pltpu.async_copy(dst2d.at[pl.ds(base + nxt * 8, 8)],
                                 idx_v.at[o], isem[o])

            for j in range(8):
                pltpu.async_copy(ones_v, acc.at[idx_v.at[b, j]],
                                 ssem[b], add=True)

            @pl.when(nxt < n_super)
            def _():
                _drain_didx(isem[o])

    for j in range(8):
        _drain_ones(ssem[1])

    plsc.subcore_barrier()
    pltpu.sync_copy(acc.at[pl.ds(rs, ROWS_PER_TILE)],
                    out.at[c, pl.ds(rs, ROWS_PER_TILE)])


@functools.partial(
    pl.kernel,
    out_type=(jax.ShapeDtypeStruct((NPAD, 16), jnp.float32),
              jax.ShapeDtypeStruct((NPAD, 16), jnp.float32)),
    mesh=_mesh,
    compiler_params=pltpu.CompilerParams(use_tc_tiling_on_sc=False),
    scratch_types=[
        pltpu.VMEM((2, SB * 128), jnp.int32),
        pltpu.VMEM((2, SB, 128), jnp.int32),
        pltpu.VMEM((2, SB * 128, 16), jnp.float32),
        pltpu.SemaphoreType.DMA,
        pltpu.SemaphoreType.DMA,
        pltpu.SemaphoreType.DMA,
        pltpu.SemaphoreType.DMA,
        pltpu.SemaphoreType.DMA,
        pltpu.SemaphoreType.DMA,
        pltpu.VMEM_SHARED((NPAD, 16), jnp.float32),
    ],
)
def _scatter_kernel(src1d, dst2d, ya, yb, out_a, out_b,
                    sidx, didx, rows, gsem0, gsem1, ssem0, ssem1,
                    isem0, isem1, acc):
    c = lax.axis_index("c")
    s = lax.axis_index("s")
    rs = s * ROWS_PER_TILE
    gsem = (gsem0, gsem1)
    ssem = (ssem0, ssem1)
    isem = (isem0, isem1)

    @pl.when(c == 0)
    def _():
        pltpu.sync_copy(ya.at[pl.ds(rs, ROWS_PER_TILE)],
                        acc.at[pl.ds(rs, ROWS_PER_TILE)])

    @pl.when(c == 1)
    def _():
        pltpu.sync_copy(yb.at[pl.ds(rs, ROWS_PER_TILE)],
                        acc.at[pl.ds(rs, ROWS_PER_TILE)])

    plsc.subcore_barrier()

    base = s * (NB // 16)
    n_super = NB // 16 // SB

    def _gathers(buf, sup):
        @pl.when(c == 0)
        def _():
            pltpu.async_copy(ya.at[sidx.at[buf]], rows.at[buf], gsem[buf])

        @pl.when(c == 1)
        def _():
            pltpu.async_copy(yb.at[sidx.at[buf]], rows.at[buf], gsem[buf])

    def _drain_rows(sem):
        pltpu.make_async_copy(ya.at[sidx.at[0]], rows.at[0], sem).wait()

    def _drain_sidx(sem):
        pltpu.make_async_copy(src1d.at[pl.ds(0, SB * 128)], sidx.at[0],
                              sem).wait()

    def _drain_didx(sem):
        pltpu.make_async_copy(dst2d.at[pl.ds(0, SB)], didx.at[0], sem).wait()

    def _drain_8k(sem):
        pltpu.make_async_copy(ya.at[pl.ds(0, 128)],
                              rows.at[0, pl.ds(0, 128)], sem).wait()

    pltpu.sync_copy(src1d.at[pl.ds(base * 128, SB * 128)], sidx.at[0])
    pltpu.sync_copy(dst2d.at[pl.ds(base, SB)], didx.at[0])
    _gathers(0, 0)

    @pl.loop(0, n_super // 2)
    def _body(g):
        for b in range(2):
            o = 1 - b
            nxt = g * 2 + b + 1

            if b == 0:
                @pl.when(g > 0)
                def _():
                    for j in range(SB):
                        _drain_8k(ssem[o])
            else:
                for j in range(SB):
                    _drain_8k(ssem[o])

            @pl.when(nxt < n_super)
            def _():
                pltpu.async_copy(
                    src1d.at[pl.ds((base + nxt * SB) * 128, SB * 128)],
                    sidx.at[o], isem[o])
                pltpu.async_copy(dst2d.at[pl.ds(base + nxt * SB, SB)],
                                 didx.at[o], isem[o])

            _drain_rows(gsem[b])

            for j in range(SB):
                pltpu.async_copy(rows.at[b, pl.ds(j * 128, 128)],
                                 acc.at[didx.at[b, j]], ssem[b], add=True)

            @pl.when(nxt < n_super)
            def _():
                _drain_sidx(isem[o])
                _drain_didx(isem[o])
                _gathers(o, nxt)

    for j in range(SB):
        _drain_8k(ssem[1])

    plsc.subcore_barrier()

    @pl.when(c == 0)
    def _():
        pltpu.sync_copy(acc.at[pl.ds(rs, ROWS_PER_TILE)],
                        out_a.at[pl.ds(rs, ROWS_PER_TILE)])

    @pl.when(c == 1)
    def _():
        pltpu.sync_copy(acc.at[pl.ds(rs, ROWS_PER_TILE)],
                        out_b.at[pl.ds(rs, ROWS_PER_TILE)])


def _dinv_of(deg_ref):
    deg = deg_ref[0, :] + deg_ref[1, :] + 1.0
    dinv = lax.rsqrt(deg)
    return dinv * (1.5 - 0.5 * deg * dinv * dinv)


def _prep_body(deg_ref, x_ref, ya_ref, yb_ref):
    dinv = _dinv_of(deg_ref)
    y = x_ref[...] * dinv[:, None]
    ya_ref[...] = y[:, :16]
    yb_ref[...] = y[:, 16:]


_prep_call = pl.pallas_call(
    _prep_body,
    grid=(GRID,),
    in_specs=[
        pl.BlockSpec((2, R), lambda i: (0, i)),
        pl.BlockSpec((R, 32), lambda i: (i, 0)),
    ],
    out_specs=[
        pl.BlockSpec((R, 16), lambda i: (i, 0)),
        pl.BlockSpec((R, 16), lambda i: (i, 0)),
    ],
    out_shape=[
        jax.ShapeDtypeStruct((NPAD, 16), jnp.float32),
        jax.ShapeDtypeStruct((NPAD, 16), jnp.float32),
    ],
)


def _l1_body(s0_ref, s1_ref, deg_ref, w1a_ref, w1b_ref, b1_ref, w2_ref,
             ya_ref, yb_ref):
    d = _dinv_of(deg_ref)[:, None]
    h = (jnp.dot(s0_ref[...] * d, w1a_ref[...],
                 preferred_element_type=jnp.float32, precision=lax.Precision.HIGHEST)
         + jnp.dot(s1_ref[...] * d, w1b_ref[...],
                   preferred_element_type=jnp.float32, precision=lax.Precision.HIGHEST)
         + b1_ref[...])
    h = jnp.maximum(h, 0.0)
    g = jnp.dot(h, w2_ref[...], preferred_element_type=jnp.float32, precision=lax.Precision.HIGHEST) * d
    ya_ref[...] = g[:, :16]
    yb_ref[...] = g[:, 16:]


_l1_call = pl.pallas_call(
    _l1_body,
    grid=(GRID,),
    in_specs=[
        pl.BlockSpec((R, 16), lambda i: (i, 0)),
        pl.BlockSpec((R, 16), lambda i: (i, 0)),
        pl.BlockSpec((2, R), lambda i: (0, i)),
        pl.BlockSpec((16, 64), lambda i: (0, 0)),
        pl.BlockSpec((16, 64), lambda i: (0, 0)),
        pl.BlockSpec((1, 64), lambda i: (0, 0)),
        pl.BlockSpec((64, 32), lambda i: (0, 0)),
    ],
    out_specs=[
        pl.BlockSpec((R, 16), lambda i: (i, 0)),
        pl.BlockSpec((R, 16), lambda i: (i, 0)),
    ],
    out_shape=[
        jax.ShapeDtypeStruct((NPAD, 16), jnp.float32),
        jax.ShapeDtypeStruct((NPAD, 16), jnp.float32),
    ],
)


def _head_body(s0_ref, s1_ref, deg_ref, b2a_ref, b2b_ref, w3a_ref, w3b_ref,
               b3_ref, out_ref):
    d = _dinv_of(deg_ref)[:, None]
    h0 = jnp.maximum(s0_ref[...] * d + b2a_ref[...], 0.0)
    h1 = jnp.maximum(s1_ref[...] * d + b2b_ref[...], 0.0)
    out = (jnp.dot(h0, w3a_ref[...],
                   preferred_element_type=jnp.float32, precision=lax.Precision.HIGHEST)
           + jnp.dot(h1, w3b_ref[...],
                     preferred_element_type=jnp.float32, precision=lax.Precision.HIGHEST)
           + b3_ref[...])
    out_ref[...] = out[:, 0]


_head_call = pl.pallas_call(
    _head_body,
    grid=(GRID,),
    in_specs=[
        pl.BlockSpec((R, 16), lambda i: (i, 0)),
        pl.BlockSpec((R, 16), lambda i: (i, 0)),
        pl.BlockSpec((2, R), lambda i: (0, i)),
        pl.BlockSpec((1, 16), lambda i: (0, 0)),
        pl.BlockSpec((1, 16), lambda i: (0, 0)),
        pl.BlockSpec((16, 1), lambda i: (0, 0)),
        pl.BlockSpec((16, 1), lambda i: (0, 0)),
        pl.BlockSpec((1, 1), lambda i: (0, 0)),
    ],
    out_specs=pl.BlockSpec((R,), lambda i: (i,)),
    out_shape=jax.ShapeDtypeStruct((NPAD,), jnp.float32),
)


def kernel(x, edge_index, W1, b1, W2, b2, W3, b3):
    src = edge_index[0].astype(jnp.int32)
    dst = edge_index[1].astype(jnp.int32)
    pad = jnp.full((NE_PAD - E,), NPAD - 1, jnp.int32)
    src2d = jnp.concatenate([src, pad]).reshape(NB, 128)
    dst2d = jnp.concatenate([dst, pad]).reshape(NB, 128)

    xpad = jnp.pad(x, ((0, NPAD - N), (0, 32 - x.shape[1])))
    zeros1d = jnp.zeros((NPAD,), jnp.float32)

    src1d = jnp.concatenate([src, pad])
    deg2 = _deg_kernel(dst2d, zeros1d)
    ya, yb = _prep_call(deg2, xpad)

    s0, s1 = _scatter_kernel(src1d, dst2d, ya, yb)

    w1p = jnp.pad(W1, ((0, 32 - W1.shape[0]), (0, 0)))
    y2a, y2b = _l1_call(s0, s1, deg2, w1p[:16], w1p[16:], b1[None, :], W2)

    t0, t1 = _scatter_kernel(src1d, dst2d, y2a, y2b)

    out = _head_call(t0, t1, deg2, b2[None, :16], b2[None, 16:],
                     W3[:16], W3[16:], b3[None, :])
    return out[:N, None]

# --- scband reference (transcript-rebuilt; emitter-appended) ---
"""Pipeline reference for scband-net-73220602462691 (READ-ONLY COPY).

The authoritative reference and input builder live on the scoring server;
editing this copy changes nothing except your own understanding.
"""

import jax, jax.numpy as jnp
import numpy as np

N_NODES = 100000
N_EDGES = 1600000

def setup_inputs(seed: int = 0) -> dict:
    key = jax.random.key(seed)
    k = jax.random.split(key, 8)
    x = jax.random.normal(k[0], (N_NODES, 26), dtype=jnp.float32)
    edge_index = jax.random.randint(k[1], (2, N_EDGES), 0, N_NODES, dtype=jnp.int64)
    W1 = jax.random.normal(k[2], (26, 64), dtype=jnp.float32) * (1.0 / np.sqrt(26))
    b1 = jnp.zeros((64,), dtype=jnp.float32)
    W2 = jax.random.normal(k[3], (64, 32), dtype=jnp.float32) * (1.0 / np.sqrt(64))
    b2 = jnp.zeros((32,), dtype=jnp.float32)
    W3 = jax.random.normal(k[4], (32, 1), dtype=jnp.float32) * (1.0 / np.sqrt(32))
    b3 = jnp.zeros((1,), dtype=jnp.float32)
    return {"x": x, "edge_index": edge_index, "W1": W1, "b1": b1, "W2": W2, "b2": b2, "W3": W3, "b3": b3}

def _gcn_conv(x, src, dst, W, b):
    # PyG GCNConv: x' = D^{-1/2} (A + I) D^{-1/2} (X W) + b
    N = x.shape[0]
    h = x @ W
    loops = jnp.arange(N, dtype=src.dtype)
    s = jnp.concatenate([src, loops])
    d = jnp.concatenate([dst, loops])
    deg = jnp.zeros((N,), dtype=h.dtype).at[d].add(1.0)
    dinv = jnp.where(deg > 0, jax.lax.rsqrt(deg), 0.0)
    norm = dinv[s] * dinv[d]
    msg = h[s] * norm[:, None]
    out = jnp.zeros_like(h).at[d].add(msg)
    return out + b

def reference(x, edge_index, W1, b1, W2, b2, W3, b3):
    src = edge_index[0]
    dst = edge_index[1]
    h = _gcn_conv(x, src, dst, W1, b1)
    h = jax.nn.relu(h)
    # dropout is identity in eval mode
    h = _gcn_conv(h, src, dst, W2, b2)
    h = jax.nn.relu(h)
    out = h @ W3 + b3
    return out

if __name__ == "__main__":
    import jax
    _d = setup_inputs()
    print(jax.jit(kernel)(*tuple(_d.values())))

</pallas_src>

<mosaic_0001>
#map = affine_map<(d0, d1) -> (0, 0)>
#map1 = affine_map<(d0, d1) -> (0)>
module attributes {stable_mosaic.version = 14 : i64} {
  func.func @_deg_kernel(%arg0: i32, %arg1: i32, %arg2: memref<12800x128xi32, #tpu.memory_space<hbm>>, %arg3: memref<100352xf32, #tpu.memory_space<hbm>>, %arg4: memref<2x100352xf32, #tpu.memory_space<hbm>>, %arg5: memref<2x8x128xi32, #tpu.memory_space<vmem>>, %arg6: memref<128xf32, #tpu.memory_space<vmem>>, %arg7: memref<!tpu.dma_semaphore, #tpu.memory_space<semaphore_mem>>, %arg8: memref<!tpu.dma_semaphore, #tpu.memory_space<semaphore_mem>>, %arg9: memref<!tpu.dma_semaphore, #tpu.memory_space<semaphore_mem>>, %arg10: memref<!tpu.dma_semaphore, #tpu.memory_space<semaphore_mem>>, %arg11: memref<100352xf32, #tpu.memory_space<vmem_shared>>) attributes {dimension_semantics = [#tpu.dimension_semantics<core_parallel>, #tpu.dimension_semantics<subcore_parallel>], iteration_bounds = array<i64: 2, 16>, scalar_prefetch = 0 : i64, scratch_operands = 7 : i64, tpu.core_type = #tpu.core_type<sc_vector_subcore>, window_params = [{transform_indices = #map}, {transform_indices = #map1}, {transform_indices = #map}]} {
    %mul3A = arith.constant 6272 : i32
    %mul3A_0 = arith.muli %arg1, %mul3A : i32
    %scan3A = arith.constant 0 : i32
    %scan3A_1 = arith.constant 8 : i32
    %scan3A_2 = arith.addi %scan3A, %scan3A_1 : i32
    %scan3A_3 = arith.constant 1 : i32
    scf.for %scan3A_46 = %scan3A to %scan3A_2 step %scan3A_3  : i32 {
      %mul3A_47 = arith.constant 1 : i32
      %mul3A_48 = arith.muli %scan3A_46, %mul3A_47 : i32
      %add3A_49 = arith.constant 0 : i32
      %add3A_50 = arith.addi %add3A_49, %mul3A_48 : i32
      %broadcast_in_dim3A = arith.constant 1.000000e+00 : f32
      %broadcast_in_dim3A_51 = vector.broadcast %broadcast_in_dim3A : f32 to vector<16xf32>
      %mul3A_52 = arith.constant 16 : i32
      %mul3A_53 = arith.muli %add3A_50, %mul3A_52 : i32
      %swap3A = arith.index_cast %mul3A_53 : i32 to index
      %swap3A_54 = tpu.vector_load %arg6[%swap3A] {strides = array<i32>} : memref<128xf32, #tpu.memory_space<vmem>>, vector<16xf32>,
      %swap3A_55 = vector.shape_cast %swap3A_54 : vector<16xf32> to vector<16xf32>
      %swap3A_56 = vector.shape_cast %broadcast_in_dim3A_51 : vector<16xf32> to vector<16xf32>
      tpu.vector_store %arg6[%swap3A], %swap3A_56 {strides = array<i32>} : memref<128xf32, #tpu.memory_space<vmem>>, vector<16xf32>,
    }
    %scan3A_4 = arith.constant 8 : i32
    "tpu.region"() ({
      %run_scoped3A_46 = tpu.sem_alloc : memref<!tpu.dma_semaphore, #tpu.memory_space<semaphore_mem>>
      %dma_start3A = tpu.memref_slice %arg11[%mul3A_0] : memref<100352xf32, #tpu.memory_space<vmem_shared>> -> memref<6272xf32, #tpu.memory_space<vmem_shared>>
      %dma_start3A_47 = tpu.memref_slice %arg3[%mul3A_0] : memref<100352xf32, #tpu.memory_space<hbm>> -> memref<6272xf32, #tpu.memory_space<hbm>>
      tpu.enqueue_dma source(%dma_start3A_47 : memref<6272xf32, #tpu.memory_space<hbm>>) target(%dma_start3A : memref<6272xf32, #tpu.memory_space<vmem_shared>>) target_semaphore(%run_scoped3A_46 : memref<!tpu.dma_semaphore, #tpu.memory_space<semaphore_mem>>)
      %dma_wait3A_48 = tpu.memref_slice %arg11[%mul3A_0] : memref<100352xf32, #tpu.memory_space<vmem_shared>> -> memref<6272xf32, #tpu.memory_space<vmem_shared>>
      %dma_wait3A_49 = tpu.memref_slice %arg3[%mul3A_0] : memref<100352xf32, #tpu.memory_space<hbm>> -> memref<6272xf32, #tpu.memory_space<hbm>>
      tpu.wait_dma2 semaphore(%run_scoped3A_46 : memref<!tpu.dma_semaphore, #tpu.memory_space<semaphore_mem>>) src(%dma_wait3A_49 : memref<6272xf32, #tpu.memory_space<hbm>>) dst(%dma_wait3A_48 : memref<6272xf32, #tpu.memory_space<vmem_shared>>)
      tpu.yield
    }) : () -> ()
    %barrier3A = arith.constant 0 : index
    tpu.barrier barrier_id(%barrier3A)
    %mul3A_5 = arith.constant 6400 : i32
    %mul3A_6 = arith.muli %arg0, %mul3A_5 : i32
    %mul3A_7 = arith.constant 400 : i32
    %mul3A_8 = arith.muli %arg1, %mul3A_7 : i32
    %add3A = arith.addi %mul3A_6, %mul3A_8 : i32
    %run_scoped3A = arith.constant 0 : i32
    "tpu.region"() ({
      %run_scoped3A_46 = tpu.sem_alloc : memref<!tpu.dma_semaphore, #tpu.memory_space<semaphore_mem>>
      %dma_start3A = arith.constant 0 : i32
      %dma_start3A_47 = arith.constant 0 : i32
      %dma_start3A_48 = tpu.memref_slice %arg5[%run_scoped3A, %dma_start3A, %dma_start3A_47] : memref<2x8x128xi32, #tpu.memory_space<vmem>> -> memref<1x8x128xi32, #tpu.memory_space<vmem>>
      %dma_start3A_49 = tpu.memref_squeeze %dma_start3A_48 : memref<1x8x128xi32, #tpu.memory_space<vmem>> -> memref<8x128xi32, #tpu.memory_space<vmem>>
      %dma_start3A_50 = arith.constant 0 : i32
      %dma_start3A_51 = tpu.memref_slice %arg2[%add3A, %dma_start3A_50] : memref<12800x128xi32, #tpu.memory_space<hbm>> -> memref<8x128xi32, #tpu.memory_space<hbm>>
      %dma_start3A_52 = arith.constant 0 : i32
      %dma_start3A_53 = arith.constant 0 : i32
      %dma_start3A_54 = tpu.memref_slice %arg5[%run_scoped3A, %dma_start3A_52, %dma_start3A_53] : memref<2x8x128xi32, #tpu.memory_space<vmem>> -> memref<1x8x128xi32, #tpu.memory_space<vmem>>
      %dma_start3A_55 = tpu.memref_squeeze %dma_start3A_54 : memref<1x8x128xi32, #tpu.memory_space<vmem>> -> memref<8x128xi32, #tpu.memory_space<vmem>>
      %dma_start3A_56 = arith.constant 0 : i32
      %dma_start3A_57 = tpu.memref_slice %arg2[%add3A, %dma_start3A_56] : memref<12800x128xi32, #tpu.memory_space<hbm>> -> memref<8x128xi32, #tpu.memory_space<hbm>>
      tpu.enqueue_dma source(%dma_start3A_57 : memref<8x128xi32, #tpu.memory_space<hbm>>) target(%dma_start3A_55 : memref<8x128xi32, #tpu.memory_space<vmem>>) target_semaphore(%run_scoped3A_46 : memref<!tpu.dma_semaphore, #tpu.memory_space<semaphore_mem>>)
      %dma_wait3A_58 = arith.constant 0 : i32
      %dma_wait3A_59 = arith.constant 0 : i32
      %dma_wait3A_60 = tpu.memref_slice %arg5[%run_scoped3A, %dma_wait3A_58, %dma_wait3A_59] : memref<2x8x128xi32, #tpu.memory_space<vmem>> -> memref<1x8x128xi32, #tpu.memory_space<vmem>>
      %dma_wait3A_61 = tpu.memref_squeeze %dma_wait3A_60 : memref<1x8x128xi32, #tpu.memory_space<vmem>> -> memref<8x128xi32, #tpu.memory_space<vmem>>
      %dma_wait3A_62 = arith.constant 0 : i32
      %dma_wait3A_63 = tpu.memref_slice %arg2[%add3A, %dma_wait3A_62] : memref<12800x128xi32, #tpu.memory_space<hbm>> -> memref<8x128xi32, #tpu.memory_space<hbm>>
      %dma_wait3A_64 = arith.constant 0 : i32
      %dma_wait3A_65 = arith.constant 0 : i32
      %dma_wait3A_66 = tpu.memref_slice %arg5[%run_scoped3A, %dma_wait3A_64, %dma_wait3A_65] : memref<2x8x128xi32, #tpu.memory_space<vmem>> -> memref<1x8x128xi32, #tpu.memory_space<vmem>>
      %dma_wait3A_67 = tpu.memref_squeeze %dma_wait3A_66 : memref<1x8x128xi32, #tpu.memory_space<vmem>> -> memref<8x128xi32, #tpu.memory_space<vmem>>
      %dma_wait3A_68 = arith.constant 0 : i32
      %dma_wait3A_69 = tpu.memref_slice %arg2[%add3A, %dma_wait3A_68] : memref<12800x128xi32, #tpu.memory_space<hbm>> -> memref<8x128xi32, #tpu.memory_space<hbm>>
      tpu.wait_dma2 semaphore(%run_scoped3A_46 : memref<!tpu.dma_semaphore, #tpu.memory_space<semaphore_mem>>) src(%dma_wait3A_69 : memref<8x128xi32, #tpu.memory_space<hbm>>) dst(%dma_wait3A_67 : memref<8x128xi32, #tpu.memory_space<vmem>>)
      tpu.yield
    }) : () -> ()
    %scan3A_9 = arith.constant 0 : i32
    %scan3A_10 = arith.constant 25 : i32
    %scan3A_11 = arith.addi %scan3A_9, %scan3A_10 : i32
    %scan3A_12 = arith.constant 1 : i32
    scf.for %scan3A_46 = %scan3A_9 to %scan3A_11 step %scan3A_12  : i32 {
      %mul3A_47 = arith.constant 1 : i32
      %mul3A_48 = arith.muli %scan3A_46, %mul3A_47 : i32
      %add3A_49 = arith.constant 0 : i32
      %add3A_50 = arith.addi %add3A_49, %mul3A_48 : i32
      %mul3A_51 = arith.constant 2 : i32
      %mul3A_52 = arith.muli %add3A_50, %mul3A_51 : i32
      %add3A_53 = arith.constant 0 : i32
      %add3A_54 = arith.addi %mul3A_52, %add3A_53 : i32
      %add3A_55 = arith.constant 1 : i32
      %add3A_56 = arith.addi %add3A_54, %add3A_55 : i32
      %gt3A = arith.constant 0 : i32
      %gt3A_57 = arith.cmpi sgt, %add3A_50, %gt3A : i32
      %convert_element_type3A = arith.extui %gt3A_57 : i1 to i32
      %cond3A = arith.constant 0 : i32
      %cond3A_58 = arith.cmpi ne, %convert_element_type3A, %cond3A : i32
      scf.if %cond3A_58 {
        %dma_wait3A_227 = arith.constant 0 : i32
        %dma_wait3A_228 = tpu.memref_slice %arg3[%dma_wait3A_227] : memref<100352xf32, #tpu.memory_space<hbm>> -> memref<128xf32, #tpu.memory_space<hbm>>
        %dma_wait3A_229 = arith.constant 0 : i32
        %dma_wait3A_230 = tpu.memref_slice %arg3[%dma_wait3A_229] : memref<100352xf32, #tpu.memory_space<hbm>> -> memref<128xf32, #tpu.memory_space<hbm>>
        tpu.wait_dma2 semaphore(%arg8 : memref<!tpu.dma_semaphore, #tpu.memory_space<semaphore_mem>>) src(%dma_wait3A_230 : memref<128xf32, #tpu.memory_space<hbm>>) dst(%arg6 : memref<128xf32, #tpu.memory_space<vmem>>)
        %dma_wait3A_231 = arith.constant 0 : i32
        %dma_wait3A_232 = tpu.memref_slice %arg3[%dma_wait3A_231] : memref<100352xf32, #tpu.memory_space<hbm>> -> memref<128xf32, #tpu.memory_space<hbm>>
        %dma_wait3A_233 = arith.constant 0 : i32
        %dma_wait3A_234 = tpu.memref_slice %arg3[%dma_wait3A_233] : memref<100352xf32, #tpu.memory_space<hbm>> -> memref<128xf32, #tpu.memory_space<hbm>>
        tpu.wait_dma2 semaphore(%arg8 : memref<!tpu.dma_semaphore, #tpu.memory_space<semaphore_mem>>) src(%dma_wait3A_234 : memref<128xf32, #tpu.memory_space<hbm>>) dst(%arg6 : memref<128xf32, #tpu.memory_space<vmem>>)
        %dma_wait3A_235 = arith.constant 0 : i32
        %dma_wait3A_236 = tpu.memref_slice %arg3[%dma_wait3A_235] : memref<100352xf32, #tpu.memory_space<hbm>> -> memref<128xf32, #tpu.memory_space<hbm>>
        %dma_wait3A_237 = arith.constant 0 : i32
        %dma_wait3A_238 = tpu.memref_slice %arg3[%dma_wait3A_237] : memref<100352xf32, #tpu.memory_space<hbm>> -> memref<128xf32, #tpu.memory_space<hbm>>
        tpu.wait_dma2 semaphore(%arg8 : memref<!tpu.dma_semaphore, #tpu.memory_space<semaphore_mem>>) src(%dma_wait3A_238 : memref<128xf32, #tpu.memory_space<hbm>>) dst(%arg6 : memref<128xf32, #tpu.memory_space<vmem>>)
        %dma_wait3A_239 = arith.constant 0 : i32
        %dma_wait3A_240 = tpu.memref_slice %arg3[%dma_wait3A_239] : memref<100352xf32, #tpu.memory_space<hbm>> -> memref<128xf32, #tpu.memory_space<hbm>>
        %dma_wait3A_241 = arith.constant 0 : i32
        %dma_wait3A_242 = tpu.memref_slice %arg3[%dma_wait3A_241] : memref<100352xf32, #tpu.memory_space<hbm>> -> memref<128xf32, #tpu.memory_space<hbm>>
        tpu.wait_dma2 semaphore(%arg8 : memref<!tpu.dma_semaphore, #tpu.memory_space<semaphore_mem>>) src(%dma_wait3A_242 : memref<128xf32, #tpu.memory_space<hbm>>) dst(%arg6 : memref<128xf32, #tpu.memory_space<vmem>>)
        %dma_wait3A_243 = arith.constant 0 : i32
        %dma_wait3A_244 = tpu.memref_slice %arg3[%dma_wait3A_243] : memref<100352xf32, #tpu.memory_space<hbm>> -> memref<128xf32, #tpu.memory_space<hbm>>
        %dma_wait3A_245 = arith.constant 0 : i32
        %dma_wait3A_246 = tpu.memref_slice %arg3[%dma_wait3A_245] : memref<100352xf32, #tpu.memory_space<hbm>> -> memref<128xf32, #tpu.memory_space<hbm>>
        tpu.wait_dma2 semaphore(%arg8 : memref<!tpu.dma_semaphore, #tpu.memory_space<semaphore_mem>>) src(%dma_wait3A_246 : memref<128xf32, #tpu.memory_space<hbm>>) dst(%arg6 : memref<128xf32, #tpu.memory_space<vmem>>)
        %dma_wait3A_247 = arith.constant 0 : i32
        %dma_wait3A_248 = tpu.memref_slice %arg3[%dma_wait3A_247] : memref<100352xf32, #tpu.memory_space<hbm>> -> memref<128xf32, #tpu.memory_space<hbm>>
        %dma_wait3A_249 = arith.constant 0 : i32
        %dma_wait3A_250 = tpu.memref_slice %arg3[%dma_wait3A_249] : memref<100352xf32, #tpu.memory_space<hbm>> -> memref<128xf32, #tpu.memory_space<hbm>>
        tpu.wait_dma2 semaphore(%arg8 : memref<!tpu.dma_semaphore, #tpu.memory_space<semaphore_mem>>) src(%dma_wait3A_250 : memref<128xf32, #tpu.memory_space<hbm>>) dst(%arg6 : memref<128xf32, #tpu.memory_space<vmem>>)
        %dma_wait3A_251 = arith.constant 0 : i32
        %dma_wait3A_252 = tpu.memref_slice %arg3[%dma_wait3A_251] : memref<100352xf32, #tpu.memory_space<hbm>> -> memref<128xf32, #tpu.memory_space<hbm>>
        %dma_wait3A_253 = arith.constant 0 : i32
        %dma_wait3A_254 = tpu.memref_slice %arg3[%dma_wait3A_253] : memref<100352xf32, #tpu.memory_space<hbm>> -> memref<128xf32, #tpu.memory_space<hbm>>
        tpu.wait_dma2 semaphore(%arg8 : memref<!tpu.dma_semaphore, #tpu.memory_space<semaphore_mem>>) src(%dma_wait3A_254 : memref<128xf32, #tpu.memory_space<hbm>>) dst(%arg6 : memref<128xf32, #tpu.memory_space<vmem>>)
        %dma_wait3A_255 = arith.constant 0 : i32
        %dma_wait3A_256 = tpu.memref_slice %arg3[%dma_wait3A_255] : memref<100352xf32, #tpu.memory_space<hbm>> -> memref<128xf32, #tpu.memory_space<hbm>>
        %dma_wait3A_257 = arith.constant 0 : i32
        %dma_wait3A_258 = tpu.memref_slice %arg3[%dma_wait3A_257] : memref<100352xf32, #tpu.memory_space<hbm>> -> memref<128xf32, #tpu.memory_space<hbm>>
        tpu.wait_dma2 semaphore(%arg8 : memref<!tpu.dma_semaphore, #tpu.memory_space<semaphore_mem>>) src(%dma_wait3A_258 : memref<128xf32, #tpu.memory_space<hbm>>) dst(%arg6 : memref<128xf32, #tpu.memory_space<vmem>>)
      } else {
      }
      %lt3A = arith.constant 50 : i32
      %lt3A_59 = arith.cmpi slt, %add3A_56, %lt3A : i32
      %convert_element_type3A_60 = arith.extui %lt3A_59 : i1 to i32
      %cond3A_61 = arith.constant 0 : i32
      %cond3A_62 = arith.cmpi ne, %convert_element_type3A_60, %cond3A_61 : i32
      scf.if %cond3A_62 {
        %mul3A_227 = arith.constant 8 : i32
        %mul3A_228 = arith.muli %add3A_56, %mul3A_227 : i32
        %add3A_229 = arith.addi %add3A, %mul3A_228 : i32
        %dma_start3A_230 = arith.constant 1 : i32
        %dma_start3A_231 = arith.constant 0 : i32
        %dma_start3A_232 = arith.constant 0 : i32
        %dma_start3A_233 = tpu.memref_slice %arg5[%dma_start3A_230, %dma_start3A_231, %dma_start3A_232] : memref<2x8x128xi32, #tpu.memory_space<vmem>> -> memref<1x8x128xi32, #tpu.memory_space<vmem>>
        %dma_start3A_234 = tpu.memref_squeeze %dma_start3A_233 : memref<1x8x128xi32, #tpu.memory_space<vmem>> -> memref<8x128xi32, #tpu.memory_space<vmem>>
        %dma_start3A_235 = arith.constant 0 : i32
        %dma_start3A_236 = tpu.memref_slice %arg2[%add3A_229, %dma_start3A_235] : memref<12800x128xi32, #tpu.memory_space<hbm>> -> memref<8x128xi32, #tpu.memory_space<hbm>>
        %dma_start3A_237 = arith.constant 0 : i32
        %dma_start3A_238 = arith.constant 0 : i32
        %dma_start3A_239 = tpu.memref_slice %arg5[%dma_start3A_230, %dma_start3A_237, %dma_start3A_238] : memref<2x8x128xi32, #tpu.memory_space<vmem>> -> memref<1x8x128xi32, #tpu.memory_space<vmem>>
        %dma_start3A_240 = tpu.memref_squeeze %dma_start3A_239 : memref<1x8x128xi32, #tpu.memory_space<vmem>> -> memref<8x128xi32, #tpu.memory_space<vmem>>
        %dma_start3A_241 = arith.constant 0 : i32
        %dma_start3A_242 = tpu.memref_slice %arg2[%add3A_229, %dma_start3A_241] : memref<12800x128xi32, #tpu.memory_space<hbm>> -> memref<8x128xi32, #tpu.memory_space<hbm>>
        tpu.enqueue_dma source(%dma_start3A_242 : memref<8x128xi32, #tpu.memory_space<hbm>>) target(%dma_start3A_240 : memref<8x128xi32, #tpu.memory_space<vmem>>) target_semaphore(%arg10 : memref<!tpu.dma_semaphore, #tpu.memory_space<semaphore_mem>>)
      } else {
      }
      %dma_start3A = arith.constant 0 : i32
      %dma_start3A_63 = arith.constant 0 : i32
      %dma_start3A_64 = arith.constant 0 : i32
      %dma_start3A_65 = tpu.memref_slice %arg5[%dma_start3A, %dma_start3A_63, %dma_start3A_64] : memref<2x8x128xi32, #tpu.memory_space<vmem>> -> memref<1x1x128xi32, #tpu.memory_space<vmem>>
      %dma_start3A_66 = tpu.memref_squeeze %dma_start3A_65 : memref<1x1x128xi32, #tpu.memory_space<vmem>> -> memref<128xi32, #tpu.memory_space<vmem>>
      %dma_start3A_67 = arith.constant 0 : i32
      %dma_start3A_68 = tpu.memref_slice %arg11[%dma_start3A_67] : memref<100352xf32, #tpu.memory_space<vmem_shared>> -> memref<100352xf32, #tpu.memory_space<vmem_shared>>
      tpu.enqueue_indirect_dma source(%arg6 : memref<128xf32, #tpu.memory_space<vmem>>) target(%dma_start3A_68 : memref<100352xf32, #tpu.memory_space<vmem_shared>>) offsets(%dma_start3A_66 : memref<128xi32, #tpu.memory_space<vmem>>) semaphore(%arg7 : memref<!tpu.dma_semaphore, #tpu.memory_space<semaphore_mem>>) {add = true}
      %dma_start3A_69 = arith.constant 0 : i32
      %dma_start3A_70 = arith.constant 1 : i32
      %dma_start3A_71 = arith.constant 0 : i32
      %dma_start3A_72 = tpu.memref_slice %arg5[%dma_start3A_69, %dma_start3A_70, %dma_start3A_71] : memref<2x8x128xi32, #tpu.memory_space<vmem>> -> memref<1x1x128xi32, #tpu.memory_space<vmem>>
      %dma_start3A_73 = tpu.memref_squeeze %dma_start3A_72 : memref<1x1x128xi32, #tpu.memory_space<vmem>> -> memref<128xi32, #tpu.memory_space<vmem>>
      %dma_start3A_74 = arith.constant 0 : i32
      %dma_start3A_75 = tpu.memref_slice %arg11[%dma_start3A_74] : memref<100352xf32, #tpu.memory_space<vmem_shared>> -> memref<100352xf32, #tpu.memory_space<vmem_shared>>
      tpu.enqueue_indirect_dma source(%arg6 : memref<128xf32, #tpu.memory_space<vmem>>) target(%dma_start3A_75 : memref<100352xf32, #tpu.memory_space<vmem_shared>>) offsets(%dma_start3A_73 : memref<128xi32, #tpu.memory_space<vmem>>) semaphore(%arg7 : memref<!tpu.dma_semaphore, #tpu.memory_space<semaphore_mem>>) {add = true}
      %dma_start3A_76 = arith.constant 0 : i32
      %dma_start3A_77 = arith.constant 2 : i32
      %dma_start3A_78 = arith.constant 0 : i32
      %dma_start3A_79 = tpu.memref_slice %arg5[%dma_start3A_76, %dma_start3A_77, %dma_start3A_78] : memref<2x8x128xi32, #tpu.memory_space<vmem>> -> memref<1x1x128xi32, #tpu.memory_space<vmem>>
      %dma_start3A_80 = tpu.memref_squeeze %dma_start3A_79 : memref<1x1x128xi32, #tpu.memory_space<vmem>> -> memref<128xi32, #tpu.memory_space<vmem>>
      %dma_start3A_81 = arith.constant 0 : i32
      %dma_start3A_82 = tpu.memref_slice %arg11[%dma_start3A_81] : memref<100352xf32, #tpu.memory_space<vmem_shared>> -> memref<100352xf32, #tpu.memory_space<vmem_shared>>
      tpu.enqueue_indirect_dma source(%arg6 : memref<128xf32, #tpu.memory_space<vmem>>) target(%dma_start3A_82 : memref<100352xf32, #tpu.memory_space<vmem_shared>>) offsets(%dma_start3A_80 : memref<128xi32, #tpu.memory_space<vmem>>) semaphore(%arg7 : memref<!tpu.dma_semaphore, #tpu.memory_space<semaphore_mem>>) {add = true}
      %dma_start3A_83 = arith.constant 0 : i32
      %dma_start3A_84 = arith.constant 3 : i32
      %dma_start3A_85 = arith.constant 0 : i32
      %dma_start3A_86 = tpu.memref_slice %arg5[%dma_start3A_83, %dma_start3A_84, %dma_start3A_85] : memref<2x8x128xi32, #tpu.memory_space<vmem>> -> memref<1x1x128xi32, #tpu.memory_space<vmem>>
      %dma_start3A_87 = tpu.memref_squeeze %dma_start3A_86 : memref<1x1x128xi32, #tpu.memory_space<vmem>> -> memref<128xi32, #tpu.memory_space<vmem>>
      %dma_start3A_88 = arith.constant 0 : i32
      %dma_start3A_89 = tpu.memref_slice %arg11[%dma_start3A_88] : memref<100352xf32, #tpu.memory_space<vmem_shared>> -> memref<100352xf32, #tpu.memory_space<vmem_shared>>
      tpu.enqueue_indirect_dma source(%arg6 : memref<128xf32, #tpu.memory_space<vmem>>) target(%dma_start3A_89 : memref<100352xf32, #tpu.memory_space<vmem_shared>>) offsets(%dma_start3A_87 : memref<128xi32, #tpu.memory_space<vmem>>) semaphore(%arg7 : memref<!tpu.dma_semaphore, #tpu.memory_space<semaphore_mem>>) {add = true}
      %dma_start3A_90 = arith.constant 0 : i32
      %dma_start3A_91 = arith.constant 4 : i32
      %dma_start3A_92 = arith.constant 0 : i32
      %dma_start3A_93 = tpu.memref_slice %arg5[%dma_start3A_90, %dma_start3A_91, %dma_start3A_92] : memref<2x8x128xi32, #tpu.memory_space<vmem>> -> memref<1x1x128xi32, #tpu.memory_space<vmem>>
      %dma_start3A_94 = tpu.memref_squeeze %dma_start3A_93 : memref<1x1x128xi32, #tpu.memory_space<vmem>> -> memref<128xi32, #tpu.memory_space<vmem>>
      %dma_start3A_95 = arith.constant 0 : i32
      %dma_start3A_96 = tpu.memref_slice %arg11[%dma_start3A_95] : memref<100352xf32, #tpu.memory_space<vmem_shared>> -> memref<100352xf32, #tpu.memory_space<vmem_shared>>
      tpu.enqueue_indirect_dma source(%arg6 : memref<128xf32, #tpu.memory_space<vmem>>) target(%dma_start3A_96 : memref<100352xf32, #tpu.memory_space<vmem_shared>>) offsets(%dma_start3A_94 : memref<128xi32, #tpu.memory_space<vmem>>) semaphore(%arg7 : memref<!tpu.dma_semaphore, #tpu.memory_space<semaphore_mem>>) {add = true}
      %dma_start3A_97 = arith.constant 0 : i32
      %dma_start3A_98 = arith.constant 5 : i32
      %dma_start3A_99 = arith.constant 0 : i32
      %dma_start3A_100 = tpu.memref_slice %arg5[%dma_start3A_97, %dma_start3A_98, %dma_start3A_99] : memref<2x8x128xi32, #tpu.memory_space<vmem>> -> memref<1x1x128xi32, #tpu.memory_space<vmem>>
      %dma_start3A_101 = tpu.memref_squeeze %dma_start3A_100 : memref<1x1x128xi32, #tpu.memory_space<vmem>> -> memref<128xi32, #tpu.memory_space<vmem>>
      %dma_start3A_102 = arith.constant 0 : i32
      %dma_start3A_103 = tpu.memref_slice %arg11[%dma_start3A_102] : memref<100352xf32, #tpu.memory_space<vmem_shared>> -> memref<100352xf32, #tpu.memory_space<vmem_shared>>
      tpu.enqueue_indirect_dma source(%arg6 : memref<128xf32, #tpu.memory_space<vmem>>) target(%dma_start3A_103 : memref<100352xf32, #tpu.memory_space<vmem_shared>>) offsets(%dma_start3A_101 : memref<128xi32, #tpu.memory_space<vmem>>) semaphore(%arg7 : memref<!tpu.dma_semaphore, #tpu.memory_space<semaphore_mem>>) {add = true}
      %dma_start3A_104 = arith.constant 0 : i32
      %dma_start3A_105 = arith.constant 6 : i32
      %dma_start3A_106 = arith.constant 0 : i32
      %dma_start3A_107 = tpu.memref_slice %arg5[%dma_start3A_104, %dma_start3A_105, %dma_start3A_106] : memref<2x8x128xi32, #tpu.memory_space<vmem>> -> memref<1x1x128xi32, #tpu.memory_space<vmem>>
      %dma_start3A_108 = tpu.memref_squeeze %dma_start3A_107 : memref<1x1x128xi32, #tpu.memory_space<vmem>> -> memref<128xi32, #tpu.memory_space<vmem>>
      %dma_start3A_109 = arith.constant 0 : i32
      %dma_start3A_110 = tpu.memref_slice %arg11[%dma_start3A_109] : memref<100352xf32, #tpu.memory_space<vmem_shared>> -> memref<100352xf32, #tpu.memory_space<vmem_shared>>
      tpu.enqueue_indirect_dma source(%arg6 : memref<128xf32, #tpu.memory_space<vmem>>) target(%dma_start3A_110 : memref<100352xf32, #tpu.memory_space<vmem_shared>>) offsets(%dma_start3A_108 : memref<128xi32, #tpu.memory_space<vmem>>) semaphore(%arg7 : memref<!tpu.dma_semaphore, #tpu.memory_space<semaphore_mem>>) {add = true}
      %dma_start3A_111 = arith.constant 0 : i32
      %dma_start3A_112 = arith.constant 7 : i32
      %dma_start3A_113 = arith.constant 0 : i32
      %dma_start3A_114 = tpu.memref_slice %arg5[%dma_start3A_111, %dma_start3A_112, %dma_start3A_113] : memref<2x8x128xi32, #tpu.memory_space<vmem>> -> memref<1x1x128xi32, #tpu.memory_space<vmem>>
      %dma_start3A_115 = tpu.memref_squeeze %dma_start3A_114 : memref<1x1x128xi32, #tpu.memory_space<vmem>> -> memref<128xi32, #tpu.memory_space<vmem>>
      %dma_start3A_116 = arith.constant 0 : i32
      %dma_start3A_117 = tpu.memref_slice %arg11[%dma_start3A_116] : memref<100352xf32, #tpu.memory_space<vmem_shared>> -> memref<100352xf32, #tpu.memory_space<vmem_shared>>
      tpu.enqueue_indirect_dma source(%arg6 : memref<128xf32, #tpu.memory_space<vmem>>) target(%dma_start3A_117 : memref<100352xf32, #tpu.memory_space<vmem_shared>>) offsets(%dma_start3A_115 : memref<128xi32, #tpu.memory_space<vmem>>) semaphore(%arg7 : memref<!tpu.dma_semaphore, #tpu.memory_space<semaphore_mem>>) {add = true}
      %lt3A_118 = arith.constant 50 : i32
      %lt3A_119 = arith.cmpi slt, %add3A_56, %lt3A_118 : i32
      %convert_element_type3A_120 = arith.extui %lt3A_119 : i1 to i32
      %cond3A_121 = arith.constant 0 : i32
      %cond3A_122 = arith.cmpi ne, %convert_element_type3A_120, %cond3A_121 : i32
      scf.if %cond3A_122 {
        %dma_wait3A_227 = arith.constant 0 : i32
        %dma_wait3A_228 = arith.constant 0 : i32
        %dma_wait3A_229 = arith.constant 0 : i32
        %dma_wait3A_230 = tpu.memref_slice %arg5[%dma_wait3A_227, %dma_wait3A_228, %dma_wait3A_229] : memref<2x8x128xi32, #tpu.memory_space<vmem>> -> memref<1x8x128xi32, #tpu.memory_space<vmem>>
        %dma_wait3A_231 = tpu.memref_squeeze %dma_wait3A_230 : memref<1x8x128xi32, #tpu.memory_space<vmem>> -> memref<8x128xi32, #tpu.memory_space<vmem>>
        %dma_wait3A_232 = arith.constant 0 : i32
        %dma_wait3A_233 = arith.constant 0 : i32
        %dma_wait3A_234 = tpu.memref_slice %arg2[%dma_wait3A_232, %dma_wait3A_233] : memref<12800x128xi32, #tpu.memory_space<hbm>> -> memref<8x128xi32, #tpu.memory_space<hbm>>
        %dma_wait3A_235 = arith.constant 0 : i32
        %dma_wait3A_236 = arith.constant 0 : i32
        %dma_wait3A_237 = tpu.memref_slice %arg5[%dma_wait3A_227, %dma_wait3A_235, %dma_wait3A_236] : memref<2x8x128xi32, #tpu.memory_space<vmem>> -> memref<1x8x128xi32, #tpu.memory_space<vmem>>
        %dma_wait3A_238 = tpu.memref_squeeze %dma_wait3A_237 : memref<1x8x128xi32, #tpu.memory_space<vmem>> -> memref<8x128xi32, #tpu.memory_space<vmem>>
        %dma_wait3A_239 = arith.constant 0 : i32
        %dma_wait3A_240 = arith.constant 0 : i32
        %dma_wait3A_241 = tpu.memref_slice %arg2[%dma_wait3A_239, %dma_wait3A_240] : memref<12800x128xi32, #tpu.memory_space<hbm>> -> memref<8x128xi32, #tpu.memory_space<hbm>>
        tpu.wait_dma2 semaphore(%arg10 : memref<!tpu.dma_semaphore, #tpu.memory_space<semaphore_mem>>) src(%dma_wait3A_241 : memref<8x128xi32, #tpu.memory_space<hbm>>) dst(%dma_wait3A_238 : memref<8x128xi32, #tpu.memory_space<vmem>>)
      } else {
      }
      %mul3A_123 = arith.constant 2 : i32
      %mul3A_124 = arith.muli %add3A_50, %mul3A_123 : i32
      %add3A_125 = arith.constant 1 : i32
      %add3A_126 = arith.addi %mul3A_124, %add3A_125 : i32
      %add3A_127 = arith.constant 1 : i32
      %add3A_128 = arith.addi %add3A_126, %add3A_127 : i32
      %dma_wait3A_129 = arith.constant 0 : i32
      %dma_wait3A_130 = tpu.memref_slice %arg3[%dma_wait3A_129] : memref<100352xf32, #tpu.memory_space<hbm>> -> memref<128xf32, #tpu.memory_space<hbm>>
      %dma_wait3A_131 = arith.constant 0 : i32
      %dma_wait3A_132 = tpu.memref_slice %arg3[%dma_wait3A_131] : memref<100352xf32, #tpu.memory_space<hbm>> -> memref<128xf32, #tpu.memory_space<hbm>>
      tpu.wait_dma2 semaphore(%arg7 : memref<!tpu.dma_semaphore, #tpu.memory_space<semaphore_mem>>) src(%dma_wait3A_132 : memref<128xf32, #tpu.memory_space<hbm>>) dst(%arg6 : memref<128xf32, #tpu.memory_space<vmem>>)
      %dma_wait3A_133 = arith.constant 0 : i32
      %dma_wait3A_134 = tpu.memref_slice %arg3[%dma_wait3A_133] : memref<100352xf32, #tpu.memory_space<hbm>> -> memref<128xf32, #tpu.memory_space<hbm>>
      %dma_wait3A_135 = arith.constant 0 : i32
      %dma_wait3A_136 = tpu.memref_slice %arg3[%dma_wait3A_135] : memref<100352xf32, #tpu.memory_space<hbm>> -> memref<128xf32, #tpu.memory_space<hbm>>
      tpu.wait_dma2 semaphore(%arg7 : memref<!tpu.dma_semaphore, #tpu.memory_space<semaphore_mem>>) src(%dma_wait3A_136 : memref<128xf32, #tpu.memory_space<hbm>>) dst(%arg6 : memref<128xf32, #tpu.memory_space<vmem>>)
      %dma_wait3A_137 = arith.constant 0 : i32
      %dma_wait3A_138 = tpu.memref_slice %arg3[%dma_wait3A_137] : memref<100352xf32, #tpu.memory_space<hbm>> -> memref<128xf32, #tpu.memory_space<hbm>>
      %dma_wait3A_139 = arith.constant 0 : i32
      %dma_wait3A_140 = tpu.memref_slice %arg3[%dma_wait3A_139] : memref<100352xf32, #tpu.memory_space<hbm>> -> memref<128xf32, #tpu.memory_space<hbm>>
      tpu.wait_dma2 semaphore(%arg7 : memref<!tpu.dma_semaphore, #tpu.memory_space<semaphore_mem>>) src(%dma_wait3A_140 : memref<128xf32, #tpu.memory_space<hbm>>) dst(%arg6 : memref<128xf32, #tpu.memory_space<vmem>>)
      %dma_wait3A_141 = arith.constant 0 : i32
      %dma_wait3A_142 = tpu.memref_slice %arg3[%dma_wait3A_141] : memref<100352xf32, #tpu.memory_space<hbm>> -> memref<128xf32, #tpu.memory_space<hbm>>
      %dma_wait3A_143 = arith.constant 0 : i32
      %dma_wait3A_144 = tpu.memref_slice %arg3[%dma_wait3A_143] : memref<100352xf32, #tpu.memory_space<hbm>> -> memref<128xf32, #tpu.memory_space<hbm>>
      tpu.wait_dma2 semaphore(%arg7 : memref<!tpu.dma_semaphore, #tpu.memory_space<semaphore_mem>>) src(%dma_wait3A_144 : memref<128xf32, #tpu.memory_space<hbm>>) dst(%arg6 : memref<128xf32, #tpu.memory_space<vmem>>)
      %dma_wait3A_145 = arith.constant 0 : i32
      %dma_wait3A_146 = tpu.memref_slice %arg3[%dma_wait3A_145] : memref<100352xf32, #tpu.memory_space<hbm>> -> memref<128xf32, #tpu.memory_space<hbm>>
      %dma_wait3A_147 = arith.constant 0 : i32
      %dma_wait3A_148 = tpu.memref_slice %arg3[%dma_wait3A_147] : memref<100352xf32, #tpu.memory_space<hbm>> -> memref<128xf32, #tpu.memory_space<hbm>>
      tpu.wait_dma2 semaphore(%arg7 : memref<!tpu.dma_semaphore, #tpu.memory_space<semaphore_mem>>) src(%dma_wait3A_148 : memref<128xf32, #tpu.memory_space<hbm>>) dst(%arg6 : memref<128xf32, #tpu.memory_space<vmem>>)
      %dma_wait3A_149 = arith.constant 0 : i32
      %dma_wait3A_150 = tpu.memref_slice %arg3[%dma_wait3A_149] : memref<100352xf32, #tpu.memory_space<hbm>> -> memref<128xf32, #tpu.memory_space<hbm>>
      %dma_wait3A_151 = arith.constant 0 : i32
      %dma_wait3A_152 = tpu.memref_slice %arg3[%dma_wait3A_151] : memref<100352xf32, #tpu.memory_space<hbm>> -> memref<128xf32, #tpu.memory_space<hbm>>
      tpu.wait_dma2 semaphore(%arg7 : memref<!tpu.dma_semaphore, #tpu.memory_space<semaphore_mem>>) src(%dma_wait3A_152 : memref<128xf32, #tpu.memory_space<hbm>>) dst(%arg6 : memref<128xf32, #tpu.memory_space<vmem>>)
      %dma_wait3A_153 = arith.constant 0 : i32
      %dma_wait3A_154 = tpu.memref_slice %arg3[%dma_wait3A_153] : memref<100352xf32, #tpu.memory_space<hbm>> -> memref<128xf32, #tpu.memory_space<hbm>>
      %dma_wait3A_155 = arith.constant 0 : i32
      %dma_wait3A_156 = tpu.memref_slice %arg3[%dma_wait3A_155] : memref<100352xf32, #tpu.memory_space<hbm>> -> memref<128xf32, #tpu.memory_space<hbm>>
      tpu.wait_dma2 semaphore(%arg7 : memref<!tpu.dma_semaphore, #tpu.memory_space<semaphore_mem>>) src(%dma_wait3A_156 : memref<128xf32, #tpu.memory_space<hbm>>) dst(%arg6 : memref<128xf32, #tpu.memory_space<vmem>>)
      %dma_wait3A_157 = arith.constant 0 : i32
      %dma_wait3A_158 = tpu.memref_slice %arg3[%dma_wait3A_157] : memref<100352xf32, #tpu.memory_space<hbm>> -> memref<128xf32, #tpu.memory_space<hbm>>
      %dma_wait3A_159 = arith.constant 0 : i32
      %dma_wait3A_160 = tpu.memref_slice %arg3[%dma_wait3A_159] : memref<100352xf32, #tpu.memory_space<hbm>> -> memref<128xf32, #tpu.memory_space<hbm>>
      tpu.wait_dma2 semaphore(%arg7 : memref<!tpu.dma_semaphore, #tpu.memory_space<semaphore_mem>>) src(%dma_wait3A_160 : memref<128xf32, #tpu.memory_space<hbm>>) dst(%arg6 : memref<128xf32, #tpu.memory_space<vmem>>)
      %lt3A_161 = arith.constant 50 : i32
      %lt3A_162 = arith.cmpi slt, %add3A_128, %lt3A_161 : i32
      %convert_element_type3A_163 = arith.extui %lt3A_162 : i1 to i32
      %cond3A_164 = arith.constant 0 : i32
      %cond3A_165 = arith.cmpi ne, %convert_element_type3A_163, %cond3A_164 : i32
      scf.if %cond3A_165 {
        %mul3A_227 = arith.constant 8 : i32
        %mul3A_228 = arith.muli %add3A_128, %mul3A_227 : i32
        %add3A_229 = arith.addi %add3A, %mul3A_228 : i32
        %dma_start3A_230 = arith.constant 0 : i32
        %dma_start3A_231 = arith.constant 0 : i32
        %dma_start3A_232 = arith.constant 0 : i32
        %dma_start3A_233 = tpu.memref_slice %arg5[%dma_start3A_230, %dma_start3A_231, %dma_start3A_232] : memref<2x8x128xi32, #tpu.memory_space<vmem>> -> memref<1x8x128xi32, #tpu.memory_space<vmem>>
        %dma_start3A_234 = tpu.memref_squeeze %dma_start3A_233 : memref<1x8x128xi32, #tpu.memory_space<vmem>> -> memref<8x128xi32, #tpu.memory_space<vmem>>
        %dma_start3A_235 = arith.constant 0 : i32
        %dma_start3A_236 = tpu.memref_slice %arg2[%add3A_229, %dma_start3A_235] : memref<12800x128xi32, #tpu.memory_space<hbm>> -> memref<8x128xi32, #tpu.memory_space<hbm>>
        %dma_start3A_237 = arith.constant 0 : i32
        %dma_start3A_238 = arith.constant 0 : i32
        %dma_start3A_239 = tpu.memref_slice %arg5[%dma_start3A_230, %dma_start3A_237, %dma_start3A_238] : memref<2x8x128xi32, #tpu.memory_space<vmem>> -> memref<1x8x128xi32, #tpu.memory_space<vmem>>
        %dma_start3A_240 = tpu.memref_squeeze %dma_start3A_239 : memref<1x8x128xi32, #tpu.memory_space<vmem>> -> memref<8x128xi32, #tpu.memory_space<vmem>>
        %dma_start3A_241 = arith.constant 0 : i32
        %dma_start3A_242 = tpu.memref_slice %arg2[%add3A_229, %dma_start3A_241] : memref<12800x128xi32, #tpu.memory_space<hbm>> -> memref<8x128xi32, #tpu.memory_space<hbm>>
        tpu.enqueue_dma source(%dma_start3A_242 : memref<8x128xi32, #tpu.memory_space<hbm>>) target(%dma_start3A_240 : memref<8x128xi32, #tpu.memory_space<vmem>>) target_semaphore(%arg9 : memref<!tpu.dma_semaphore, #tpu.memory_space<semaphore_mem>>)
      } else {
      }
      %dma_start3A_166 = arith.constant 1 : i32
      %dma_start3A_167 = arith.constant 0 : i32
      %dma_start3A_168 = arith.constant 0 : i32
      %dma_start3A_169 = tpu.memref_slice %arg5[%dma_start3A_166, %dma_start3A_167, %dma_start3A_168] : memref<2x8x128xi32, #tpu.memory_space<vmem>> -> memref<1x1x128xi32, #tpu.memory_space<vmem>>
      %dma_start3A_170 = tpu.memref_squeeze %dma_start3A_169 : memref<1x1x128xi32, #tpu.memory_space<vmem>> -> memref<128xi32, #tpu.memory_space<vmem>>
      %dma_start3A_171 = arith.constant 0 : i32
      %dma_start3A_172 = tpu.memref_slice %arg11[%dma_start3A_171] : memref<100352xf32, #tpu.memory_space<vmem_shared>> -> memref<100352xf32, #tpu.memory_space<vmem_shared>>
      tpu.enqueue_indirect_dma source(%arg6 : memref<128xf32, #tpu.memory_space<vmem>>) target(%dma_start3A_172 : memref<100352xf32, #tpu.memory_space<vmem_shared>>) offsets(%dma_start3A_170 : memref<128xi32, #tpu.memory_space<vmem>>) semaphore(%arg8 : memref<!tpu.dma_semaphore, #tpu.memory_space<semaphore_mem>>) {add = true}
      %dma_start3A_173 = arith.constant 1 : i32
      %dma_start3A_174 = arith.constant 1 : i32
      %dma_start3A_175 = arith.constant 0 : i32
      %dma_start3A_176 = tpu.memref_slice %arg5[%dma_start3A_173, %dma_start3A_174, %dma_start3A_175] : memref<2x8x128xi32, #tpu.memory_space<vmem>> -> memref<1x1x128xi32, #tpu.memory_space<vmem>>
      %dma_start3A_177 = tpu.memref_squeeze %dma_start3A_176 : memref<1x1x128xi32, #tpu.memory_space<vmem>> -> memref<128xi32, #tpu.memory_space<vmem>>
      %dma_start3A_178 = arith.constant 0 : i32
      %dma_start3A_179 = tpu.memref_slice %arg11[%dma_start3A_178] : memref<100352xf32, #tpu.memory_space<vmem_shared>> -> memref<100352xf32, #tpu.memory_space<vmem_shared>>
      tpu.enqueue_indirect_dma source(%arg6 : memref<128xf32, #tpu.memory_space<vmem>>) target(%dma_start3A_179 : memref<100352xf32, #tpu.memory_space<vmem_shared>>) offsets(%dma_start3A_177 : memref<128xi32, #tpu.memory_space<vmem>>) semaphore(%arg8 : memref<!tpu.dma_semaphore, #tpu.memory_space<semaphore_mem>>) {add = true}
      %dma_start3A_180 = arith.constant 1 : i32
      %dma_start3A_181 = arith.constant 2 : i32
      %dma_start3A_182 = arith.constant 0 : i32
      %dma_start3A_183 = tpu.memref_slice %arg5[%dma_start3A_180, %dma_start3A_181, %dma_start3A_182] : memref<2x8x128xi32, #tpu.memory_space<vmem>> -> memref<1x1x128xi32, #tpu.memory_space<vmem>>
      %dma_start3A_184 = tpu.memref_squeeze %dma_start3A_183 : memref<1x1x128xi32, #tpu.memory_space<vmem>> -> memref<128xi32, #tpu.memory_space<vmem>>
      %dma_start3A_185 = arith.constant 0 : i32
      %dma_start3A_186 = tpu.memref_slice %arg11[%dma_start3A_185] : memref<100352xf32, #tpu.memory_space<vmem_shared>> -> memref<100352xf32, #tpu.memory_space<vmem_shared>>
      tpu.enqueue_indirect_dma source(%arg6 : memref<128xf32, #tpu.memory_space<vmem>>) target(%dma_start3A_186 : memref<100352xf32, #tpu.memory_space<vmem_shared>>) offsets(%dma_start3A_184 : memref<128xi32, #tpu.memory_space<vmem>>) semaphore(%arg8 : memref<!tpu.dma_semaphore, #tpu.memory_space<semaphore_mem>>) {add = true}
      %dma_start3A_187 = arith.constant 1 : i32
      %dma_start3A_188 = arith.constant 3 : i32
      %dma_start3A_189 = arith.constant 0 : i32
      %dma_start3A_190 = tpu.memref_slice %arg5[%dma_start3A_187, %dma_start3A_188, %dma_start3A_189] : memref<2x8x128xi32, #tpu.memory_space<vmem>> -> memref<1x1x128xi32, #tpu.memory_space<vmem>>
      %dma_start3A_191 = tpu.memref_squeeze %dma_start3A_190 : memref<1x1x128xi32, #tpu.memory_space<vmem>> -> memref<128xi32, #tpu.memory_space<vmem>>
      %dma_start3A_192 = arith.constant 0 : i32
      %dma_start3A_193 = tpu.memref_slice %arg11[%dma_start3A_192] : memref<100352xf32, #tpu.memory_space<vmem_shared>> -> memref<100352xf32, #tpu.memory_space<vmem_shared>>
      tpu.enqueue_indirect_dma source(%arg6 : memref<128xf32, #tpu.memory_space<vmem>>) target(%dma_start3A_193 : memref<100352xf32, #tpu.memory_space<vmem_shared>>) offsets(%dma_start3A_191 : memref<128xi32, #tpu.memory_space<vmem>>) semaphore(%arg8 : memref<!tpu.dma_semaphore, #tpu.memory_space<semaphore_mem>>) {add = true}
      %dma_start3A_194 = arith.constant 1 : i32
      %dma_start3A_195 = arith.constant 4 : i32
      %dma_start3A_196 = arith.constant 0 : i32
      %dma_start3A_197 = tpu.memref_slice %arg5[%dma_start3A_194, %dma_start3A_195, %dma_start3A_196] : memref<2x8x128xi32, #tpu.memory_space<vmem>> -> memref<1x1x128xi32, #tpu.memory_space<vmem>>
      %dma_start3A_198 = tpu.memref_squeeze %dma_start3A_197 : memref<1x1x128xi32, #tpu.memory_space<vmem>> -> memref<128xi32, #tpu.memory_space<vmem>>
      %dma_start3A_199 = arith.constant 0 : i32
      %dma_start3A_200 = tpu.memref_slice %arg11[%dma_start3A_199] : memref<100352xf32, #tpu.memory_space<vmem_shared>> -> memref<100352xf32, #tpu.memory_space<vmem_shared>>
      tpu.enqueue_indirect_dma source(%arg6 : memref<128xf32, #tpu.memory_space<vmem>>) target(%dma_start3A_200 : memref<100352xf32, #tpu.memory_space<vmem_shared>>) offsets(%dma_start3A_198 : memref<128xi32, #tpu.memory_space<vmem>>) semaphore(%arg8 : memref<!tpu.dma_semaphore, #tpu.memory_space<semaphore_mem>>) {add = true}
      %dma_start3A_201 = arith.constant 1 : i32
      %dma_start3A_202 = arith.constant 5 : i32
      %dma_start3A_203 = arith.constant 0 : i32
      %dma_start3A_204 = tpu.memref_slice %arg5[%dma_start3A_201, %dma_start3A_202, %dma_start3A_203] : memref<2x8x128xi32, #tpu.memory_space<vmem>> -> memref<1x1x128xi32, #tpu.memory_space<vmem>>
      %dma_start3A_205 = tpu.memref_squeeze %dma_start3A_204 : memref<1x1x128xi32, #tpu.memory_space<vmem>> -> memref<128xi32, #tpu.memory_space<vmem>>
      %dma_start3A_206 = arith.constant 0 : i32
      %dma_start3A_207 = tpu.memref_slice %arg11[%dma_start3A_206] : memref<100352xf32, #tpu.memory_space<vmem_shared>> -> memref<100352xf32, #tpu.memory_space<vmem_shared>>
      tpu.enqueue_indirect_dma source(%arg6 : memref<128xf32, #tpu.memory_space<vmem>>) target(%dma_start3A_207 : memref<100352xf32, #tpu.memory_space<vmem_shared>>) offsets(%dma_start3A_205 : memref<128xi32, #tpu.memory_space<vmem>>) semaphore(%arg8 : memref<!tpu.dma_semaphore, #tpu.memory_space<semaphore_mem>>) {add = true}
      %dma_start3A_208 = arith.constant 1 : i32
      %dma_start3A_209 = arith.constant 6 : i32
      %dma_start3A_210 = arith.constant 0 : i32
      %dma_start3A_211 = tpu.memref_slice %arg5[%dma_start3A_208, %dma_start3A_209, %dma_start3A_210] : memref<2x8x128xi32, #tpu.memory_space<vmem>> -> memref<1x1x128xi32, #tpu.memory_space<vmem>>
      %dma_start3A_212 = tpu.memref_squeeze %dma_start3A_211 : memref<1x1x128xi32, #tpu.memory_space<vmem>> -> memref<128xi32, #tpu.memory_space<vmem>>
      %dma_start3A_213 = arith.constant 0 : i32
      %dma_start3A_214 = tpu.memref_slice %arg11[%dma_start3A_213] : memref<100352xf32, #tpu.memory_space<vmem_shared>> -> memref<100352xf32, #tpu.memory_space<vmem_shared>>
      tpu.enqueue_indirect_dma source(%arg6 : memref<128xf32, #tpu.memory_space<vmem>>) target(%dma_start3A_214 : memref<100352xf32, #tpu.memory_space<vmem_shared>>) offsets(%dma_start3A_212 : memref<128xi32, #tpu.memory_space<vmem>>) semaphore(%arg8 : memref<!tpu.dma_semaphore, #tpu.memory_space<semaphore_mem>>) {add = true}
      %dma_start3A_215 = arith.constant 1 : i32
      %dma_start3A_216 = arith.constant 7 : i32
      %dma_start3A_217 = arith.constant 0 : i32
      %dma_start3A_218 = tpu.memref_slice %arg5[%dma_start3A_215, %dma_start3A_216, %dma_start3A_217] : memref<2x8x128xi32, #tpu.memory_space<vmem>> -> memref<1x1x128xi32, #tpu.memory_space<vmem>>
      %dma_start3A_219 = tpu.memref_squeeze %dma_start3A_218 : memref<1x1x128xi32, #tpu.memory_space<vmem>> -> memref<128xi32, #tpu.memory_space<vmem>>
      %dma_start3A_220 = arith.constant 0 : i32
      %dma_start3A_221 = tpu.memref_slice %arg11[%dma_start3A_220] : memref<100352xf32, #tpu.memory_space<vmem_shared>> -> memref<100352xf32, #tpu.memory_space<vmem_shared>>
      tpu.enqueue_indirect_dma source(%arg6 : memref<128xf32, #tpu.memory_space<vmem>>) target(%dma_start3A_221 : memref<100352xf32, #tpu.memory_space<vmem_shared>>) offsets(%dma_start3A_219 : memref<128xi32, #tpu.memory_space<vmem>>) semaphore(%arg8 : memref<!tpu.dma_semaphore, #tpu.memory_space<semaphore_mem>>) {add = true}
      %lt3A_222 = arith.constant 50 : i32
      %lt3A_223 = arith.cmpi slt, %add3A_128, %lt3A_222 : i32
      %convert_element_type3A_224 = arith.extui %lt3A_223 : i1 to i32
      %cond3A_225 = arith.constant 0 : i32
      %cond3A_226 = arith.cmpi ne, %convert_element_type3A_224, %cond3A_225 : i32
      scf.if %cond3A_226 {
        %dma_wait3A_227 = arith.constant 0 : i32
        %dma_wait3A_228 = arith.constant 0 : i32
        %dma_wait3A_229 = arith.constant 0 : i32
        %dma_wait3A_230 = tpu.memref_slice %arg5[%dma_wait3A_227, %dma_wait3A_228, %dma_wait3A_229] : memref<2x8x128xi32, #tpu.memory_space<vmem>> -> memref<1x8x128xi32, #tpu.memory_space<vmem>>
        %dma_wait3A_231 = tpu.memref_squeeze %dma_wait3A_230 : memref<1x8x128xi32, #tpu.memory_space<vmem>> -> memref<8x128xi32, #tpu.memory_space<vmem>>
        %dma_wait3A_232 = arith.constant 0 : i32
        %dma_wait3A_233 = arith.constant 0 : i32
        %dma_wait3A_234 = tpu.memref_slice %arg2[%dma_wait3A_232, %dma_wait3A_233] : memref<12800x128xi32, #tpu.memory_space<hbm>> -> memref<8x128xi32, #tpu.memory_space<hbm>>
        %dma_wait3A_235 = arith.constant 0 : i32
        %dma_wait3A_236 = arith.constant 0 : i32
        %dma_wait3A_237 = tpu.memref_slice %arg5[%dma_wait3A_227, %dma_wait3A_235, %dma_wait3A_236] : memref<2x8x128xi32, #tpu.memory_space<vmem>> -> memref<1x8x128xi32, #tpu.memory_space<vmem>>
        %dma_wait3A_238 = tpu.memref_squeeze %dma_wait3A_237 : memref<1x8x128xi32, #tpu.memory_space<vmem>> -> memref<8x128xi32, #tpu.memory_space<vmem>>
        %dma_wait3A_239 = arith.constant 0 : i32
        %dma_wait3A_240 = arith.constant 0 : i32
        %dma_wait3A_241 = tpu.memref_slice %arg2[%dma_wait3A_239, %dma_wait3A_240] : memref<12800x128xi32, #tpu.memory_space<hbm>> -> memref<8x128xi32, #tpu.memory_space<hbm>>
        tpu.wait_dma2 semaphore(%arg9 : memref<!tpu.dma_semaphore, #tpu.memory_space<semaphore_mem>>) src(%dma_wait3A_241 : memref<8x128xi32, #tpu.memory_space<hbm>>) dst(%dma_wait3A_238 : memref<8x128xi32, #tpu.memory_space<vmem>>)
      } else {
      }
    }
    %scan3A_13 = arith.constant 25 : i32
    %dma_wait3A = arith.constant 0 : i32
    %dma_wait3A_14 = tpu.memref_slice %arg3[%dma_wait3A] : memref<100352xf32, #tpu.memory_space<hbm>> -> memref<128xf32, #tpu.memory_space<hbm>>
    %dma_wait3A_15 = arith.constant 0 : i32
    %dma_wait3A_16 = tpu.memref_slice %arg3[%dma_wait3A_15] : memref<100352xf32, #tpu.memory_space<hbm>> -> memref<128xf32, #tpu.memory_space<hbm>>
    tpu.wait_dma2 semaphore(%arg8 : memref<!tpu.dma_semaphore, #tpu.memory_space<semaphore_mem>>) src(%dma_wait3A_16 : memref<128xf32, #tpu.memory_space<hbm>>) dst(%arg6 : memref<128xf32, #tpu.memory_space<vmem>>)
    %dma_wait3A_17 = arith.constant 0 : i32
    %dma_wait3A_18 = tpu.memref_slice %arg3[%dma_wait3A_17] : memref<100352xf32, #tpu.memory_space<hbm>> -> memref<128xf32, #tpu.memory_space<hbm>>
    %dma_wait3A_19 = arith.constant 0 : i32
    %dma_wait3A_20 = tpu.memref_slice %arg3[%dma_wait3A_19] : memref<100352xf32, #tpu.memory_space<hbm>> -> memref<128xf32, #tpu.memory_space<hbm>>
    tpu.wait_dma2 semaphore(%arg8 : memref<!tpu.dma_semaphore, #tpu.memory_space<semaphore_mem>>) src(%dma_wait3A_20 : memref<128xf32, #tpu.memory_space<hbm>>) dst(%arg6 : memref<128xf32, #tpu.memory_space<vmem>>)
    %dma_wait3A_21 = arith.constant 0 : i32
    %dma_wait3A_22 = tpu.memref_slice %arg3[%dma_wait3A_21] : memref<100352xf32, #tpu.memory_space<hbm>> -> memref<128xf32, #tpu.memory_space<hbm>>
    %dma_wait3A_23 = arith.constant 0 : i32
    %dma_wait3A_24 = tpu.memref_slice %arg3[%dma_wait3A_23] : memref<100352xf32, #tpu.memory_space<hbm>> -> memref<128xf32, #tpu.memory_space<hbm>>
    tpu.wait_dma2 semaphore(%arg8 : memref<!tpu.dma_semaphore, #tpu.memory_space<semaphore_mem>>) src(%dma_wait3A_24 : memref<128xf32, #tpu.memory_space<hbm>>) dst(%arg6 : memref<128xf32, #tpu.memory_space<vmem>>)
    %dma_wait3A_25 = arith.constant 0 : i32
    %dma_wait3A_26 = tpu.memref_slice %arg3[%dma_wait3A_25] : memref<100352xf32, #tpu.memory_space<hbm>> -> memref<128xf32, #tpu.memory_space<hbm>>
    %dma_wait3A_27 = arith.constant 0 : i32
    %dma_wait3A_28 = tpu.memref_slice %arg3[%dma_wait3A_27] : memref<100352xf32, #tpu.memory_space<hbm>> -> memref<128xf32, #tpu.memory_space<hbm>>
    tpu.wait_dma2 semaphore(%arg8 : memref<!tpu.dma_semaphore, #tpu.memory_space<semaphore_mem>>) src(%dma_wait3A_28 : memref<128xf32, #tpu.memory_space<hbm>>) dst(%arg6 : memref<128xf32, #tpu.memory_space<vmem>>)
    %dma_wait3A_29 = arith.constant 0 : i32
    %dma_wait3A_30 = tpu.memref_slice %arg3[%dma_wait3A_29] : memref<100352xf32, #tpu.memory_space<hbm>> -> memref<128xf32, #tpu.memory_space<hbm>>
    %dma_wait3A_31 = arith.constant 0 : i32
    %dma_wait3A_32 = tpu.memref_slice %arg3[%dma_wait3A_31] : memref<100352xf32, #tpu.memory_space<hbm>> -> memref<128xf32, #tpu.memory_space<hbm>>
    tpu.wait_dma2 semaphore(%arg8 : memref<!tpu.dma_semaphore, #tpu.memory_space<semaphore_mem>>) src(%dma_wait3A_32 : memref<128xf32, #tpu.memory_space<hbm>>) dst(%arg6 : memref<128xf32, #tpu.memory_space<vmem>>)
    %dma_wait3A_33 = arith.constant 0 : i32
    %dma_wait3A_34 = tpu.memref_slice %arg3[%dma_wait3A_33] : memref<100352xf32, #tpu.memory_space<hbm>> -> memref<128xf32, #tpu.memory_space<hbm>>
    %dma_wait3A_35 = arith.constant 0 : i32
    %dma_wait3A_36 = tpu.memref_slice %arg3[%dma_wait3A_35] : memref<100352xf32, #tpu.memory_space<hbm>> -> memref<128xf32, #tpu.memory_space<hbm>>
    tpu.wait_dma2 semaphore(%arg8 : memref<!tpu.dma_semaphore, #tpu.memory_space<semaphore_mem>>) src(%dma_wait3A_36 : memref<128xf32, #tpu.memory_space<hbm>>) dst(%arg6 : memref<128xf32, #tpu.memory_space<vmem>>)
    %dma_wait3A_37 = arith.constant 0 : i32
    %dma_wait3A_38 = tpu.memref_slice %arg3[%dma_wait3A_37] : memref<100352xf32, #tpu.memory_space<hbm>> -> memref<128xf32, #tpu.memory_space<hbm>>
    %dma_wait3A_39 = arith.constant 0 : i32
    %dma_wait3A_40 = tpu.memref_slice %arg3[%dma_wait3A_39] : memref<100352xf32, #tpu.memory_space<hbm>> -> memref<128xf32, #tpu.memory_space<hbm>>
    tpu.wait_dma2 semaphore(%arg8 : memref<!tpu.dma_semaphore, #tpu.memory_space<semaphore_mem>>) src(%dma_wait3A_40 : memref<128xf32, #tpu.memory_space<hbm>>) dst(%arg6 : memref<128xf32, #tpu.memory_space<vmem>>)
    %dma_wait3A_41 = arith.constant 0 : i32
    %dma_wait3A_42 = tpu.memref_slice %arg3[%dma_wait3A_41] : memref<100352xf32, #tpu.memory_space<hbm>> -> memref<128xf32, #tpu.memory_space<hbm>>
    %dma_wait3A_43 = arith.constant 0 : i32
    %dma_wait3A_44 = tpu.memref_slice %arg3[%dma_wait3A_43] : memref<100352xf32, #tpu.memory_space<hbm>> -> memref<128xf32, #tpu.memory_space<hbm>>
    tpu.wait_dma2 semaphore(%arg8 : memref<!tpu.dma_semaphore, #tpu.memory_space<semaphore_mem>>) src(%dma_wait3A_44 : memref<128xf32, #tpu.memory_space<hbm>>) dst(%arg6 : memref<128xf32, #tpu.memory_space<vmem>>)
    %barrier3A_45 = arith.constant 0 : index
    tpu.barrier barrier_id(%barrier3A_45)
    "tpu.region"() ({
      %run_scoped3A_46 = tpu.sem_alloc : memref<!tpu.dma_semaphore, #tpu.memory_space<semaphore_mem>>
      %dma_start3A = tpu.memref_slice %arg4[%arg0, %mul3A_0] : memref<2x100352xf32, #tpu.memory_space<hbm>> -> memref<1x6272xf32, #tpu.memory_space<hbm>>
      %dma_start3A_47 = tpu.memref_squeeze %dma_start3A : memref<1x6272xf32, #tpu.memory_space<hbm>> -> memref<6272xf32, #tpu.memory_space<hbm>>
      %dma_start3A_48 = tpu.memref_slice %arg11[%mul3A_0] : memref<100352xf32, #tpu.memory_space<vmem_shared>> -> memref<6272xf32, #tpu.memory_space<vmem_shared>>
      tpu.enqueue_dma source(%dma_start3A_48 : memref<6272xf32, #tpu.memory_space<vmem_shared>>) target(%dma_start3A_47 : memref<6272xf32, #tpu.memory_space<hbm>>) target_semaphore(%run_scoped3A_46 : memref<!tpu.dma_semaphore, #tpu.memory_space<semaphore_mem>>)
      %dma_wait3A_49 = tpu.memref_slice %arg4[%arg0, %mul3A_0] : memref<2x100352xf32, #tpu.memory_space<hbm>> -> memref<1x6272xf32, #tpu.memory_space<hbm>>
      %dma_wait3A_50 = tpu.memref_squeeze %dma_wait3A_49 : memref<1x6272xf32, #tpu.memory_space<hbm>> -> memref<6272xf32, #tpu.memory_space<hbm>>
      %dma_wait3A_51 = tpu.memref_slice %arg11[%mul3A_0] : memref<100352xf32, #tpu.memory_space<vmem_shared>> -> memref<6272xf32, #tpu.memory_space<vmem_shared>>
      tpu.wait_dma2 semaphore(%run_scoped3A_46 : memref<!tpu.dma_semaphore, #tpu.memory_space<semaphore_mem>>) src(%dma_wait3A_51 : memref<6272xf32, #tpu.memory_space<vmem_shared>>) dst(%dma_wait3A_50 : memref<6272xf32, #tpu.memory_space<hbm>>)
      tpu.yield
    }) : () -> ()
    return
  }
}

#map = affine_map<(d0, d1) -> (0)>
#map1 = affine_map<(d0, d1) -> (0, 0)>
module attributes {stable_mosaic.version = 14 : i64} {
  func.func @_scatter_kernel(%arg0: i32, %arg1: i32, %arg2: memref<1638400xi32, #tpu.memory_space<hbm>>, %arg3: memref<12800x128xi32, #tpu.memory_space<hbm>>, %arg4: memref<100352x16xf32, #tpu.memory_space<hbm>>, %arg5: memref<100352x16xf32, #tpu.memory_space<hbm>>, %arg6: memref<100352x16xf32, #tpu.memory_space<hbm>>, %arg7: memref<100352x16xf32, #tpu.memory_space<hbm>>, %arg8: memref<2x640xi32, #tpu.memory_space<vmem>>, %arg9: memref<2x5x128xi32, #tpu.memory_space<vmem>>, %arg10: memref<2x640x16xf32, #tpu.memory_space<vmem>>, %arg11: memref<!tpu.dma_semaphore, #tpu.memory_space<semaphore_mem>>, %arg12: memref<!tpu.dma_semaphore, #tpu.memory_space<semaphore_mem>>, %arg13: memref<!tpu.dma_semaphore, #tpu.memory_space<semaphore_mem>>, %arg14: memref<!tpu.dma_semaphore, #tpu.memory_space<semaphore_mem>>, %arg15: memref<!tpu.dma_semaphore, #tpu.memory_space<semaphore_mem>>, %arg16: memref<!tpu.dma_semaphore, #tpu.memory_space<semaphore_mem>>, %arg17: memref<100352x16xf32, #tpu.memory_space<vmem_shared>>) attributes {dimension_semantics = [#tpu.dimension_semantics<core_parallel>, #tpu.dimension_semantics<subcore_parallel>], iteration_bounds = array<i64: 2, 16>, scalar_prefetch = 0 : i64, scratch_operands = 10 : i64, tpu.core_type = #tpu.core_type<sc_vector_subcore>, window_params = [{transform_indices = #map}, {transform_indices = #map1}, {transform_indices = #map1}, {transform_indices = #map1}, {transform_indices = #map1}, {transform_indices = #map1}]} {
    %mul3A = arith.constant 6272 : i32
    %mul3A_0 = arith.muli %arg1, %mul3A : i32
    %eq3A = arith.constant 0 : i32
    %eq3A_1 = arith.cmpi eq, %arg0, %eq3A : i32
    %convert_element_type3A = arith.extui %eq3A_1 : i1 to i32
    %cond3A = arith.constant 0 : i32
    %cond3A_2 = arith.cmpi ne, %convert_element_type3A, %cond3A : i32
    scf.if %cond3A_2 {
      "tpu.region"() ({
        %run_scoped3A_112 = tpu.sem_alloc : memref<!tpu.dma_semaphore, #tpu.memory_space<semaphore_mem>>
        %dma_start3A = arith.constant 0 : i32
        %dma_start3A_113 = tpu.memref_slice %arg17[%mul3A_0, %dma_start3A] : memref<100352x16xf32, #tpu.memory_space<vmem_shared>> -> memref<6272x16xf32, #tpu.memory_space<vmem_shared>>
        %dma_start3A_114 = arith.constant 0 : i32
        %dma_start3A_115 = tpu.memref_slice %arg4[%mul3A_0, %dma_start3A_114] : memref<100352x16xf32, #tpu.memory_space<hbm>> -> memref<6272x16xf32, #tpu.memory_space<hbm>>
        tpu.enqueue_dma source(%dma_start3A_115 : memref<6272x16xf32, #tpu.memory_space<hbm>>) target(%dma_start3A_113 : memref<6272x16xf32, #tpu.memory_space<vmem_shared>>) target_semaphore(%run_scoped3A_112 : memref<!tpu.dma_semaphore, #tpu.memory_space<semaphore_mem>>)
        %dma_wait3A_116 = arith.constant 0 : i32
        %dma_wait3A_117 = tpu.memref_slice %arg17[%mul3A_0, %dma_wait3A_116] : memref<100352x16xf32, #tpu.memory_space<vmem_shared>> -> memref<6272x16xf32, #tpu.memory_space<vmem_shared>>
        %dma_wait3A_118 = arith.constant 0 : i32
        %dma_wait3A_119 = tpu.memref_slice %arg4[%mul3A_0, %dma_wait3A_118] : memref<100352x16xf32, #tpu.memory_space<hbm>> -> memref<6272x16xf32, #tpu.memory_space<hbm>>
        tpu.wait_dma2 semaphore(%run_scoped3A_112 : memref<!tpu.dma_semaphore, #tpu.memory_space<semaphore_mem>>) src(%dma_wait3A_119 : memref<6272x16xf32, #tpu.memory_space<hbm>>) dst(%dma_wait3A_117 : memref<6272x16xf32, #tpu.memory_space<vmem_shared>>)
        tpu.yield
      }) : () -> ()
    } else {
    }
    %eq3A_3 = arith.constant 1 : i32
    %eq3A_4 = arith.cmpi eq, %arg0, %eq3A_3 : i32
    %convert_element_type3A_5 = arith.extui %eq3A_4 : i1 to i32
    %cond3A_6 = arith.constant 0 : i32
    %cond3A_7 = arith.cmpi ne, %convert_element_type3A_5, %cond3A_6 : i32
    scf.if %cond3A_7 {
      "tpu.region"() ({
        %run_scoped3A_112 = tpu.sem_alloc : memref<!tpu.dma_semaphore, #tpu.memory_space<semaphore_mem>>
        %dma_start3A = arith.constant 0 : i32
        %dma_start3A_113 = tpu.memref_slice %arg17[%mul3A_0, %dma_start3A] : memref<100352x16xf32, #tpu.memory_space<vmem_shared>> -> memref<6272x16xf32, #tpu.memory_space<vmem_shared>>
        %dma_start3A_114 = arith.constant 0 : i32
        %dma_start3A_115 = tpu.memref_slice %arg5[%mul3A_0, %dma_start3A_114] : memref<100352x16xf32, #tpu.memory_space<hbm>> -> memref<6272x16xf32, #tpu.memory_space<hbm>>
        tpu.enqueue_dma source(%dma_start3A_115 : memref<6272x16xf32, #tpu.memory_space<hbm>>) target(%dma_start3A_113 : memref<6272x16xf32, #tpu.memory_space<vmem_shared>>) target_semaphore(%run_scoped3A_112 : memref<!tpu.dma_semaphore, #tpu.memory_space<semaphore_mem>>)
        %dma_wait3A_116 = arith.constant 0 : i32
        %dma_wait3A_117 = tpu.memref_slice %arg17[%mul3A_0, %dma_wait3A_116] : memref<100352x16xf32, #tpu.memory_space<vmem_shared>> -> memref<6272x16xf32, #tpu.memory_space<vmem_shared>>
        %dma_wait3A_118 = arith.constant 0 : i32
        %dma_wait3A_119 = tpu.memref_slice %arg5[%mul3A_0, %dma_wait3A_118] : memref<100352x16xf32, #tpu.memory_space<hbm>> -> memref<6272x16xf32, #tpu.memory_space<hbm>>
        tpu.wait_dma2 semaphore(%run_scoped3A_112 : memref<!tpu.dma_semaphore, #tpu.memory_space<semaphore_mem>>) src(%dma_wait3A_119 : memref<6272x16xf32, #tpu.memory_space<hbm>>) dst(%dma_wait3A_117 : memref<6272x16xf32, #tpu.memory_space<vmem_shared>>)
        tpu.yield
      }) : () -> ()
    } else {
    }
    %barrier3A = arith.constant 0 : index
    tpu.barrier barrier_id(%barrier3A)
    %mul3A_8 = arith.constant 800 : i32
    %mul3A_9 = arith.muli %arg1, %mul3A_8 : i32
    %mul3A_10 = arith.constant 128 : i32
    %mul3A_11 = arith.muli %mul3A_9, %mul3A_10 : i32
    %run_scoped3A = arith.constant 0 : i32
    "tpu.region"() ({
      %run_scoped3A_112 = tpu.sem_alloc : memref<!tpu.dma_semaphore, #tpu.memory_space<semaphore_mem>>
      %dma_start3A = arith.constant 0 : i32
      %dma_start3A_113 = tpu.memref_slice %arg8[%run_scoped3A, %dma_start3A] : memref<2x640xi32, #tpu.memory_space<vmem>> -> memref<1x640xi32, #tpu.memory_space<vmem>>
      %dma_start3A_114 = tpu.memref_squeeze %dma_start3A_113 : memref<1x640xi32, #tpu.memory_space<vmem>> -> memref<640xi32, #tpu.memory_space<vmem>>
      %dma_start3A_115 = tpu.memref_slice %arg2[%mul3A_11] : memref<1638400xi32, #tpu.memory_space<hbm>> -> memref<640xi32, #tpu.memory_space<hbm>>
      %dma_start3A_116 = arith.constant 0 : i32
      %dma_start3A_117 = tpu.memref_slice %arg8[%run_scoped3A, %dma_start3A_116] : memref<2x640xi32, #tpu.memory_space<vmem>> -> memref<1x640xi32, #tpu.memory_space<vmem>>
      %dma_start3A_118 = tpu.memref_squeeze %dma_start3A_117 : memref<1x640xi32, #tpu.memory_space<vmem>> -> memref<640xi32, #tpu.memory_space<vmem>>
      %dma_start3A_119 = tpu.memref_slice %arg2[%mul3A_11] : memref<1638400xi32, #tpu.memory_space<hbm>> -> memref<640xi32, #tpu.memory_space<hbm>>
      tpu.enqueue_dma source(%dma_start3A_119 : memref<640xi32, #tpu.memory_space<hbm>>) target(%dma_start3A_118 : memref<640xi32, #tpu.memory_space<vmem>>) target_semaphore(%run_scoped3A_112 : memref<!tpu.dma_semaphore, #tpu.memory_space<semaphore_mem>>)
      %dma_wait3A_120 = arith.constant 0 : i32
      %dma_wait3A_121 = tpu.memref_slice %arg8[%run_scoped3A, %dma_wait3A_120] : memref<2x640xi32, #tpu.memory_space<vmem>> -> memref<1x640xi32, #tpu.memory_space<vmem>>
      %dma_wait3A_122 = tpu.memref_squeeze %dma_wait3A_121 : memref<1x640xi32, #tpu.memory_space<vmem>> -> memref<640xi32, #tpu.memory_space<vmem>>
      %dma_wait3A_123 = tpu.memref_slice %arg2[%mul3A_11] : memref<1638400xi32, #tpu.memory_space<hbm>> -> memref<640xi32, #tpu.memory_space<hbm>>
      %dma_wait3A_124 = arith.constant 0 : i32
      %dma_wait3A_125 = tpu.memref_slice %arg8[%run_scoped3A, %dma_wait3A_124] : memref<2x640xi32, #tpu.memory_space<vmem>> -> memref<1x640xi32, #tpu.memory_space<vmem>>
      %dma_wait3A_126 = tpu.memref_squeeze %dma_wait3A_125 : memref<1x640xi32, #tpu.memory_space<vmem>> -> memref<640xi32, #tpu.memory_space<vmem>>
      %dma_wait3A_127 = tpu.memref_slice %arg2[%mul3A_11] : memref<1638400xi32, #tpu.memory_space<hbm>> -> memref<640xi32, #tpu.memory_space<hbm>>
      tpu.wait_dma2 semaphore(%run_scoped3A_112 : memref<!tpu.dma_semaphore, #tpu.memory_space<semaphore_mem>>) src(%dma_wait3A_127 : memref<640xi32, #tpu.memory_space<hbm>>) dst(%dma_wait3A_126 : memref<640xi32, #tpu.memory_space<vmem>>)
      tpu.yield
    }) : () -> ()
    %run_scoped3A_12 = arith.constant 0 : i32
    "tpu.region"() ({
      %run_scoped3A_112 = tpu.sem_alloc : memref<!tpu.dma_semaphore, #tpu.memory_space<semaphore_mem>>
      %dma_start3A = arith.constant 0 : i32
      %dma_start3A_113 = arith.constant 0 : i32
      %dma_start3A_114 = tpu.memref_slice %arg9[%run_scoped3A_12, %dma_start3A, %dma_start3A_113] : memref<2x5x128xi32, #tpu.memory_space<vmem>> -> memref<1x5x128xi32, #tpu.memory_space<vmem>>
      %dma_start3A_115 = tpu.memref_squeeze %dma_start3A_114 : memref<1x5x128xi32, #tpu.memory_space<vmem>> -> memref<5x128xi32, #tpu.memory_space<vmem>>
      %dma_start3A_116 = arith.constant 0 : i32
      %dma_start3A_117 = tpu.memref_slice %arg3[%mul3A_9, %dma_start3A_116] : memref<12800x128xi32, #tpu.memory_space<hbm>> -> memref<5x128xi32, #tpu.memory_space<hbm>>
      %dma_start3A_118 = arith.constant 0 : i32
      %dma_start3A_119 = arith.constant 0 : i32
      %dma_start3A_120 = tpu.memref_slice %arg9[%run_scoped3A_12, %dma_start3A_118, %dma_start3A_119] : memref<2x5x128xi32, #tpu.memory_space<vmem>> -> memref<1x5x128xi32, #tpu.memory_space<vmem>>
      %dma_start3A_121 = tpu.memref_squeeze %dma_start3A_120 : memref<1x5x128xi32, #tpu.memory_space<vmem>> -> memref<5x128xi32, #tpu.memory_space<vmem>>
      %dma_start3A_122 = arith.constant 0 : i32
      %dma_start3A_123 = tpu.memref_slice %arg3[%mul3A_9, %dma_start3A_122] : memref<12800x128xi32, #tpu.memory_space<hbm>> -> memref<5x128xi32, #tpu.memory_space<hbm>>
      tpu.enqueue_dma source(%dma_start3A_123 : memref<5x128xi32, #tpu.memory_space<hbm>>) target(%dma_start3A_121 : memref<5x128xi32, #tpu.memory_space<vmem>>) target_semaphore(%run_scoped3A_112 : memref<!tpu.dma_semaphore, #tpu.memory_space<semaphore_mem>>)
      %dma_wait3A_124 = arith.constant 0 : i32
      %dma_wait3A_125 = arith.constant 0 : i32
      %dma_wait3A_126 = tpu.memref_slice %arg9[%run_scoped3A_12, %dma_wait3A_124, %dma_wait3A_125] : memref<2x5x128xi32, #tpu.memory_space<vmem>> -> memref<1x5x128xi32, #tpu.memory_space<vmem>>
      %dma_wait3A_127 = tpu.memref_squeeze %dma_wait3A_126 : memref<1x5x128xi32, #tpu.memory_space<vmem>> -> memref<5x128xi32, #tpu.memory_space<vmem>>
      %dma_wait3A_128 = arith.constant 0 : i32
      %dma_wait3A_129 = tpu.memref_slice %arg3[%mul3A_9, %dma_wait3A_128] : memref<12800x128xi32, #tpu.memory_space<hbm>> -> memref<5x128xi32, #tpu.memory_space<hbm>>
      %dma_wait3A_130 = arith.constant 0 : i32
      %dma_wait3A_131 = arith.constant 0 : i32
      %dma_wait3A_132 = tpu.memref_slice %arg9[%run_scoped3A_12, %dma_wait3A_130, %dma_wait3A_131] : memref<2x5x128xi32, #tpu.memory_space<vmem>> -> memref<1x5x128xi32, #tpu.memory_space<vmem>>
      %dma_wait3A_133 = tpu.memref_squeeze %dma_wait3A_132 : memref<1x5x128xi32, #tpu.memory_space<vmem>> -> memref<5x128xi32, #tpu.memory_space<vmem>>
      %dma_wait3A_134 = arith.constant 0 : i32
      %dma_wait3A_135 = tpu.memref_slice %arg3[%mul3A_9, %dma_wait3A_134] : memref<12800x128xi32, #tpu.memory_space<hbm>> -> memref<5x128xi32, #tpu.memory_space<hbm>>
      tpu.wait_dma2 semaphore(%run_scoped3A_112 : memref<!tpu.dma_semaphore, #tpu.memory_space<semaphore_mem>>) src(%dma_wait3A_135 : memref<5x128xi32, #tpu.memory_space<hbm>>) dst(%dma_wait3A_133 : memref<5x128xi32, #tpu.memory_space<vmem>>)
      tpu.yield
    }) : () -> ()
    %eq3A_13 = arith.constant 0 : i32
    %eq3A_14 = arith.cmpi eq, %arg0, %eq3A_13 : i32
    %convert_element_type3A_15 = arith.extui %eq3A_14 : i1 to i32
    %cond3A_16 = arith.constant 0 : i32
    %cond3A_17 = arith.cmpi ne, %convert_element_type3A_15, %cond3A_16 : i32
    scf.if %cond3A_17 {
      %dma_start3A = arith.constant 0 : i32
      %dma_start3A_112 = arith.constant 0 : i32
      %dma_start3A_113 = arith.constant 0 : i32
      %dma_start3A_114 = arith.constant 0 : i32
      %dma_start3A_115 = tpu.memref_slice %arg10[%dma_start3A_112, %dma_start3A_113, %dma_start3A_114] : memref<2x640x16xf32, #tpu.memory_space<vmem>> -> memref<1x640x16xf32, #tpu.memory_space<vmem>>
      %dma_start3A_116 = tpu.memref_squeeze %dma_start3A_115 : memref<1x640x16xf32, #tpu.memory_space<vmem>> -> memref<640x16xf32, #tpu.memory_space<vmem>>
      %dma_start3A_117 = arith.constant 0 : i32
      %dma_start3A_118 = tpu.memref_slice %arg8[%dma_start3A, %dma_start3A_117] : memref<2x640xi32, #tpu.memory_space<vmem>> -> memref<1x640xi32, #tpu.memory_space<vmem>>
      %dma_start3A_119 = tpu.memref_squeeze %dma_start3A_118 : memref<1x640xi32, #tpu.memory_space<vmem>> -> memref<640xi32, #tpu.memory_space<vmem>>
      %dma_start3A_120 = arith.constant 0 : i32
      %dma_start3A_121 = arith.constant 0 : i32
      %dma_start3A_122 = tpu.memref_slice %arg4[%dma_start3A_120, %dma_start3A_121] : memref<100352x16xf32, #tpu.memory_space<hbm>> -> memref<100352x16xf32, #tpu.memory_space<hbm>>
      tpu.enqueue_indirect_dma source(%dma_start3A_122 : memref<100352x16xf32, #tpu.memory_space<hbm>>) target(%dma_start3A_116 : memref<640x16xf32, #tpu.memory_space<vmem>>) offsets(%dma_start3A_119 : memref<640xi32, #tpu.memory_space<vmem>>) semaphore(%arg11 : memref<!tpu.dma_semaphore, #tpu.memory_space<semaphore_mem>>)
    } else {
    }
    %eq3A_18 = arith.constant 1 : i32
    %eq3A_19 = arith.cmpi eq, %arg0, %eq3A_18 : i32
    %convert_element_type3A_20 = arith.extui %eq3A_19 : i1 to i32
    %cond3A_21 = arith.constant 0 : i32
    %cond3A_22 = arith.cmpi ne, %convert_element_type3A_20, %cond3A_21 : i32
    scf.if %cond3A_22 {
      %dma_start3A = arith.constant 0 : i32
      %dma_start3A_112 = arith.constant 0 : i32
      %dma_start3A_113 = arith.constant 0 : i32
      %dma_start3A_114 = arith.constant 0 : i32
      %dma_start3A_115 = tpu.memref_slice %arg10[%dma_start3A_112, %dma_start3A_113, %dma_start3A_114] : memref<2x640x16xf32, #tpu.memory_space<vmem>> -> memref<1x640x16xf32, #tpu.memory_space<vmem>>
      %dma_start3A_116 = tpu.memref_squeeze %dma_start3A_115 : memref<1x640x16xf32, #tpu.memory_space<vmem>> -> memref<640x16xf32, #tpu.memory_space<vmem>>
      %dma_start3A_117 = arith.constant 0 : i32
      %dma_start3A_118 = tpu.memref_slice %arg8[%dma_start3A, %dma_start3A_117] : memref<2x640xi32, #tpu.memory_space<vmem>> -> memref<1x640xi32, #tpu.memory_space<vmem>>
      %dma_start3A_119 = tpu.memref_squeeze %dma_start3A_118 : memref<1x640xi32, #tpu.memory_space<vmem>> -> memref<640xi32, #tpu.memory_space<vmem>>
      %dma_start3A_120 = arith.constant 0 : i32
      %dma_start3A_121 = arith.constant 0 : i32
      %dma_start3A_122 = tpu.memref_slice %arg5[%dma_start3A_120, %dma_start3A_121] : memref<100352x16xf32, #tpu.memory_space<hbm>> -> memref<100352x16xf32, #tpu.memory_space<hbm>>
      tpu.enqueue_indirect_dma source(%dma_start3A_122 : memref<100352x16xf32, #tpu.memory_space<hbm>>) target(%dma_start3A_116 : memref<640x16xf32, #tpu.memory_space<vmem>>) offsets(%dma_start3A_119 : memref<640xi32, #tpu.memory_space<vmem>>) semaphore(%arg11 : memref<!tpu.dma_semaphore, #tpu.memory_space<semaphore_mem>>)
    } else {
    }
    %scan3A = arith.constant 0 : i32
    %scan3A_23 = arith.constant 80 : i32
    %scan3A_24 = arith.addi %scan3A, %scan3A_23 : i32
    %scan3A_25 = arith.constant 1 : i32
    scf.for %scan3A_112 = %scan3A to %scan3A_24 step %scan3A_25  : i32 {
      %mul3A_113 = arith.constant 1 : i32
      %mul3A_114 = arith.muli %scan3A_112, %mul3A_113 : i32
      %add3A = arith.constant 0 : i32
      %add3A_115 = arith.addi %add3A, %mul3A_114 : i32
      %mul3A_116 = arith.constant 2 : i32
      %mul3A_117 = arith.muli %add3A_115, %mul3A_116 : i32
      %add3A_118 = arith.constant 0 : i32
      %add3A_119 = arith.addi %mul3A_117, %add3A_118 : i32
      %add3A_120 = arith.constant 1 : i32
      %add3A_121 = arith.addi %add3A_119, %add3A_120 : i32
      %gt3A = arith.constant 0 : i32
      %gt3A_122 = arith.cmpi sgt, %add3A_115, %gt3A : i32
      %convert_element_type3A_123 = arith.extui %gt3A_122 : i1 to i32
      %cond3A_124 = arith.constant 0 : i32
      %cond3A_125 = arith.cmpi ne, %convert_element_type3A_123, %cond3A_124 : i32
      scf.if %cond3A_125 {
        %dma_wait3A_379 = arith.constant 0 : i32
        %dma_wait3A_380 = arith.constant 0 : i32
        %dma_wait3A_381 = arith.constant 0 : i32
        %dma_wait3A_382 = tpu.memref_slice %arg10[%dma_wait3A_379, %dma_wait3A_380, %dma_wait3A_381] : memref<2x640x16xf32, #tpu.memory_space<vmem>> -> memref<1x128x16xf32, #tpu.memory_space<vmem>>
        %dma_wait3A_383 = tpu.memref_squeeze %dma_wait3A_382 : memref<1x128x16xf32, #tpu.memory_space<vmem>> -> memref<128x16xf32, #tpu.memory_space<vmem>>
        %dma_wait3A_384 = arith.constant 0 : i32
        %dma_wait3A_385 = arith.constant 0 : i32
        %dma_wait3A_386 = tpu.memref_slice %arg4[%dma_wait3A_384, %dma_wait3A_385] : memref<100352x16xf32, #tpu.memory_space<hbm>> -> memref<128x16xf32, #tpu.memory_space<hbm>>
        %dma_wait3A_387 = arith.constant 0 : i32
        %dma_wait3A_388 = arith.constant 0 : i32
        %dma_wait3A_389 = tpu.memref_slice %arg10[%dma_wait3A_379, %dma_wait3A_387, %dma_wait3A_388] : memref<2x640x16xf32, #tpu.memory_space<vmem>> -> memref<1x128x16xf32, #tpu.memory_space<vmem>>
        %dma_wait3A_390 = tpu.memref_squeeze %dma_wait3A_389 : memref<1x128x16xf32, #tpu.memory_space<vmem>> -> memref<128x16xf32, #tpu.memory_space<vmem>>
        %dma_wait3A_391 = arith.constant 0 : i32
        %dma_wait3A_392 = arith.constant 0 : i32
        %dma_wait3A_393 = tpu.memref_slice %arg4[%dma_wait3A_391, %dma_wait3A_392] : memref<100352x16xf32, #tpu.memory_space<hbm>> -> memref<128x16xf32, #tpu.memory_space<hbm>>
        tpu.wait_dma2 semaphore(%arg14 : memref<!tpu.dma_semaphore, #tpu.memory_space<semaphore_mem>>) src(%dma_wait3A_393 : memref<128x16xf32, #tpu.memory_space<hbm>>) dst(%dma_wait3A_390 : memref<128x16xf32, #tpu.memory_space<vmem>>)
        %dma_wait3A_394 = arith.constant 0 : i32
        %dma_wait3A_395 = arith.constant 0 : i32
        %dma_wait3A_396 = arith.constant 0 : i32
        %dma_wait3A_397 = tpu.memref_slice %arg10[%dma_wait3A_394, %dma_wait3A_395, %dma_wait3A_396] : memref<2x640x16xf32, #tpu.memory_space<vmem>> -> memref<1x128x16xf32, #tpu.memory_space<vmem>>
        %dma_wait3A_398 = tpu.memref_squeeze %dma_wait3A_397 : memref<1x128x16xf32, #tpu.memory_space<vmem>> -> memref<128x16xf32, #tpu.memory_space<vmem>>
        %dma_wait3A_399 = arith.constant 0 : i32
        %dma_wait3A_400 = arith.constant 0 : i32
        %dma_wait3A_401 = tpu.memref_slice %arg4[%dma_wait3A_399, %dma_wait3A_400] : memref<100352x16xf32, #tpu.memory_space<hbm>> -> memref<128x16xf32, #tpu.memory_space<hbm>>
        %dma_wait3A_402 = arith.constant 0 : i32
        %dma_wait3A_403 = arith.constant 0 : i32
        %dma_wait3A_404 = tpu.memref_slice %arg10[%dma_wait3A_394, %dma_wait3A_402, %dma_wait3A_403] : memref<2x640x16xf32, #tpu.memory_space<vmem>> -> memref<1x128x16xf32, #tpu.memory_space<vmem>>
        %dma_wait3A_405 = tpu.memref_squeeze %dma_wait3A_404 : memref<1x128x16xf32, #tpu.memory_space<vmem>> -> memref<128x16xf32, #tpu.memory_space<vmem>>
        %dma_wait3A_406 = arith.constant 0 : i32
        %dma_wait3A_407 = arith.constant 0 : i32
        %dma_wait3A_408 = tpu.memref_slice %arg4[%dma_wait3A_406, %dma_wait3A_407] : memref<100352x16xf32, #tpu.memory_space<hbm>> -> memref<128x16xf32, #tpu.memory_space<hbm>>
        tpu.wait_dma2 semaphore(%arg14 : memref<!tpu.dma_semaphore, #tpu.memory_space<semaphore_mem>>) src(%dma_wait3A_408 : memref<128x16xf32, #tpu.memory_space<hbm>>) dst(%dma_wait3A_405 : memref<128x16xf32, #tpu.memory_space<vmem>>)
        %dma_wait3A_409 = arith.constant 0 : i32
        %dma_wait3A_410 = arith.constant 0 : i32
        %dma_wait3A_411 = arith.constant 0 : i32
        %dma_wait3A_412 = tpu.memref_slice %arg10[%dma_wait3A_409, %dma_wait3A_410, %dma_wait3A_411] : memref<2x640x16xf32, #tpu.memory_space<vmem>> -> memref<1x128x16xf32, #tpu.memory_space<vmem>>
        %dma_wait3A_413 = tpu.memref_squeeze %dma_wait3A_412 : memref<1x128x16xf32, #tpu.memory_space<vmem>> -> memref<128x16xf32, #tpu.memory_space<vmem>>
        %dma_wait3A_414 = arith.constant 0 : i32
        %dma_wait3A_415 = arith.constant 0 : i32
        %dma_wait3A_416 = tpu.memref_slice %arg4[%dma_wait3A_414, %dma_wait3A_415] : memref<100352x16xf32, #tpu.memory_space<hbm>> -> memref<128x16xf32, #tpu.memory_space<hbm>>
        %dma_wait3A_417 = arith.constant 0 : i32
        %dma_wait3A_418 = arith.constant 0 : i32
        %dma_wait3A_419 = tpu.memref_slice %arg10[%dma_wait3A_409, %dma_wait3A_417, %dma_wait3A_418] : memref<2x640x16xf32, #tpu.memory_space<vmem>> -> memref<1x128x16xf32, #tpu.memory_space<vmem>>
        %dma_wait3A_420 = tpu.memref_squeeze %dma_wait3A_419 : memref<1x128x16xf32, #tpu.memory_space<vmem>> -> memref<128x16xf32, #tpu.memory_space<vmem>>
        %dma_wait3A_421 = arith.constant 0 : i32
        %dma_wait3A_422 = arith.constant 0 : i32
        %dma_wait3A_423 = tpu.memref_slice %arg4[%dma_wait3A_421, %dma_wait3A_422] : memref<100352x16xf32, #tpu.memory_space<hbm>> -> memref<128x16xf32, #tpu.memory_space<hbm>>
        tpu.wait_dma2 semaphore(%arg14 : memref<!tpu.dma_semaphore, #tpu.memory_space<semaphore_mem>>) src(%dma_wait3A_423 : memref<128x16xf32, #tpu.memory_space<hbm>>) dst(%dma_wait3A_420 : memref<128x16xf32, #tpu.memory_space<vmem>>)
        %dma_wait3A_424 = arith.constant 0 : i32
        %dma_wait3A_425 = arith.constant 0 : i32
        %dma_wait3A_426 = arith.constant 0 : i32
        %dma_wait3A_427 = tpu.memref_slice %arg10[%dma_wait3A_424, %dma_wait3A_425, %dma_wait3A_426] : memref<2x640x16xf32, #tpu.memory_space<vmem>> -> memref<1x128x16xf32, #tpu.memory_space<vmem>>
        %dma_wait3A_428 = tpu.memref_squeeze %dma_wait3A_427 : memref<1x128x16xf32, #tpu.memory_space<vmem>> -> memref<128x16xf32, #tpu.memory_space<vmem>>
        %dma_wait3A_429 = arith.constant 0 : i32
        %dma_wait3A_430 = arith.constant 0 : i32
        %dma_wait3A_431 = tpu.memref_slice %arg4[%dma_wait3A_429, %dma_wait3A_430] : memref<100352x16xf32, #tpu.memory_space<hbm>> -> memref<128x16xf32, #tpu.memory_space<hbm>>
        %dma_wait3A_432 = arith.constant 0 : i32
        %dma_wait3A_433 = arith.constant 0 : i32
        %dma_wait3A_434 = tpu.memref_slice %arg10[%dma_wait3A_424, %dma_wait3A_432, %dma_wait3A_433] : memref<2x640x16xf32, #tpu.memory_space<vmem>> -> memref<1x128x16xf32, #tpu.memory_space<vmem>>
        %dma_wait3A_435 = tpu.memref_squeeze %dma_wait3A_434 : memref<1x128x16xf32, #tpu.memory_space<vmem>> -> memref<128x16xf32, #tpu.memory_space<vmem>>
        %dma_wait3A_436 = arith.constant 0 : i32
        %dma_wait3A_437 = arith.constant 0 : i32
        %dma_wait3A_438 = tpu.memref_slice %arg4[%dma_wait3A_436, %dma_wait3A_437] : memref<100352x16xf32, #tpu.memory_space<hbm>> -> memref<128x16xf32, #tpu.memory_space<hbm>>
        tpu.wait_dma2 semaphore(%arg14 : memref<!tpu.dma_semaphore, #tpu.memory_space<semaphore_mem>>) src(%dma_wait3A_438 : memref<128x16xf32, #tpu.memory_space<hbm>>) dst(%dma_wait3A_435 : memref<128x16xf32, #tpu.memory_space<vmem>>)
        %dma_wait3A_439 = arith.constant 0 : i32
        %dma_wait3A_440 = arith.constant 0 : i32
        %dma_wait3A_441 = arith.constant 0 : i32
        %dma_wait3A_442 = tpu.memref_slice %arg10[%dma_wait3A_439, %dma_wait3A_440, %dma_wait3A_441] : memref<2x640x16xf32, #tpu.memory_space<vmem>> -> memref<1x128x16xf32, #tpu.memory_space<vmem>>
        %dma_wait3A_443 = tpu.memref_squeeze %dma_wait3A_442 : memref<1x128x16xf32, #tpu.memory_space<vmem>> -> memref<128x16xf32, #tpu.memory_space<vmem>>
        %dma_wait3A_444 = arith.constant 0 : i32
        %dma_wait3A_445 = arith.constant 0 : i32
        %dma_wait3A_446 = tpu.memref_slice %arg4[%dma_wait3A_444, %dma_wait3A_445] : memref<100352x16xf32, #tpu.memory_space<hbm>> -> memref<128x16xf32, #tpu.memory_space<hbm>>
        %dma_wait3A_447 = arith.constant 0 : i32
        %dma_wait3A_448 = arith.constant 0 : i32
        %dma_wait3A_449 = tpu.memref_slice %arg10[%dma_wait3A_439, %dma_wait3A_447, %dma_wait3A_448] : memref<2x640x16xf32, #tpu.memory_space<vmem>> -> memref<1x128x16xf32, #tpu.memory_space<vmem>>
        %dma_wait3A_450 = tpu.memref_squeeze %dma_wait3A_449 : memref<1x128x16xf32, #tpu.memory_space<vmem>> -> memref<128x16xf32, #tpu.memory_space<vmem>>
        %dma_wait3A_451 = arith.constant 0 : i32
        %dma_wait3A_452 = arith.constant 0 : i32
        %dma_wait3A_453 = tpu.memref_slice %arg4[%dma_wait3A_451, %dma_wait3A_452] : memref<100352x16xf32, #tpu.memory_space<hbm>> -> memref<128x16xf32, #tpu.memory_space<hbm>>
        tpu.wait_dma2 semaphore(%arg14 : memref<!tpu.dma_semaphore, #tpu.memory_space<semaphore_mem>>) src(%dma_wait3A_453 : memref<128x16xf32, #tpu.memory_space<hbm>>) dst(%dma_wait3A_450 : memref<128x16xf32, #tpu.memory_space<vmem>>)
      } else {
      }
      %lt3A = arith.constant 160 : i32
      %lt3A_126 = arith.cmpi slt, %add3A_121, %lt3A : i32
      %convert_element_type3A_127 = arith.extui %lt3A_126 : i1 to i32
      %cond3A_128 = arith.constant 0 : i32
      %cond3A_129 = arith.cmpi ne, %convert_element_type3A_127, %cond3A_128 : i32
      scf.if %cond3A_129 {
        %mul3A_379 = arith.constant 5 : i32
        %mul3A_380 = arith.muli %add3A_121, %mul3A_379 : i32
        %add3A_381 = arith.addi %mul3A_9, %mul3A_380 : i32
        %mul3A_382 = arith.constant 128 : i32
        %mul3A_383 = arith.muli %add3A_381, %mul3A_382 : i32
        %dma_start3A_384 = arith.constant 1 : i32
        %dma_start3A_385 = arith.constant 0 : i32
        %dma_start3A_386 = tpu.memref_slice %arg8[%dma_start3A_384, %dma_start3A_385] : memref<2x640xi32, #tpu.memory_space<vmem>> -> memref<1x640xi32, #tpu.memory_space<vmem>>
        %dma_start3A_387 = tpu.memref_squeeze %dma_start3A_386 : memref<1x640xi32, #tpu.memory_space<vmem>> -> memref<640xi32, #tpu.memory_space<vmem>>
        %dma_start3A_388 = tpu.memref_slice %arg2[%mul3A_383] : memref<1638400xi32, #tpu.memory_space<hbm>> -> memref<640xi32, #tpu.memory_space<hbm>>
        %dma_start3A_389 = arith.constant 0 : i32
        %dma_start3A_390 = tpu.memref_slice %arg8[%dma_start3A_384, %dma_start3A_389] : memref<2x640xi32, #tpu.memory_space<vmem>> -> memref<1x640xi32, #tpu.memory_space<vmem>>
        %dma_start3A_391 = tpu.memref_squeeze %dma_start3A_390 : memref<1x640xi32, #tpu.memory_space<vmem>> -> memref<640xi32, #tpu.memory_space<vmem>>
        %dma_start3A_392 = tpu.memref_slice %arg2[%mul3A_383] : memref<1638400xi32, #tpu.memory_space<hbm>> -> memref<640xi32, #tpu.memory_space<hbm>>
        tpu.enqueue_dma source(%dma_start3A_392 : memref<640xi32, #tpu.memory_space<hbm>>) target(%dma_start3A_391 : memref<640xi32, #tpu.memory_space<vmem>>) target_semaphore(%arg16 : memref<!tpu.dma_semaphore, #tpu.memory_space<semaphore_mem>>)
        %mul3A_393 = arith.constant 5 : i32
        %mul3A_394 = arith.muli %add3A_121, %mul3A_393 : i32
        %add3A_395 = arith.addi %mul3A_9, %mul3A_394 : i32
        %dma_start3A_396 = arith.constant 1 : i32
        %dma_start3A_397 = arith.constant 0 : i32
        %dma_start3A_398 = arith.constant 0 : i32
        %dma_start3A_399 = tpu.memref_slice %arg9[%dma_start3A_396, %dma_start3A_397, %dma_start3A_398] : memref<2x5x128xi32, #tpu.memory_space<vmem>> -> memref<1x5x128xi32, #tpu.memory_space<vmem>>
        %dma_start3A_400 = tpu.memref_squeeze %dma_start3A_399 : memref<1x5x128xi32, #tpu.memory_space<vmem>> -> memref<5x128xi32, #tpu.memory_space<vmem>>
        %dma_start3A_401 = arith.constant 0 : i32
        %dma_start3A_402 = tpu.memref_slice %arg3[%add3A_395, %dma_start3A_401] : memref<12800x128xi32, #tpu.memory_space<hbm>> -> memref<5x128xi32, #tpu.memory_space<hbm>>
        %dma_start3A_403 = arith.constant 0 : i32
        %dma_start3A_404 = arith.constant 0 : i32
        %dma_start3A_405 = tpu.memref_slice %arg9[%dma_start3A_396, %dma_start3A_403, %dma_start3A_404] : memref<2x5x128xi32, #tpu.memory_space<vmem>> -> memref<1x5x128xi32, #tpu.memory_space<vmem>>
        %dma_start3A_406 = tpu.memref_squeeze %dma_start3A_405 : memref<1x5x128xi32, #tpu.memory_space<vmem>> -> memref<5x128xi32, #tpu.memory_space<vmem>>
        %dma_start3A_407 = arith.constant 0 : i32
        %dma_start3A_408 = tpu.memref_slice %arg3[%add3A_395, %dma_start3A_407] : memref<12800x128xi32, #tpu.memory_space<hbm>> -> memref<5x128xi32, #tpu.memory_space<hbm>>
        tpu.enqueue_dma source(%dma_start3A_408 : memref<5x128xi32, #tpu.memory_space<hbm>>) target(%dma_start3A_406 : memref<5x128xi32, #tpu.memory_space<vmem>>) target_semaphore(%arg16 : memref<!tpu.dma_semaphore, #tpu.memory_space<semaphore_mem>>)
      } else {
      }
      %dma_wait3A_130 = arith.constant 0 : i32
      %dma_wait3A_131 = arith.constant 0 : i32
      %dma_wait3A_132 = arith.constant 0 : i32
      %dma_wait3A_133 = arith.constant 0 : i32
      %dma_wait3A_134 = tpu.memref_slice %arg10[%dma_wait3A_131, %dma_wait3A_132, %dma_wait3A_133] : memref<2x640x16xf32, #tpu.memory_space<vmem>> -> memref<1x640x16xf32, #tpu.memory_space<vmem>>
      %dma_wait3A_135 = tpu.memref_squeeze %dma_wait3A_134 : memref<1x640x16xf32, #tpu.memory_space<vmem>> -> memref<640x16xf32, #tpu.memory_space<vmem>>
      %dma_wait3A_136 = arith.constant 0 : i32
      %dma_wait3A_137 = tpu.memref_slice %arg8[%dma_wait3A_130, %dma_wait3A_136] : memref<2x640xi32, #tpu.memory_space<vmem>> -> memref<1x640xi32, #tpu.memory_space<vmem>>
      %dma_wait3A_138 = tpu.memref_squeeze %dma_wait3A_137 : memref<1x640xi32, #tpu.memory_space<vmem>> -> memref<640xi32, #tpu.memory_space<vmem>>
      %dma_wait3A_139 = arith.constant 0 : i32
      %dma_wait3A_140 = arith.constant 0 : i32
      %dma_wait3A_141 = tpu.memref_slice %arg4[%dma_wait3A_139, %dma_wait3A_140] : memref<100352x16xf32, #tpu.memory_space<hbm>> -> memref<100352x16xf32, #tpu.memory_space<hbm>>
      tpu.wait_indirect_dma semaphore(%arg11 : memref<!tpu.dma_semaphore, #tpu.memory_space<semaphore_mem>>) src(%dma_wait3A_141 : memref<100352x16xf32, #tpu.memory_space<hbm>>) dst(%dma_wait3A_135 : memref<640x16xf32, #tpu.memory_space<vmem>>)
      %dma_start3A = arith.constant 0 : i32
      %dma_start3A_142 = arith.constant 0 : i32
      %dma_start3A_143 = arith.constant 0 : i32
      %dma_start3A_144 = arith.constant 0 : i32
      %dma_start3A_145 = arith.constant 0 : i32
      %dma_start3A_146 = tpu.memref_slice %arg10[%dma_start3A, %dma_start3A_144, %dma_start3A_145] : memref<2x640x16xf32, #tpu.memory_space<vmem>> -> memref<1x128x16xf32, #tpu.memory_space<vmem>>
      %dma_start3A_147 = tpu.memref_squeeze %dma_start3A_146 : memref<1x128x16xf32, #tpu.memory_space<vmem>> -> memref<128x16xf32, #tpu.memory_space<vmem>>
      %dma_start3A_148 = arith.constant 0 : i32
      %dma_start3A_149 = tpu.memref_slice %arg9[%dma_start3A_142, %dma_start3A_143, %dma_start3A_148] : memref<2x5x128xi32, #tpu.memory_space<vmem>> -> memref<1x1x128xi32, #tpu.memory_space<vmem>>
      %dma_start3A_150 = tpu.memref_squeeze %dma_start3A_149 : memref<1x1x128xi32, #tpu.memory_space<vmem>> -> memref<128xi32, #tpu.memory_space<vmem>>
      %dma_start3A_151 = arith.constant 0 : i32
      %dma_start3A_152 = arith.constant 0 : i32
      %dma_start3A_153 = tpu.memref_slice %arg17[%dma_start3A_151, %dma_start3A_152] : memref<100352x16xf32, #tpu.memory_space<vmem_shared>> -> memref<100352x16xf32, #tpu.memory_space<vmem_shared>>
      tpu.enqueue_indirect_dma source(%dma_start3A_147 : memref<128x16xf32, #tpu.memory_space<vmem>>) target(%dma_start3A_153 : memref<100352x16xf32, #tpu.memory_space<vmem_shared>>) offsets(%dma_start3A_150 : memref<128xi32, #tpu.memory_space<vmem>>) semaphore(%arg13 : memref<!tpu.dma_semaphore, #tpu.memory_space<semaphore_mem>>) {add = true}
      %dma_start3A_154 = arith.constant 0 : i32
      %dma_start3A_155 = arith.constant 0 : i32
      %dma_start3A_156 = arith.constant 1 : i32
      %dma_start3A_157 = arith.constant 128 : i32
      %dma_start3A_158 = arith.constant 0 : i32
      %dma_start3A_159 = tpu.memref_slice %arg10[%dma_start3A_154, %dma_start3A_157, %dma_start3A_158] : memref<2x640x16xf32, #tpu.memory_space<vmem>> -> memref<1x128x16xf32, #tpu.memory_space<vmem>>
      %dma_start3A_160 = tpu.memref_squeeze %dma_start3A_159 : memref<1x128x16xf32, #tpu.memory_space<vmem>> -> memref<128x16xf32, #tpu.memory_space<vmem>>
      %dma_start3A_161 = arith.constant 0 : i32
      %dma_start3A_162 = tpu.memref_slice %arg9[%dma_start3A_155, %dma_start3A_156, %dma_start3A_161] : memref<2x5x128xi32, #tpu.memory_space<vmem>> -> memref<1x1x128xi32, #tpu.memory_space<vmem>>
      %dma_start3A_163 = tpu.memref_squeeze %dma_start3A_162 : memref<1x1x128xi32, #tpu.memory_space<vmem>> -> memref<128xi32, #tpu.memory_space<vmem>>
      %dma_start3A_164 = arith.constant 0 : i32
      %dma_start3A_165 = arith.constant 0 : i32
      %dma_start3A_166 = tpu.memref_slice %arg17[%dma_start3A_164, %dma_start3A_165] : memref<100352x16xf32, #tpu.memory_space<vmem_shared>> -> memref<100352x16xf32, #tpu.memory_space<vmem_shared>>
      tpu.enqueue_indirect_dma source(%dma_start3A_160 : memref<128x16xf32, #tpu.memory_space<vmem>>) target(%dma_start3A_166 : memref<100352x16xf32, #tpu.memory_space<vmem_shared>>) offsets(%dma_start3A_163 : memref<128xi32, #tpu.memory_space<vmem>>) semaphore(%arg13 : memref<!tpu.dma_semaphore, #tpu.memory_space<semaphore_mem>>) {add = true}
      %dma_start3A_167 = arith.constant 0 : i32
      %dma_start3A_168 = arith.constant 0 : i32
      %dma_start3A_169 = arith.constant 2 : i32
      %dma_start3A_170 = arith.constant 256 : i32
      %dma_start3A_171 = arith.constant 0 : i32
      %dma_start3A_172 = tpu.memref_slice %arg10[%dma_start3A_167, %dma_start3A_170, %dma_start3A_171] : memref<2x640x16xf32, #tpu.memory_space<vmem>> -> memref<1x128x16xf32, #tpu.memory_space<vmem>>
      %dma_start3A_173 = tpu.memref_squeeze %dma_start3A_172 : memref<1x128x16xf32, #tpu.memory_space<vmem>> -> memref<128x16xf32, #tpu.memory_space<vmem>>
      %dma_start3A_174 = arith.constant 0 : i32
      %dma_start3A_175 = tpu.memref_slice %arg9[%dma_start3A_168, %dma_start3A_169, %dma_start3A_174] : memref<2x5x128xi32, #tpu.memory_space<vmem>> -> memref<1x1x128xi32, #tpu.memory_space<vmem>>
      %dma_start3A_176 = tpu.memref_squeeze %dma_start3A_175 : memref<1x1x128xi32, #tpu.memory_space<vmem>> -> memref<128xi32, #tpu.memory_space<vmem>>
      %dma_start3A_177 = arith.constant 0 : i32
      %dma_start3A_178 = arith.constant 0 : i32
      %dma_start3A_179 = tpu.memref_slice %arg17[%dma_start3A_177, %dma_start3A_178] : memref<100352x16xf32, #tpu.memory_space<vmem_shared>> -> memref<100352x16xf32, #tpu.memory_space<vmem_shared>>
      tpu.enqueue_indirect_dma source(%dma_start3A_173 : memref<128x16xf32, #tpu.memory_space<vmem>>) target(%dma_start3A_179 : memref<100352x16xf32, #tpu.memory_space<vmem_shared>>) offsets(%dma_start3A_176 : memref<128xi32, #tpu.memory_space<vmem>>) semaphore(%arg13 : memref<!tpu.dma_semaphore, #tpu.memory_space<semaphore_mem>>) {add = true}
      %dma_start3A_180 = arith.constant 0 : i32
      %dma_start3A_181 = arith.constant 0 : i32
      %dma_start3A_182 = arith.constant 3 : i32
      %dma_start3A_183 = arith.constant 384 : i32
      %dma_start3A_184 = arith.constant 0 : i32
      %dma_start3A_185 = tpu.memref_slice %arg10[%dma_start3A_180, %dma_start3A_183, %dma_start3A_184] : memref<2x640x16xf32, #tpu.memory_space<vmem>> -> memref<1x128x16xf32, #tpu.memory_space<vmem>>
      %dma_start3A_186 = tpu.memref_squeeze %dma_start3A_185 : memref<1x128x16xf32, #tpu.memory_space<vmem>> -> memref<128x16xf32, #tpu.memory_space<vmem>>
      %dma_start3A_187 = arith.constant 0 : i32
      %dma_start3A_188 = tpu.memref_slice %arg9[%dma_start3A_181, %dma_start3A_182, %dma_start3A_187] : memref<2x5x128xi32, #tpu.memory_space<vmem>> -> memref<1x1x128xi32, #tpu.memory_space<vmem>>
      %dma_start3A_189 = tpu.memref_squeeze %dma_start3A_188 : memref<1x1x128xi32, #tpu.memory_space<vmem>> -> memref<128xi32, #tpu.memory_space<vmem>>
      %dma_start3A_190 = arith.constant 0 : i32
      %dma_start3A_191 = arith.constant 0 : i32
      %dma_start3A_192 = tpu.memref_slice %arg17[%dma_start3A_190, %dma_start3A_191] : memref<100352x16xf32, #tpu.memory_space<vmem_shared>> -> memref<100352x16xf32, #tpu.memory_space<vmem_shared>>
      tpu.enqueue_indirect_dma source(%dma_start3A_186 : memref<128x16xf32, #tpu.memory_space<vmem>>) target(%dma_start3A_192 : memref<100352x16xf32, #tpu.memory_space<vmem_shared>>) offsets(%dma_start3A_189 : memref<128xi32, #tpu.memory_space<vmem>>) semaphore(%arg13 : memref<!tpu.dma_semaphore, #tpu.memory_space<semaphore_mem>>) {add = true}
      %dma_start3A_193 = arith.constant 0 : i32
      %dma_start3A_194 = arith.constant 0 : i32
      %dma_start3A_195 = arith.constant 4 : i32
      %dma_start3A_196 = arith.constant 512 : i32
      %dma_start3A_197 = arith.constant 0 : i32
      %dma_start3A_198 = tpu.memref_slice %arg10[%dma_start3A_193, %dma_start3A_196, %dma_start3A_197] : memref<2x640x16xf32, #tpu.memory_space<vmem>> -> memref<1x128x16xf32, #tpu.memory_space<vmem>>
      %dma_start3A_199 = tpu.memref_squeeze %dma_start3A_198 : memref<1x128x16xf32, #tpu.memory_space<vmem>> -> memref<128x16xf32, #tpu.memory_space<vmem>>
      %dma_start3A_200 = arith.constant 0 : i32
      %dma_start3A_201 = tpu.memref_slice %arg9[%dma_start3A_194, %dma_start3A_195, %dma_start3A_200] : memref<2x5x128xi32, #tpu.memory_space<vmem>> -> memref<1x1x128xi32, #tpu.memory_space<vmem>>
      %dma_start3A_202 = tpu.memref_squeeze %dma_start3A_201 : memref<1x1x128xi32, #tpu.memory_space<vmem>> -> memref<128xi32, #tpu.memory_space<vmem>>
      %dma_start3A_203 = arith.constant 0 : i32
      %dma_start3A_204 = arith.constant 0 : i32
      %dma_start3A_205 = tpu.memref_slice %arg17[%dma_start3A_203, %dma_start3A_204] : memref<100352x16xf32, #tpu.memory_space<vmem_shared>> -> memref<100352x16xf32, #tpu.memory_space<vmem_shared>>
      tpu.enqueue_indirect_dma source(%dma_start3A_199 : memref<128x16xf32, #tpu.memory_space<vmem>>) target(%dma_start3A_205 : memref<100352x16xf32, #tpu.memory_space<vmem_shared>>) offsets(%dma_start3A_202 : memref<128xi32, #tpu.memory_space<vmem>>) semaphore(%arg13 : memref<!tpu.dma_semaphore, #tpu.memory_space<semaphore_mem>>) {add = true}
      %lt3A_206 = arith.constant 160 : i32
      %lt3A_207 = arith.cmpi slt, %add3A_121, %lt3A_206 : i32
      %convert_element_type3A_208 = arith.extui %lt3A_207 : i1 to i32
      %cond3A_209 = arith.constant 0 : i32
      %cond3A_210 = arith.cmpi ne, %convert_element_type3A_208, %cond3A_209 : i32
      scf.if %cond3A_210 {
        %dma_wait3A_379 = arith.constant 0 : i32
        %dma_wait3A_380 = arith.constant 0 : i32
        %dma_wait3A_381 = tpu.memref_slice %arg8[%dma_wait3A_379, %dma_wait3A_380] : memref<2x640xi32, #tpu.memory_space<vmem>> -> memref<1x640xi32, #tpu.memory_space<vmem>>
        %dma_wait3A_382 = tpu.memref_squeeze %dma_wait3A_381 : memref<1x640xi32, #tpu.memory_space<vmem>> -> memref<640xi32, #tpu.memory_space<vmem>>
        %dma_wait3A_383 = arith.constant 0 : i32
        %dma_wait3A_384 = tpu.memref_slice %arg2[%dma_wait3A_383] : memref<1638400xi32, #tpu.memory_space<hbm>> -> memref<640xi32, #tpu.memory_space<hbm>>
        %dma_wait3A_385 = arith.constant 0 : i32
        %dma_wait3A_386 = tpu.memref_slice %arg8[%dma_wait3A_379, %dma_wait3A_385] : memref<2x640xi32, #tpu.memory_space<vmem>> -> memref<1x640xi32, #tpu.memory_space<vmem>>
        %dma_wait3A_387 = tpu.memref_squeeze %dma_wait3A_386 : memref<1x640xi32, #tpu.memory_space<vmem>> -> memref<640xi32, #tpu.memory_space<vmem>>
        %dma_wait3A_388 = arith.constant 0 : i32
        %dma_wait3A_389 = tpu.memref_slice %arg2[%dma_wait3A_388] : memref<1638400xi32, #tpu.memory_space<hbm>> -> memref<640xi32, #tpu.memory_space<hbm>>
        tpu.wait_dma2 semaphore(%arg16 : memref<!tpu.dma_semaphore, #tpu.memory_space<semaphore_mem>>) src(%dma_wait3A_389 : memref<640xi32, #tpu.memory_space<hbm>>) dst(%dma_wait3A_387 : memref<640xi32, #tpu.memory_space<vmem>>)
        %dma_wait3A_390 = arith.constant 0 : i32
        %dma_wait3A_391 = arith.constant 0 : i32
        %dma_wait3A_392 = arith.constant 0 : i32
        %dma_wait3A_393 = tpu.memref_slice %arg9[%dma_wait3A_390, %dma_wait3A_391, %dma_wait3A_392] : memref<2x5x128xi32, #tpu.memory_space<vmem>> -> memref<1x5x128xi32, #tpu.memory_space<vmem>>
        %dma_wait3A_394 = tpu.memref_squeeze %dma_wait3A_393 : memref<1x5x128xi32, #tpu.memory_space<vmem>> -> memref<5x128xi32, #tpu.memory_space<vmem>>
        %dma_wait3A_395 = arith.constant 0 : i32
        %dma_wait3A_396 = arith.constant 0 : i32
        %dma_wait3A_397 = tpu.memref_slice %arg3[%dma_wait3A_395, %dma_wait3A_396] : memref<12800x128xi32, #tpu.memory_space<hbm>> -> memref<5x128xi32, #tpu.memory_space<hbm>>
        %dma_wait3A_398 = arith.constant 0 : i32
        %dma_wait3A_399 = arith.constant 0 : i32
        %dma_wait3A_400 = tpu.memref_slice %arg9[%dma_wait3A_390, %dma_wait3A_398, %dma_wait3A_399] : memref<2x5x128xi32, #tpu.memory_space<vmem>> -> memref<1x5x128xi32, #tpu.memory_space<vmem>>
        %dma_wait3A_401 = tpu.memref_squeeze %dma_wait3A_400 : memref<1x5x128xi32, #tpu.memory_space<vmem>> -> memref<5x128xi32, #tpu.memory_space<vmem>>
        %dma_wait3A_402 = arith.constant 0 : i32
        %dma_wait3A_403 = arith.constant 0 : i32
        %dma_wait3A_404 = tpu.memref_slice %arg3[%dma_wait3A_402, %dma_wait3A_403] : memref<12800x128xi32, #tpu.memory_space<hbm>> -> memref<5x128xi32, #tpu.memory_space<hbm>>
        tpu.wait_dma2 semaphore(%arg16 : memref<!tpu.dma_semaphore, #tpu.memory_space<semaphore_mem>>) src(%dma_wait3A_404 : memref<5x128xi32, #tpu.memory_space<hbm>>) dst(%dma_wait3A_401 : memref<5x128xi32, #tpu.memory_space<vmem>>)
        %eq3A_405 = arith.constant 0 : i32
        %eq3A_406 = arith.cmpi eq, %arg0, %eq3A_405 : i32
        %convert_element_type3A_407 = arith.extui %eq3A_406 : i1 to i32
        %cond3A_408 = arith.constant 0 : i32
        %cond3A_409 = arith.cmpi ne, %convert_element_type3A_407, %cond3A_408 : i32
        scf.if %cond3A_409 {
          %dma_start3A_415 = arith.constant 1 : i32
          %dma_start3A_416 = arith.constant 1 : i32
          %dma_start3A_417 = arith.constant 0 : i32
          %dma_start3A_418 = arith.constant 0 : i32
          %dma_start3A_419 = tpu.memref_slice %arg10[%dma_start3A_416, %dma_start3A_417, %dma_start3A_418] : memref<2x640x16xf32, #tpu.memory_space<vmem>> -> memref<1x640x16xf32, #tpu.memory_space<vmem>>
          %dma_start3A_420 = tpu.memref_squeeze %dma_start3A_419 : memref<1x640x16xf32, #tpu.memory_space<vmem>> -> memref<640x16xf32, #tpu.memory_space<vmem>>
          %dma_start3A_421 = arith.constant 0 : i32
          %dma_start3A_422 = tpu.memref_slice %arg8[%dma_start3A_415, %dma_start3A_421] : memref<2x640xi32, #tpu.memory_space<vmem>> -> memref<1x640xi32, #tpu.memory_space<vmem>>
          %dma_start3A_423 = tpu.memref_squeeze %dma_start3A_422 : memref<1x640xi32, #tpu.memory_space<vmem>> -> memref<640xi32, #tpu.memory_space<vmem>>
          %dma_start3A_424 = arith.constant 0 : i32
          %dma_start3A_425 = arith.constant 0 : i32
          %dma_start3A_426 = tpu.memref_slice %arg4[%dma_start3A_424, %dma_start3A_425] : memref<100352x16xf32, #tpu.memory_space<hbm>> -> memref<100352x16xf32, #tpu.memory_space<hbm>>
          tpu.enqueue_indirect_dma source(%dma_start3A_426 : memref<100352x16xf32, #tpu.memory_space<hbm>>) target(%dma_start3A_420 : memref<640x16xf32, #tpu.memory_space<vmem>>) offsets(%dma_start3A_423 : memref<640xi32, #tpu.memory_space<vmem>>) semaphore(%arg12 : memref<!tpu.dma_semaphore, #tpu.memory_space<semaphore_mem>>)
        } else {
        }
        %eq3A_410 = arith.constant 1 : i32
        %eq3A_411 = arith.cmpi eq, %arg0, %eq3A_410 : i32
        %convert_element_type3A_412 = arith.extui %eq3A_411 : i1 to i32
        %cond3A_413 = arith.constant 0 : i32
        %cond3A_414 = arith.cmpi ne, %convert_element_type3A_412, %cond3A_413 : i32
        scf.if %cond3A_414 {
          %dma_start3A_415 = arith.constant 1 : i32
          %dma_start3A_416 = arith.constant 1 : i32
          %dma_start3A_417 = arith.constant 0 : i32
          %dma_start3A_418 = arith.constant 0 : i32
          %dma_start3A_419 = tpu.memref_slice %arg10[%dma_start3A_416, %dma_start3A_417, %dma_start3A_418] : memref<2x640x16xf32, #tpu.memory_space<vmem>> -> memref<1x640x16xf32, #tpu.memory_space<vmem>>
          %dma_start3A_420 = tpu.memref_squeeze %dma_start3A_419 : memref<1x640x16xf32, #tpu.memory_space<vmem>> -> memref<640x16xf32, #tpu.memory_space<vmem>>
          %dma_start3A_421 = arith.constant 0 : i32
          %dma_start3A_422 = tpu.memref_slice %arg8[%dma_start3A_415, %dma_start3A_421] : memref<2x640xi32, #tpu.memory_space<vmem>> -> memref<1x640xi32, #tpu.memory_space<vmem>>
          %dma_start3A_423 = tpu.memref_squeeze %dma_start3A_422 : memref<1x640xi32, #tpu.memory_space<vmem>> -> memref<640xi32, #tpu.memory_space<vmem>>
          %dma_start3A_424 = arith.constant 0 : i32
          %dma_start3A_425 = arith.constant 0 : i32
          %dma_start3A_426 = tpu.memref_slice %arg5[%dma_start3A_424, %dma_start3A_425] : memref<100352x16xf32, #tpu.memory_space<hbm>> -> memref<100352x16xf32, #tpu.memory_space<hbm>>
          tpu.enqueue_indirect_dma source(%dma_start3A_426 : memref<100352x16xf32, #tpu.memory_space<hbm>>) target(%dma_start3A_420 : memref<640x16xf32, #tpu.memory_space<vmem>>) offsets(%dma_start3A_423 : memref<640xi32, #tpu.memory_space<vmem>>) semaphore(%arg12 : memref<!tpu.dma_semaphore, #tpu.memory_space<semaphore_mem>>)
        } else {
        }
      } else {
      }
      %mul3A_211 = arith.constant 2 : i32
      %mul3A_212 = arith.muli %add3A_115, %mul3A_211 : i32
      %add3A_213 = arith.constant 1 : i32
      %add3A_214 = arith.addi %mul3A_212, %add3A_213 : i32
      %add3A_215 = arith.constant 1 : i32
      %add3A_216 = arith.addi %add3A_214, %add3A_215 : i32
      %dma_wait3A_217 = arith.constant 0 : i32
      %dma_wait3A_218 = arith.constant 0 : i32
      %dma_wait3A_219 = arith.constant 0 : i32
      %dma_wait3A_220 = tpu.memref_slice %arg10[%dma_wait3A_217, %dma_wait3A_218, %dma_wait3A_219] : memref<2x640x16xf32, #tpu.memory_space<vmem>> -> memref<1x128x16xf32, #tpu.memory_space<vmem>>
      %dma_wait3A_221 = tpu.memref_squeeze %dma_wait3A_220 : memref<1x128x16xf32, #tpu.memory_space<vmem>> -> memref<128x16xf32, #tpu.memory_space<vmem>>
      %dma_wait3A_222 = arith.constant 0 : i32
      %dma_wait3A_223 = arith.constant 0 : i32
      %dma_wait3A_224 = tpu.memref_slice %arg4[%dma_wait3A_222, %dma_wait3A_223] : memref<100352x16xf32, #tpu.memory_space<hbm>> -> memref<128x16xf32, #tpu.memory_space<hbm>>
      %dma_wait3A_225 = arith.constant 0 : i32
      %dma_wait3A_226 = arith.constant 0 : i32
      %dma_wait3A_227 = tpu.memref_slice %arg10[%dma_wait3A_217, %dma_wait3A_225, %dma_wait3A_226] : memref<2x640x16xf32, #tpu.memory_space<vmem>> -> memref<1x128x16xf32, #tpu.memory_space<vmem>>
      %dma_wait3A_228 = tpu.memref_squeeze %dma_wait3A_227 : memref<1x128x16xf32, #tpu.memory_space<vmem>> -> memref<128x16xf32, #tpu.memory_space<vmem>>
      %dma_wait3A_229 = arith.constant 0 : i32
      %dma_wait3A_230 = arith.constant 0 : i32
      %dma_wait3A_231 = tpu.memref_slice %arg4[%dma_wait3A_229, %dma_wait3A_230] : memref<100352x16xf32, #tpu.memory_space<hbm>> -> memref<128x16xf32, #tpu.memory_space<hbm>>
      tpu.wait_dma2 semaphore(%arg13 : memref<!tpu.dma_semaphore, #tpu.memory_space<semaphore_mem>>) src(%dma_wait3A_231 : memref<128x16xf32, #tpu.memory_space<hbm>>) dst(%dma_wait3A_228 : memref<128x16xf32, #tpu.memory_space<vmem>>)
      %dma_wait3A_232 = arith.constant 0 : i32
      %dma_wait3A_233 = arith.constant 0 : i32
      %dma_wait3A_234 = arith.constant 0 : i32
      %dma_wait3A_235 = tpu.memref_slice %arg10[%dma_wait3A_232, %dma_wait3A_233, %dma_wait3A_234] : memref<2x640x16xf32, #tpu.memory_space<vmem>> -> memref<1x128x16xf32, #tpu.memory_space<vmem>>
      %dma_wait3A_236 = tpu.memref_squeeze %dma_wait3A_235 : memref<1x128x16xf32, #tpu.memory_space<vmem>> -> memref<128x16xf32, #tpu.memory_space<vmem>>
      %dma_wait3A_237 = arith.constant 0 : i32
      %dma_wait3A_238 = arith.constant 0 : i32
      %dma_wait3A_239 = tpu.memref_slice %arg4[%dma_wait3A_237, %dma_wait3A_238] : memref<100352x16xf32, #tpu.memory_space<hbm>> -> memref<128x16xf32, #tpu.memory_space<hbm>>
      %dma_wait3A_240 = arith.constant 0 : i32
      %dma_wait3A_241 = arith.constant 0 : i32
      %dma_wait3A_242 = tpu.memref_slice %arg10[%dma_wait3A_232, %dma_wait3A_240, %dma_wait3A_241] : memref<2x640x16xf32, #tpu.memory_space<vmem>> -> memref<1x128x16xf32, #tpu.memory_space<vmem>>
      %dma_wait3A_243 = tpu.memref_squeeze %dma_wait3A_242 : memref<1x128x16xf32, #tpu.memory_space<vmem>> -> memref<128x16xf32, #tpu.memory_space<vmem>>
      %dma_wait3A_244 = arith.constant 0 : i32
      %dma_wait3A_245 = arith.constant 0 : i32
      %dma_wait3A_246 = tpu.memref_slice %arg4[%dma_wait3A_244, %dma_wait3A_245] : memref<100352x16xf32, #tpu.memory_space<hbm>> -> memref<128x16xf32, #tpu.memory_space<hbm>>
      tpu.wait_dma2 semaphore(%arg13 : memref<!tpu.dma_semaphore, #tpu.memory_space<semaphore_mem>>) src(%dma_wait3A_246 : memref<128x16xf32, #tpu.memory_space<hbm>>) dst(%dma_wait3A_243 : memref<128x16xf32, #tpu.memory_space<vmem>>)
      %dma_wait3A_247 = arith.constant 0 : i32
      %dma_wait3A_248 = arith.constant 0 : i32
      %dma_wait3A_249 = arith.constant 0 : i32
      %dma_wait3A_250 = tpu.memref_slice %arg10[%dma_wait3A_247, %dma_wait3A_248, %dma_wait3A_249] : memref<2x640x16xf32, #tpu.memory_space<vmem>> -> memref<1x128x16xf32, #tpu.memory_space<vmem>>
      %dma_wait3A_251 = tpu.memref_squeeze %dma_wait3A_250 : memref<1x128x16xf32, #tpu.memory_space<vmem>> -> memref<128x16xf32, #tpu.memory_space<vmem>>
      %dma_wait3A_252 = arith.constant 0 : i32
      %dma_wait3A_253 = arith.constant 0 : i32
      %dma_wait3A_254 = tpu.memref_slice %arg4[%dma_wait3A_252, %dma_wait3A_253] : memref<100352x16xf32, #tpu.memory_space<hbm>> -> memref<128x16xf32, #tpu.memory_space<hbm>>
      %dma_wait3A_255 = arith.constant 0 : i32
      %dma_wait3A_256 = arith.constant 0 : i32
      %dma_wait3A_257 = tpu.memref_slice %arg10[%dma_wait3A_247, %dma_wait3A_255, %dma_wait3A_256] : memref<2x640x16xf32, #tpu.memory_space<vmem>> -> memref<1x128x16xf32, #tpu.memory_space<vmem>>
      %dma_wait3A_258 = tpu.memref_squeeze %dma_wait3A_257 : memref<1x128x16xf32, #tpu.memory_space<vmem>> -> memref<128x16xf32, #tpu.memory_space<vmem>>
      %dma_wait3A_259 = arith.constant 0 : i32
      %dma_wait3A_260 = arith.constant 0 : i32
      %dma_wait3A_261 = tpu.memref_slice %arg4[%dma_wait3A_259, %dma_wait3A_260] : memref<100352x16xf32, #tpu.memory_space<hbm>> -> memref<128x16xf32, #tpu.memory_space<hbm>>
      tpu.wait_dma2 semaphore(%arg13 : memref<!tpu.dma_semaphore, #tpu.memory_space<semaphore_mem>>) src(%dma_wait3A_261 : memref<128x16xf32, #tpu.memory_space<hbm>>) dst(%dma_wait3A_258 : memref<128x16xf32, #tpu.memory_space<vmem>>)
      %dma_wait3A_262 = arith.constant 0 : i32
      %dma_wait3A_263 = arith.constant 0 : i32
      %dma_wait3A_264 = arith.constant 0 : i32
      %dma_wait3A_265 = tpu.memref_slice %arg10[%dma_wait3A_262, %dma_wait3A_263, %dma_wait3A_264] : memref<2x640x16xf32, #tpu.memory_space<vmem>> -> memref<1x128x16xf32, #tpu.memory_space<vmem>>
      %dma_wait3A_266 = tpu.memref_squeeze %dma_wait3A_265 : memref<1x128x16xf32, #tpu.memory_space<vmem>> -> memref<128x16xf32, #tpu.memory_space<vmem>>
      %dma_wait3A_267 = arith.constant 0 : i32
      %dma_wait3A_268 = arith.constant 0 : i32
      %dma_wait3A_269 = tpu.memref_slice %arg4[%dma_wait3A_267, %dma_wait3A_268] : memref<100352x16xf32, #tpu.memory_space<hbm>> -> memref<128x16xf32, #tpu.memory_space<hbm>>
      %dma_wait3A_270 = arith.constant 0 : i32
      %dma_wait3A_271 = arith.constant 0 : i32
      %dma_wait3A_272 = tpu.memref_slice %arg10[%dma_wait3A_262, %dma_wait3A_270, %dma_wait3A_271] : memref<2x640x16xf32, #tpu.memory_space<vmem>> -> memref<1x128x16xf32, #tpu.memory_space<vmem>>
      %dma_wait3A_273 = tpu.memref_squeeze %dma_wait3A_272 : memref<1x128x16xf32, #tpu.memory_space<vmem>> -> memref<128x16xf32, #tpu.memory_space<vmem>>
      %dma_wait3A_274 = arith.constant 0 : i32
      %dma_wait3A_275 = arith.constant 0 : i32
      %dma_wait3A_276 = tpu.memref_slice %arg4[%dma_wait3A_274, %dma_wait3A_275] : memref<100352x16xf32, #tpu.memory_space<hbm>> -> memref<128x16xf32, #tpu.memory_space<hbm>>
      tpu.wait_dma2 semaphore(%arg13 : memref<!tpu.dma_semaphore, #tpu.memory_space<semaphore_mem>>) src(%dma_wait3A_276 : memref<128x16xf32, #tpu.memory_space<hbm>>) dst(%dma_wait3A_273 : memref<128x16xf32, #tpu.memory_space<vmem>>)
      %dma_wait3A_277 = arith.constant 0 : i32
      %dma_wait3A_278 = arith.constant 0 : i32
      %dma_wait3A_279 = arith.constant 0 : i32
      %dma_wait3A_280 = tpu.memref_slice %arg10[%dma_wait3A_277, %dma_wait3A_278, %dma_wait3A_279] : memref<2x640x16xf32, #tpu.memory_space<vmem>> -> memref<1x128x16xf32, #tpu.memory_space<vmem>>
      %dma_wait3A_281 = tpu.memref_squeeze %dma_wait3A_280 : memref<1x128x16xf32, #tpu.memory_space<vmem>> -> memref<128x16xf32, #tpu.memory_space<vmem>>
      %dma_wait3A_282 = arith.constant 0 : i32
      %dma_wait3A_283 = arith.constant 0 : i32
      %dma_wait3A_284 = tpu.memref_slice %arg4[%dma_wait3A_282, %dma_wait3A_283] : memref<100352x16xf32, #tpu.memory_space<hbm>> -> memref<128x16xf32, #tpu.memory_space<hbm>>
      %dma_wait3A_285 = arith.constant 0 : i32
      %dma_wait3A_286 = arith.constant 0 : i32
      %dma_wait3A_287 = tpu.memref_slice %arg10[%dma_wait3A_277, %dma_wait3A_285, %dma_wait3A_286] : memref<2x640x16xf32, #tpu.memory_space<vmem>> -> memref<1x128x16xf32, #tpu.memory_space<vmem>>
      %dma_wait3A_288 = tpu.memref_squeeze %dma_wait3A_287 : memref<1x128x16xf32, #tpu.memory_space<vmem>> -> memref<128x16xf32, #tpu.memory_space<vmem>>
      %dma_wait3A_289 = arith.constant 0 : i32
      %dma_wait3A_290 = arith.constant 0 : i32
      %dma_wait3A_291 = tpu.memref_slice %arg4[%dma_wait3A_289, %dma_wait3A_290] : memref<100352x16xf32, #tpu.memory_space<hbm>> -> memref<128x16xf32, #tpu.memory_space<hbm>>
      tpu.wait_dma2 semaphore(%arg13 : memref<!tpu.dma_semaphore, #tpu.memory_space<semaphore_mem>>) src(%dma_wait3A_291 : memref<128x16xf32, #tpu.memory_space<hbm>>) dst(%dma_wait3A_288 : memref<128x16xf32, #tpu.memory_space<vmem>>)
      %lt3A_292 = arith.constant 160 : i32
      %lt3A_293 = arith.cmpi slt, %add3A_216, %lt3A_292 : i32
      %convert_element_type3A_294 = arith.extui %lt3A_293 : i1 to i32
      %cond3A_295 = arith.constant 0 : i32
      %cond3A_296 = arith.cmpi ne, %convert_element_type3A_294, %cond3A_295 : i32
      scf.if %cond3A_296 {
        %mul3A_379 = arith.constant 5 : i32
        %mul3A_380 = arith.muli %add3A_216, %mul3A_379 : i32
        %add3A_381 = arith.addi %mul3A_9, %mul3A_380 : i32
        %mul3A_382 = arith.constant 128 : i32
        %mul3A_383 = arith.muli %add3A_381, %mul3A_382 : i32
        %dma_start3A_384 = arith.constant 0 : i32
        %dma_start3A_385 = arith.constant 0 : i32
        %dma_start3A_386 = tpu.memref_slice %arg8[%dma_start3A_384, %dma_start3A_385] : memref<2x640xi32, #tpu.memory_space<vmem>> -> memref<1x640xi32, #tpu.memory_space<vmem>>
        %dma_start3A_387 = tpu.memref_squeeze %dma_start3A_386 : memref<1x640xi32, #tpu.memory_space<vmem>> -> memref<640xi32, #tpu.memory_space<vmem>>
        %dma_start3A_388 = tpu.memref_slice %arg2[%mul3A_383] : memref<1638400xi32, #tpu.memory_space<hbm>> -> memref<640xi32, #tpu.memory_space<hbm>>
        %dma_start3A_389 = arith.constant 0 : i32
        %dma_start3A_390 = tpu.memref_slice %arg8[%dma_start3A_384, %dma_start3A_389] : memref<2x640xi32, #tpu.memory_space<vmem>> -> memref<1x640xi32, #tpu.memory_space<vmem>>
        %dma_start3A_391 = tpu.memref_squeeze %dma_start3A_390 : memref<1x640xi32, #tpu.memory_space<vmem>> -> memref<640xi32, #tpu.memory_space<vmem>>
        %dma_start3A_392 = tpu.memref_slice %arg2[%mul3A_383] : memref<1638400xi32, #tpu.memory_space<hbm>> -> memref<640xi32, #tpu.memory_space<hbm>>
        tpu.enqueue_dma source(%dma_start3A_392 : memref<640xi32, #tpu.memory_space<hbm>>) target(%dma_start3A_391 : memref<640xi32, #tpu.memory_space<vmem>>) target_semaphore(%arg15 : memref<!tpu.dma_semaphore, #tpu.memory_space<semaphore_mem>>)
        %mul3A_393 = arith.constant 5 : i32
        %mul3A_394 = arith.muli %add3A_216, %mul3A_393 : i32
        %add3A_395 = arith.addi %mul3A_9, %mul3A_394 : i32
        %dma_start3A_396 = arith.constant 0 : i32
        %dma_start3A_397 = arith.constant 0 : i32
        %dma_start3A_398 = arith.constant 0 : i32
        %dma_start3A_399 = tpu.memref_slice %arg9[%dma_start3A_396, %dma_start3A_397, %dma_start3A_398] : memref<2x5x128xi32, #tpu.memory_space<vmem>> -> memref<1x5x128xi32, #tpu.memory_space<vmem>>
        %dma_start3A_400 = tpu.memref_squeeze %dma_start3A_399 : memref<1x5x128xi32, #tpu.memory_space<vmem>> -> memref<5x128xi32, #tpu.memory_space<vmem>>
        %dma_start3A_401 = arith.constant 0 : i32
        %dma_start3A_402 = tpu.memref_slice %arg3[%add3A_395, %dma_start3A_401] : memref<12800x128xi32, #tpu.memory_space<hbm>> -> memref<5x128xi32, #tpu.memory_space<hbm>>
        %dma_start3A_403 = arith.constant 0 : i32
        %dma_start3A_404 = arith.constant 0 : i32
        %dma_start3A_405 = tpu.memref_slice %arg9[%dma_start3A_396, %dma_start3A_403, %dma_start3A_404] : memref<2x5x128xi32, #tpu.memory_space<vmem>> -> memref<1x5x128xi32, #tpu.memory_space<vmem>>
        %dma_start3A_406 = tpu.memref_squeeze %dma_start3A_405 : memref<1x5x128xi32, #tpu.memory_space<vmem>> -> memref<5x128xi32, #tpu.memory_space<vmem>>
        %dma_start3A_407 = arith.constant 0 : i32
        %dma_start3A_408 = tpu.memref_slice %arg3[%add3A_395, %dma_start3A_407] : memref<12800x128xi32, #tpu.memory_space<hbm>> -> memref<5x128xi32, #tpu.memory_space<hbm>>
        tpu.enqueue_dma source(%dma_start3A_408 : memref<5x128xi32, #tpu.memory_space<hbm>>) target(%dma_start3A_406 : memref<5x128xi32, #tpu.memory_space<vmem>>) target_semaphore(%arg15 : memref<!tpu.dma_semaphore, #tpu.memory_space<semaphore_mem>>)
      } else {
      }
      %dma_wait3A_297 = arith.constant 0 : i32
      %dma_wait3A_298 = arith.constant 0 : i32
      %dma_wait3A_299 = arith.constant 0 : i32
      %dma_wait3A_300 = arith.constant 0 : i32
      %dma_wait3A_301 = tpu.memref_slice %arg10[%dma_wait3A_298, %dma_wait3A_299, %dma_wait3A_300] : memref<2x640x16xf32, #tpu.memory_space<vmem>> -> memref<1x640x16xf32, #tpu.memory_space<vmem>>
      %dma_wait3A_302 = tpu.memref_squeeze %dma_wait3A_301 : memref<1x640x16xf32, #tpu.memory_space<vmem>> -> memref<640x16xf32, #tpu.memory_space<vmem>>
      %dma_wait3A_303 = arith.constant 0 : i32
      %dma_wait3A_304 = tpu.memref_slice %arg8[%dma_wait3A_297, %dma_wait3A_303] : memref<2x640xi32, #tpu.memory_space<vmem>> -> memref<1x640xi32, #tpu.memory_space<vmem>>
      %dma_wait3A_305 = tpu.memref_squeeze %dma_wait3A_304 : memref<1x640xi32, #tpu.memory_space<vmem>> -> memref<640xi32, #tpu.memory_space<vmem>>
      %dma_wait3A_306 = arith.constant 0 : i32
      %dma_wait3A_307 = arith.constant 0 : i32
      %dma_wait3A_308 = tpu.memref_slice %arg4[%dma_wait3A_306, %dma_wait3A_307] : memref<100352x16xf32, #tpu.memory_space<hbm>> -> memref<100352x16xf32, #tpu.memory_space<hbm>>
      tpu.wait_indirect_dma semaphore(%arg12 : memref<!tpu.dma_semaphore, #tpu.memory_space<semaphore_mem>>) src(%dma_wait3A_308 : memref<100352x16xf32, #tpu.memory_space<hbm>>) dst(%dma_wait3A_302 : memref<640x16xf32, #tpu.memory_space<vmem>>)
      %dma_start3A_309 = arith.constant 1 : i32
      %dma_start3A_310 = arith.constant 1 : i32
      %dma_start3A_311 = arith.constant 0 : i32
      %dma_start3A_312 = arith.constant 0 : i32
      %dma_start3A_313 = arith.constant 0 : i32
      %dma_start3A_314 = tpu.memref_slice %arg10[%dma_start3A_309, %dma_start3A_312, %dma_start3A_313] : memref<2x640x16xf32, #tpu.memory_space<vmem>> -> memref<1x128x16xf32, #tpu.memory_space<vmem>>
      %dma_start3A_315 = tpu.memref_squeeze %dma_start3A_314 : memref<1x128x16xf32, #tpu.memory_space<vmem>> -> memref<128x16xf32, #tpu.memory_space<vmem>>
      %dma_start3A_316 = arith.constant 0 : i32
      %dma_start3A_317 = tpu.memref_slice %arg9[%dma_start3A_310, %dma_start3A_311, %dma_start3A_316] : memref<2x5x128xi32, #tpu.memory_space<vmem>> -> memref<1x1x128xi32, #tpu.memory_space<vmem>>
      %dma_start3A_318 = tpu.memref_squeeze %dma_start3A_317 : memref<1x1x128xi32, #tpu.memory_space<vmem>> -> memref<128xi32, #tpu.memory_space<vmem>>
      %dma_start3A_319 = arith.constant 0 : i32
      %dma_start3A_320 = arith.constant 0 : i32
      %dma_start3A_321 = tpu.memref_slice %arg17[%dma_start3A_319, %dma_start3A_320] : memref<100352x16xf32, #tpu.memory_space<vmem_shared>> -> memref<100352x16xf32, #tpu.memory_space<vmem_shared>>
      tpu.enqueue_indirect_dma source(%dma_start3A_315 : memref<128x16xf32, #tpu.memory_space<vmem>>) target(%dma_start3A_321 : memref<100352x16xf32, #tpu.memory_space<vmem_shared>>) offsets(%dma_start3A_318 : memref<128xi32, #tpu.memory_space<vmem>>) semaphore(%arg14 : memref<!tpu.dma_semaphore, #tpu.memory_space<semaphore_mem>>) {add = true}
      %dma_start3A_322 = arith.constant 1 : i32
      %dma_start3A_323 = arith.constant 1 : i32
      %dma_start3A_324 = arith.constant 1 : i32
      %dma_start3A_325 = arith.constant 128 : i32
      %dma_start3A_326 = arith.constant 0 : i32
      %dma_start3A_327 = tpu.memref_slice %arg10[%dma_start3A_322, %dma_start3A_325, %dma_start3A_326] : memref<2x640x16xf32, #tpu.memory_space<vmem>> -> memref<1x128x16xf32, #tpu.memory_space<vmem>>
      %dma_start3A_328 = tpu.memref_squeeze %dma_start3A_327 : memref<1x128x16xf32, #tpu.memory_space<vmem>> -> memref<128x16xf32, #tpu.memory_space<vmem>>
      %dma_start3A_329 = arith.constant 0 : i32
      %dma_start3A_330 = tpu.memref_slice %arg9[%dma_start3A_323, %dma_start3A_324, %dma_start3A_329] : memref<2x5x128xi32, #tpu.memory_space<vmem>> -> memref<1x1x128xi32, #tpu.memory_space<vmem>>
      %dma_start3A_331 = tpu.memref_squeeze %dma_start3A_330 : memref<1x1x128xi32, #tpu.memory_space<vmem>> -> memref<128xi32, #tpu.memory_space<vmem>>
      %dma_start3A_332 = arith.constant 0 : i32
      %dma_start3A_333 = arith.constant 0 : i32
      %dma_start3A_334 = tpu.memref_slice %arg17[%dma_start3A_332, %dma_start3A_333] : memref<100352x16xf32, #tpu.memory_space<vmem_shared>> -> memref<100352x16xf32, #tpu.memory_space<vmem_shared>>
      tpu.enqueue_indirect_dma source(%dma_start3A_328 : memref<128x16xf32, #tpu.memory_space<vmem>>) target(%dma_start3A_334 : memref<100352x16xf32, #tpu.memory_space<vmem_shared>>) offsets(%dma_start3A_331 : memref<128xi32, #tpu.memory_space<vmem>>) semaphore(%arg14 : memref<!tpu.dma_semaphore, #tpu.memory_space<semaphore_mem>>) {add = true}
      %dma_start3A_335 = arith.constant 1 : i32
      %dma_start3A_336 = arith.constant 1 : i32
      %dma_start3A_337 = arith.constant 2 : i32
      %dma_start3A_338 = arith.constant 256 : i32
      %dma_start3A_339 = arith.constant 0 : i32
      %dma_start3A_340 = tpu.memref_slice %arg10[%dma_start3A_335, %dma_start3A_338, %dma_start3A_339] : memref<2x640x16xf32, #tpu.memory_space<vmem>> -> memref<1x128x16xf32, #tpu.memory_space<vmem>>
      %dma_start3A_341 = tpu.memref_squeeze %dma_start3A_340 : memref<1x128x16xf32, #tpu.memory_space<vmem>> -> memref<128x16xf32, #tpu.memory_space<vmem>>
      %dma_start3A_342 = arith.constant 0 : i32
      %dma_start3A_343 = tpu.memref_slice %arg9[%dma_start3A_336, %dma_start3A_337, %dma_start3A_342] : memref<2x5x128xi32, #tpu.memory_space<vmem>> -> memref<1x1x128xi32, #tpu.memory_space<vmem>>
      %dma_start3A_344 = tpu.memref_squeeze %dma_start3A_343 : memref<1x1x128xi32, #tpu.memory_space<vmem>> -> memref<128xi32, #tpu.memory_space<vmem>>
      %dma_start3A_345 = arith.constant 0 : i32
      %dma_start3A_346 = arith.constant 0 : i32
      %dma_start3A_347 = tpu.memref_slice %arg17[%dma_start3A_345, %dma_start3A_346] : memref<100352x16xf32, #tpu.memory_space<vmem_shared>> -> memref<100352x16xf32, #tpu.memory_space<vmem_shared>>
      tpu.enqueue_indirect_dma source(%dma_start3A_341 : memref<128x16xf32, #tpu.memory_space<vmem>>) target(%dma_start3A_347 : memref<100352x16xf32, #tpu.memory_space<vmem_shared>>) offsets(%dma_start3A_344 : memref<128xi32, #tpu.memory_space<vmem>>) semaphore(%arg14 : memref<!tpu.dma_semaphore, #tpu.memory_space<semaphore_mem>>) {add = true}
      %dma_start3A_348 = arith.constant 1 : i32
      %dma_start3A_349 = arith.constant 1 : i32
      %dma_start3A_350 = arith.constant 3 : i32
      %dma_start3A_351 = arith.constant 384 : i32
      %dma_start3A_352 = arith.constant 0 : i32
      %dma_start3A_353 = tpu.memref_slice %arg10[%dma_start3A_348, %dma_start3A_351, %dma_start3A_352] : memref<2x640x16xf32, #tpu.memory_space<vmem>> -> memref<1x128x16xf32, #tpu.memory_space<vmem>>
      %dma_start3A_354 = tpu.memref_squeeze %dma_start3A_353 : memref<1x128x16xf32, #tpu.memory_space<vmem>> -> memref<128x16xf32, #tpu.memory_space<vmem>>
      %dma_start3A_355 = arith.constant 0 : i32
      %dma_start3A_356 = tpu.memref_slice %arg9[%dma_start3A_349, %dma_start3A_350, %dma_start3A_355] : memref<2x5x128xi32, #tpu.memory_space<vmem>> -> memref<1x1x128xi32, #tpu.memory_space<vmem>>
      %dma_start3A_357 = tpu.memref_squeeze %dma_start3A_356 : memref<1x1x128xi32, #tpu.memory_space<vmem>> -> memref<128xi32, #tpu.memory_space<vmem>>
      %dma_start3A_358 = arith.constant 0 : i32
      %dma_start3A_359 = arith.constant 0 : i32
      %dma_start3A_360 = tpu.memref_slice %arg17[%dma_start3A_358, %dma_start3A_359] : memref<100352x16xf32, #tpu.memory_space<vmem_shared>> -> memref<100352x16xf32, #tpu.memory_space<vmem_shared>>
      tpu.enqueue_indirect_dma source(%dma_start3A_354 : memref<128x16xf32, #tpu.memory_space<vmem>>) target(%dma_start3A_360 : memref<100352x16xf32, #tpu.memory_space<vmem_shared>>) offsets(%dma_start3A_357 : memref<128xi32, #tpu.memory_space<vmem>>) semaphore(%arg14 : memref<!tpu.dma_semaphore, #tpu.memory_space<semaphore_mem>>) {add = true}
      %dma_start3A_361 = arith.constant 1 : i32
      %dma_start3A_362 = arith.constant 1 : i32
      %dma_start3A_363 = arith.constant 4 : i32
      %dma_start3A_364 = arith.constant 512 : i32
      %dma_start3A_365 = arith.constant 0 : i32
      %dma_start3A_366 = tpu.memref_slice %arg10[%dma_start3A_361, %dma_start3A_364, %dma_start3A_365] : memref<2x640x16xf32, #tpu.memory_space<vmem>> -> memref<1x128x16xf32, #tpu.memory_space<vmem>>
      %dma_start3A_367 = tpu.memref_squeeze %dma_start3A_366 : memref<1x128x16xf32, #tpu.memory_space<vmem>> -> memref<128x16xf32, #tpu.memory_space<vmem>>
      %dma_start3A_368 = arith.constant 0 : i32
      %dma_start3A_369 = tpu.memref_slice %arg9[%dma_start3A_362, %dma_start3A_363, %dma_start3A_368] : memref<2x5x128xi32, #tpu.memory_space<vmem>> -> memref<1x1x128xi32, #tpu.memory_space<vmem>>
      %dma_start3A_370 = tpu.memref_squeeze %dma_start3A_369 : memref<1x1x128xi32, #tpu.memory_space<vmem>> -> memref<128xi32, #tpu.memory_space<vmem>>
      %dma_start3A_371 = arith.constant 0 : i32
      %dma_start3A_372 = arith.constant 0 : i32
      %dma_start3A_373 = tpu.memref_slice %arg17[%dma_start3A_371, %dma_start3A_372] : memref<100352x16xf32, #tpu.memory_space<vmem_shared>> -> memref<100352x16xf32, #tpu.memory_space<vmem_shared>>
      tpu.enqueue_indirect_dma source(%dma_start3A_367 : memref<128x16xf32, #tpu.memory_space<vmem>>) target(%dma_start3A_373 : memref<100352x16xf32, #tpu.memory_space<vmem_shared>>) offsets(%dma_start3A_370 : memref<128xi32, #tpu.memory_space<vmem>>) semaphore(%arg14 : memref<!tpu.dma_semaphore, #tpu.memory_space<semaphore_mem>>) {add = true}
      %lt3A_374 = arith.constant 160 : i32
      %lt3A_375 = arith.cmpi slt, %add3A_216, %lt3A_374 : i32
      %convert_element_type3A_376 = arith.extui %lt3A_375 : i1 to i32
      %cond3A_377 = arith.constant 0 : i32
      %cond3A_378 = arith.cmpi ne, %convert_element_type3A_376, %cond3A_377 : i32
      scf.if %cond3A_378 {
        %dma_wait3A_379 = arith.constant 0 : i32
        %dma_wait3A_380 = arith.constant 0 : i32
        %dma_wait3A_381 = tpu.memref_slice %arg8[%dma_wait3A_379, %dma_wait3A_380] : memref<2x640xi32, #tpu.memory_space<vmem>> -> memref<1x640xi32, #tpu.memory_space<vmem>>
        %dma_wait3A_382 = tpu.memref_squeeze %dma_wait3A_381 : memref<1x640xi32, #tpu.memory_space<vmem>> -> memref<640xi32, #tpu.memory_space<vmem>>
        %dma_wait3A_383 = arith.constant 0 : i32
        %dma_wait3A_384 = tpu.memref_slice %arg2[%dma_wait3A_383] : memref<1638400xi32, #tpu.memory_space<hbm>> -> memref<640xi32, #tpu.memory_space<hbm>>
        %dma_wait3A_385 = arith.constant 0 : i32
        %dma_wait3A_386 = tpu.memref_slice %arg8[%dma_wait3A_379, %dma_wait3A_385] : memref<2x640xi32, #tpu.memory_space<vmem>> -> memref<1x640xi32, #tpu.memory_space<vmem>>
        %dma_wait3A_387 = tpu.memref_squeeze %dma_wait3A_386 : memref<1x640xi32, #tpu.memory_space<vmem>> -> memref<640xi32, #tpu.memory_space<vmem>>
        %dma_wait3A_388 = arith.constant 0 : i32
        %dma_wait3A_389 = tpu.memref_slice %arg2[%dma_wait3A_388] : memref<1638400xi32, #tpu.memory_space<hbm>> -> memref<640xi32, #tpu.memory_space<hbm>>
        tpu.wait_dma2 semaphore(%arg15 : memref<!tpu.dma_semaphore, #tpu.memory_space<semaphore_mem>>) src(%dma_wait3A_389 : memref<640xi32, #tpu.memory_space<hbm>>) dst(%dma_wait3A_387 : memref<640xi32, #tpu.memory_space<vmem>>)
        %dma_wait3A_390 = arith.constant 0 : i32
        %dma_wait3A_391 = arith.constant 0 : i32
        %dma_wait3A_392 = arith.constant 0 : i32
        %dma_wait3A_393 = tpu.memref_slice %arg9[%dma_wait3A_390, %dma_wait3A_391, %dma_wait3A_392] : memref<2x5x128xi32, #tpu.memory_space<vmem>> -> memref<1x5x128xi32, #tpu.memory_space<vmem>>
        %dma_wait3A_394 = tpu.memref_squeeze %dma_wait3A_393 : memref<1x5x128xi32, #tpu.memory_space<vmem>> -> memref<5x128xi32, #tpu.memory_space<vmem>>
        %dma_wait3A_395 = arith.constant 0 : i32
        %dma_wait3A_396 = arith.constant 0 : i32
        %dma_wait3A_397 = tpu.memref_slice %arg3[%dma_wait3A_395, %dma_wait3A_396] : memref<12800x128xi32, #tpu.memory_space<hbm>> -> memref<5x128xi32, #tpu.memory_space<hbm>>
        %dma_wait3A_398 = arith.constant 0 : i32
        %dma_wait3A_399 = arith.constant 0 : i32
        %dma_wait3A_400 = tpu.memref_slice %arg9[%dma_wait3A_390, %dma_wait3A_398, %dma_wait3A_399] : memref<2x5x128xi32, #tpu.memory_space<vmem>> -> memref<1x5x128xi32, #tpu.memory_space<vmem>>
        %dma_wait3A_401 = tpu.memref_squeeze %dma_wait3A_400 : memref<1x5x128xi32, #tpu.memory_space<vmem>> -> memref<5x128xi32, #tpu.memory_space<vmem>>
        %dma_wait3A_402 = arith.constant 0 : i32
        %dma_wait3A_403 = arith.constant 0 : i32
        %dma_wait3A_404 = tpu.memref_slice %arg3[%dma_wait3A_402, %dma_wait3A_403] : memref<12800x128xi32, #tpu.memory_space<hbm>> -> memref<5x128xi32, #tpu.memory_space<hbm>>
        tpu.wait_dma2 semaphore(%arg15 : memref<!tpu.dma_semaphore, #tpu.memory_space<semaphore_mem>>) src(%dma_wait3A_404 : memref<5x128xi32, #tpu.memory_space<hbm>>) dst(%dma_wait3A_401 : memref<5x128xi32, #tpu.memory_space<vmem>>)
        %eq3A_405 = arith.constant 0 : i32
        %eq3A_406 = arith.cmpi eq, %arg0, %eq3A_405 : i32
        %convert_element_type3A_407 = arith.extui %eq3A_406 : i1 to i32
        %cond3A_408 = arith.constant 0 : i32
        %cond3A_409 = arith.cmpi ne, %convert_element_type3A_407, %cond3A_408 : i32
        scf.if %cond3A_409 {
          %dma_start3A_415 = arith.constant 0 : i32
          %dma_start3A_416 = arith.constant 0 : i32
          %dma_start3A_417 = arith.constant 0 : i32
          %dma_start3A_418 = arith.constant 0 : i32
          %dma_start3A_419 = tpu.memref_slice %arg10[%dma_start3A_416, %dma_start3A_417, %dma_start3A_418] : memref<2x640x16xf32, #tpu.memory_space<vmem>> -> memref<1x640x16xf32, #tpu.memory_space<vmem>>
          %dma_start3A_420 = tpu.memref_squeeze %dma_start3A_419 : memref<1x640x16xf32, #tpu.memory_space<vmem>> -> memref<640x16xf32, #tpu.memory_space<vmem>>
          %dma_start3A_421 = arith.constant 0 : i32
          %dma_start3A_422 = tpu.memref_slice %arg8[%dma_start3A_415, %dma_start3A_421] : memref<2x640xi32, #tpu.memory_space<vmem>> -> memref<1x640xi32, #tpu.memory_space<vmem>>
          %dma_start3A_423 = tpu.memref_squeeze %dma_start3A_422 : memref<1x640xi32, #tpu.memory_space<vmem>> -> memref<640xi32, #tpu.memory_space<vmem>>
          %dma_start3A_424 = arith.constant 0 : i32
          %dma_start3A_425 = arith.constant 0 : i32
          %dma_start3A_426 = tpu.memref_slice %arg4[%dma_start3A_424, %dma_start3A_425] : memref<100352x16xf32, #tpu.memory_space<hbm>> -> memref<100352x16xf32, #tpu.memory_space<hbm>>
          tpu.enqueue_indirect_dma source(%dma_start3A_426 : memref<100352x16xf32, #tpu.memory_space<hbm>>) target(%dma_start3A_420 : memref<640x16xf32, #tpu.memory_space<vmem>>) offsets(%dma_start3A_423 : memref<640xi32, #tpu.memory_space<vmem>>) semaphore(%arg11 : memref<!tpu.dma_semaphore, #tpu.memory_space<semaphore_mem>>)
        } else {
        }
        %eq3A_410 = arith.constant 1 : i32
        %eq3A_411 = arith.cmpi eq, %arg0, %eq3A_410 : i32
        %convert_element_type3A_412 = arith.extui %eq3A_411 : i1 to i32
        %cond3A_413 = arith.constant 0 : i32
        %cond3A_414 = arith.cmpi ne, %convert_element_type3A_412, %cond3A_413 : i32
        scf.if %cond3A_414 {
          %dma_start3A_415 = arith.constant 0 : i32
          %dma_start3A_416 = arith.constant 0 : i32
          %dma_start3A_417 = arith.constant 0 : i32
          %dma_start3A_418 = arith.constant 0 : i32
          %dma_start3A_419 = tpu.memref_slice %arg10[%dma_start3A_416, %dma_start3A_417, %dma_start3A_418] : memref<2x640x16xf32, #tpu.memory_space<vmem>> -> memref<1x640x16xf32, #tpu.memory_space<vmem>>
          %dma_start3A_420 = tpu.memref_squeeze %dma_start3A_419 : memref<1x640x16xf32, #tpu.memory_space<vmem>> -> memref<640x16xf32, #tpu.memory_space<vmem>>
          %dma_start3A_421 = arith.constant 0 : i32
          %dma_start3A_422 = tpu.memref_slice %arg8[%dma_start3A_415, %dma_start3A_421] : memref<2x640xi32, #tpu.memory_space<vmem>> -> memref<1x640xi32, #tpu.memory_space<vmem>>
          %dma_start3A_423 = tpu.memref_squeeze %dma_start3A_422 : memref<1x640xi32, #tpu.memory_space<vmem>> -> memref<640xi32, #tpu.memory_space<vmem>>
          %dma_start3A_424 = arith.constant 0 : i32
          %dma_start3A_425 = arith.constant 0 : i32
          %dma_start3A_426 = tpu.memref_slice %arg5[%dma_start3A_424, %dma_start3A_425] : memref<100352x16xf32, #tpu.memory_space<hbm>> -> memref<100352x16xf32, #tpu.memory_space<hbm>>
          tpu.enqueue_indirect_dma source(%dma_start3A_426 : memref<100352x16xf32, #tpu.memory_space<hbm>>) target(%dma_start3A_420 : memref<640x16xf32, #tpu.memory_space<vmem>>) offsets(%dma_start3A_423 : memref<640xi32, #tpu.memory_space<vmem>>) semaphore(%arg11 : memref<!tpu.dma_semaphore, #tpu.memory_space<semaphore_mem>>)
        } else {
        }
      } else {
      }
    }
    %scan3A_26 = arith.constant 80 : i32
    %dma_wait3A = arith.constant 0 : i32
    %dma_wait3A_27 = arith.constant 0 : i32
    %dma_wait3A_28 = arith.constant 0 : i32
    %dma_wait3A_29 = tpu.memref_slice %arg10[%dma_wait3A, %dma_wait3A_27, %dma_wait3A_28] : memref<2x640x16xf32, #tpu.memory_space<vmem>> -> memref<1x128x16xf32, #tpu.memory_space<vmem>>
    %dma_wait3A_30 = tpu.memref_squeeze %dma_wait3A_29 : memref<1x128x16xf32, #tpu.memory_space<vmem>> -> memref<128x16xf32, #tpu.memory_space<vmem>>
    %dma_wait3A_31 = arith.constant 0 : i32
    %dma_wait3A_32 = arith.constant 0 : i32
    %dma_wait3A_33 = tpu.memref_slice %arg4[%dma_wait3A_31, %dma_wait3A_32] : memref<100352x16xf32, #tpu.memory_space<hbm>> -> memref<128x16xf32, #tpu.memory_space<hbm>>
    %dma_wait3A_34 = arith.constant 0 : i32
    %dma_wait3A_35 = arith.constant 0 : i32
    %dma_wait3A_36 = tpu.memref_slice %arg10[%dma_wait3A, %dma_wait3A_34, %dma_wait3A_35] : memref<2x640x16xf32, #tpu.memory_space<vmem>> -> memref<1x128x16xf32, #tpu.memory_space<vmem>>
    %dma_wait3A_37 = tpu.memref_squeeze %dma_wait3A_36 : memref<1x128x16xf32, #tpu.memory_space<vmem>> -> memref<128x16xf32, #tpu.memory_space<vmem>>
    %dma_wait3A_38 = arith.constant 0 : i32
    %dma_wait3A_39 = arith.constant 0 : i32
    %dma_wait3A_40 = tpu.memref_slice %arg4[%dma_wait3A_38, %dma_wait3A_39] : memref<100352x16xf32, #tpu.memory_space<hbm>> -> memref<128x16xf32, #tpu.memory_space<hbm>>
    tpu.wait_dma2 semaphore(%arg14 : memref<!tpu.dma_semaphore, #tpu.memory_space<semaphore_mem>>) src(%dma_wait3A_40 : memref<128x16xf32, #tpu.memory_space<hbm>>) dst(%dma_wait3A_37 : memref<128x16xf32, #tpu.memory_space<vmem>>)
    %dma_wait3A_41 = arith.constant 0 : i32
    %dma_wait3A_42 = arith.constant 0 : i32
    %dma_wait3A_43 = arith.constant 0 : i32
    %dma_wait3A_44 = tpu.memref_slice %arg10[%dma_wait3A_41, %dma_wait3A_42, %dma_wait3A_43] : memref<2x640x16xf32, #tpu.memory_space<vmem>> -> memref<1x128x16xf32, #tpu.memory_space<vmem>>
    %dma_wait3A_45 = tpu.memref_squeeze %dma_wait3A_44 : memref<1x128x16xf32, #tpu.memory_space<vmem>> -> memref<128x16xf32, #tpu.memory_space<vmem>>
    %dma_wait3A_46 = arith.constant 0 : i32
    %dma_wait3A_47 = arith.constant 0 : i32
    %dma_wait3A_48 = tpu.memref_slice %arg4[%dma_wait3A_46, %dma_wait3A_47] : memref<100352x16xf32, #tpu.memory_space<hbm>> -> memref<128x16xf32, #tpu.memory_space<hbm>>
    %dma_wait3A_49 = arith.constant 0 : i32
    %dma_wait3A_50 = arith.constant 0 : i32
    %dma_wait3A_51 = tpu.memref_slice %arg10[%dma_wait3A_41, %dma_wait3A_49, %dma_wait3A_50] : memref<2x640x16xf32, #tpu.memory_space<vmem>> -> memref<1x128x16xf32, #tpu.memory_space<vmem>>
    %dma_wait3A_52 = tpu.memref_squeeze %dma_wait3A_51 : memref<1x128x16xf32, #tpu.memory_space<vmem>> -> memref<128x16xf32, #tpu.memory_space<vmem>>
    %dma_wait3A_53 = arith.constant 0 : i32
    %dma_wait3A_54 = arith.constant 0 : i32
    %dma_wait3A_55 = tpu.memref_slice %arg4[%dma_wait3A_53, %dma_wait3A_54] : memref<100352x16xf32, #tpu.memory_space<hbm>> -> memref<128x16xf32, #tpu.memory_space<hbm>>
    tpu.wait_dma2 semaphore(%arg14 : memref<!tpu.dma_semaphore, #tpu.memory_space<semaphore_mem>>) src(%dma_wait3A_55 : memref<128x16xf32, #tpu.memory_space<hbm>>) dst(%dma_wait3A_52 : memref<128x16xf32, #tpu.memory_space<vmem>>)
    %dma_wait3A_56 = arith.constant 0 : i32
    %dma_wait3A_57 = arith.constant 0 : i32
    %dma_wait3A_58 = arith.constant 0 : i32
    %dma_wait3A_59 = tpu.memref_slice %arg10[%dma_wait3A_56, %dma_wait3A_57, %dma_wait3A_58] : memref<2x640x16xf32, #tpu.memory_space<vmem>> -> memref<1x128x16xf32, #tpu.memory_space<vmem>>
    %dma_wait3A_60 = tpu.memref_squeeze %dma_wait3A_59 : memref<1x128x16xf32, #tpu.memory_space<vmem>> -> memref<128x16xf32, #tpu.memory_space<vmem>>
    %dma_wait3A_61 = arith.constant 0 : i32
    %dma_wait3A_62 = arith.constant 0 : i32
    %dma_wait3A_63 = tpu.memref_slice %arg4[%dma_wait3A_61, %dma_wait3A_62] : memref<100352x16xf32, #tpu.memory_space<hbm>> -> memref<128x16xf32, #tpu.memory_space<hbm>>
    %dma_wait3A_64 = arith.constant 0 : i32
    %dma_wait3A_65 = arith.constant 0 : i32
    %dma_wait3A_66 = tpu.memref_slice %arg10[%dma_wait3A_56, %dma_wait3A_64, %dma_wait3A_65] : memref<2x640x16xf32, #tpu.memory_space<vmem>> -> memref<1x128x16xf32, #tpu.memory_space<vmem>>
    %dma_wait3A_67 = tpu.memref_squeeze %dma_wait3A_66 : memref<1x128x16xf32, #tpu.memory_space<vmem>> -> memref<128x16xf32, #tpu.memory_space<vmem>>
    %dma_wait3A_68 = arith.constant 0 : i32
    %dma_wait3A_69 = arith.constant 0 : i32
    %dma_wait3A_70 = tpu.memref_slice %arg4[%dma_wait3A_68, %dma_wait3A_69] : memref<100352x16xf32, #tpu.memory_space<hbm>> -> memref<128x16xf32, #tpu.memory_space<hbm>>
    tpu.wait_dma2 semaphore(%arg14 : memref<!tpu.dma_semaphore, #tpu.memory_space<semaphore_mem>>) src(%dma_wait3A_70 : memref<128x16xf32, #tpu.memory_space<hbm>>) dst(%dma_wait3A_67 : memref<128x16xf32, #tpu.memory_space<vmem>>)
    %dma_wait3A_71 = arith.constant 0 : i32
    %dma_wait3A_72 = arith.constant 0 : i32
    %dma_wait3A_73 = arith.constant 0 : i32
    %dma_wait3A_74 = tpu.memref_slice %arg10[%dma_wait3A_71, %dma_wait3A_72, %dma_wait3A_73] : memref<2x640x16xf32, #tpu.memory_space<vmem>> -> memref<1x128x16xf32, #tpu.memory_space<vmem>>
    %dma_wait3A_75 = tpu.memref_squeeze %dma_wait3A_74 : memref<1x128x16xf32, #tpu.memory_space<vmem>> -> memref<128x16xf32, #tpu.memory_space<vmem>>
    %dma_wait3A_76 = arith.constant 0 : i32
    %dma_wait3A_77 = arith.constant 0 : i32
    %dma_wait3A_78 = tpu.memref_slice %arg4[%dma_wait3A_76, %dma_wait3A_77] : memref<100352x16xf32, #tpu.memory_space<hbm>> -> memref<128x16xf32, #tpu.memory_space<hbm>>
    %dma_wait3A_79 = arith.constant 0 : i32
    %dma_wait3A_80 = arith.constant 0 : i32
    %dma_wait3A_81 = tpu.memref_slice %arg10[%dma_wait3A_71, %dma_wait3A_79, %dma_wait3A_80] : memref<2x640x16xf32, #tpu.memory_space<vmem>> -> memref<1x128x16xf32, #tpu.memory_space<vmem>>
    %dma_wait3A_82 = tpu.memref_squeeze %dma_wait3A_81 : memref<1x128x16xf32, #tpu.memory_space<vmem>> -> memref<128x16xf32, #tpu.memory_space<vmem>>
    %dma_wait3A_83 = arith.constant 0 : i32
    %dma_wait3A_84 = arith.constant 0 : i32
    %dma_wait3A_85 = tpu.memref_slice %arg4[%dma_wait3A_83, %dma_wait3A_84] : memref<100352x16xf32, #tpu.memory_space<hbm>> -> memref<128x16xf32, #tpu.memory_space<hbm>>
    tpu.wait_dma2 semaphore(%arg14 : memref<!tpu.dma_semaphore, #tpu.memory_space<semaphore_mem>>) src(%dma_wait3A_85 : memref<128x16xf32, #tpu.memory_space<hbm>>) dst(%dma_wait3A_82 : memref<128x16xf32, #tpu.memory_space<vmem>>)
    %dma_wait3A_86 = arith.constant 0 : i32
    %dma_wait3A_87 = arith.constant 0 : i32
    %dma_wait3A_88 = arith.constant 0 : i32
    %dma_wait3A_89 = tpu.memref_slice %arg10[%dma_wait3A_86, %dma_wait3A_87, %dma_wait3A_88] : memref<2x640x16xf32, #tpu.memory_space<vmem>> -> memref<1x128x16xf32, #tpu.memory_space<vmem>>
    %dma_wait3A_90 = tpu.memref_squeeze %dma_wait3A_89 : memref<1x128x16xf32, #tpu.memory_space<vmem>> -> memref<128x16xf32, #tpu.memory_space<vmem>>
    %dma_wait3A_91 = arith.constant 0 : i32
    %dma_wait3A_92 = arith.constant 0 : i32
    %dma_wait3A_93 = tpu.memref_slice %arg4[%dma_wait3A_91, %dma_wait3A_92] : memref<100352x16xf32, #tpu.memory_space<hbm>> -> memref<128x16xf32, #tpu.memory_space<hbm>>
    %dma_wait3A_94 = arith.constant 0 : i32
    %dma_wait3A_95 = arith.constant 0 : i32
    %dma_wait3A_96 = tpu.memref_slice %arg10[%dma_wait3A_86, %dma_wait3A_94, %dma_wait3A_95] : memref<2x640x16xf32, #tpu.memory_space<vmem>> -> memref<1x128x16xf32, #tpu.memory_space<vmem>>
    %dma_wait3A_97 = tpu.memref_squeeze %dma_wait3A_96 : memref<1x128x16xf32, #tpu.memory_space<vmem>> -> memref<128x16xf32, #tpu.memory_space<vmem>>
    %dma_wait3A_98 = arith.constant 0 : i32
    %dma_wait3A_99 = arith.constant 0 : i32
    %dma_wait3A_100 = tpu.memref_slice %arg4[%dma_wait3A_98, %dma_wait3A_99] : memref<100352x16xf32, #tpu.memory_space<hbm>> -> memref<128x16xf32, #tpu.memory_space<hbm>>
    tpu.wait_dma2 semaphore(%arg14 : memref<!tpu.dma_semaphore, #tpu.memory_space<semaphore_mem>>) src(%dma_wait3A_100 : memref<128x16xf32, #tpu.memory_space<hbm>>) dst(%dma_wait3A_97 : memref<128x16xf32, #tpu.memory_space<vmem>>)
    %barrier3A_101 = arith.constant 0 : index
    tpu.barrier barrier_id(%barrier3A_101)
    %eq3A_102 = arith.constant 0 : i32
    %eq3A_103 = arith.cmpi eq, %arg0, %eq3A_102 : i32
    %convert_element_type3A_104 = arith.extui %eq3A_103 : i1 to i32
    %cond3A_105 = arith.constant 0 : i32
    %cond3A_106 = arith.cmpi ne, %convert_element_type3A_104, %cond3A_105 : i32
    scf.if %cond3A_106 {
      "tpu.region"() ({
        %run_scoped3A_112 = tpu.sem_alloc : memref<!tpu.dma_semaphore, #tpu.memory_space<semaphore_mem>>
        %dma_start3A = arith.constant 0 : i32
        %dma_start3A_113 = tpu.memref_slice %arg6[%mul3A_0, %dma_start3A] : memref<100352x16xf32, #tpu.memory_space<hbm>> -> memref<6272x16xf32, #tpu.memory_space<hbm>>
        %dma_start3A_114 = arith.constant 0 : i32
        %dma_start3A_115 = tpu.memref_slice %arg17[%mul3A_0, %dma_start3A_114] : memref<100352x16xf32, #tpu.memory_space<vmem_shared>> -> memref<6272x16xf32, #tpu.memory_space<vmem_shared>>
        tpu.enqueue_dma source(%dma_start3A_115 : memref<6272x16xf32, #tpu.memory_space<vmem_shared>>) target(%dma_start3A_113 : memref<6272x16xf32, #tpu.memory_space<hbm>>) target_semaphore(%run_scoped3A_112 : memref<!tpu.dma_semaphore, #tpu.memory_space<semaphore_mem>>)
        %dma_wait3A_116 = arith.constant 0 : i32
        %dma_wait3A_117 = tpu.memref_slice %arg6[%mul3A_0, %dma_wait3A_116] : memref<100352x16xf32, #tpu.memory_space<hbm>> -> memref<6272x16xf32, #tpu.memory_space<hbm>>
        %dma_wait3A_118 = arith.constant 0 : i32
        %dma_wait3A_119 = tpu.memref_slice %arg17[%mul3A_0, %dma_wait3A_118] : memref<100352x16xf32, #tpu.memory_space<vmem_shared>> -> memref<6272x16xf32, #tpu.memory_space<vmem_shared>>
        tpu.wait_dma2 semaphore(%run_scoped3A_112 : memref<!tpu.dma_semaphore, #tpu.memory_space<semaphore_mem>>) src(%dma_wait3A_119 : memref<6272x16xf32, #tpu.memory_space<vmem_shared>>) dst(%dma_wait3A_117 : memref<6272x16xf32, #tpu.memory_space<hbm>>)
        tpu.yield
      }) : () -> ()
    } else {
    }
    %eq3A_107 = arith.constant 1 : i32
    %eq3A_108 = arith.cmpi eq, %arg0, %eq3A_107 : i32
    %convert_element_type3A_109 = arith.extui %eq3A_108 : i1 to i32
    %cond3A_110 = arith.constant 0 : i32
    %cond3A_111 = arith.cmpi ne, %convert_element_type3A_109, %cond3A_110 : i32
    scf.if %cond3A_111 {
      "tpu.region"() ({
        %run_scoped3A_112 = tpu.sem_alloc : memref<!tpu.dma_semaphore, #tpu.memory_space<semaphore_mem>>
        %dma_start3A = arith.constant 0 : i32
        %dma_start3A_113 = tpu.memref_slice %arg7[%mul3A_0, %dma_start3A] : memref<100352x16xf32, #tpu.memory_space<hbm>> -> memref<6272x16xf32, #tpu.memory_space<hbm>>
        %dma_start3A_114 = arith.constant 0 : i32
        %dma_start3A_115 = tpu.memref_slice %arg17[%mul3A_0, %dma_start3A_114] : memref<100352x16xf32, #tpu.memory_space<vmem_shared>> -> memref<6272x16xf32, #tpu.memory_space<vmem_shared>>
        tpu.enqueue_dma source(%dma_start3A_115 : memref<6272x16xf32, #tpu.memory_space<vmem_shared>>) target(%dma_start3A_113 : memref<6272x16xf32, #tpu.memory_space<hbm>>) target_semaphore(%run_scoped3A_112 : memref<!tpu.dma_semaphore, #tpu.memory_space<semaphore_mem>>)
        %dma_wait3A_116 = arith.constant 0 : i32
        %dma_wait3A_117 = tpu.memref_slice %arg7[%mul3A_0, %dma_wait3A_116] : memref<100352x16xf32, #tpu.memory_space<hbm>> -> memref<6272x16xf32, #tpu.memory_space<hbm>>
        %dma_wait3A_118 = arith.constant 0 : i32
        %dma_wait3A_119 = tpu.memref_slice %arg17[%mul3A_0, %dma_wait3A_118] : memref<100352x16xf32, #tpu.memory_space<vmem_shared>> -> memref<6272x16xf32, #tpu.memory_space<vmem_shared>>
        tpu.wait_dma2 semaphore(%run_scoped3A_112 : memref<!tpu.dma_semaphore, #tpu.memory_space<semaphore_mem>>) src(%dma_wait3A_119 : memref<6272x16xf32, #tpu.memory_space<vmem_shared>>) dst(%dma_wait3A_117 : memref<6272x16xf32, #tpu.memory_space<hbm>>)
        tpu.yield
      }) : () -> ()
    } else {
    }
    return
  }
}

#map = affine_map<(d0, d1) -> (0)>
#map1 = affine_map<(d0, d1) -> (0, 0)>
module attributes {stable_mosaic.version = 14 : i64} {
  func.func @_scatter_kernel(%arg0: i32, %arg1: i32, %arg2: memref<1638400xi32, #tpu.memory_space<hbm>>, %arg3: memref<12800x128xi32, #tpu.memory_space<hbm>>, %arg4: memref<100352x16xf32, #tpu.memory_space<hbm>>, %arg5: memref<100352x16xf32, #tpu.memory_space<hbm>>, %arg6: memref<100352x16xf32, #tpu.memory_space<hbm>>, %arg7: memref<100352x16xf32, #tpu.memory_space<hbm>>, %arg8: memref<2x640xi32, #tpu.memory_space<vmem>>, %arg9: memref<2x5x128xi32, #tpu.memory_space<vmem>>, %arg10: memref<2x640x16xf32, #tpu.memory_space<vmem>>, %arg11: memref<!tpu.dma_semaphore, #tpu.memory_space<semaphore_mem>>, %arg12: memref<!tpu.dma_semaphore, #tpu.memory_space<semaphore_mem>>, %arg13: memref<!tpu.dma_semaphore, #tpu.memory_space<semaphore_mem>>, %arg14: memref<!tpu.dma_semaphore, #tpu.memory_space<semaphore_mem>>, %arg15: memref<!tpu.dma_semaphore, #tpu.memory_space<semaphore_mem>>, %arg16: memref<!tpu.dma_semaphore, #tpu.memory_space<semaphore_mem>>, %arg17: memref<100352x16xf32, #tpu.memory_space<vmem_shared>>) attributes {dimension_semantics = [#tpu.dimension_semantics<core_parallel>, #tpu.dimension_semantics<subcore_parallel>], iteration_bounds = array<i64: 2, 16>, scalar_prefetch = 0 : i64, scratch_operands = 10 : i64, tpu.core_type = #tpu.core_type<sc_vector_subcore>, window_params = [{transform_indices = #map}, {transform_indices = #map1}, {transform_indices = #map1}, {transform_indices = #map1}, {transform_indices = #map1}, {transform_indices = #map1}]} {
    %mul3A = arith.constant 6272 : i32
    %mul3A_0 = arith.muli %arg1, %mul3A : i32
    %eq3A = arith.constant 0 : i32
    %eq3A_1 = arith.cmpi eq, %arg0, %eq3A : i32
    %convert_element_type3A = arith.extui %eq3A_1 : i1 to i32
    %cond3A = arith.constant 0 : i32
    %cond3A_2 = arith.cmpi ne, %convert_element_type3A, %cond3A : i32
    scf.if %cond3A_2 {
      "tpu.region"() ({
        %run_scoped3A_112 = tpu.sem_alloc : memref<!tpu.dma_semaphore, #tpu.memory_space<semaphore_mem>>
        %dma_start3A = arith.constant 0 : i32
        %dma_start3A_113 = tpu.memref_slice %arg17[%mul3A_0, %dma_start3A] : memref<100352x16xf32, #tpu.memory_space<vmem_shared>> -> memref<6272x16xf32, #tpu.memory_space<vmem_shared>>
        %dma_start3A_114 = arith.constant 0 : i32
        %dma_start3A_115 = tpu.memref_slice %arg4[%mul3A_0, %dma_start3A_114] : memref<100352x16xf32, #tpu.memory_space<hbm>> -> memref<6272x16xf32, #tpu.memory_space<hbm>>
        tpu.enqueue_dma source(%dma_start3A_115 : memref<6272x16xf32, #tpu.memory_space<hbm>>) target(%dma_start3A_113 : memref<6272x16xf32, #tpu.memory_space<vmem_shared>>) target_semaphore(%run_scoped3A_112 : memref<!tpu.dma_semaphore, #tpu.memory_space<semaphore_mem>>)
        %dma_wait3A_116 = arith.constant 0 : i32
        %dma_wait3A_117 = tpu.memref_slice %arg17[%mul3A_0, %dma_wait3A_116] : memref<100352x16xf32, #tpu.memory_space<vmem_shared>> -> memref<6272x16xf32, #tpu.memory_space<vmem_shared>>
        %dma_wait3A_118 = arith.constant 0 : i32
        %dma_wait3A_119 = tpu.memref_slice %arg4[%mul3A_0, %dma_wait3A_118] : memref<100352x16xf32, #tpu.memory_space<hbm>> -> memref<6272x16xf32, #tpu.memory_space<hbm>>
        tpu.wait_dma2 semaphore(%run_scoped3A_112 : memref<!tpu.dma_semaphore, #tpu.memory_space<semaphore_mem>>) src(%dma_wait3A_119 : memref<6272x16xf32, #tpu.memory_space<hbm>>) dst(%dma_wait3A_117 : memref<6272x16xf32, #tpu.memory_space<vmem_shared>>)
        tpu.yield
      }) : () -> ()
    } else {
    }
    %eq3A_3 = arith.constant 1 : i32
    %eq3A_4 = arith.cmpi eq, %arg0, %eq3A_3 : i32
    %convert_element_type3A_5 = arith.extui %eq3A_4 : i1 to i32
    %cond3A_6 = arith.constant 0 : i32
    %cond3A_7 = arith.cmpi ne, %convert_element_type3A_5, %cond3A_6 : i32
    scf.if %cond3A_7 {
      "tpu.region"() ({
        %run_scoped3A_112 = tpu.sem_alloc : memref<!tpu.dma_semaphore, #tpu.memory_space<semaphore_mem>>
        %dma_start3A = arith.constant 0 : i32
        %dma_start3A_113 = tpu.memref_slice %arg17[%mul3A_0, %dma_start3A] : memref<100352x16xf32, #tpu.memory_space<vmem_shared>> -> memref<6272x16xf32, #tpu.memory_space<vmem_shared>>
        %dma_start3A_114 = arith.constant 0 : i32
        %dma_start3A_115 = tpu.memref_slice %arg5[%mul3A_0, %dma_start3A_114] : memref<100352x16xf32, #tpu.memory_space<hbm>> -> memref<6272x16xf32, #tpu.memory_space<hbm>>
        tpu.enqueue_dma source(%dma_start3A_115 : memref<6272x16xf32, #tpu.memory_space<hbm>>) target(%dma_start3A_113 : memref<6272x16xf32, #tpu.memory_space<vmem_shared>>) target_semaphore(%run_scoped3A_112 : memref<!tpu.dma_semaphore, #tpu.memory_space<semaphore_mem>>)
        %dma_wait3A_116 = arith.constant 0 : i32
        %dma_wait3A_117 = tpu.memref_slice %arg17[%mul3A_0, %dma_wait3A_116] : memref<100352x16xf32, #tpu.memory_space<vmem_shared>> -> memref<6272x16xf32, #tpu.memory_space<vmem_shared>>
        %dma_wait3A_118 = arith.constant 0 : i32
        %dma_wait3A_119 = tpu.memref_slice %arg5[%mul3A_0, %dma_wait3A_118] : memref<100352x16xf32, #tpu.memory_space<hbm>> -> memref<6272x16xf32, #tpu.memory_space<hbm>>
        tpu.wait_dma2 semaphore(%run_scoped3A_112 : memref<!tpu.dma_semaphore, #tpu.memory_space<semaphore_mem>>) src(%dma_wait3A_119 : memref<6272x16xf32, #tpu.memory_space<hbm>>) dst(%dma_wait3A_117 : memref<6272x16xf32, #tpu.memory_space<vmem_shared>>)
        tpu.yield
      }) : () -> ()
    } else {
    }
    %barrier3A = arith.constant 0 : index
    tpu.barrier barrier_id(%barrier3A)
    %mul3A_8 = arith.constant 800 : i32
    %mul3A_9 = arith.muli %arg1, %mul3A_8 : i32
    %mul3A_10 = arith.constant 128 : i32
    %mul3A_11 = arith.muli %mul3A_9, %mul3A_10 : i32
    %run_scoped3A = arith.constant 0 : i32
    "tpu.region"() ({
      %run_scoped3A_112 = tpu.sem_alloc : memref<!tpu.dma_semaphore, #tpu.memory_space<semaphore_mem>>
      %dma_start3A = arith.constant 0 : i32
      %dma_start3A_113 = tpu.memref_slice %arg8[%run_scoped3A, %dma_start3A] : memref<2x640xi32, #tpu.memory_space<vmem>> -> memref<1x640xi32, #tpu.memory_space<vmem>>
      %dma_start3A_114 = tpu.memref_squeeze %dma_start3A_113 : memref<1x640xi32, #tpu.memory_space<vmem>> -> memref<640xi32, #tpu.memory_space<vmem>>
      %dma_start3A_115 = tpu.memref_slice %arg2[%mul3A_11] : memref<1638400xi32, #tpu.memory_space<hbm>> -> memref<640xi32, #tpu.memory_space<hbm>>
      %dma_start3A_116 = arith.constant 0 : i32
      %dma_start3A_117 = tpu.memref_slice %arg8[%run_scoped3A, %dma_start3A_116] : memref<2x640xi32, #tpu.memory_space<vmem>> -> memref<1x640xi32, #tpu.memory_space<vmem>>
      %dma_start3A_118 = tpu.memref_squeeze %dma_start3A_117 : memref<1x640xi32, #tpu.memory_space<vmem>> -> memref<640xi32, #tpu.memory_space<vmem>>
      %dma_start3A_119 = tpu.memref_slice %arg2[%mul3A_11] : memref<1638400xi32, #tpu.memory_space<hbm>> -> memref<640xi32, #tpu.memory_space<hbm>>
      tpu.enqueue_dma source(%dma_start3A_119 : memref<640xi32, #tpu.memory_space<hbm>>) target(%dma_start3A_118 : memref<640xi32, #tpu.memory_space<vmem>>) target_semaphore(%run_scoped3A_112 : memref<!tpu.dma_semaphore, #tpu.memory_space<semaphore_mem>>)
      %dma_wait3A_120 = arith.constant 0 : i32
      %dma_wait3A_121 = tpu.memref_slice %arg8[%run_scoped3A, %dma_wait3A_120] : memref<2x640xi32, #tpu.memory_space<vmem>> -> memref<1x640xi32, #tpu.memory_space<vmem>>
      %dma_wait3A_122 = tpu.memref_squeeze %dma_wait3A_121 : memref<1x640xi32, #tpu.memory_space<vmem>> -> memref<640xi32, #tpu.memory_space<vmem>>
      %dma_wait3A_123 = tpu.memref_slice %arg2[%mul3A_11] : memref<1638400xi32, #tpu.memory_space<hbm>> -> memref<640xi32, #tpu.memory_space<hbm>>
      %dma_wait3A_124 = arith.constant 0 : i32
      %dma_wait3A_125 = tpu.memref_slice %arg8[%run_scoped3A, %dma_wait3A_124] : memref<2x640xi32, #tpu.memory_space<vmem>> -> memref<1x640xi32, #tpu.memory_space<vmem>>
      %dma_wait3A_126 = tpu.memref_squeeze %dma_wait3A_125 : memref<1x640xi32, #tpu.memory_space<vmem>> -> memref<640xi32, #tpu.memory_space<vmem>>
      %dma_wait3A_127 = tpu.memref_slice %arg2[%mul3A_11] : memref<1638400xi32, #tpu.memory_space<hbm>> -> memref<640xi32, #tpu.memory_space<hbm>>
      tpu.wait_dma2 semaphore(%run_scoped3A_112 : memref<!tpu.dma_semaphore, #tpu.memory_space<semaphore_mem>>) src(%dma_wait3A_127 : memref<640xi32, #tpu.memory_space<hbm>>) dst(%dma_wait3A_126 : memref<640xi32, #tpu.memory_space<vmem>>)
      tpu.yield
    }) : () -> ()
    %run_scoped3A_12 = arith.constant 0 : i32
    "tpu.region"() ({
      %run_scoped3A_112 = tpu.sem_alloc : memref<!tpu.dma_semaphore, #tpu.memory_space<semaphore_mem>>
      %dma_start3A = arith.constant 0 : i32
      %dma_start3A_113 = arith.constant 0 : i32
      %dma_start3A_114 = tpu.memref_slice %arg9[%run_scoped3A_12, %dma_start3A, %dma_start3A_113] : memref<2x5x128xi32, #tpu.memory_space<vmem>> -> memref<1x5x128xi32, #tpu.memory_space<vmem>>
      %dma_start3A_115 = tpu.memref_squeeze %dma_start3A_114 : memref<1x5x128xi32, #tpu.memory_space<vmem>> -> memref<5x128xi32, #tpu.memory_space<vmem>>
      %dma_start3A_116 = arith.constant 0 : i32
      %dma_start3A_117 = tpu.memref_slice %arg3[%mul3A_9, %dma_start3A_116] : memref<12800x128xi32, #tpu.memory_space<hbm>> -> memref<5x128xi32, #tpu.memory_space<hbm>>
      %dma_start3A_118 = arith.constant 0 : i32
      %dma_start3A_119 = arith.constant 0 : i32
      %dma_start3A_120 = tpu.memref_slice %arg9[%run_scoped3A_12, %dma_start3A_118, %dma_start3A_119] : memref<2x5x128xi32, #tpu.memory_space<vmem>> -> memref<1x5x128xi32, #tpu.memory_space<vmem>>
      %dma_start3A_121 = tpu.memref_squeeze %dma_start3A_120 : memref<1x5x128xi32, #tpu.memory_space<vmem>> -> memref<5x128xi32, #tpu.memory_space<vmem>>
      %dma_start3A_122 = arith.constant 0 : i32
      %dma_start3A_123 = tpu.memref_slice %arg3[%mul3A_9, %dma_start3A_122] : memref<12800x128xi32, #tpu.memory_space<hbm>> -> memref<5x128xi32, #tpu.memory_space<hbm>>
      tpu.enqueue_dma source(%dma_start3A_123 : memref<5x128xi32, #tpu.memory_space<hbm>>) target(%dma_start3A_121 : memref<5x128xi32, #tpu.memory_space<vmem>>) target_semaphore(%run_scoped3A_112 : memref<!tpu.dma_semaphore, #tpu.memory_space<semaphore_mem>>)
      %dma_wait3A_124 = arith.constant 0 : i32
      %dma_wait3A_125 = arith.constant 0 : i32
      %dma_wait3A_126 = tpu.memref_slice %arg9[%run_scoped3A_12, %dma_wait3A_124, %dma_wait3A_125] : memref<2x5x128xi32, #tpu.memory_space<vmem>> -> memref<1x5x128xi32, #tpu.memory_space<vmem>>
      %dma_wait3A_127 = tpu.memref_squeeze %dma_wait3A_126 : memref<1x5x128xi32, #tpu.memory_space<vmem>> -> memref<5x128xi32, #tpu.memory_space<vmem>>
      %dma_wait3A_128 = arith.constant 0 : i32
      %dma_wait3A_129 = tpu.memref_slice %arg3[%mul3A_9, %dma_wait3A_128] : memref<12800x128xi32, #tpu.memory_space<hbm>> -> memref<5x128xi32, #tpu.memory_space<hbm>>
      %dma_wait3A_130 = arith.constant 0 : i32
      %dma_wait3A_131 = arith.constant 0 : i32
      %dma_wait3A_132 = tpu.memref_slice %arg9[%run_scoped3A_12, %dma_wait3A_130, %dma_wait3A_131] : memref<2x5x128xi32, #tpu.memory_space<vmem>> -> memref<1x5x128xi32, #tpu.memory_space<vmem>>
      %dma_wait3A_133 = tpu.memref_squeeze %dma_wait3A_132 : memref<1x5x128xi32, #tpu.memory_space<vmem>> -> memref<5x128xi32, #tpu.memory_space<vmem>>
      %dma_wait3A_134 = arith.constant 0 : i32
      %dma_wait3A_135 = tpu.memref_slice %arg3[%mul3A_9, %dma_wait3A_134] : memref<12800x128xi32, #tpu.memory_space<hbm>> -> memref<5x128xi32, #tpu.memory_space<hbm>>
      tpu.wait_dma2 semaphore(%run_scoped3A_112 : memref<!tpu.dma_semaphore, #tpu.memory_space<semaphore_mem>>) src(%dma_wait3A_135 : memref<5x128xi32, #tpu.memory_space<hbm>>) dst(%dma_wait3A_133 : memref<5x128xi32, #tpu.memory_space<vmem>>)
      tpu.yield
    }) : () -> ()
    %eq3A_13 = arith.constant 0 : i32
    %eq3A_14 = arith.cmpi eq, %arg0, %eq3A_13 : i32
    %convert_element_type3A_15 = arith.extui %eq3A_14 : i1 to i32
    %cond3A_16 = arith.constant 0 : i32
    %cond3A_17 = arith.cmpi ne, %convert_element_type3A_15, %cond3A_16 : i32
    scf.if %cond3A_17 {
      %dma_start3A = arith.constant 0 : i32
      %dma_start3A_112 = arith.constant 0 : i32
      %dma_start3A_113 = arith.constant 0 : i32
      %dma_start3A_114 = arith.constant 0 : i32
      %dma_start3A_115 = tpu.memref_slice %arg10[%dma_start3A_112, %dma_start3A_113, %dma_start3A_114] : memref<2x640x16xf32, #tpu.memory_space<vmem>> -> memref<1x640x16xf32, #tpu.memory_space<vmem>>
      %dma_start3A_116 = tpu.memref_squeeze %dma_start3A_115 : memref<1x640x16xf32, #tpu.memory_space<vmem>> -> memref<640x16xf32, #tpu.memory_space<vmem>>
      %dma_start3A_117 = arith.constant 0 : i32
      %dma_start3A_118 = tpu.memref_slice %arg8[%dma_start3A, %dma_start3A_117] : memref<2x640xi32, #tpu.memory_space<vmem>> -> memref<1x640xi32, #tpu.memory_space<vmem>>
      %dma_start3A_119 = tpu.memref_squeeze %dma_start3A_118 : memref<1x640xi32, #tpu.memory_space<vmem>> -> memref<640xi32, #tpu.memory_space<vmem>>
      %dma_start3A_120 = arith.constant 0 : i32
      %dma_start3A_121 = arith.constant 0 : i32
      %dma_start3A_122 = tpu.memref_slice %arg4[%dma_start3A_120, %dma_start3A_121] : memref<100352x16xf32, #tpu.memory_space<hbm>> -> memref<100352x16xf32, #tpu.memory_space<hbm>>
      tpu.enqueue_indirect_dma source(%dma_start3A_122 : memref<100352x16xf32, #tpu.memory_space<hbm>>) target(%dma_start3A_116 : memref<640x16xf32, #tpu.memory_space<vmem>>) offsets(%dma_start3A_119 : memref<640xi32, #tpu.memory_space<vmem>>) semaphore(%arg11 : memref<!tpu.dma_semaphore, #tpu.memory_space<semaphore_mem>>)
    } else {
    }
    %eq3A_18 = arith.constant 1 : i32
    %eq3A_19 = arith.cmpi eq, %arg0, %eq3A_18 : i32
    %convert_element_type3A_20 = arith.extui %eq3A_19 : i1 to i32
    %cond3A_21 = arith.constant 0 : i32
    %cond3A_22 = arith.cmpi ne, %convert_element_type3A_20, %cond3A_21 : i32
    scf.if %cond3A_22 {
      %dma_start3A = arith.constant 0 : i32
      %dma_start3A_112 = arith.constant 0 : i32
      %dma_start3A_113 = arith.constant 0 : i32
      %dma_start3A_114 = arith.constant 0 : i32
      %dma_start3A_115 = tpu.memref_slice %arg10[%dma_start3A_112, %dma_start3A_113, %dma_start3A_114] : memref<2x640x16xf32, #tpu.memory_space<vmem>> -> memref<1x640x16xf32, #tpu.memory_space<vmem>>
      %dma_start3A_116 = tpu.memref_squeeze %dma_start3A_115 : memref<1x640x16xf32, #tpu.memory_space<vmem>> -> memref<640x16xf32, #tpu.memory_space<vmem>>
      %dma_start3A_117 = arith.constant 0 : i32
      %dma_start3A_118 = tpu.memref_slice %arg8[%dma_start3A, %dma_start3A_117] : memref<2x640xi32, #tpu.memory_space<vmem>> -> memref<1x640xi32, #tpu.memory_space<vmem>>
      %dma_start3A_119 = tpu.memref_squeeze %dma_start3A_118 : memref<1x640xi32, #tpu.memory_space<vmem>> -> memref<640xi32, #tpu.memory_space<vmem>>
      %dma_start3A_120 = arith.constant 0 : i32
      %dma_start3A_121 = arith.constant 0 : i32
      %dma_start3A_122 = tpu.memref_slice %arg5[%dma_start3A_120, %dma_start3A_121] : memref<100352x16xf32, #tpu.memory_space<hbm>> -> memref<100352x16xf32, #tpu.memory_space<hbm>>
      tpu.enqueue_indirect_dma source(%dma_start3A_122 : memref<100352x16xf32, #tpu.memory_space<hbm>>) target(%dma_start3A_116 : memref<640x16xf32, #tpu.memory_space<vmem>>) offsets(%dma_start3A_119 : memref<640xi32, #tpu.memory_space<vmem>>) semaphore(%arg11 : memref<!tpu.dma_semaphore, #tpu.memory_space<semaphore_mem>>)
    } else {
    }
    %scan3A = arith.constant 0 : i32
    %scan3A_23 = arith.constant 80 : i32
    %scan3A_24 = arith.addi %scan3A, %scan3A_23 : i32
    %scan3A_25 = arith.constant 1 : i32
    scf.for %scan3A_112 = %scan3A to %scan3A_24 step %scan3A_25  : i32 {
      %mul3A_113 = arith.constant 1 : i32
      %mul3A_114 = arith.muli %scan3A_112, %mul3A_113 : i32
      %add3A = arith.constant 0 : i32
      %add3A_115 = arith.addi %add3A, %mul3A_114 : i32
      %mul3A_116 = arith.constant 2 : i32
      %mul3A_117 = arith.muli %add3A_115, %mul3A_116 : i32
      %add3A_118 = arith.constant 0 : i32
      %add3A_119 = arith.addi %mul3A_117, %add3A_118 : i32
      %add3A_120 = arith.constant 1 : i32
      %add3A_121 = arith.addi %add3A_119, %add3A_120 : i32
      %gt3A = arith.constant 0 : i32
      %gt3A_122 = arith.cmpi sgt, %add3A_115, %gt3A : i32
      %convert_element_type3A_123 = arith.extui %gt3A_122 : i1 to i32
      %cond3A_124 = arith.constant 0 : i32
      %cond3A_125 = arith.cmpi ne, %convert_element_type3A_123, %cond3A_124 : i32
      scf.if %cond3A_125 {
        %dma_wait3A_379 = arith.constant 0 : i32
        %dma_wait3A_380 = arith.constant 0 : i32
        %dma_wait3A_381 = arith.constant 0 : i32
        %dma_wait3A_382 = tpu.memref_slice %arg10[%dma_wait3A_379, %dma_wait3A_380, %dma_wait3A_381] : memref<2x640x16xf32, #tpu.memory_space<vmem>> -> memref<1x128x16xf32, #tpu.memory_space<vmem>>
        %dma_wait3A_383 = tpu.memref_squeeze %dma_wait3A_382 : memref<1x128x16xf32, #tpu.memory_space<vmem>> -> memref<128x16xf32, #tpu.memory_space<vmem>>
        %dma_wait3A_384 = arith.constant 0 : i32
        %dma_wait3A_385 = arith.constant 0 : i32
        %dma_wait3A_386 = tpu.memref_slice %arg4[%dma_wait3A_384, %dma_wait3A_385] : memref<100352x16xf32, #tpu.memory_space<hbm>> -> memref<128x16xf32, #tpu.memory_space<hbm>>
        %dma_wait3A_387 = arith.constant 0 : i32
        %dma_wait3A_388 = arith.constant 0 : i32
        %dma_wait3A_389 = tpu.memref_slice %arg10[%dma_wait3A_379, %dma_wait3A_387, %dma_wait3A_388] : memref<2x640x16xf32, #tpu.memory_space<vmem>> -> memref<1x128x16xf32, #tpu.memory_space<vmem>>
        %dma_wait3A_390 = tpu.memref_squeeze %dma_wait3A_389 : memref<1x128x16xf32, #tpu.memory_space<vmem>> -> memref<128x16xf32, #tpu.memory_space<vmem>>
        %dma_wait3A_391 = arith.constant 0 : i32
        %dma_wait3A_392 = arith.constant 0 : i32
        %dma_wait3A_393 = tpu.memref_slice %arg4[%dma_wait3A_391, %dma_wait3A_392] : memref<100352x16xf32, #tpu.memory_space<hbm>> -> memref<128x16xf32, #tpu.memory_space<hbm>>
        tpu.wait_dma2 semaphore(%arg14 : memref<!tpu.dma_semaphore, #tpu.memory_space<semaphore_mem>>) src(%dma_wait3A_393 : memref<128x16xf32, #tpu.memory_space<hbm>>) dst(%dma_wait3A_390 : memref<128x16xf32, #tpu.memory_space<vmem>>)
        %dma_wait3A_394 = arith.constant 0 : i32
        %dma_wait3A_395 = arith.constant 0 : i32
        %dma_wait3A_396 = arith.constant 0 : i32
        %dma_wait3A_397 = tpu.memref_slice %arg10[%dma_wait3A_394, %dma_wait3A_395, %dma_wait3A_396] : memref<2x640x16xf32, #tpu.memory_space<vmem>> -> memref<1x128x16xf32, #tpu.memory_space<vmem>>
        %dma_wait3A_398 = tpu.memref_squeeze %dma_wait3A_397 : memref<1x128x16xf32, #tpu.memory_space<vmem>> -> memref<128x16xf32, #tpu.memory_space<vmem>>
        %dma_wait3A_399 = arith.constant 0 : i32
        %dma_wait3A_400 = arith.constant 0 : i32
        %dma_wait3A_401 = tpu.memref_slice %arg4[%dma_wait3A_399, %dma_wait3A_400] : memref<100352x16xf32, #tpu.memory_space<hbm>> -> memref<128x16xf32, #tpu.memory_space<hbm>>
        %dma_wait3A_402 = arith.constant 0 : i32
        %dma_wait3A_403 = arith.constant 0 : i32
        %dma_wait3A_404 = tpu.memref_slice %arg10[%dma_wait3A_394, %dma_wait3A_402, %dma_wait3A_403] : memref<2x640x16xf32, #tpu.memory_space<vmem>> -> memref<1x128x16xf32, #tpu.memory_space<vmem>>
        %dma_wait3A_405 = tpu.memref_squeeze %dma_wait3A_404 : memref<1x128x16xf32, #tpu.memory_space<vmem>> -> memref<128x16xf32, #tpu.memory_space<vmem>>
        %dma_wait3A_406 = arith.constant 0 : i32
        %dma_wait3A_407 = arith.constant 0 : i32
        %dma_wait3A_408 = tpu.memref_slice %arg4[%dma_wait3A_406, %dma_wait3A_407] : memref<100352x16xf32, #tpu.memory_space<hbm>> -> memref<128x16xf32, #tpu.memory_space<hbm>>
        tpu.wait_dma2 semaphore(%arg14 : memref<!tpu.dma_semaphore, #tpu.memory_space<semaphore_mem>>) src(%dma_wait3A_408 : memref<128x16xf32, #tpu.memory_space<hbm>>) dst(%dma_wait3A_405 : memref<128x16xf32, #tpu.memory_space<vmem>>)
        %dma_wait3A_409 = arith.constant 0 : i32
        %dma_wait3A_410 = arith.constant 0 : i32
        %dma_wait3A_411 = arith.constant 0 : i32
        %dma_wait3A_412 = tpu.memref_slice %arg10[%dma_wait3A_409, %dma_wait3A_410, %dma_wait3A_411] : memref<2x640x16xf32, #tpu.memory_space<vmem>> -> memref<1x128x16xf32, #tpu.memory_space<vmem>>
        %dma_wait3A_413 = tpu.memref_squeeze %dma_wait3A_412 : memref<1x128x16xf32, #tpu.memory_space<vmem>> -> memref<128x16xf32, #tpu.memory_space<vmem>>
        %dma_wait3A_414 = arith.constant 0 : i32
        %dma_wait3A_415 = arith.constant 0 : i32
        %dma_wait3A_416 = tpu.memref_slice %arg4[%dma_wait3A_414, %dma_wait3A_415] : memref<100352x16xf32, #tpu.memory_space<hbm>> -> memref<128x16xf32, #tpu.memory_space<hbm>>
        %dma_wait3A_417 = arith.constant 0 : i32
        %dma_wait3A_418 = arith.constant 0 : i32
        %dma_wait3A_419 = tpu.memref_slice %arg10[%dma_wait3A_409, %dma_wait3A_417, %dma_wait3A_418] : memref<2x640x16xf32, #tpu.memory_space<vmem>> -> memref<1x128x16xf32, #tpu.memory_space<vmem>>
        %dma_wait3A_420 = tpu.memref_squeeze %dma_wait3A_419 : memref<1x128x16xf32, #tpu.memory_space<vmem>> -> memref<128x16xf32, #tpu.memory_space<vmem>>
        %dma_wait3A_421 = arith.constant 0 : i32
        %dma_wait3A_422 = arith.constant 0 : i32
        %dma_wait3A_423 = tpu.memref_slice %arg4[%dma_wait3A_421, %dma_wait3A_422] : memref<100352x16xf32, #tpu.memory_space<hbm>> -> memref<128x16xf32, #tpu.memory_space<hbm>>
        tpu.wait_dma2 semaphore(%arg14 : memref<!tpu.dma_semaphore, #tpu.memory_space<semaphore_mem>>) src(%dma_wait3A_423 : memref<128x16xf32, #tpu.memory_space<hbm>>) dst(%dma_wait3A_420 : memref<128x16xf32, #tpu.memory_space<vmem>>)
        %dma_wait3A_424 = arith.constant 0 : i32
        %dma_wait3A_425 = arith.constant 0 : i32
        %dma_wait3A_426 = arith.constant 0 : i32
        %dma_wait3A_427 = tpu.memref_slice %arg10[%dma_wait3A_424, %dma_wait3A_425, %dma_wait3A_426] : memref<2x640x16xf32, #tpu.memory_space<vmem>> -> memref<1x128x16xf32, #tpu.memory_space<vmem>>
        %dma_wait3A_428 = tpu.memref_squeeze %dma_wait3A_427 : memref<1x128x16xf32, #tpu.memory_space<vmem>> -> memref<128x16xf32, #tpu.memory_space<vmem>>
        %dma_wait3A_429 = arith.constant 0 : i32
        %dma_wait3A_430 = arith.constant 0 : i32
        %dma_wait3A_431 = tpu.memref_slice %arg4[%dma_wait3A_429, %dma_wait3A_430] : memref<100352x16xf32, #tpu.memory_space<hbm>> -> memref<128x16xf32, #tpu.memory_space<hbm>>
        %dma_wait3A_432 = arith.constant 0 : i32
        %dma_wait3A_433 = arith.constant 0 : i32
        %dma_wait3A_434 = tpu.memref_slice %arg10[%dma_wait3A_424, %dma_wait3A_432, %dma_wait3A_433] : memref<2x640x16xf32, #tpu.memory_space<vmem>> -> memref<1x128x16xf32, #tpu.memory_space<vmem>>
        %dma_wait3A_435 = tpu.memref_squeeze %dma_wait3A_434 : memref<1x128x16xf32, #tpu.memory_space<vmem>> -> memref<128x16xf32, #tpu.memory_space<vmem>>
        %dma_wait3A_436 = arith.constant 0 : i32
        %dma_wait3A_437 = arith.constant 0 : i32
        %dma_wait3A_438 = tpu.memref_slice %arg4[%dma_wait3A_436, %dma_wait3A_437] : memref<100352x16xf32, #tpu.memory_space<hbm>> -> memref<128x16xf32, #tpu.memory_space<hbm>>
        tpu.wait_dma2 semaphore(%arg14 : memref<!tpu.dma_semaphore, #tpu.memory_space<semaphore_mem>>) src(%dma_wait3A_438 : memref<128x16xf32, #tpu.memory_space<hbm>>) dst(%dma_wait3A_435 : memref<128x16xf32, #tpu.memory_space<vmem>>)
        %dma_wait3A_439 = arith.constant 0 : i32
        %dma_wait3A_440 = arith.constant 0 : i32
        %dma_wait3A_441 = arith.constant 0 : i32
        %dma_wait3A_442 = tpu.memref_slice %arg10[%dma_wait3A_439, %dma_wait3A_440, %dma_wait3A_441] : memref<2x640x16xf32, #tpu.memory_space<vmem>> -> memref<1x128x16xf32, #tpu.memory_space<vmem>>
        %dma_wait3A_443 = tpu.memref_squeeze %dma_wait3A_442 : memref<1x128x16xf32, #tpu.memory_space<vmem>> -> memref<128x16xf32, #tpu.memory_space<vmem>>
        %dma_wait3A_444 = arith.constant 0 : i32
        %dma_wait3A_445 = arith.constant 0 : i32
        %dma_wait3A_446 = tpu.memref_slice %arg4[%dma_wait3A_444, %dma_wait3A_445] : memref<100352x16xf32, #tpu.memory_space<hbm>> -> memref<128x16xf32, #tpu.memory_space<hbm>>
        %dma_wait3A_447 = arith.constant 0 : i32
        %dma_wait3A_448 = arith.constant 0 : i32
        %dma_wait3A_449 = tpu.memref_slice %arg10[%dma_wait3A_439, %dma_wait3A_447, %dma_wait3A_448] : memref<2x640x16xf32, #tpu.memory_space<vmem>> -> memref<1x128x16xf32, #tpu.memory_space<vmem>>
        %dma_wait3A_450 = tpu.memref_squeeze %dma_wait3A_449 : memref<1x128x16xf32, #tpu.memory_space<vmem>> -> memref<128x16xf32, #tpu.memory_space<vmem>>
        %dma_wait3A_451 = arith.constant 0 : i32
        %dma_wait3A_452 = arith.constant 0 : i32
        %dma_wait3A_453 = tpu.memref_slice %arg4[%dma_wait3A_451, %dma_wait3A_452] : memref<100352x16xf32, #tpu.memory_space<hbm>> -> memref<128x16xf32, #tpu.memory_space<hbm>>
        tpu.wait_dma2 semaphore(%arg14 : memref<!tpu.dma_semaphore, #tpu.memory_space<semaphore_mem>>) src(%dma_wait3A_453 : memref<128x16xf32, #tpu.memory_space<hbm>>) dst(%dma_wait3A_450 : memref<128x16xf32, #tpu.memory_space<vmem>>)
      } else {
      }
      %lt3A = arith.constant 160 : i32
      %lt3A_126 = arith.cmpi slt, %add3A_121, %lt3A : i32
      %convert_element_type3A_127 = arith.extui %lt3A_126 : i1 to i32
      %cond3A_128 = arith.constant 0 : i32
      %cond3A_129 = arith.cmpi ne, %convert_element_type3A_127, %cond3A_128 : i32
      scf.if %cond3A_129 {
        %mul3A_379 = arith.constant 5 : i32
        %mul3A_380 = arith.muli %add3A_121, %mul3A_379 : i32
        %add3A_381 = arith.addi %mul3A_9, %mul3A_380 : i32
        %mul3A_382 = arith.constant 128 : i32
        %mul3A_383 = arith.muli %add3A_381, %mul3A_382 : i32
        %dma_start3A_384 = arith.constant 1 : i32
        %dma_start3A_385 = arith.constant 0 : i32
        %dma_start3A_386 = tpu.memref_slice %arg8[%dma_start3A_384, %dma_start3A_385] : memref<2x640xi32, #tpu.memory_space<vmem>> -> memref<1x640xi32, #tpu.memory_space<vmem>>
        %dma_start3A_387 = tpu.memref_squeeze %dma_start3A_386 : memref<1x640xi32, #tpu.memory_space<vmem>> -> memref<640xi32, #tpu.memory_space<vmem>>
        %dma_start3A_388 = tpu.memref_slice %arg2[%mul3A_383] : memref<1638400xi32, #tpu.memory_space<hbm>> -> memref<640xi32, #tpu.memory_space<hbm>>
        %dma_start3A_389 = arith.constant 0 : i32
        %dma_start3A_390 = tpu.memref_slice %arg8[%dma_start3A_384, %dma_start3A_389] : memref<2x640xi32, #tpu.memory_space<vmem>> -> memref<1x640xi32, #tpu.memory_space<vmem>>
        %dma_start3A_391 = tpu.memref_squeeze %dma_start3A_390 : memref<1x640xi32, #tpu.memory_space<vmem>> -> memref<640xi32, #tpu.memory_space<vmem>>
        %dma_start3A_392 = tpu.memref_slice %arg2[%mul3A_383] : memref<1638400xi32, #tpu.memory_space<hbm>> -> memref<640xi32, #tpu.memory_space<hbm>>
        tpu.enqueue_dma source(%dma_start3A_392 : memref<640xi32, #tpu.memory_space<hbm>>) target(%dma_start3A_391 : memref<640xi32, #tpu.memory_space<vmem>>) target_semaphore(%arg16 : memref<!tpu.dma_semaphore, #tpu.memory_space<semaphore_mem>>)
        %mul3A_393 = arith.constant 5 : i32
        %mul3A_394 = arith.muli %add3A_121, %mul3A_393 : i32
        %add3A_395 = arith.addi %mul3A_9, %mul3A_394 : i32
        %dma_start3A_396 = arith.constant 1 : i32
        %dma_start3A_397 = arith.constant 0 : i32
        %dma_start3A_398 = arith.constant 0 : i32
        %dma_start3A_399 = tpu.memref_slice %arg9[%dma_start3A_396, %dma_start3A_397, %dma_start3A_398] : memref<2x5x128xi32, #tpu.memory_space<vmem>> -> memref<1x5x128xi32, #tpu.memory_space<vmem>>
        %dma_start3A_400 = tpu.memref_squeeze %dma_start3A_399 : memref<1x5x128xi32, #tpu.memory_space<vmem>> -> memref<5x128xi32, #tpu.memory_space<vmem>>
        %dma_start3A_401 = arith.constant 0 : i32
        %dma_start3A_402 = tpu.memref_slice %arg3[%add3A_395, %dma_start3A_401] : memref<12800x128xi32, #tpu.memory_space<hbm>> -> memref<5x128xi32, #tpu.memory_space<hbm>>
        %dma_start3A_403 = arith.constant 0 : i32
        %dma_start3A_404 = arith.constant 0 : i32
        %dma_start3A_405 = tpu.memref_slice %arg9[%dma_start3A_396, %dma_start3A_403, %dma_start3A_404] : memref<2x5x128xi32, #tpu.memory_space<vmem>> -> memref<1x5x128xi32, #tpu.memory_space<vmem>>
        %dma_start3A_406 = tpu.memref_squeeze %dma_start3A_405 : memref<1x5x128xi32, #tpu.memory_space<vmem>> -> memref<5x128xi32, #tpu.memory_space<vmem>>
        %dma_start3A_407 = arith.constant 0 : i32
        %dma_start3A_408 = tpu.memref_slice %arg3[%add3A_395, %dma_start3A_407] : memref<12800x128xi32, #tpu.memory_space<hbm>> -> memref<5x128xi32, #tpu.memory_space<hbm>>
        tpu.enqueue_dma source(%dma_start3A_408 : memref<5x128xi32, #tpu.memory_space<hbm>>) target(%dma_start3A_406 : memref<5x128xi32, #tpu.memory_space<vmem>>) target_semaphore(%arg16 : memref<!tpu.dma_semaphore, #tpu.memory_space<semaphore_mem>>)
      } else {
      }
      %dma_wait3A_130 = arith.constant 0 : i32
      %dma_wait3A_131 = arith.constant 0 : i32
      %dma_wait3A_132 = arith.constant 0 : i32
      %dma_wait3A_133 = arith.constant 0 : i32
      %dma_wait3A_134 = tpu.memref_slice %arg10[%dma_wait3A_131, %dma_wait3A_132, %dma_wait3A_133] : memref<2x640x16xf32, #tpu.memory_space<vmem>> -> memref<1x640x16xf32, #tpu.memory_space<vmem>>
      %dma_wait3A_135 = tpu.memref_squeeze %dma_wait3A_134 : memref<1x640x16xf32, #tpu.memory_space<vmem>> -> memref<640x16xf32, #tpu.memory_space<vmem>>
      %dma_wait3A_136 = arith.constant 0 : i32
      %dma_wait3A_137 = tpu.memref_slice %arg8[%dma_wait3A_130, %dma_wait3A_136] : memref<2x640xi32, #tpu.memory_space<vmem>> -> memref<1x640xi32, #tpu.memory_space<vmem>>
      %dma_wait3A_138 = tpu.memref_squeeze %dma_wait3A_137 : memref<1x640xi32, #tpu.memory_space<vmem>> -> memref<640xi32, #tpu.memory_space<vmem>>
      %dma_wait3A_139 = arith.constant 0 : i32
      %dma_wait3A_140 = arith.constant 0 : i32
      %dma_wait3A_141 = tpu.memref_slice %arg4[%dma_wait3A_139, %dma_wait3A_140] : memref<100352x16xf32, #tpu.memory_space<hbm>> -> memref<100352x16xf32, #tpu.memory_space<hbm>>
      tpu.wait_indirect_dma semaphore(%arg11 : memref<!tpu.dma_semaphore, #tpu.memory_space<semaphore_mem>>) src(%dma_wait3A_141 : memref<100352x16xf32, #tpu.memory_space<hbm>>) dst(%dma_wait3A_135 : memref<640x16xf32, #tpu.memory_space<vmem>>)
      %dma_start3A = arith.constant 0 : i32
      %dma_start3A_142 = arith.constant 0 : i32
      %dma_start3A_143 = arith.constant 0 : i32
      %dma_start3A_144 = arith.constant 0 : i32
      %dma_start3A_145 = arith.constant 0 : i32
      %dma_start3A_146 = tpu.memref_slice %arg10[%dma_start3A, %dma_start3A_144, %dma_start3A_145] : memref<2x640x16xf32, #tpu.memory_space<vmem>> -> memref<1x128x16xf32, #tpu.memory_space<vmem>>
      %dma_start3A_147 = tpu.memref_squeeze %dma_start3A_146 : memref<1x128x16xf32, #tpu.memory_space<vmem>> -> memref<128x16xf32, #tpu.memory_space<vmem>>
      %dma_start3A_148 = arith.constant 0 : i32
      %dma_start3A_149 = tpu.memref_slice %arg9[%dma_start3A_142, %dma_start3A_143, %dma_start3A_148] : memref<2x5x128xi32, #tpu.memory_space<vmem>> -> memref<1x1x128xi32, #tpu.memory_space<vmem>>
      %dma_start3A_150 = tpu.memref_squeeze %dma_start3A_149 : memref<1x1x128xi32, #tpu.memory_space<vmem>> -> memref<128xi32, #tpu.memory_space<vmem>>
      %dma_start3A_151 = arith.constant 0 : i32
      %dma_start3A_152 = arith.constant 0 : i32
      %dma_start3A_153 = tpu.memref_slice %arg17[%dma_start3A_151, %dma_start3A_152] : memref<100352x16xf32, #tpu.memory_space<vmem_shared>> -> memref<100352x16xf32, #tpu.memory_space<vmem_shared>>
      tpu.enqueue_indirect_dma source(%dma_start3A_147 : memref<128x16xf32, #tpu.memory_space<vmem>>) target(%dma_start3A_153 : memref<100352x16xf32, #tpu.memory_space<vmem_shared>>) offsets(%dma_start3A_150 : memref<128xi32, #tpu.memory_space<vmem>>) semaphore(%arg13 : memref<!tpu.dma_semaphore, #tpu.memory_space<semaphore_mem>>) {add = true}
      %dma_start3A_154 = arith.constant 0 : i32
      %dma_start3A_155 = arith.constant 0 : i32
      %dma_start3A_156 = arith.constant 1 : i32
      %dma_start3A_157 = arith.constant 128 : i32
      %dma_start3A_158 = arith.constant 0 : i32
      %dma_start3A_159 = tpu.memref_slice %arg10[%dma_start3A_154, %dma_start3A_157, %dma_start3A_158] : memref<2x640x16xf32, #tpu.memory_space<vmem>> -> memref<1x128x16xf32, #tpu.memory_space<vmem>>
      %dma_start3A_160 = tpu.memref_squeeze %dma_start3A_159 : memref<1x128x16xf32, #tpu.memory_space<vmem>> -> memref<128x16xf32, #tpu.memory_space<vmem>>
      %dma_start3A_161 = arith.constant 0 : i32
      %dma_start3A_162 = tpu.memref_slice %arg9[%dma_start3A_155, %dma_start3A_156, %dma_start3A_161] : memref<2x5x128xi32, #tpu.memory_space<vmem>> -> memref<1x1x128xi32, #tpu.memory_space<vmem>>
      %dma_start3A_163 = tpu.memref_squeeze %dma_start3A_162 : memref<1x1x128xi32, #tpu.memory_space<vmem>> -> memref<128xi32, #tpu.memory_space<vmem>>
      %dma_start3A_164 = arith.constant 0 : i32
      %dma_start3A_165 = arith.constant 0 : i32
      %dma_start3A_166 = tpu.memref_slice %arg17[%dma_start3A_164, %dma_start3A_165] : memref<100352x16xf32, #tpu.memory_space<vmem_shared>> -> memref<100352x16xf32, #tpu.memory_space<vmem_shared>>
      tpu.enqueue_indirect_dma source(%dma_start3A_160 : memref<128x16xf32, #tpu.memory_space<vmem>>) target(%dma_start3A_166 : memref<100352x16xf32, #tpu.memory_space<vmem_shared>>) offsets(%dma_start3A_163 : memref<128xi32, #tpu.memory_space<vmem>>) semaphore(%arg13 : memref<!tpu.dma_semaphore, #tpu.memory_space<semaphore_mem>>) {add = true}
      %dma_start3A_167 = arith.constant 0 : i32
      %dma_start3A_168 = arith.constant 0 : i32
      %dma_start3A_169 = arith.constant 2 : i32
      %dma_start3A_170 = arith.constant 256 : i32
      %dma_start3A_171 = arith.constant 0 : i32
      %dma_start3A_172 = tpu.memref_slice %arg10[%dma_start3A_167, %dma_start3A_170, %dma_start3A_171] : memref<2x640x16xf32, #tpu.memory_space<vmem>> -> memref<1x128x16xf32, #tpu.memory_space<vmem>>
      %dma_start3A_173 = tpu.memref_squeeze %dma_start3A_172 : memref<1x128x16xf32, #tpu.memory_space<vmem>> -> memref<128x16xf32, #tpu.memory_space<vmem>>
      %dma_start3A_174 = arith.constant 0 : i32
      %dma_start3A_175 = tpu.memref_slice %arg9[%dma_start3A_168, %dma_start3A_169, %dma_start3A_174] : memref<2x5x128xi32, #tpu.memory_space<vmem>> -> memref<1x1x128xi32, #tpu.memory_space<vmem>>
      %dma_start3A_176 = tpu.memref_squeeze %dma_start3A_175 : memref<1x1x128xi32, #tpu.memory_space<vmem>> -> memref<128xi32, #tpu.memory_space<vmem>>
      %dma_start3A_177 = arith.constant 0 : i32
      %dma_start3A_178 = arith.constant 0 : i32
      %dma_start3A_179 = tpu.memref_slice %arg17[%dma_start3A_177, %dma_start3A_178] : memref<100352x16xf32, #tpu.memory_space<vmem_shared>> -> memref<100352x16xf32, #tpu.memory_space<vmem_shared>>
      tpu.enqueue_indirect_dma source(%dma_start3A_173 : memref<128x16xf32, #tpu.memory_space<vmem>>) target(%dma_start3A_179 : memref<100352x16xf32, #tpu.memory_space<vmem_shared>>) offsets(%dma_start3A_176 : memref<128xi32, #tpu.memory_space<vmem>>) semaphore(%arg13 : memref<!tpu.dma_semaphore, #tpu.memory_space<semaphore_mem>>) {add = true}
      %dma_start3A_180 = arith.constant 0 : i32
      %dma_start3A_181 = arith.constant 0 : i32
      %dma_start3A_182 = arith.constant 3 : i32
      %dma_start3A_183 = arith.constant 384 : i32
      %dma_start3A_184 = arith.constant 0 : i32
      %dma_start3A_185 = tpu.memref_slice %arg10[%dma_start3A_180, %dma_start3A_183, %dma_start3A_184] : memref<2x640x16xf32, #tpu.memory_space<vmem>> -> memref<1x128x16xf32, #tpu.memory_space<vmem>>
      %dma_start3A_186 = tpu.memref_squeeze %dma_start3A_185 : memref<1x128x16xf32, #tpu.memory_space<vmem>> -> memref<128x16xf32, #tpu.memory_space<vmem>>
      %dma_start3A_187 = arith.constant 0 : i32
      %dma_start3A_188 = tpu.memref_slice %arg9[%dma_start3A_181, %dma_start3A_182, %dma_start3A_187] : memref<2x5x128xi32, #tpu.memory_space<vmem>> -> memref<1x1x128xi32, #tpu.memory_space<vmem>>
      %dma_start3A_189 = tpu.memref_squeeze %dma_start3A_188 : memref<1x1x128xi32, #tpu.memory_space<vmem>> -> memref<128xi32, #tpu.memory_space<vmem>>
      %dma_start3A_190 = arith.constant 0 : i32
      %dma_start3A_191 = arith.constant 0 : i32
      %dma_start3A_192 = tpu.memref_slice %arg17[%dma_start3A_190, %dma_start3A_191] : memref<100352x16xf32, #tpu.memory_space<vmem_shared>> -> memref<100352x16xf32, #tpu.memory_space<vmem_shared>>
      tpu.enqueue_indirect_dma source(%dma_start3A_186 : memref<128x16xf32, #tpu.memory_space<vmem>>) target(%dma_start3A_192 : memref<100352x16xf32, #tpu.memory_space<vmem_shared>>) offsets(%dma_start3A_189 : memref<128xi32, #tpu.memory_space<vmem>>) semaphore(%arg13 : memref<!tpu.dma_semaphore, #tpu.memory_space<semaphore_mem>>) {add = true}
      %dma_start3A_193 = arith.constant 0 : i32
      %dma_start3A_194 = arith.constant 0 : i32
      %dma_start3A_195 = arith.constant 4 : i32
      %dma_start3A_196 = arith.constant 512 : i32
      %dma_start3A_197 = arith.constant 0 : i32
      %dma_start3A_198 = tpu.memref_slice %arg10[%dma_start3A_193, %dma_start3A_196, %dma_start3A_197] : memref<2x640x16xf32, #tpu.memory_space<vmem>> -> memref<1x128x16xf32, #tpu.memory_space<vmem>>
      %dma_start3A_199 = tpu.memref_squeeze %dma_start3A_198 : memref<1x128x16xf32, #tpu.memory_space<vmem>> -> memref<128x16xf32, #tpu.memory_space<vmem>>
      %dma_start3A_200 = arith.constant 0 : i32
      %dma_start3A_201 = tpu.memref_slice %arg9[%dma_start3A_194, %dma_start3A_195, %dma_start3A_200] : memref<2x5x128xi32, #tpu.memory_space<vmem>> -> memref<1x1x128xi32, #tpu.memory_space<vmem>>
      %dma_start3A_202 = tpu.memref_squeeze %dma_start3A_201 : memref<1x1x128xi32, #tpu.memory_space<vmem>> -> memref<128xi32, #tpu.memory_space<vmem>>
      %dma_start3A_203 = arith.constant 0 : i32
      %dma_start3A_204 = arith.constant 0 : i32
      %dma_start3A_205 = tpu.memref_slice %arg17[%dma_start3A_203, %dma_start3A_204] : memref<100352x16xf32, #tpu.memory_space<vmem_shared>> -> memref<100352x16xf32, #tpu.memory_space<vmem_shared>>
      tpu.enqueue_indirect_dma source(%dma_start3A_199 : memref<128x16xf32, #tpu.memory_space<vmem>>) target(%dma_start3A_205 : memref<100352x16xf32, #tpu.memory_space<vmem_shared>>) offsets(%dma_start3A_202 : memref<128xi32, #tpu.memory_space<vmem>>) semaphore(%arg13 : memref<!tpu.dma_semaphore, #tpu.memory_space<semaphore_mem>>) {add = true}
      %lt3A_206 = arith.constant 160 : i32
      %lt3A_207 = arith.cmpi slt, %add3A_121, %lt3A_206 : i32
      %convert_element_type3A_208 = arith.extui %lt3A_207 : i1 to i32
      %cond3A_209 = arith.constant 0 : i32
      %cond3A_210 = arith.cmpi ne, %convert_element_type3A_208, %cond3A_209 : i32
      scf.if %cond3A_210 {
        %dma_wait3A_379 = arith.constant 0 : i32
        %dma_wait3A_380 = arith.constant 0 : i32
        %dma_wait3A_381 = tpu.memref_slice %arg8[%dma_wait3A_379, %dma_wait3A_380] : memref<2x640xi32, #tpu.memory_space<vmem>> -> memref<1x640xi32, #tpu.memory_space<vmem>>
        %dma_wait3A_382 = tpu.memref_squeeze %dma_wait3A_381 : memref<1x640xi32, #tpu.memory_space<vmem>> -> memref<640xi32, #tpu.memory_space<vmem>>
        %dma_wait3A_383 = arith.constant 0 : i32
        %dma_wait3A_384 = tpu.memref_slice %arg2[%dma_wait3A_383] : memref<1638400xi32, #tpu.memory_space<hbm>> -> memref<640xi32, #tpu.memory_space<hbm>>
        %dma_wait3A_385 = arith.constant 0 : i32
        %dma_wait3A_386 = tpu.memref_slice %arg8[%dma_wait3A_379, %dma_wait3A_385] : memref<2x640xi32, #tpu.memory_space<vmem>> -> memref<1x640xi32, #tpu.memory_space<vmem>>
        %dma_wait3A_387 = tpu.memref_squeeze %dma_wait3A_386 : memref<1x640xi32, #tpu.memory_space<vmem>> -> memref<640xi32, #tpu.memory_space<vmem>>
        %dma_wait3A_388 = arith.constant 0 : i32
        %dma_wait3A_389 = tpu.memref_slice %arg2[%dma_wait3A_388] : memref<1638400xi32, #tpu.memory_space<hbm>> -> memref<640xi32, #tpu.memory_space<hbm>>
        tpu.wait_dma2 semaphore(%arg16 : memref<!tpu.dma_semaphore, #tpu.memory_space<semaphore_mem>>) src(%dma_wait3A_389 : memref<640xi32, #tpu.memory_space<hbm>>) dst(%dma_wait3A_387 : memref<640xi32, #tpu.memory_space<vmem>>)
        %dma_wait3A_390 = arith.constant 0 : i32
        %dma_wait3A_391 = arith.constant 0 : i32
        %dma_wait3A_392 = arith.constant 0 : i32
        %dma_wait3A_393 = tpu.memref_slice %arg9[%dma_wait3A_390, %dma_wait3A_391, %dma_wait3A_392] : memref<2x5x128xi32, #tpu.memory_space<vmem>> -> memref<1x5x128xi32, #tpu.memory_space<vmem>>
        %dma_wait3A_394 = tpu.memref_squeeze %dma_wait3A_393 : memref<1x5x128xi32, #tpu.memory_space<vmem>> -> memref<5x128xi32, #tpu.memory_space<vmem>>
        %dma_wait3A_395 = arith.constant 0 : i32
        %dma_wait3A_396 = arith.constant 0 : i32
        %dma_wait3A_397 = tpu.memref_slice %arg3[%dma_wait3A_395, %dma_wait3A_396] : memref<12800x128xi32, #tpu.memory_space<hbm>> -> memref<5x128xi32, #tpu.memory_space<hbm>>
        %dma_wait3A_398 = arith.constant 0 : i32
        %dma_wait3A_399 = arith.constant 0 : i32
        %dma_wait3A_400 = tpu.memref_slice %arg9[%dma_wait3A_390, %dma_wait3A_398, %dma_wait3A_399] : memref<2x5x128xi32, #tpu.memory_space<vmem>> -> memref<1x5x128xi32, #tpu.memory_space<vmem>>
        %dma_wait3A_401 = tpu.memref_squeeze %dma_wait3A_400 : memref<1x5x128xi32, #tpu.memory_space<vmem>> -> memref<5x128xi32, #tpu.memory_space<vmem>>
        %dma_wait3A_402 = arith.constant 0 : i32
        %dma_wait3A_403 = arith.constant 0 : i32
        %dma_wait3A_404 = tpu.memref_slice %arg3[%dma_wait3A_402, %dma_wait3A_403] : memref<12800x128xi32, #tpu.memory_space<hbm>> -> memref<5x128xi32, #tpu.memory_space<hbm>>
        tpu.wait_dma2 semaphore(%arg16 : memref<!tpu.dma_semaphore, #tpu.memory_space<semaphore_mem>>) src(%dma_wait3A_404 : memref<5x128xi32, #tpu.memory_space<hbm>>) dst(%dma_wait3A_401 : memref<5x128xi32, #tpu.memory_space<vmem>>)
        %eq3A_405 = arith.constant 0 : i32
        %eq3A_406 = arith.cmpi eq, %arg0, %eq3A_405 : i32
        %convert_element_type3A_407 = arith.extui %eq3A_406 : i1 to i32
        %cond3A_408 = arith.constant 0 : i32
        %cond3A_409 = arith.cmpi ne, %convert_element_type3A_407, %cond3A_408 : i32
        scf.if %cond3A_409 {
          %dma_start3A_415 = arith.constant 1 : i32
          %dma_start3A_416 = arith.constant 1 : i32
          %dma_start3A_417 = arith.constant 0 : i32
          %dma_start3A_418 = arith.constant 0 : i32
          %dma_start3A_419 = tpu.memref_slice %arg10[%dma_start3A_416, %dma_start3A_417, %dma_start3A_418] : memref<2x640x16xf32, #tpu.memory_space<vmem>> -> memref<1x640x16xf32, #tpu.memory_space<vmem>>
          %dma_start3A_420 = tpu.memref_squeeze %dma_start3A_419 : memref<1x640x16xf32, #tpu.memory_space<vmem>> -> memref<640x16xf32, #tpu.memory_space<vmem>>
          %dma_start3A_421 = arith.constant 0 : i32
          %dma_start3A_422 = tpu.memref_slice %arg8[%dma_start3A_415, %dma_start3A_421] : memref<2x640xi32, #tpu.memory_space<vmem>> -> memref<1x640xi32, #tpu.memory_space<vmem>>
          %dma_start3A_423 = tpu.memref_squeeze %dma_start3A_422 : memref<1x640xi32, #tpu.memory_space<vmem>> -> memref<640xi32, #tpu.memory_space<vmem>>
          %dma_start3A_424 = arith.constant 0 : i32
          %dma_start3A_425 = arith.constant 0 : i32
          %dma_start3A_426 = tpu.memref_slice %arg4[%dma_start3A_424, %dma_start3A_425] : memref<100352x16xf32, #tpu.memory_space<hbm>> -> memref<100352x16xf32, #tpu.memory_space<hbm>>
          tpu.enqueue_indirect_dma source(%dma_start3A_426 : memref<100352x16xf32, #tpu.memory_space<hbm>>) target(%dma_start3A_420 : memref<640x16xf32, #tpu.memory_space<vmem>>) offsets(%dma_start3A_423 : memref<640xi32, #tpu.memory_space<vmem>>) semaphore(%arg12 : memref<!tpu.dma_semaphore, #tpu.memory_space<semaphore_mem>>)
        } else {
        }
        %eq3A_410 = arith.constant 1 : i32
        %eq3A_411 = arith.cmpi eq, %arg0, %eq3A_410 : i32
        %convert_element_type3A_412 = arith.extui %eq3A_411 : i1 to i32
        %cond3A_413 = arith.constant 0 : i32
        %cond3A_414 = arith.cmpi ne, %convert_element_type3A_412, %cond3A_413 : i32
        scf.if %cond3A_414 {
          %dma_start3A_415 = arith.constant 1 : i32
          %dma_start3A_416 = arith.constant 1 : i32
          %dma_start3A_417 = arith.constant 0 : i32
          %dma_start3A_418 = arith.constant 0 : i32
          %dma_start3A_419 = tpu.memref_slice %arg10[%dma_start3A_416, %dma_start3A_417, %dma_start3A_418] : memref<2x640x16xf32, #tpu.memory_space<vmem>> -> memref<1x640x16xf32, #tpu.memory_space<vmem>>
          %dma_start3A_420 = tpu.memref_squeeze %dma_start3A_419 : memref<1x640x16xf32, #tpu.memory_space<vmem>> -> memref<640x16xf32, #tpu.memory_space<vmem>>
          %dma_start3A_421 = arith.constant 0 : i32
          %dma_start3A_422 = tpu.memref_slice %arg8[%dma_start3A_415, %dma_start3A_421] : memref<2x640xi32, #tpu.memory_space<vmem>> -> memref<1x640xi32, #tpu.memory_space<vmem>>
          %dma_start3A_423 = tpu.memref_squeeze %dma_start3A_422 : memref<1x640xi32, #tpu.memory_space<vmem>> -> memref<640xi32, #tpu.memory_space<vmem>>
          %dma_start3A_424 = arith.constant 0 : i32
          %dma_start3A_425 = arith.constant 0 : i32
          %dma_start3A_426 = tpu.memref_slice %arg5[%dma_start3A_424, %dma_start3A_425] : memref<100352x16xf32, #tpu.memory_space<hbm>> -> memref<100352x16xf32, #tpu.memory_space<hbm>>
          tpu.enqueue_indirect_dma source(%dma_start3A_426 : memref<100352x16xf32, #tpu.memory_space<hbm>>) target(%dma_start3A_420 : memref<640x16xf32, #tpu.memory_space<vmem>>) offsets(%dma_start3A_423 : memref<640xi32, #tpu.memory_space<vmem>>) semaphore(%arg12 : memref<!tpu.dma_semaphore, #tpu.memory_space<semaphore_mem>>)
        } else {
        }
      } else {
      }
      %mul3A_211 = arith.constant 2 : i32
      %mul3A_212 = arith.muli %add3A_115, %mul3A_211 : i32
      %add3A_213 = arith.constant 1 : i32
      %add3A_214 = arith.addi %mul3A_212, %add3A_213 : i32
      %add3A_215 = arith.constant 1 : i32
      %add3A_216 = arith.addi %add3A_214, %add3A_215 : i32
      %dma_wait3A_217 = arith.constant 0 : i32
      %dma_wait3A_218 = arith.constant 0 : i32
      %dma_wait3A_219 = arith.constant 0 : i32
      %dma_wait3A_220 = tpu.memref_slice %arg10[%dma_wait3A_217, %dma_wait3A_218, %dma_wait3A_219] : memref<2x640x16xf32, #tpu.memory_space<vmem>> -> memref<1x128x16xf32, #tpu.memory_space<vmem>>
      %dma_wait3A_221 = tpu.memref_squeeze %dma_wait3A_220 : memref<1x128x16xf32, #tpu.memory_space<vmem>> -> memref<128x16xf32, #tpu.memory_space<vmem>>
      %dma_wait3A_222 = arith.constant 0 : i32
      %dma_wait3A_223 = arith.constant 0 : i32
      %dma_wait3A_224 = tpu.memref_slice %arg4[%dma_wait3A_222, %dma_wait3A_223] : memref<100352x16xf32, #tpu.memory_space<hbm>> -> memref<128x16xf32, #tpu.memory_space<hbm>>
      %dma_wait3A_225 = arith.constant 0 : i32
      %dma_wait3A_226 = arith.constant 0 : i32
      %dma_wait3A_227 = tpu.memref_slice %arg10[%dma_wait3A_217, %dma_wait3A_225, %dma_wait3A_226] : memref<2x640x16xf32, #tpu.memory_space<vmem>> -> memref<1x128x16xf32, #tpu.memory_space<vmem>>
      %dma_wait3A_228 = tpu.memref_squeeze %dma_wait3A_227 : memref<1x128x16xf32, #tpu.memory_space<vmem>> -> memref<128x16xf32, #tpu.memory_space<vmem>>
      %dma_wait3A_229 = arith.constant 0 : i32
      %dma_wait3A_230 = arith.constant 0 : i32
      %dma_wait3A_231 = tpu.memref_slice %arg4[%dma_wait3A_229, %dma_wait3A_230] : memref<100352x16xf32, #tpu.memory_space<hbm>> -> memref<128x16xf32, #tpu.memory_space<hbm>>
      tpu.wait_dma2 semaphore(%arg13 : memref<!tpu.dma_semaphore, #tpu.memory_space<semaphore_mem>>) src(%dma_wait3A_231 : memref<128x16xf32, #tpu.memory_space<hbm>>) dst(%dma_wait3A_228 : memref<128x16xf32, #tpu.memory_space<vmem>>)
      %dma_wait3A_232 = arith.constant 0 : i32
      %dma_wait3A_233 = arith.constant 0 : i32
      %dma_wait3A_234 = arith.constant 0 : i32
      %dma_wait3A_235 = tpu.memref_slice %arg10[%dma_wait3A_232, %dma_wait3A_233, %dma_wait3A_234] : memref<2x640x16xf32, #tpu.memory_space<vmem>> -> memref<1x128x16xf32, #tpu.memory_space<vmem>>
      %dma_wait3A_236 = tpu.memref_squeeze %dma_wait3A_235 : memref<1x128x16xf32, #tpu.memory_space<vmem>> -> memref<128x16xf32, #tpu.memory_space<vmem>>
      %dma_wait3A_237 = arith.constant 0 : i32
      %dma_wait3A_238 = arith.constant 0 : i32
      %dma_wait3A_239 = tpu.memref_slice %arg4[%dma_wait3A_237, %dma_wait3A_238] : memref<100352x16xf32, #tpu.memory_space<hbm>> -> memref<128x16xf32, #tpu.memory_space<hbm>>
      %dma_wait3A_240 = arith.constant 0 : i32
      %dma_wait3A_241 = arith.constant 0 : i32
      %dma_wait3A_242 = tpu.memref_slice %arg10[%dma_wait3A_232, %dma_wait3A_240, %dma_wait3A_241] : memref<2x640x16xf32, #tpu.memory_space<vmem>> -> memref<1x128x16xf32, #tpu.memory_space<vmem>>
      %dma_wait3A_243 = tpu.memref_squeeze %dma_wait3A_242 : memref<1x128x16xf32, #tpu.memory_space<vmem>> -> memref<128x16xf32, #tpu.memory_space<vmem>>
      %dma_wait3A_244 = arith.constant 0 : i32
      %dma_wait3A_245 = arith.constant 0 : i32
      %dma_wait3A_246 = tpu.memref_slice %arg4[%dma_wait3A_244, %dma_wait3A_245] : memref<100352x16xf32, #tpu.memory_space<hbm>> -> memref<128x16xf32, #tpu.memory_space<hbm>>
      tpu.wait_dma2 semaphore(%arg13 : memref<!tpu.dma_semaphore, #tpu.memory_space<semaphore_mem>>) src(%dma_wait3A_246 : memref<128x16xf32, #tpu.memory_space<hbm>>) dst(%dma_wait3A_243 : memref<128x16xf32, #tpu.memory_space<vmem>>)
      %dma_wait3A_247 = arith.constant 0 : i32
      %dma_wait3A_248 = arith.constant 0 : i32
      %dma_wait3A_249 = arith.constant 0 : i32
      %dma_wait3A_250 = tpu.memref_slice %arg10[%dma_wait3A_247, %dma_wait3A_248, %dma_wait3A_249] : memref<2x640x16xf32, #tpu.memory_space<vmem>> -> memref<1x128x16xf32, #tpu.memory_space<vmem>>
      %dma_wait3A_251 = tpu.memref_squeeze %dma_wait3A_250 : memref<1x128x16xf32, #tpu.memory_space<vmem>> -> memref<128x16xf32, #tpu.memory_space<vmem>>
      %dma_wait3A_252 = arith.constant 0 : i32
      %dma_wait3A_253 = arith.constant 0 : i32
      %dma_wait3A_254 = tpu.memref_slice %arg4[%dma_wait3A_252, %dma_wait3A_253] : memref<100352x16xf32, #tpu.memory_space<hbm>> -> memref<128x16xf32, #tpu.memory_space<hbm>>
      %dma_wait3A_255 = arith.constant 0 : i32
      %dma_wait3A_256 = arith.constant 0 : i32
      %dma_wait3A_257 = tpu.memref_slice %arg10[%dma_wait3A_247, %dma_wait3A_255, %dma_wait3A_256] : memref<2x640x16xf32, #tpu.memory_space<vmem>> -> memref<1x128x16xf32, #tpu.memory_space<vmem>>
      %dma_wait3A_258 = tpu.memref_squeeze %dma_wait3A_257 : memref<1x128x16xf32, #tpu.memory_space<vmem>> -> memref<128x16xf32, #tpu.memory_space<vmem>>
      %dma_wait3A_259 = arith.constant 0 : i32
      %dma_wait3A_260 = arith.constant 0 : i32
      %dma_wait3A_261 = tpu.memref_slice %arg4[%dma_wait3A_259, %dma_wait3A_260] : memref<100352x16xf32, #tpu.memory_space<hbm>> -> memref<128x16xf32, #tpu.memory_space<hbm>>
      tpu.wait_dma2 semaphore(%arg13 : memref<!tpu.dma_semaphore, #tpu.memory_space<semaphore_mem>>) src(%dma_wait3A_261 : memref<128x16xf32, #tpu.memory_space<hbm>>) dst(%dma_wait3A_258 : memref<128x16xf32, #tpu.memory_space<vmem>>)
      %dma_wait3A_262 = arith.constant 0 : i32
      %dma_wait3A_263 = arith.constant 0 : i32
      %dma_wait3A_264 = arith.constant 0 : i32
      %dma_wait3A_265 = tpu.memref_slice %arg10[%dma_wait3A_262, %dma_wait3A_263, %dma_wait3A_264] : memref<2x640x16xf32, #tpu.memory_space<vmem>> -> memref<1x128x16xf32, #tpu.memory_space<vmem>>
      %dma_wait3A_266 = tpu.memref_squeeze %dma_wait3A_265 : memref<1x128x16xf32, #tpu.memory_space<vmem>> -> memref<128x16xf32, #tpu.memory_space<vmem>>
      %dma_wait3A_267 = arith.constant 0 : i32
      %dma_wait3A_268 = arith.constant 0 : i32
      %dma_wait3A_269 = tpu.memref_slice %arg4[%dma_wait3A_267, %dma_wait3A_268] : memref<100352x16xf32, #tpu.memory_space<hbm>> -> memref<128x16xf32, #tpu.memory_space<hbm>>
      %dma_wait3A_270 = arith.constant 0 : i32
      %dma_wait3A_271 = arith.constant 0 : i32
      %dma_wait3A_272 = tpu.memref_slice %arg10[%dma_wait3A_262, %dma_wait3A_270, %dma_wait3A_271] : memref<2x640x16xf32, #tpu.memory_space<vmem>> -> memref<1x128x16xf32, #tpu.memory_space<vmem>>
      %dma_wait3A_273 = tpu.memref_squeeze %dma_wait3A_272 : memref<1x128x16xf32, #tpu.memory_space<vmem>> -> memref<128x16xf32, #tpu.memory_space<vmem>>
      %dma_wait3A_274 = arith.constant 0 : i32
      %dma_wait3A_275 = arith.constant 0 : i32
      %dma_wait3A_276 = tpu.memref_slice %arg4[%dma_wait3A_274, %dma_wait3A_275] : memref<100352x16xf32, #tpu.memory_space<hbm>> -> memref<128x16xf32, #tpu.memory_space<hbm>>
      tpu.wait_dma2 semaphore(%arg13 : memref<!tpu.dma_semaphore, #tpu.memory_space<semaphore_mem>>) src(%dma_wait3A_276 : memref<128x16xf32, #tpu.memory_space<hbm>>) dst(%dma_wait3A_273 : memref<128x16xf32, #tpu.memory_space<vmem>>)
      %dma_wait3A_277 = arith.constant 0 : i32
      %dma_wait3A_278 = arith.constant 0 : i32
      %dma_wait3A_279 = arith.constant 0 : i32
      %dma_wait3A_280 = tpu.memref_slice %arg10[%dma_wait3A_277, %dma_wait3A_278, %dma_wait3A_279] : memref<2x640x16xf32, #tpu.memory_space<vmem>> -> memref<1x128x16xf32, #tpu.memory_space<vmem>>
      %dma_wait3A_281 = tpu.memref_squeeze %dma_wait3A_280 : memref<1x128x16xf32, #tpu.memory_space<vmem>> -> memref<128x16xf32, #tpu.memory_space<vmem>>
      %dma_wait3A_282 = arith.constant 0 : i32
      %dma_wait3A_283 = arith.constant 0 : i32
      %dma_wait3A_284 = tpu.memref_slice %arg4[%dma_wait3A_282, %dma_wait3A_283] : memref<100352x16xf32, #tpu.memory_space<hbm>> -> memref<128x16xf32, #tpu.memory_space<hbm>>
      %dma_wait3A_285 = arith.constant 0 : i32
      %dma_wait3A_286 = arith.constant 0 : i32
      %dma_wait3A_287 = tpu.memref_slice %arg10[%dma_wait3A_277, %dma_wait3A_285, %dma_wait3A_286] : memref<2x640x16xf32, #tpu.memory_space<vmem>> -> memref<1x128x16xf32, #tpu.memory_space<vmem>>
      %dma_wait3A_288 = tpu.memref_squeeze %dma_wait3A_287 : memref<1x128x16xf32, #tpu.memory_space<vmem>> -> memref<128x16xf32, #tpu.memory_space<vmem>>
      %dma_wait3A_289 = arith.constant 0 : i32
      %dma_wait3A_290 = arith.constant 0 : i32
      %dma_wait3A_291 = tpu.memref_slice %arg4[%dma_wait3A_289, %dma_wait3A_290] : memref<100352x16xf32, #tpu.memory_space<hbm>> -> memref<128x16xf32, #tpu.memory_space<hbm>>
      tpu.wait_dma2 semaphore(%arg13 : memref<!tpu.dma_semaphore, #tpu.memory_space<semaphore_mem>>) src(%dma_wait3A_291 : memref<128x16xf32, #tpu.memory_space<hbm>>) dst(%dma_wait3A_288 : memref<128x16xf32, #tpu.memory_space<vmem>>)
      %lt3A_292 = arith.constant 160 : i32
      %lt3A_293 = arith.cmpi slt, %add3A_216, %lt3A_292 : i32
      %convert_element_type3A_294 = arith.extui %lt3A_293 : i1 to i32
      %cond3A_295 = arith.constant 0 : i32
      %cond3A_296 = arith.cmpi ne, %convert_element_type3A_294, %cond3A_295 : i32
      scf.if %cond3A_296 {
        %mul3A_379 = arith.constant 5 : i32
        %mul3A_380 = arith.muli %add3A_216, %mul3A_379 : i32
        %add3A_381 = arith.addi %mul3A_9, %mul3A_380 : i32
        %mul3A_382 = arith.constant 128 : i32
        %mul3A_383 = arith.muli %add3A_381, %mul3A_382 : i32
        %dma_start3A_384 = arith.constant 0 : i32
        %dma_start3A_385 = arith.constant 0 : i32
        %dma_start3A_386 = tpu.memref_slice %arg8[%dma_start3A_384, %dma_start3A_385] : memref<2x640xi32, #tpu.memory_space<vmem>> -> memref<1x640xi32, #tpu.memory_space<vmem>>
        %dma_start3A_387 = tpu.memref_squeeze %dma_start3A_386 : memref<1x640xi32, #tpu.memory_space<vmem>> -> memref<640xi32, #tpu.memory_space<vmem>>
        %dma_start3A_388 = tpu.memref_slice %arg2[%mul3A_383] : memref<1638400xi32, #tpu.memory_space<hbm>> -> memref<640xi32, #tpu.memory_space<hbm>>
        %dma_start3A_389 = arith.constant 0 : i32
        %dma_start3A_390 = tpu.memref_slice %arg8[%dma_start3A_384, %dma_start3A_389] : memref<2x640xi32, #tpu.memory_space<vmem>> -> memref<1x640xi32, #tpu.memory_space<vmem>>
        %dma_start3A_391 = tpu.memref_squeeze %dma_start3A_390 : memref<1x640xi32, #tpu.memory_space<vmem>> -> memref<640xi32, #tpu.memory_space<vmem>>
        %dma_start3A_392 = tpu.memref_slice %arg2[%mul3A_383] : memref<1638400xi32, #tpu.memory_space<hbm>> -> memref<640xi32, #tpu.memory_space<hbm>>
        tpu.enqueue_dma source(%dma_start3A_392 : memref<640xi32, #tpu.memory_space<hbm>>) target(%dma_start3A_391 : memref<640xi32, #tpu.memory_space<vmem>>) target_semaphore(%arg15 : memref<!tpu.dma_semaphore, #tpu.memory_space<semaphore_mem>>)
        %mul3A_393 = arith.constant 5 : i32
        %mul3A_394 = arith.muli %add3A_216, %mul3A_393 : i32
        %add3A_395 = arith.addi %mul3A_9, %mul3A_394 : i32
        %dma_start3A_396 = arith.constant 0 : i32
        %dma_start3A_397 = arith.constant 0 : i32
        %dma_start3A_398 = arith.constant 0 : i32
        %dma_start3A_399 = tpu.memref_slice %arg9[%dma_start3A_396, %dma_start3A_397, %dma_start3A_398] : memref<2x5x128xi32, #tpu.memory_space<vmem>> -> memref<1x5x128xi32, #tpu.memory_space<vmem>>
        %dma_start3A_400 = tpu.memref_squeeze %dma_start3A_399 : memref<1x5x128xi32, #tpu.memory_space<vmem>> -> memref<5x128xi32, #tpu.memory_space<vmem>>
        %dma_start3A_401 = arith.constant 0 : i32
        %dma_start3A_402 = tpu.memref_slice %arg3[%add3A_395, %dma_start3A_401] : memref<12800x128xi32, #tpu.memory_space<hbm>> -> memref<5x128xi32, #tpu.memory_space<hbm>>
        %dma_start3A_403 = arith.constant 0 : i32
        %dma_start3A_404 = arith.constant 0 : i32
        %dma_start3A_405 = tpu.memref_slice %arg9[%dma_start3A_396, %dma_start3A_403, %dma_start3A_404] : memref<2x5x128xi32, #tpu.memory_space<vmem>> -> memref<1x5x128xi32, #tpu.memory_space<vmem>>
        %dma_start3A_406 = tpu.memref_squeeze %dma_start3A_405 : memref<1x5x128xi32, #tpu.memory_space<vmem>> -> memref<5x128xi32, #tpu.memory_space<vmem>>
        %dma_start3A_407 = arith.constant 0 : i32
        %dma_start3A_408 = tpu.memref_slice %arg3[%add3A_395, %dma_start3A_407] : memref<12800x128xi32, #tpu.memory_space<hbm>> -> memref<5x128xi32, #tpu.memory_space<hbm>>
        tpu.enqueue_dma source(%dma_start3A_408 : memref<5x128xi32, #tpu.memory_space<hbm>>) target(%dma_start3A_406 : memref<5x128xi32, #tpu.memory_space<vmem>>) target_semaphore(%arg15 : memref<!tpu.dma_semaphore, #tpu.memory_space<semaphore_mem>>)
      } else {
      }
      %dma_wait3A_297 = arith.constant 0 : i32
      %dma_wait3A_298 = arith.constant 0 : i32
      %dma_wait3A_299 = arith.constant 0 : i32
      %dma_wait3A_300 = arith.constant 0 : i32
      %dma_wait3A_301 = tpu.memref_slice %arg10[%dma_wait3A_298, %dma_wait3A_299, %dma_wait3A_300] : memref<2x640x16xf32, #tpu.memory_space<vmem>> -> memref<1x640x16xf32, #tpu.memory_space<vmem>>
      %dma_wait3A_302 = tpu.memref_squeeze %dma_wait3A_301 : memref<1x640x16xf32, #tpu.memory_space<vmem>> -> memref<640x16xf32, #tpu.memory_space<vmem>>
      %dma_wait3A_303 = arith.constant 0 : i32
      %dma_wait3A_304 = tpu.memref_slice %arg8[%dma_wait3A_297, %dma_wait3A_303] : memref<2x640xi32, #tpu.memory_space<vmem>> -> memref<1x640xi32, #tpu.memory_space<vmem>>
      %dma_wait3A_305 = tpu.memref_squeeze %dma_wait3A_304 : memref<1x640xi32, #tpu.memory_space<vmem>> -> memref<640xi32, #tpu.memory_space<vmem>>
      %dma_wait3A_306 = arith.constant 0 : i32
      %dma_wait3A_307 = arith.constant 0 : i32
      %dma_wait3A_308 = tpu.memref_slice %arg4[%dma_wait3A_306, %dma_wait3A_307] : memref<100352x16xf32, #tpu.memory_space<hbm>> -> memref<100352x16xf32, #tpu.memory_space<hbm>>
      tpu.wait_indirect_dma semaphore(%arg12 : memref<!tpu.dma_semaphore, #tpu.memory_space<semaphore_mem>>) src(%dma_wait3A_308 : memref<100352x16xf32, #tpu.memory_space<hbm>>) dst(%dma_wait3A_302 : memref<640x16xf32, #tpu.memory_space<vmem>>)
      %dma_start3A_309 = arith.constant 1 : i32
      %dma_start3A_310 = arith.constant 1 : i32
      %dma_start3A_311 = arith.constant 0 : i32
      %dma_start3A_312 = arith.constant 0 : i32
      %dma_start3A_313 = arith.constant 0 : i32
      %dma_start3A_314 = tpu.memref_slice %arg10[%dma_start3A_309, %dma_start3A_312, %dma_start3A_313] : memref<2x640x16xf32, #tpu.memory_space<vmem>> -> memref<1x128x16xf32, #tpu.memory_space<vmem>>
      %dma_start3A_315 = tpu.memref_squeeze %dma_start3A_314 : memref<1x128x16xf32, #tpu.memory_space<vmem>> -> memref<128x16xf32, #tpu.memory_space<vmem>>
      %dma_start3A_316 = arith.constant 0 : i32
      %dma_start3A_317 = tpu.memref_slice %arg9[%dma_start3A_310, %dma_start3A_311, %dma_start3A_316] : memref<2x5x128xi32, #tpu.memory_space<vmem>> -> memref<1x1x128xi32, #tpu.memory_space<vmem>>
      %dma_start3A_318 = tpu.memref_squeeze %dma_start3A_317 : memref<1x1x128xi32, #tpu.memory_space<vmem>> -> memref<128xi32, #tpu.memory_space<vmem>>
      %dma_start3A_319 = arith.constant 0 : i32
      %dma_start3A_320 = arith.constant 0 : i32
      %dma_start3A_321 = tpu.memref_slice %arg17[%dma_start3A_319, %dma_start3A_320] : memref<100352x16xf32, #tpu.memory_space<vmem_shared>> -> memref<100352x16xf32, #tpu.memory_space<vmem_shared>>
      tpu.enqueue_indirect_dma source(%dma_start3A_315 : memref<128x16xf32, #tpu.memory_space<vmem>>) target(%dma_start3A_321 : memref<100352x16xf32, #tpu.memory_space<vmem_shared>>) offsets(%dma_start3A_318 : memref<128xi32, #tpu.memory_space<vmem>>) semaphore(%arg14 : memref<!tpu.dma_semaphore, #tpu.memory_space<semaphore_mem>>) {add = true}
      %dma_start3A_322 = arith.constant 1 : i32
      %dma_start3A_323 = arith.constant 1 : i32
      %dma_start3A_324 = arith.constant 1 : i32
      %dma_start3A_325 = arith.constant 128 : i32
      %dma_start3A_326 = arith.constant 0 : i32
      %dma_start3A_327 = tpu.memref_slice %arg10[%dma_start3A_322, %dma_start3A_325, %dma_start3A_326] : memref<2x640x16xf32, #tpu.memory_space<vmem>> -> memref<1x128x16xf32, #tpu.memory_space<vmem>>
      %dma_start3A_328 = tpu.memref_squeeze %dma_start3A_327 : memref<1x128x16xf32, #tpu.memory_space<vmem>> -> memref<128x16xf32, #tpu.memory_space<vmem>>
      %dma_start3A_329 = arith.constant 0 : i32
      %dma_start3A_330 = tpu.memref_slice %arg9[%dma_start3A_323, %dma_start3A_324, %dma_start3A_329] : memref<2x5x128xi32, #tpu.memory_space<vmem>> -> memref<1x1x128xi32, #tpu.memory_space<vmem>>
      %dma_start3A_331 = tpu.memref_squeeze %dma_start3A_330 : memref<1x1x128xi32, #tpu.memory_space<vmem>> -> memref<128xi32, #tpu.memory_space<vmem>>
      %dma_start3A_332 = arith.constant 0 : i32
      %dma_start3A_333 = arith.constant 0 : i32
      %dma_start3A_334 = tpu.memref_slice %arg17[%dma_start3A_332, %dma_start3A_333] : memref<100352x16xf32, #tpu.memory_space<vmem_shared>> -> memref<100352x16xf32, #tpu.memory_space<vmem_shared>>
      tpu.enqueue_indirect_dma source(%dma_start3A_328 : memref<128x16xf32, #tpu.memory_space<vmem>>) target(%dma_start3A_334 : memref<100352x16xf32, #tpu.memory_space<vmem_shared>>) offsets(%dma_start3A_331 : memref<128xi32, #tpu.memory_space<vmem>>) semaphore(%arg14 : memref<!tpu.dma_semaphore, #tpu.memory_space<semaphore_mem>>) {add = true}
      %dma_start3A_335 = arith.constant 1 : i32
      %dma_start3A_336 = arith.constant 1 : i32
      %dma_start3A_337 = arith.constant 2 : i32
      %dma_start3A_338 = arith.constant 256 : i32
      %dma_start3A_339 = arith.constant 0 : i32
      %dma_start3A_340 = tpu.memref_slice %arg10[%dma_start3A_335, %dma_start3A_338, %dma_start3A_339] : memref<2x640x16xf32, #tpu.memory_space<vmem>> -> memref<1x128x16xf32, #tpu.memory_space<vmem>>
      %dma_start3A_341 = tpu.memref_squeeze %dma_start3A_340 : memref<1x128x16xf32, #tpu.memory_space<vmem>> -> memref<128x16xf32, #tpu.memory_space<vmem>>
      %dma_start3A_342 = arith.constant 0 : i32
      %dma_start3A_343 = tpu.memref_slice %arg9[%dma_start3A_336, %dma_start3A_337, %dma_start3A_342] : memref<2x5x128xi32, #tpu.memory_space<vmem>> -> memref<1x1x128xi32, #tpu.memory_space<vmem>>
      %dma_start3A_344 = tpu.memref_squeeze %dma_start3A_343 : memref<1x1x128xi32, #tpu.memory_space<vmem>> -> memref<128xi32, #tpu.memory_space<vmem>>
      %dma_start3A_345 = arith.constant 0 : i32
      %dma_start3A_346 = arith.constant 0 : i32
      %dma_start3A_347 = tpu.memref_slice %arg17[%dma_start3A_345, %dma_start3A_346] : memref<100352x16xf32, #tpu.memory_space<vmem_shared>> -> memref<100352x16xf32, #tpu.memory_space<vmem_shared>>
      tpu.enqueue_indirect_dma source(%dma_start3A_341 : memref<128x16xf32, #tpu.memory_space<vmem>>) target(%dma_start3A_347 : memref<100352x16xf32, #tpu.memory_space<vmem_shared>>) offsets(%dma_start3A_344 : memref<128xi32, #tpu.memory_space<vmem>>) semaphore(%arg14 : memref<!tpu.dma_semaphore, #tpu.memory_space<semaphore_mem>>) {add = true}
      %dma_start3A_348 = arith.constant 1 : i32
      %dma_start3A_349 = arith.constant 1 : i32
      %dma_start3A_350 = arith.constant 3 : i32
      %dma_start3A_351 = arith.constant 384 : i32
      %dma_start3A_352 = arith.constant 0 : i32
      %dma_start3A_353 = tpu.memref_slice %arg10[%dma_start3A_348, %dma_start3A_351, %dma_start3A_352] : memref<2x640x16xf32, #tpu.memory_space<vmem>> -> memref<1x128x16xf32, #tpu.memory_space<vmem>>
      %dma_start3A_354 = tpu.memref_squeeze %dma_start3A_353 : memref<1x128x16xf32, #tpu.memory_space<vmem>> -> memref<128x16xf32, #tpu.memory_space<vmem>>
      %dma_start3A_355 = arith.constant 0 : i32
      %dma_start3A_356 = tpu.memref_slice %arg9[%dma_start3A_349, %dma_start3A_350, %dma_start3A_355] : memref<2x5x128xi32, #tpu.memory_space<vmem>> -> memref<1x1x128xi32, #tpu.memory_space<vmem>>
      %dma_start3A_357 = tpu.memref_squeeze %dma_start3A_356 : memref<1x1x128xi32, #tpu.memory_space<vmem>> -> memref<128xi32, #tpu.memory_space<vmem>>
      %dma_start3A_358 = arith.constant 0 : i32
      %dma_start3A_359 = arith.constant 0 : i32
      %dma_start3A_360 = tpu.memref_slice %arg17[%dma_start3A_358, %dma_start3A_359] : memref<100352x16xf32, #tpu.memory_space<vmem_shared>> -> memref<100352x16xf32, #tpu.memory_space<vmem_shared>>
      tpu.enqueue_indirect_dma source(%dma_start3A_354 : memref<128x16xf32, #tpu.memory_space<vmem>>) target(%dma_start3A_360 : memref<100352x16xf32, #tpu.memory_space<vmem_shared>>) offsets(%dma_start3A_357 : memref<128xi32, #tpu.memory_space<vmem>>) semaphore(%arg14 : memref<!tpu.dma_semaphore, #tpu.memory_space<semaphore_mem>>) {add = true}
      %dma_start3A_361 = arith.constant 1 : i32
      %dma_start3A_362 = arith.constant 1 : i32
      %dma_start3A_363 = arith.constant 4 : i32
      %dma_start3A_364 = arith.constant 512 : i32
      %dma_start3A_365 = arith.constant 0 : i32
      %dma_start3A_366 = tpu.memref_slice %arg10[%dma_start3A_361, %dma_start3A_364, %dma_start3A_365] : memref<2x640x16xf32, #tpu.memory_space<vmem>> -> memref<1x128x16xf32, #tpu.memory_space<vmem>>
      %dma_start3A_367 = tpu.memref_squeeze %dma_start3A_366 : memref<1x128x16xf32, #tpu.memory_space<vmem>> -> memref<128x16xf32, #tpu.memory_space<vmem>>
      %dma_start3A_368 = arith.constant 0 : i32
      %dma_start3A_369 = tpu.memref_slice %arg9[%dma_start3A_362, %dma_start3A_363, %dma_start3A_368] : memref<2x5x128xi32, #tpu.memory_space<vmem>> -> memref<1x1x128xi32, #tpu.memory_space<vmem>>
      %dma_start3A_370 = tpu.memref_squeeze %dma_start3A_369 : memref<1x1x128xi32, #tpu.memory_space<vmem>> -> memref<128xi32, #tpu.memory_space<vmem>>
      %dma_start3A_371 = arith.constant 0 : i32
      %dma_start3A_372 = arith.constant 0 : i32
      %dma_start3A_373 = tpu.memref_slice %arg17[%dma_start3A_371, %dma_start3A_372] : memref<100352x16xf32, #tpu.memory_space<vmem_shared>> -> memref<100352x16xf32, #tpu.memory_space<vmem_shared>>
      tpu.enqueue_indirect_dma source(%dma_start3A_367 : memref<128x16xf32, #tpu.memory_space<vmem>>) target(%dma_start3A_373 : memref<100352x16xf32, #tpu.memory_space<vmem_shared>>) offsets(%dma_start3A_370 : memref<128xi32, #tpu.memory_space<vmem>>) semaphore(%arg14 : memref<!tpu.dma_semaphore, #tpu.memory_space<semaphore_mem>>) {add = true}
      %lt3A_374 = arith.constant 160 : i32
      %lt3A_375 = arith.cmpi slt, %add3A_216, %lt3A_374 : i32
      %convert_element_type3A_376 = arith.extui %lt3A_375 : i1 to i32
      %cond3A_377 = arith.constant 0 : i32
      %cond3A_378 = arith.cmpi ne, %convert_element_type3A_376, %cond3A_377 : i32
      scf.if %cond3A_378 {
        %dma_wait3A_379 = arith.constant 0 : i32
        %dma_wait3A_380 = arith.constant 0 : i32
        %dma_wait3A_381 = tpu.memref_slice %arg8[%dma_wait3A_379, %dma_wait3A_380] : memref<2x640xi32, #tpu.memory_space<vmem>> -> memref<1x640xi32, #tpu.memory_space<vmem>>
        %dma_wait3A_382 = tpu.memref_squeeze %dma_wait3A_381 : memref<1x640xi32, #tpu.memory_space<vmem>> -> memref<640xi32, #tpu.memory_space<vmem>>
        %dma_wait3A_383 = arith.constant 0 : i32
        %dma_wait3A_384 = tpu.memref_slice %arg2[%dma_wait3A_383] : memref<1638400xi32, #tpu.memory_space<hbm>> -> memref<640xi32, #tpu.memory_space<hbm>>
        %dma_wait3A_385 = arith.constant 0 : i32
        %dma_wait3A_386 = tpu.memref_slice %arg8[%dma_wait3A_379, %dma_wait3A_385] : memref<2x640xi32, #tpu.memory_space<vmem>> -> memref<1x640xi32, #tpu.memory_space<vmem>>
        %dma_wait3A_387 = tpu.memref_squeeze %dma_wait3A_386 : memref<1x640xi32, #tpu.memory_space<vmem>> -> memref<640xi32, #tpu.memory_space<vmem>>
        %dma_wait3A_388 = arith.constant 0 : i32
        %dma_wait3A_389 = tpu.memref_slice %arg2[%dma_wait3A_388] : memref<1638400xi32, #tpu.memory_space<hbm>> -> memref<640xi32, #tpu.memory_space<hbm>>
        tpu.wait_dma2 semaphore(%arg15 : memref<!tpu.dma_semaphore, #tpu.memory_space<semaphore_mem>>) src(%dma_wait3A_389 : memref<640xi32, #tpu.memory_space<hbm>>) dst(%dma_wait3A_387 : memref<640xi32, #tpu.memory_space<vmem>>)
        %dma_wait3A_390 = arith.constant 0 : i32
        %dma_wait3A_391 = arith.constant 0 : i32
        %dma_wait3A_392 = arith.constant 0 : i32
        %dma_wait3A_393 = tpu.memref_slice %arg9[%dma_wait3A_390, %dma_wait3A_391, %dma_wait3A_392] : memref<2x5x128xi32, #tpu.memory_space<vmem>> -> memref<1x5x128xi32, #tpu.memory_space<vmem>>
        %dma_wait3A_394 = tpu.memref_squeeze %dma_wait3A_393 : memref<1x5x128xi32, #tpu.memory_space<vmem>> -> memref<5x128xi32, #tpu.memory_space<vmem>>
        %dma_wait3A_395 = arith.constant 0 : i32
        %dma_wait3A_396 = arith.constant 0 : i32
        %dma_wait3A_397 = tpu.memref_slice %arg3[%dma_wait3A_395, %dma_wait3A_396] : memref<12800x128xi32, #tpu.memory_space<hbm>> -> memref<5x128xi32, #tpu.memory_space<hbm>>
        %dma_wait3A_398 = arith.constant 0 : i32
        %dma_wait3A_399 = arith.constant 0 : i32
        %dma_wait3A_400 = tpu.memref_slice %arg9[%dma_wait3A_390, %dma_wait3A_398, %dma_wait3A_399] : memref<2x5x128xi32, #tpu.memory_space<vmem>> -> memref<1x5x128xi32, #tpu.memory_space<vmem>>
        %dma_wait3A_401 = tpu.memref_squeeze %dma_wait3A_400 : memref<1x5x128xi32, #tpu.memory_space<vmem>> -> memref<5x128xi32, #tpu.memory_space<vmem>>
        %dma_wait3A_402 = arith.constant 0 : i32
        %dma_wait3A_403 = arith.constant 0 : i32
        %dma_wait3A_404 = tpu.memref_slice %arg3[%dma_wait3A_402, %dma_wait3A_403] : memref<12800x128xi32, #tpu.memory_space<hbm>> -> memref<5x128xi32, #tpu.memory_space<hbm>>
        tpu.wait_dma2 semaphore(%arg15 : memref<!tpu.dma_semaphore, #tpu.memory_space<semaphore_mem>>) src(%dma_wait3A_404 : memref<5x128xi32, #tpu.memory_space<hbm>>) dst(%dma_wait3A_401 : memref<5x128xi32, #tpu.memory_space<vmem>>)
        %eq3A_405 = arith.constant 0 : i32
        %eq3A_406 = arith.cmpi eq, %arg0, %eq3A_405 : i32
        %convert_element_type3A_407 = arith.extui %eq3A_406 : i1 to i32
        %cond3A_408 = arith.constant 0 : i32
        %cond3A_409 = arith.cmpi ne, %convert_element_type3A_407, %cond3A_408 : i32
        scf.if %cond3A_409 {
          %dma_start3A_415 = arith.constant 0 : i32
          %dma_start3A_416 = arith.constant 0 : i32
          %dma_start3A_417 = arith.constant 0 : i32
          %dma_start3A_418 = arith.constant 0 : i32
          %dma_start3A_419 = tpu.memref_slice %arg10[%dma_start3A_416, %dma_start3A_417, %dma_start3A_418] : memref<2x640x16xf32, #tpu.memory_space<vmem>> -> memref<1x640x16xf32, #tpu.memory_space<vmem>>
          %dma_start3A_420 = tpu.memref_squeeze %dma_start3A_419 : memref<1x640x16xf32, #tpu.memory_space<vmem>> -> memref<640x16xf32, #tpu.memory_space<vmem>>
          %dma_start3A_421 = arith.constant 0 : i32
          %dma_start3A_422 = tpu.memref_slice %arg8[%dma_start3A_415, %dma_start3A_421] : memref<2x640xi32, #tpu.memory_space<vmem>> -> memref<1x640xi32, #tpu.memory_space<vmem>>
          %dma_start3A_423 = tpu.memref_squeeze %dma_start3A_422 : memref<1x640xi32, #tpu.memory_space<vmem>> -> memref<640xi32, #tpu.memory_space<vmem>>
          %dma_start3A_424 = arith.constant 0 : i32
          %dma_start3A_425 = arith.constant 0 : i32
          %dma_start3A_426 = tpu.memref_slice %arg4[%dma_start3A_424, %dma_start3A_425] : memref<100352x16xf32, #tpu.memory_space<hbm>> -> memref<100352x16xf32, #tpu.memory_space<hbm>>
          tpu.enqueue_indirect_dma source(%dma_start3A_426 : memref<100352x16xf32, #tpu.memory_space<hbm>>) target(%dma_start3A_420 : memref<640x16xf32, #tpu.memory_space<vmem>>) offsets(%dma_start3A_423 : memref<640xi32, #tpu.memory_space<vmem>>) semaphore(%arg11 : memref<!tpu.dma_semaphore, #tpu.memory_space<semaphore_mem>>)
        } else {
        }
        %eq3A_410 = arith.constant 1 : i32
        %eq3A_411 = arith.cmpi eq, %arg0, %eq3A_410 : i32
        %convert_element_type3A_412 = arith.extui %eq3A_411 : i1 to i32
        %cond3A_413 = arith.constant 0 : i32
        %cond3A_414 = arith.cmpi ne, %convert_element_type3A_412, %cond3A_413 : i32
        scf.if %cond3A_414 {
          %dma_start3A_415 = arith.constant 0 : i32
          %dma_start3A_416 = arith.constant 0 : i32
          %dma_start3A_417 = arith.constant 0 : i32
          %dma_start3A_418 = arith.constant 0 : i32
          %dma_start3A_419 = tpu.memref_slice %arg10[%dma_start3A_416, %dma_start3A_417, %dma_start3A_418] : memref<2x640x16xf32, #tpu.memory_space<vmem>> -> memref<1x640x16xf32, #tpu.memory_space<vmem>>
          %dma_start3A_420 = tpu.memref_squeeze %dma_start3A_419 : memref<1x640x16xf32, #tpu.memory_space<vmem>> -> memref<640x16xf32, #tpu.memory_space<vmem>>
          %dma_start3A_421 = arith.constant 0 : i32
          %dma_start3A_422 = tpu.memref_slice %arg8[%dma_start3A_415, %dma_start3A_421] : memref<2x640xi32, #tpu.memory_space<vmem>> -> memref<1x640xi32, #tpu.memory_space<vmem>>
          %dma_start3A_423 = tpu.memref_squeeze %dma_start3A_422 : memref<1x640xi32, #tpu.memory_space<vmem>> -> memref<640xi32, #tpu.memory_space<vmem>>
          %dma_start3A_424 = arith.constant 0 : i32
          %dma_start3A_425 = arith.constant 0 : i32
          %dma_start3A_426 = tpu.memref_slice %arg5[%dma_start3A_424, %dma_start3A_425] : memref<100352x16xf32, #tpu.memory_space<hbm>> -> memref<100352x16xf32, #tpu.memory_space<hbm>>
          tpu.enqueue_indirect_dma source(%dma_start3A_426 : memref<100352x16xf32, #tpu.memory_space<hbm>>) target(%dma_start3A_420 : memref<640x16xf32, #tpu.memory_space<vmem>>) offsets(%dma_start3A_423 : memref<640xi32, #tpu.memory_space<vmem>>) semaphore(%arg11 : memref<!tpu.dma_semaphore, #tpu.memory_space<semaphore_mem>>)
        } else {
        }
      } else {
      }
    }
    %scan3A_26 = arith.constant 80 : i32
    %dma_wait3A = arith.constant 0 : i32
    %dma_wait3A_27 = arith.constant 0 : i32
    %dma_wait3A_28 = arith.constant 0 : i32
    %dma_wait3A_29 = tpu.memref_slice %arg10[%dma_wait3A, %dma_wait3A_27, %dma_wait3A_28] : memref<2x640x16xf32, #tpu.memory_space<vmem>> -> memref<1x128x16xf32, #tpu.memory_space<vmem>>
    %dma_wait3A_30 = tpu.memref_squeeze %dma_wait3A_29 : memref<1x128x16xf32, #tpu.memory_space<vmem>> -> memref<128x16xf32, #tpu.memory_space<vmem>>
    %dma_wait3A_31 = arith.constant 0 : i32
    %dma_wait3A_32 = arith.constant 0 : i32
    %dma_wait3A_33 = tpu.memref_slice %arg4[%dma_wait3A_31, %dma_wait3A_32] : memref<100352x16xf32, #tpu.memory_space<hbm>> -> memref<128x16xf32, #tpu.memory_space<hbm>>
    %dma_wait3A_34 = arith.constant 0 : i32
    %dma_wait3A_35 = arith.constant 0 : i32
    %dma_wait3A_36 = tpu.memref_slice %arg10[%dma_wait3A, %dma_wait3A_34, %dma_wait3A_35] : memref<2x640x16xf32, #tpu.memory_space<vmem>> -> memref<1x128x16xf32, #tpu.memory_space<vmem>>
    %dma_wait3A_37 = tpu.memref_squeeze %dma_wait3A_36 : memref<1x128x16xf32, #tpu.memory_space<vmem>> -> memref<128x16xf32, #tpu.memory_space<vmem>>
    %dma_wait3A_38 = arith.constant 0 : i32
    %dma_wait3A_39 = arith.constant 0 : i32
    %dma_wait3A_40 = tpu.memref_slice %arg4[%dma_wait3A_38, %dma_wait3A_39] : memref<100352x16xf32, #tpu.memory_space<hbm>> -> memref<128x16xf32, #tpu.memory_space<hbm>>
    tpu.wait_dma2 semaphore(%arg14 : memref<!tpu.dma_semaphore, #tpu.memory_space<semaphore_mem>>) src(%dma_wait3A_40 : memref<128x16xf32, #tpu.memory_space<hbm>>) dst(%dma_wait3A_37 : memref<128x16xf32, #tpu.memory_space<vmem>>)
    %dma_wait3A_41 = arith.constant 0 : i32
    %dma_wait3A_42 = arith.constant 0 : i32
    %dma_wait3A_43 = arith.constant 0 : i32
    %dma_wait3A_44 = tpu.memref_slice %arg10[%dma_wait3A_41, %dma_wait3A_42, %dma_wait3A_43] : memref<2x640x16xf32, #tpu.memory_space<vmem>> -> memref<1x128x16xf32, #tpu.memory_space<vmem>>
    %dma_wait3A_45 = tpu.memref_squeeze %dma_wait3A_44 : memref<1x128x16xf32, #tpu.memory_space<vmem>> -> memref<128x16xf32, #tpu.memory_space<vmem>>
    %dma_wait3A_46 = arith.constant 0 : i32
    %dma_wait3A_47 = arith.constant 0 : i32
    %dma_wait3A_48 = tpu.memref_slice %arg4[%dma_wait3A_46, %dma_wait3A_47] : memref<100352x16xf32, #tpu.memory_space<hbm>> -> memref<128x16xf32, #tpu.memory_space<hbm>>
    %dma_wait3A_49 = arith.constant 0 : i32
    %dma_wait3A_50 = arith.constant 0 : i32
    %dma_wait3A_51 = tpu.memref_slice %arg10[%dma_wait3A_41, %dma_wait3A_49, %dma_wait3A_50] : memref<2x640x16xf32, #tpu.memory_space<vmem>> -> memref<1x128x16xf32, #tpu.memory_space<vmem>>
    %dma_wait3A_52 = tpu.memref_squeeze %dma_wait3A_51 : memref<1x128x16xf32, #tpu.memory_space<vmem>> -> memref<128x16xf32, #tpu.memory_space<vmem>>
    %dma_wait3A_53 = arith.constant 0 : i32
    %dma_wait3A_54 = arith.constant 0 : i32
    %dma_wait3A_55 = tpu.memref_slice %arg4[%dma_wait3A_53, %dma_wait3A_54] : memref<100352x16xf32, #tpu.memory_space<hbm>> -> memref<128x16xf32, #tpu.memory_space<hbm>>
    tpu.wait_dma2 semaphore(%arg14 : memref<!tpu.dma_semaphore, #tpu.memory_space<semaphore_mem>>) src(%dma_wait3A_55 : memref<128x16xf32, #tpu.memory_space<hbm>>) dst(%dma_wait3A_52 : memref<128x16xf32, #tpu.memory_space<vmem>>)
    %dma_wait3A_56 = arith.constant 0 : i32
    %dma_wait3A_57 = arith.constant 0 : i32
    %dma_wait3A_58 = arith.constant 0 : i32
    %dma_wait3A_59 = tpu.memref_slice %arg10[%dma_wait3A_56, %dma_wait3A_57, %dma_wait3A_58] : memref<2x640x16xf32, #tpu.memory_space<vmem>> -> memref<1x128x16xf32, #tpu.memory_space<vmem>>
    %dma_wait3A_60 = tpu.memref_squeeze %dma_wait3A_59 : memref<1x128x16xf32, #tpu.memory_space<vmem>> -> memref<128x16xf32, #tpu.memory_space<vmem>>
    %dma_wait3A_61 = arith.constant 0 : i32
    %dma_wait3A_62 = arith.constant 0 : i32
    %dma_wait3A_63 = tpu.memref_slice %arg4[%dma_wait3A_61, %dma_wait3A_62] : memref<100352x16xf32, #tpu.memory_space<hbm>> -> memref<128x16xf32, #tpu.memory_space<hbm>>
    %dma_wait3A_64 = arith.constant 0 : i32
    %dma_wait3A_65 = arith.constant 0 : i32
    %dma_wait3A_66 = tpu.memref_slice %arg10[%dma_wait3A_56, %dma_wait3A_64, %dma_wait3A_65] : memref<2x640x16xf32, #tpu.memory_space<vmem>> -> memref<1x128x16xf32, #tpu.memory_space<vmem>>
    %dma_wait3A_67 = tpu.memref_squeeze %dma_wait3A_66 : memref<1x128x16xf32, #tpu.memory_space<vmem>> -> memref<128x16xf32, #tpu.memory_space<vmem>>
    %dma_wait3A_68 = arith.constant 0 : i32
    %dma_wait3A_69 = arith.constant 0 : i32
    %dma_wait3A_70 = tpu.memref_slice %arg4[%dma_wait3A_68, %dma_wait3A_69] : memref<100352x16xf32, #tpu.memory_space<hbm>> -> memref<128x16xf32, #tpu.memory_space<hbm>>
    tpu.wait_dma2 semaphore(%arg14 : memref<!tpu.dma_semaphore, #tpu.memory_space<semaphore_mem>>) src(%dma_wait3A_70 : memref<128x16xf32, #tpu.memory_space<hbm>>) dst(%dma_wait3A_67 : memref<128x16xf32, #tpu.memory_space<vmem>>)
    %dma_wait3A_71 = arith.constant 0 : i32
    %dma_wait3A_72 = arith.constant 0 : i32
    %dma_wait3A_73 = arith.constant 0 : i32
    %dma_wait3A_74 = tpu.memref_slice %arg10[%dma_wait3A_71, %dma_wait3A_72, %dma_wait3A_73] : memref<2x640x16xf32, #tpu.memory_space<vmem>> -> memref<1x128x16xf32, #tpu.memory_space<vmem>>
    %dma_wait3A_75 = tpu.memref_squeeze %dma_wait3A_74 : memref<1x128x16xf32, #tpu.memory_space<vmem>> -> memref<128x16xf32, #tpu.memory_space<vmem>>
    %dma_wait3A_76 = arith.constant 0 : i32
    %dma_wait3A_77 = arith.constant 0 : i32
    %dma_wait3A_78 = tpu.memref_slice %arg4[%dma_wait3A_76, %dma_wait3A_77] : memref<100352x16xf32, #tpu.memory_space<hbm>> -> memref<128x16xf32, #tpu.memory_space<hbm>>
    %dma_wait3A_79 = arith.constant 0 : i32
    %dma_wait3A_80 = arith.constant 0 : i32
    %dma_wait3A_81 = tpu.memref_slice %arg10[%dma_wait3A_71, %dma_wait3A_79, %dma_wait3A_80] : memref<2x640x16xf32, #tpu.memory_space<vmem>> -> memref<1x128x16xf32, #tpu.memory_space<vmem>>
    %dma_wait3A_82 = tpu.memref_squeeze %dma_wait3A_81 : memref<1x128x16xf32, #tpu.memory_space<vmem>> -> memref<128x16xf32, #tpu.memory_space<vmem>>
    %dma_wait3A_83 = arith.constant 0 : i32
    %dma_wait3A_84 = arith.constant 0 : i32
    %dma_wait3A_85 = tpu.memref_slice %arg4[%dma_wait3A_83, %dma_wait3A_84] : memref<100352x16xf32, #tpu.memory_space<hbm>> -> memref<128x16xf32, #tpu.memory_space<hbm>>
    tpu.wait_dma2 semaphore(%arg14 : memref<!tpu.dma_semaphore, #tpu.memory_space<semaphore_mem>>) src(%dma_wait3A_85 : memref<128x16xf32, #tpu.memory_space<hbm>>) dst(%dma_wait3A_82 : memref<128x16xf32, #tpu.memory_space<vmem>>)
    %dma_wait3A_86 = arith.constant 0 : i32
    %dma_wait3A_87 = arith.constant 0 : i32
    %dma_wait3A_88 = arith.constant 0 : i32
    %dma_wait3A_89 = tpu.memref_slice %arg10[%dma_wait3A_86, %dma_wait3A_87, %dma_wait3A_88] : memref<2x640x16xf32, #tpu.memory_space<vmem>> -> memref<1x128x16xf32, #tpu.memory_space<vmem>>
    %dma_wait3A_90 = tpu.memref_squeeze %dma_wait3A_89 : memref<1x128x16xf32, #tpu.memory_space<vmem>> -> memref<128x16xf32, #tpu.memory_space<vmem>>
    %dma_wait3A_91 = arith.constant 0 : i32
    %dma_wait3A_92 = arith.constant 0 : i32
    %dma_wait3A_93 = tpu.memref_slice %arg4[%dma_wait3A_91, %dma_wait3A_92] : memref<100352x16xf32, #tpu.memory_space<hbm>> -> memref<128x16xf32, #tpu.memory_space<hbm>>
    %dma_wait3A_94 = arith.constant 0 : i32
    %dma_wait3A_95 = arith.constant 0 : i32
    %dma_wait3A_96 = tpu.memref_slice %arg10[%dma_wait3A_86, %dma_wait3A_94, %dma_wait3A_95] : memref<2x640x16xf32, #tpu.memory_space<vmem>> -> memref<1x128x16xf32, #tpu.memory_space<vmem>>
    %dma_wait3A_97 = tpu.memref_squeeze %dma_wait3A_96 : memref<1x128x16xf32, #tpu.memory_space<vmem>> -> memref<128x16xf32, #tpu.memory_space<vmem>>
    %dma_wait3A_98 = arith.constant 0 : i32
    %dma_wait3A_99 = arith.constant 0 : i32
    %dma_wait3A_100 = tpu.memref_slice %arg4[%dma_wait3A_98, %dma_wait3A_99] : memref<100352x16xf32, #tpu.memory_space<hbm>> -> memref<128x16xf32, #tpu.memory_space<hbm>>
    tpu.wait_dma2 semaphore(%arg14 : memref<!tpu.dma_semaphore, #tpu.memory_space<semaphore_mem>>) src(%dma_wait3A_100 : memref<128x16xf32, #tpu.memory_space<hbm>>) dst(%dma_wait3A_97 : memref<128x16xf32, #tpu.memory_space<vmem>>)
    %barrier3A_101 = arith.constant 0 : index
    tpu.barrier barrier_id(%barrier3A_101)
    %eq3A_102 = arith.constant 0 : i32
    %eq3A_103 = arith.cmpi eq, %arg0, %eq3A_102 : i32
    %convert_element_type3A_104 = arith.extui %eq3A_103 : i1 to i32
    %cond3A_105 = arith.constant 0 : i32
    %cond3A_106 = arith.cmpi ne, %convert_element_type3A_104, %cond3A_105 : i32
    scf.if %cond3A_106 {
      "tpu.region"() ({
        %run_scoped3A_112 = tpu.sem_alloc : memref<!tpu.dma_semaphore, #tpu.memory_space<semaphore_mem>>
        %dma_start3A = arith.constant 0 : i32
        %dma_start3A_113 = tpu.memref_slice %arg6[%mul3A_0, %dma_start3A] : memref<100352x16xf32, #tpu.memory_space<hbm>> -> memref<6272x16xf32, #tpu.memory_space<hbm>>
        %dma_start3A_114 = arith.constant 0 : i32
        %dma_start3A_115 = tpu.memref_slice %arg17[%mul3A_0, %dma_start3A_114] : memref<100352x16xf32, #tpu.memory_space<vmem_shared>> -> memref<6272x16xf32, #tpu.memory_space<vmem_shared>>
        tpu.enqueue_dma source(%dma_start3A_115 : memref<6272x16xf32, #tpu.memory_space<vmem_shared>>) target(%dma_start3A_113 : memref<6272x16xf32, #tpu.memory_space<hbm>>) target_semaphore(%run_scoped3A_112 : memref<!tpu.dma_semaphore, #tpu.memory_space<semaphore_mem>>)
        %dma_wait3A_116 = arith.constant 0 : i32
        %dma_wait3A_117 = tpu.memref_slice %arg6[%mul3A_0, %dma_wait3A_116] : memref<100352x16xf32, #tpu.memory_space<hbm>> -> memref<6272x16xf32, #tpu.memory_space<hbm>>
        %dma_wait3A_118 = arith.constant 0 : i32
        %dma_wait3A_119 = tpu.memref_slice %arg17[%mul3A_0, %dma_wait3A_118] : memref<100352x16xf32, #tpu.memory_space<vmem_shared>> -> memref<6272x16xf32, #tpu.memory_space<vmem_shared>>
        tpu.wait_dma2 semaphore(%run_scoped3A_112 : memref<!tpu.dma_semaphore, #tpu.memory_space<semaphore_mem>>) src(%dma_wait3A_119 : memref<6272x16xf32, #tpu.memory_space<vmem_shared>>) dst(%dma_wait3A_117 : memref<6272x16xf32, #tpu.memory_space<hbm>>)
        tpu.yield
      }) : () -> ()
    } else {
    }
    %eq3A_107 = arith.constant 1 : i32
    %eq3A_108 = arith.cmpi eq, %arg0, %eq3A_107 : i32
    %convert_element_type3A_109 = arith.extui %eq3A_108 : i1 to i32
    %cond3A_110 = arith.constant 0 : i32
    %cond3A_111 = arith.cmpi ne, %convert_element_type3A_109, %cond3A_110 : i32
    scf.if %cond3A_111 {
      "tpu.region"() ({
        %run_scoped3A_112 = tpu.sem_alloc : memref<!tpu.dma_semaphore, #tpu.memory_space<semaphore_mem>>
        %dma_start3A = arith.constant 0 : i32
        %dma_start3A_113 = tpu.memref_slice %arg7[%mul3A_0, %dma_start3A] : memref<100352x16xf32, #tpu.memory_space<hbm>> -> memref<6272x16xf32, #tpu.memory_space<hbm>>
        %dma_start3A_114 = arith.constant 0 : i32
        %dma_start3A_115 = tpu.memref_slice %arg17[%mul3A_0, %dma_start3A_114] : memref<100352x16xf32, #tpu.memory_space<vmem_shared>> -> memref<6272x16xf32, #tpu.memory_space<vmem_shared>>
        tpu.enqueue_dma source(%dma_start3A_115 : memref<6272x16xf32, #tpu.memory_space<vmem_shared>>) target(%dma_start3A_113 : memref<6272x16xf32, #tpu.memory_space<hbm>>) target_semaphore(%run_scoped3A_112 : memref<!tpu.dma_semaphore, #tpu.memory_space<semaphore_mem>>)
        %dma_wait3A_116 = arith.constant 0 : i32
        %dma_wait3A_117 = tpu.memref_slice %arg7[%mul3A_0, %dma_wait3A_116] : memref<100352x16xf32, #tpu.memory_space<hbm>> -> memref<6272x16xf32, #tpu.memory_space<hbm>>
        %dma_wait3A_118 = arith.constant 0 : i32
        %dma_wait3A_119 = tpu.memref_slice %arg17[%mul3A_0, %dma_wait3A_118] : memref<100352x16xf32, #tpu.memory_space<vmem_shared>> -> memref<6272x16xf32, #tpu.memory_space<vmem_shared>>
        tpu.wait_dma2 semaphore(%run_scoped3A_112 : memref<!tpu.dma_semaphore, #tpu.memory_space<semaphore_mem>>) src(%dma_wait3A_119 : memref<6272x16xf32, #tpu.memory_space<vmem_shared>>) dst(%dma_wait3A_117 : memref<6272x16xf32, #tpu.memory_space<hbm>>)
        tpu.yield
      }) : () -> ()
    } else {
    }
    return
  }
}

module attributes {stable_mosaic.version = 14 : i64} {
  func.func @_prep_body(%arg0: i32, %arg1: memref<2x1024xf32, #tpu.memory_space<vmem>>, %arg2: memref<1024x32xf32, #tpu.memory_space<vmem>>, %arg3: memref<1024x16xf32, #tpu.memory_space<vmem>>, %arg4: memref<1024x16xf32, #tpu.memory_space<vmem>>) attributes {dimension_semantics = [#tpu.dimension_semantics<arbitrary>], iteration_bounds = array<i64: 98>, scalar_prefetch = 0 : i64, scratch_operands = 0 : i64, tpu.core_type = #tpu.core_type<tc>, window_params = [{transform_indices = @transform_0, window_bounds = array<i64: 2, 1024>}, {transform_indices = @transform_1, window_bounds = array<i64: 1024, 32>}, {transform_indices = @transform_2, window_bounds = array<i64: 1024, 16>}, {transform_indices = @transform_3, window_bounds = array<i64: 1024, 16>}]} {
    %get3A = arith.constant 0 : index
    %get3A_0 = arith.constant 0 : index
    %get3A_1 = vector.load %arg1[%get3A, %get3A_0] : memref<2x1024xf32, #tpu.memory_space<vmem>>, vector<1x1024xf32>
    %get3A_2 = vector.shape_cast %get3A_1 : vector<1x1024xf32> to vector<1024xf32>
    %get3A_3 = arith.constant 1 : index
    %get3A_4 = arith.constant 0 : index
    %get3A_5 = vector.load %arg1[%get3A_3, %get3A_4] : memref<2x1024xf32, #tpu.memory_space<vmem>>, vector<1x1024xf32>
    %get3A_6 = vector.shape_cast %get3A_5 : vector<1x1024xf32> to vector<1024xf32>
    %add3A = arith.addf %get3A_2, %get3A_6 : vector<1024xf32>
    %add3A_7 = arith.constant 1.000000e+00 : f32
    %add3A_8 = vector.broadcast %add3A_7 : f32 to vector<1024xf32>
    %add3A_9 = arith.addf %add3A, %add3A_8 : vector<1024xf32>
    %rsqrt3A = math.rsqrt %add3A_9 : vector<1024xf32>
    %mul3A = arith.constant 5.000000e-01 : f32
    %mul3A_10 = vector.broadcast %mul3A : f32 to vector<1024xf32>
    %mul3A_11 = arith.mulf %mul3A_10, %add3A_9 : vector<1024xf32>
    %mul3A_12 = arith.mulf %mul3A_11, %rsqrt3A : vector<1024xf32>
    %mul3A_13 = arith.mulf %mul3A_12, %rsqrt3A : vector<1024xf32>
    %sub3A = arith.constant 1.500000e+00 : f32
    %sub3A_14 = vector.broadcast %sub3A : f32 to vector<1024xf32>
    %sub3A_15 = arith.subf %sub3A_14, %mul3A_13 : vector<1024xf32>
    %mul3A_16 = arith.mulf %rsqrt3A, %sub3A_15 : vector<1024xf32>
    %get3A_17 = arith.constant 0 : index
    %get3A_18 = arith.constant 0 : index
    %get3A_19 = vector.load %arg2[%get3A_17, %get3A_18] : memref<1024x32xf32, #tpu.memory_space<vmem>>, vector<1024x32xf32>
    %broadcast_in_dim3A = vector.shape_cast %mul3A_16 : vector<1024xf32> to vector<1024x1xf32>
    %mul3A_20 = vector.broadcast %broadcast_in_dim3A : vector<1024x1xf32> to vector<1024x32xf32>
    %mul3A_21 = arith.mulf %get3A_19, %mul3A_20 : vector<1024x32xf32>
    %slice3A = vector.extract_strided_slice %mul3A_21 {offsets = [0, 0], sizes = [1024, 16], strides = [1, 1]} : vector<1024x32xf32> to vector<1024x16xf32>
    %swap3A = arith.constant 0 : index
    %swap3A_22 = arith.constant 0 : index
    %swap3A_23 = vector.load %arg3[%swap3A, %swap3A_22] : memref<1024x16xf32, #tpu.memory_space<vmem>>, vector<1024x16xf32>
    tpu.vector_store %arg3[%swap3A, %swap3A_22], %slice3A {strides = array<i32>} : memref<1024x16xf32, #tpu.memory_space<vmem>>, vector<1024x16xf32>,
    %slice3A_24 = vector.extract_strided_slice %mul3A_21 {offsets = [0, 16], sizes = [1024, 16], strides = [1, 1]} : vector<1024x32xf32> to vector<1024x16xf32>
    %swap3A_25 = arith.constant 0 : index
    %swap3A_26 = arith.constant 0 : index
    %swap3A_27 = vector.load %arg4[%swap3A_25, %swap3A_26] : memref<1024x16xf32, #tpu.memory_space<vmem>>, vector<1024x16xf32>
    tpu.vector_store %arg4[%swap3A_25, %swap3A_26], %slice3A_24 {strides = array<i32>} : memref<1024x16xf32, #tpu.memory_space<vmem>>, vector<1024x16xf32>,
    return
  }
  func.func @transform_0(%arg0: i32) -> (i32, i32) {
    %c0_i32 = arith.constant 0 : i32
    %c0_i32_0 = arith.constant 0 : i32
    return %c0_i32, %arg0 : i32, i32
  }
  func.func @transform_1(%arg0: i32) -> (i32, i32) {
    %c0_i32 = arith.constant 0 : i32
    %c0_i32_0 = arith.constant 0 : i32
    return %arg0, %c0_i32 : i32, i32
  }
  func.func @transform_2(%arg0: i32) -> (i32, i32) {
    %c0_i32 = arith.constant 0 : i32
    %c0_i32_0 = arith.constant 0 : i32
    return %arg0, %c0_i32 : i32, i32
  }
  func.func @transform_3(%arg0: i32) -> (i32, i32) {
    %c0_i32 = arith.constant 0 : i32
    %c0_i32_0 = arith.constant 0 : i32
    return %arg0, %c0_i32 : i32, i32
  }
}

module attributes {stable_mosaic.version = 14 : i64} {
  func.func @_l1_body(%arg0: i32, %arg1: memref<1024x16xf32, #tpu.memory_space<vmem>>, %arg2: memref<1024x16xf32, #tpu.memory_space<vmem>>, %arg3: memref<2x1024xf32, #tpu.memory_space<vmem>>, %arg4: memref<16x64xf32, #tpu.memory_space<vmem>>, %arg5: memref<16x64xf32, #tpu.memory_space<vmem>>, %arg6: memref<1x64xf32, #tpu.memory_space<vmem>>, %arg7: memref<64x32xf32, #tpu.memory_space<vmem>>, %arg8: memref<1024x16xf32, #tpu.memory_space<vmem>>, %arg9: memref<1024x16xf32, #tpu.memory_space<vmem>>) attributes {dimension_semantics = [#tpu.dimension_semantics<arbitrary>], iteration_bounds = array<i64: 98>, scalar_prefetch = 0 : i64, scratch_operands = 0 : i64, tpu.core_type = #tpu.core_type<tc>, window_params = [{transform_indices = @transform_0, window_bounds = array<i64: 1024, 16>}, {transform_indices = @transform_1, window_bounds = array<i64: 1024, 16>}, {transform_indices = @transform_2, window_bounds = array<i64: 2, 1024>}, {pipeline_mode = #tpu.pipeline_mode<synchronous>, transform_indices = @transform_3, window_bounds = array<i64: 16, 64>}, {pipeline_mode = #tpu.pipeline_mode<synchronous>, transform_indices = @transform_4, window_bounds = array<i64: 16, 64>}, {pipeline_mode = #tpu.pipeline_mode<synchronous>, transform_indices = @transform_5, window_bounds = array<i64: 1, 64>}, {pipeline_mode = #tpu.pipeline_mode<synchronous>, transform_indices = @transform_6, window_bounds = array<i64: 64, 32>}, {transform_indices = @transform_7, window_bounds = array<i64: 1024, 16>}, {transform_indices = @transform_8, window_bounds = array<i64: 1024, 16>}]} {
    %get3A = arith.constant 0 : index
    %get3A_0 = arith.constant 0 : index
    %get3A_1 = vector.load %arg3[%get3A, %get3A_0] : memref<2x1024xf32, #tpu.memory_space<vmem>>, vector<1x1024xf32>
    %get3A_2 = vector.shape_cast %get3A_1 : vector<1x1024xf32> to vector<1024xf32>
    %get3A_3 = arith.constant 1 : index
    %get3A_4 = arith.constant 0 : index
    %get3A_5 = vector.load %arg3[%get3A_3, %get3A_4] : memref<2x1024xf32, #tpu.memory_space<vmem>>, vector<1x1024xf32>
    %get3A_6 = vector.shape_cast %get3A_5 : vector<1x1024xf32> to vector<1024xf32>
    %add3A = arith.addf %get3A_2, %get3A_6 : vector<1024xf32>
    %add3A_7 = arith.constant 1.000000e+00 : f32
    %add3A_8 = vector.broadcast %add3A_7 : f32 to vector<1024xf32>
    %add3A_9 = arith.addf %add3A, %add3A_8 : vector<1024xf32>
    %rsqrt3A = math.rsqrt %add3A_9 : vector<1024xf32>
    %mul3A = arith.constant 5.000000e-01 : f32
    %mul3A_10 = vector.broadcast %mul3A : f32 to vector<1024xf32>
    %mul3A_11 = arith.mulf %mul3A_10, %add3A_9 : vector<1024xf32>
    %mul3A_12 = arith.mulf %mul3A_11, %rsqrt3A : vector<1024xf32>
    %mul3A_13 = arith.mulf %mul3A_12, %rsqrt3A : vector<1024xf32>
    %sub3A = arith.constant 1.500000e+00 : f32
    %sub3A_14 = vector.broadcast %sub3A : f32 to vector<1024xf32>
    %sub3A_15 = arith.subf %sub3A_14, %mul3A_13 : vector<1024xf32>
    %mul3A_16 = arith.mulf %rsqrt3A, %sub3A_15 : vector<1024xf32>
    %broadcast_in_dim3A = vector.shape_cast %mul3A_16 : vector<1024xf32> to vector<1024x1xf32>
    %get3A_17 = arith.constant 0 : index
    %get3A_18 = arith.constant 0 : index
    %get3A_19 = vector.load %arg1[%get3A_17, %get3A_18] : memref<1024x16xf32, #tpu.memory_space<vmem>>, vector<1024x16xf32>
    %mul3A_20 = vector.broadcast %broadcast_in_dim3A : vector<1024x1xf32> to vector<1024x16xf32>
    %mul3A_21 = arith.mulf %get3A_19, %mul3A_20 : vector<1024x16xf32>
    %get3A_22 = arith.constant 0 : index
    %get3A_23 = arith.constant 0 : index
    %get3A_24 = vector.load %arg4[%get3A_22, %get3A_23] : memref<16x64xf32, #tpu.memory_space<vmem>>, vector<16x64xf32>
    %dot_general3A = arith.constant dense<0.000000e+00> : vector<1024x64xf32>
    %dot_general3A_25 = tpu.matmul %mul3A_21, %get3A_24, %dot_general3A {dimension_numbers = #tpu.dot_dimension_numbers<[1], [0], [0], [1], [0, 0, 1, 1], [], []>, precision = #tpu.contract_precision<fp32>, transpose_lhs_hint = false} : vector<1024x16xf32>, vector<16x64xf32>, vector<1024x64xf32> -> vector<1024x64xf32>
    %get3A_26 = arith.constant 0 : index
    %get3A_27 = arith.constant 0 : index
    %get3A_28 = vector.load %arg2[%get3A_26, %get3A_27] : memref<1024x16xf32, #tpu.memory_space<vmem>>, vector<1024x16xf32>
    %mul3A_29 = vector.broadcast %broadcast_in_dim3A : vector<1024x1xf32> to vector<1024x16xf32>
    %mul3A_30 = arith.mulf %get3A_28, %mul3A_29 : vector<1024x16xf32>
    %get3A_31 = arith.constant 0 : index
    %get3A_32 = arith.constant 0 : index
    %get3A_33 = vector.load %arg5[%get3A_31, %get3A_32] : memref<16x64xf32, #tpu.memory_space<vmem>>, vector<16x64xf32>
    %dot_general3A_34 = arith.constant dense<0.000000e+00> : vector<1024x64xf32>
    %dot_general3A_35 = tpu.matmul %mul3A_30, %get3A_33, %dot_general3A_34 {dimension_numbers = #tpu.dot_dimension_numbers<[1], [0], [0], [1], [0, 0, 1, 1], [], []>, precision = #tpu.contract_precision<fp32>, transpose_lhs_hint = false} : vector<1024x16xf32>, vector<16x64xf32>, vector<1024x64xf32> -> vector<1024x64xf32>
    %add3A_36 = arith.addf %dot_general3A_25, %dot_general3A_35 : vector<1024x64xf32>
    %get3A_37 = arith.constant 0 : index
    %get3A_38 = arith.constant 0 : index
    %get3A_39 = vector.load %arg6[%get3A_37, %get3A_38] : memref<1x64xf32, #tpu.memory_space<vmem>>, vector<1x64xf32>
    %add3A_40 = vector.broadcast %get3A_39 : vector<1x64xf32> to vector<1024x64xf32>
    %add3A_41 = arith.addf %add3A_36, %add3A_40 : vector<1024x64xf32>
    %max3A = arith.constant 0.000000e+00 : f32
    %max3A_42 = vector.broadcast %max3A : f32 to vector<1024x64xf32>
    %max3A_43 = arith.maximumf %add3A_41, %max3A_42 : vector<1024x64xf32>
    %get3A_44 = arith.constant 0 : index
    %get3A_45 = arith.constant 0 : index
    %get3A_46 = vector.load %arg7[%get3A_44, %get3A_45] : memref<64x32xf32, #tpu.memory_space<vmem>>, vector<64x32xf32>
    %dot_general3A_47 = arith.constant dense<0.000000e+00> : vector<1024x32xf32>
    %dot_general3A_48 = tpu.matmul %max3A_43, %get3A_46, %dot_general3A_47 {dimension_numbers = #tpu.dot_dimension_numbers<[1], [0], [0], [1], [0, 0, 1, 1], [], []>, precision = #tpu.contract_precision<fp32>, transpose_lhs_hint = false} : vector<1024x64xf32>, vector<64x32xf32>, vector<1024x32xf32> -> vector<1024x32xf32>
    %mul3A_49 = vector.broadcast %broadcast_in_dim3A : vector<1024x1xf32> to vector<1024x32xf32>
    %mul3A_50 = arith.mulf %dot_general3A_48, %mul3A_49 : vector<1024x32xf32>
    %slice3A = vector.extract_strided_slice %mul3A_50 {offsets = [0, 0], sizes = [1024, 16], strides = [1, 1]} : vector<1024x32xf32> to vector<1024x16xf32>
    %swap3A = arith.constant 0 : index
    %swap3A_51 = arith.constant 0 : index
    %swap3A_52 = vector.load %arg8[%swap3A, %swap3A_51] : memref<1024x16xf32, #tpu.memory_space<vmem>>, vector<1024x16xf32>
    tpu.vector_store %arg8[%swap3A, %swap3A_51], %slice3A {strides = array<i32>} : memref<1024x16xf32, #tpu.memory_space<vmem>>, vector<1024x16xf32>,
    %slice3A_53 = vector.extract_strided_slice %mul3A_50 {offsets = [0, 16], sizes = [1024, 16], strides = [1, 1]} : vector<1024x32xf32> to vector<1024x16xf32>
    %swap3A_54 = arith.constant 0 : index
    %swap3A_55 = arith.constant 0 : index
    %swap3A_56 = vector.load %arg9[%swap3A_54, %swap3A_55] : memref<1024x16xf32, #tpu.memory_space<vmem>>, vector<1024x16xf32>
    tpu.vector_store %arg9[%swap3A_54, %swap3A_55], %slice3A_53 {strides = array<i32>} : memref<1024x16xf32, #tpu.memory_space<vmem>>, vector<1024x16xf32>,
    return
  }
  func.func @transform_0(%arg0: i32) -> (i32, i32) {
    %c0_i32 = arith.constant 0 : i32
    %c0_i32_0 = arith.constant 0 : i32
    return %arg0, %c0_i32 : i32, i32
  }
  func.func @transform_1(%arg0: i32) -> (i32, i32) {
    %c0_i32 = arith.constant 0 : i32
    %c0_i32_0 = arith.constant 0 : i32
    return %arg0, %c0_i32 : i32, i32
  }
  func.func @transform_2(%arg0: i32) -> (i32, i32) {
    %c0_i32 = arith.constant 0 : i32
    %c0_i32_0 = arith.constant 0 : i32
    return %c0_i32, %arg0 : i32, i32
  }
  func.func @transform_3(%arg0: i32) -> (i32, i32) {
    %c0_i32 = arith.constant 0 : i32
    %c0_i32_0 = arith.constant 0 : i32
    %c0_i32_1 = arith.constant 0 : i32
    return %c0_i32, %c0_i32_0 : i32, i32
  }
  func.func @transform_4(%arg0: i32) -> (i32, i32) {
    %c0_i32 = arith.constant 0 : i32
    %c0_i32_0 = arith.constant 0 : i32
    %c0_i32_1 = arith.constant 0 : i32
    return %c0_i32, %c0_i32_0 : i32, i32
  }
  func.func @transform_5(%arg0: i32) -> (i32, i32) {
    %c0_i32 = arith.constant 0 : i32
    %c0_i32_0 = arith.constant 0 : i32
    %c0_i32_1 = arith.constant 0 : i32
    return %c0_i32, %c0_i32_0 : i32, i32
  }
  func.func @transform_6(%arg0: i32) -> (i32, i32) {
    %c0_i32 = arith.constant 0 : i32
    %c0_i32_0 = arith.constant 0 : i32
    %c0_i32_1 = arith.constant 0 : i32
    return %c0_i32, %c0_i32_0 : i32, i32
  }
  func.func @transform_7(%arg0: i32) -> (i32, i32) {
    %c0_i32 = arith.constant 0 : i32
    %c0_i32_0 = arith.constant 0 : i32
    return %arg0, %c0_i32 : i32, i32
  }
  func.func @transform_8(%arg0: i32) -> (i32, i32) {
    %c0_i32 = arith.constant 0 : i32
    %c0_i32_0 = arith.constant 0 : i32
    return %arg0, %c0_i32 : i32, i32
  }
}

module attributes {stable_mosaic.version = 14 : i64} {
  func.func @_head_body(%arg0: i32, %arg1: memref<1024x16xf32, #tpu.memory_space<vmem>>, %arg2: memref<1024x16xf32, #tpu.memory_space<vmem>>, %arg3: memref<2x1024xf32, #tpu.memory_space<vmem>>, %arg4: memref<1x16xf32, #tpu.memory_space<vmem>>, %arg5: memref<1x16xf32, #tpu.memory_space<vmem>>, %arg6: memref<16x1xf32, #tpu.memory_space<vmem>>, %arg7: memref<16x1xf32, #tpu.memory_space<vmem>>, %arg8: memref<1x1xf32, #tpu.memory_space<vmem>>, %arg9: memref<1024xf32, #tpu.memory_space<vmem>>) attributes {dimension_semantics = [#tpu.dimension_semantics<arbitrary>], iteration_bounds = array<i64: 98>, scalar_prefetch = 0 : i64, scratch_operands = 0 : i64, tpu.core_type = #tpu.core_type<tc>, window_params = [{transform_indices = @transform_0, window_bounds = array<i64: 1024, 16>}, {transform_indices = @transform_1, window_bounds = array<i64: 1024, 16>}, {transform_indices = @transform_2, window_bounds = array<i64: 2, 1024>}, {pipeline_mode = #tpu.pipeline_mode<synchronous>, transform_indices = @transform_3, window_bounds = array<i64: 1, 16>}, {pipeline_mode = #tpu.pipeline_mode<synchronous>, transform_indices = @transform_4, window_bounds = array<i64: 1, 16>}, {pipeline_mode = #tpu.pipeline_mode<synchronous>, transform_indices = @transform_5, window_bounds = array<i64: 16, 1>}, {pipeline_mode = #tpu.pipeline_mode<synchronous>, transform_indices = @transform_6, window_bounds = array<i64: 16, 1>}, {pipeline_mode = #tpu.pipeline_mode<synchronous>, transform_indices = @transform_7, window_bounds = array<i64: 1, 1>}, {transform_indices = @transform_8, window_bounds = array<i64: 1024>}]} {
    %get3A = arith.constant 0 : index
    %get3A_0 = arith.constant 0 : index
    %get3A_1 = vector.load %arg3[%get3A, %get3A_0] : memref<2x1024xf32, #tpu.memory_space<vmem>>, vector<1x1024xf32>
    %get3A_2 = vector.shape_cast %get3A_1 : vector<1x1024xf32> to vector<1024xf32>
    %get3A_3 = arith.constant 1 : index
    %get3A_4 = arith.constant 0 : index
    %get3A_5 = vector.load %arg3[%get3A_3, %get3A_4] : memref<2x1024xf32, #tpu.memory_space<vmem>>, vector<1x1024xf32>
    %get3A_6 = vector.shape_cast %get3A_5 : vector<1x1024xf32> to vector<1024xf32>
    %add3A = arith.addf %get3A_2, %get3A_6 : vector<1024xf32>
    %add3A_7 = arith.constant 1.000000e+00 : f32
    %add3A_8 = vector.broadcast %add3A_7 : f32 to vector<1024xf32>
    %add3A_9 = arith.addf %add3A, %add3A_8 : vector<1024xf32>
    %rsqrt3A = math.rsqrt %add3A_9 : vector<1024xf32>
    %mul3A = arith.constant 5.000000e-01 : f32
    %mul3A_10 = vector.broadcast %mul3A : f32 to vector<1024xf32>
    %mul3A_11 = arith.mulf %mul3A_10, %add3A_9 : vector<1024xf32>
    %mul3A_12 = arith.mulf %mul3A_11, %rsqrt3A : vector<1024xf32>
    %mul3A_13 = arith.mulf %mul3A_12, %rsqrt3A : vector<1024xf32>
    %sub3A = arith.constant 1.500000e+00 : f32
    %sub3A_14 = vector.broadcast %sub3A : f32 to vector<1024xf32>
    %sub3A_15 = arith.subf %sub3A_14, %mul3A_13 : vector<1024xf32>
    %mul3A_16 = arith.mulf %rsqrt3A, %sub3A_15 : vector<1024xf32>
    %broadcast_in_dim3A = vector.shape_cast %mul3A_16 : vector<1024xf32> to vector<1024x1xf32>
    %get3A_17 = arith.constant 0 : index
    %get3A_18 = arith.constant 0 : index
    %get3A_19 = vector.load %arg1[%get3A_17, %get3A_18] : memref<1024x16xf32, #tpu.memory_space<vmem>>, vector<1024x16xf32>
    %mul3A_20 = vector.broadcast %broadcast_in_dim3A : vector<1024x1xf32> to vector<1024x16xf32>
    %mul3A_21 = arith.mulf %get3A_19, %mul3A_20 : vector<1024x16xf32>
    %get3A_22 = arith.constant 0 : index
    %get3A_23 = arith.constant 0 : index
    %get3A_24 = vector.load %arg4[%get3A_22, %get3A_23] : memref<1x16xf32, #tpu.memory_space<vmem>>, vector<1x16xf32>
    %add3A_25 = vector.broadcast %get3A_24 : vector<1x16xf32> to vector<1024x16xf32>
    %add3A_26 = arith.addf %mul3A_21, %add3A_25 : vector<1024x16xf32>
    %max3A = arith.constant 0.000000e+00 : f32
    %max3A_27 = vector.broadcast %max3A : f32 to vector<1024x16xf32>
    %max3A_28 = arith.maximumf %add3A_26, %max3A_27 : vector<1024x16xf32>
    %get3A_29 = arith.constant 0 : index
    %get3A_30 = arith.constant 0 : index
    %get3A_31 = vector.load %arg2[%get3A_29, %get3A_30] : memref<1024x16xf32, #tpu.memory_space<vmem>>, vector<1024x16xf32>
    %mul3A_32 = vector.broadcast %broadcast_in_dim3A : vector<1024x1xf32> to vector<1024x16xf32>
    %mul3A_33 = arith.mulf %get3A_31, %mul3A_32 : vector<1024x16xf32>
    %get3A_34 = arith.constant 0 : index
    %get3A_35 = arith.constant 0 : index
    %get3A_36 = vector.load %arg5[%get3A_34, %get3A_35] : memref<1x16xf32, #tpu.memory_space<vmem>>, vector<1x16xf32>
    %add3A_37 = vector.broadcast %get3A_36 : vector<1x16xf32> to vector<1024x16xf32>
    %add3A_38 = arith.addf %mul3A_33, %add3A_37 : vector<1024x16xf32>
    %max3A_39 = arith.constant 0.000000e+00 : f32
    %max3A_40 = vector.broadcast %max3A_39 : f32 to vector<1024x16xf32>
    %max3A_41 = arith.maximumf %add3A_38, %max3A_40 : vector<1024x16xf32>
    %get3A_42 = arith.constant 0 : index
    %get3A_43 = arith.constant 0 : index
    %get3A_44 = vector.load %arg6[%get3A_42, %get3A_43] : memref<16x1xf32, #tpu.memory_space<vmem>>, vector<16x1xf32>
    %dot_general3A = arith.constant dense<0.000000e+00> : vector<1024x1xf32>
    %dot_general3A_45 = tpu.matmul %max3A_28, %get3A_44, %dot_general3A {dimension_numbers = #tpu.dot_dimension_numbers<[1], [0], [0], [1], [0, 0, 1, 1], [], []>, precision = #tpu.contract_precision<fp32>, transpose_lhs_hint = false} : vector<1024x16xf32>, vector<16x1xf32>, vector<1024x1xf32> -> vector<1024x1xf32>
    %get3A_46 = arith.constant 0 : index
    %get3A_47 = arith.constant 0 : index
    %get3A_48 = vector.load %arg7[%get3A_46, %get3A_47] : memref<16x1xf32, #tpu.memory_space<vmem>>, vector<16x1xf32>
    %dot_general3A_49 = arith.constant dense<0.000000e+00> : vector<1024x1xf32>
    %dot_general3A_50 = tpu.matmul %max3A_41, %get3A_48, %dot_general3A_49 {dimension_numbers = #tpu.dot_dimension_numbers<[1], [0], [0], [1], [0, 0, 1, 1], [], []>, precision = #tpu.contract_precision<fp32>, transpose_lhs_hint = false} : vector<1024x16xf32>, vector<16x1xf32>, vector<1024x1xf32> -> vector<1024x1xf32>
    %add3A_51 = arith.addf %dot_general3A_45, %dot_general3A_50 : vector<1024x1xf32>
    %get3A_52 = arith.constant 0 : index
    %get3A_53 = arith.constant 0 : index
    %get3A_54 = vector.load %arg8[%get3A_52, %get3A_53] : memref<1x1xf32, #tpu.memory_space<vmem>>, vector<1x1xf32>
    %add3A_55 = vector.broadcast %get3A_54 : vector<1x1xf32> to vector<1024x1xf32>
    %add3A_56 = arith.addf %add3A_51, %add3A_55 : vector<1024x1xf32>
    %squeeze3A = vector.shape_cast %add3A_56 : vector<1024x1xf32> to vector<1024xf32>
    %swap3A = arith.constant 0 : index
    %swap3A_57 = vector.load %arg9[%swap3A] : memref<1024xf32, #tpu.memory_space<vmem>>, vector<1024xf32>
    tpu.vector_store %arg9[%swap3A], %squeeze3A {strides = array<i32>} : memref<1024xf32, #tpu.memory_space<vmem>>, vector<1024xf32>,
    return
  }
  func.func @transform_0(%arg0: i32) -> (i32, i32) {
    %c0_i32 = arith.constant 0 : i32
    %c0_i32_0 = arith.constant 0 : i32
    return %arg0, %c0_i32 : i32, i32
  }
  func.func @transform_1(%arg0: i32) -> (i32, i32) {
    %c0_i32 = arith.constant 0 : i32
    %c0_i32_0 = arith.constant 0 : i32
    return %arg0, %c0_i32 : i32, i32
  }
  func.func @transform_2(%arg0: i32) -> (i32, i32) {
    %c0_i32 = arith.constant 0 : i32
    %c0_i32_0 = arith.constant 0 : i32
    return %c0_i32, %arg0 : i32, i32
  }
  func.func @transform_3(%arg0: i32) -> (i32, i32) {
    %c0_i32 = arith.constant 0 : i32
    %c0_i32_0 = arith.constant 0 : i32
    %c0_i32_1 = arith.constant 0 : i32
    return %c0_i32, %c0_i32_0 : i32, i32
  }
  func.func @transform_4(%arg0: i32) -> (i32, i32) {
    %c0_i32 = arith.constant 0 : i32
    %c0_i32_0 = arith.constant 0 : i32
    %c0_i32_1 = arith.constant 0 : i32
    return %c0_i32, %c0_i32_0 : i32, i32
  }
  func.func @transform_5(%arg0: i32) -> (i32, i32) {
    %c0_i32 = arith.constant 0 : i32
    %c0_i32_0 = arith.constant 0 : i32
    %c0_i32_1 = arith.constant 0 : i32
    return %c0_i32, %c0_i32_0 : i32, i32
  }
  func.func @transform_6(%arg0: i32) -> (i32, i32) {
    %c0_i32 = arith.constant 0 : i32
    %c0_i32_0 = arith.constant 0 : i32
    %c0_i32_1 = arith.constant 0 : i32
    return %c0_i32, %c0_i32_0 : i32, i32
  }
  func.func @transform_7(%arg0: i32) -> (i32, i32) {
    %c0_i32 = arith.constant 0 : i32
    %c0_i32_0 = arith.constant 0 : i32
    %c0_i32_1 = arith.constant 0 : i32
    return %c0_i32, %c0_i32_0 : i32, i32
  }
  func.func @transform_8(%arg0: i32) -> i32 {
    %c0_i32 = arith.constant 0 : i32
    return %arg0 : i32
  }
}

</mosaic_0001>

<sc_bundles>
// kernel: kernel.11.cloned.1.call-start
scs
__scs_entry_jumppad:
0x0: {  	(pc) =	sbr.rel $0x88, $3  }
0x1: {  	(tag) =	ssettag $0x0;
	lr =	simm.s32 $0x1  }
0x2: {  	[smem:$0x3F99] =	sst lr;
	_ =	strace $0xD0000000  }
0x3: {  	_ = 	snop  }
0x4: {  	_ = 	snop  }
0x5: {  	_ = 	snop  }
0x6: {  	_ = 	snop  }
0x7: {  	_ = 	snop  }
__scs_overlays_trampoline_lowered:
0x8: {  	[smem:$0x3FA8] =	sst s0  }
0x9: {  	[smem:$0x3FA9] =	sst s1  }
0xa: {  	[smem:$0x3FAA] =	sst s2  }
0xb: {  	[smem:$0x3FAB] =	sst s3  }
0xc: {  	[smem:$0x3FAC] =	sst s4  }
0xd: {  	[smem:$0x3FAD] =	sst s5  }
0xe: {  	[smem:$0x3FAE] =	sst s6  }
0xf: {  	[smem:$0x3FAF] =	sst s7  }
0x10: {  	[smem:$0x3FB0] =	sst s8  }
0x11: {  	[smem:$0x3FB1] =	sst s9;
	s0 =	simm.s32 @!p0 $0x0  }
0x12: {  	s1 =	sld [smem:$0x3F97];
	s0 =	simm.s32 @p0 $0x1  }
0x13: {  	[smem:$0x3FB2] =	sst s0;
	s0 =	simm.s32 @!p1 $0x0  }
0x14: {  	s2 =	sld [smem:$0x3F96];
	s0 =	simm.s32 @p1 $0x1  }
0x15: {  	[smem:$0x3FB3] =	sst s0;
	s0 =	simm.s32 @!p2 $0x0  }
0x16: {  	s3 =	sld [smem:$0x3FDB];
	s0 =	simm.s32 @p2 $0x1  }
0x17: {  	s4 =	simm.s32 $0x1BF5;
	[smem:$0x3FB5] =	sst s0  }
0x18: {  	s0 =	sld [smem:$0x3F98];
	_ =	swait.ge [sflag:s4], $0x0  }
0x19: {  	s7 =	sld [smem:$0x3F99]  }
0x1a: {  	s8 =	sadd.s32 $0xFFFFE003, lr  }
0x1b: {  	s9 =	sadd.s32 $0xFFFFFEF7, lr;
	s5 =	simm.s32 $0xFFFFFFFF;
	p2 =	slt.u32 s8, $0xFFFFF086  }
0x1c: {  	p1 =	slt.u32 s9, $0xF7A;
	s5 =	simm.s32 @!p2 $0x0  }
0x1d: {  	s5 =	simm.s32 @p1 $0x1;
	p0 =	seq.s32 s7, s2  }
0x1e: {  	s7 =	smul.u32 @!p0 $0xF7A, s2;
	p2 =	seq.s32 @!p0 s5, $0x0  }
0x1f: {  	s9 =	smul.u32 $0xF7A, s1;
	s8 =	simm.s32 @!p0 $0x1BF5;
	p2 =	por !p2, p0  }
0x20: {  	[sflag:s8] =	ssyncset.s32 @!p0 $0xFFFFF086;
	s6 =	sadd.s32 @!p0 s3, s7;
	s7 =	simm.s32 @!p0 $0x108  }
0x21: {  	s3 =	sadd.s32 s3, s9;
	s6 =	sadd.s32 @!p0 $0x88, s6;
	s7 =	simm.s32 @p2 $0x1082  }
0x22: {  	[simem:s7], [sflag:s8] =	dma.local @!p0 [hbm:s6], $0xF7A  }
0x23: {  	s9 =	sor.u32 $0xD0000000, s2;
	s6 =	simm.s32 $0x108;
	_ =	swait.ge @!p0 [sflag:s8], $0x0  }
0x24: {  	s3 =	sadd.s32 $0x88, s3;
	s6 =	simm.s32 @!p1 $0x1082;
	[sflag:s4] =	ssyncset.s32 $0xFFFFF086  }
0x25: {  	[simem:s6], [sflag:s4] =	dma.local [hbm:s3], $0xF7A  }
0x26: {  	[smem:$0x3F99] =	sst s1;
	(tag) =	ssettag s2;
	_ =	strace s9  }
0x27: {  	s1 =	sld [smem:$0x3FA9]  }
0x28: {  	s2 =	sld [smem:$0x3FAA]  }
0x29: {  	s4 =	sld [smem:$0x3FAC]  }
0x2a: {  	p0 =	seq.s32 s5, $0x0;
	s5 =	sld [smem:$0x3FAD]  }
0x2b: {  	s6 =	sld [smem:$0x3FAE]  }
0x2c: {  	s7 =	sld [smem:$0x3FAF]  }
0x2d: {  	s3 =	simm.s32 $0x108;
	s8 =	sld [smem:$0x3FB0]  }
0x2e: {  	s3 =	simm.s32 @!p0 $0x1082;
	s9 =	sld [smem:$0x3FB1]  }
0x2f: {  	lr =	sadd.s32 s0, s3;
	s0 =	sld [smem:$0x3FA8]  }
0x30: {  	s3 =	sld [smem:$0x3FAB]  }
0x31: {  	[smem:$0x3FB4] =	sst s10  }
0x32: {  	s10 =	sld [smem:$0x3FB2];
	_ =	sdelay $0x3  }
0x33: {  	p0 =	seq.s32 s10, $0x1;
	s10 =	sld [smem:$0x3FB4];
	_ =	sdelay $0x3  }
0x34: {  	[smem:$0x3FB4] =	sst s10  }
0x35: {  	s10 =	sld [smem:$0x3FB3];
	_ =	sdelay $0x3  }
0x36: {  	p1 =	seq.s32 s10, $0x1;
	s10 =	sld [smem:$0x3FB4];
	_ =	sdelay $0x3  }
0x37: {  	[smem:$0x3FB4] =	sst s10  }
0x38: {  	s10 =	sld [smem:$0x3FB5]  }
0x39: {  	_ = 	snop;
	(pc) =	sbr.ind lr, $3  }
0x3a: {  	_ = 	snop  }
0x3b: {  	_ = 	snop  }
0x3c: {  	p2 =	seq.s32 s10, $0x1;
	s10 =	sld [smem:$0x3FB4]  }
0x3d: {  	_ =	shalt  }
0x3e: {  	_ =	shalt  }
0x3f: {  	_ =	shalt  }
0x40: {  	_ =	shalt  }
0x41: {  	_ =	shalt  }
0x42: {  	_ =	shalt  }
0x43: {  	_ =	shalt  }
0x44: {  	_ =	shalt  }
0x45: {  	_ =	shalt  }
0x46: {  	_ =	shalt  }
0x47: {  	_ =	shalt  }
0x48: {  	_ =	shalt  }
0x49: {  	_ =	shalt  }
0x4a: {  	_ =	shalt  }
0x4b: {  	_ =	shalt  }
0x4c: {  	_ =	shalt  }
0x4d: {  	_ =	shalt  }
0x4e: {  	_ =	shalt  }
0x4f: {  	_ =	shalt  }
0x50: {  	_ =	shalt  }
0x51: {  	_ =	shalt  }
0x52: {  	_ =	shalt  }
0x53: {  	_ =	shalt  }
0x54: {  	_ =	shalt  }
0x55: {  	_ =	shalt  }
0x56: {  	_ =	shalt  }
0x57: {  	_ =	shalt  }
0x58: {  	_ =	shalt  }
0x59: {  	_ =	shalt  }
0x5a: {  	_ =	shalt  }
0x5b: {  	_ =	shalt  }
0x5c: {  	_ =	shalt  }
0x5d: {  	_ =	shalt  }
0x5e: {  	_ =	shalt  }
0x5f: {  	_ =	shalt  }
0x60: {  	_ =	shalt  }
0x61: {  	_ =	shalt  }
0x62: {  	_ =	shalt  }
0x63: {  	_ =	shalt  }
0x64: {  	_ =	shalt  }
0x65: {  	_ =	shalt  }
0x66: {  	_ =	shalt  }
0x67: {  	_ =	shalt  }
0x68: {  	_ =	shalt  }
0x69: {  	_ =	shalt  }
0x6a: {  	_ =	shalt  }
0x6b: {  	_ =	shalt  }
0x6c: {  	_ =	shalt  }
0x6d: {  	_ =	shalt  }
0x6e: {  	_ =	shalt  }
0x6f: {  	_ =	shalt  }
0x70: {  	_ =	shalt  }
0x71: {  	_ =	shalt  }
0x72: {  	_ =	shalt  }
0x73: {  	_ =	shalt  }
0x74: {  	_ =	shalt  }
0x75: {  	_ =	shalt  }
0x76: {  	_ =	shalt  }
0x77: {  	_ =	shalt  }
0x78: {  	_ =	shalt  }
0x79: {  	_ =	shalt  }
0x7a: {  	_ =	shalt  }
0x7b: {  	_ =	shalt  }
0x7c: {  	_ =	shalt  }
0x7d: {  	_ =	shalt  }
0x7e: {  	_ =	shalt  }
0x7f: {  	_ =	shalt  }
0x80: {  	_ =	shalt  }
0x81: {  	_ =	shalt  }
0x82: {  	_ =	shalt  }
0x83: {  	_ =	shalt  }
0x84: {  	_ =	shalt  }
0x85: {  	_ =	shalt  }
0x86: {  	_ =	shalt  }
0x87: {  	_ =	shalt  }
.Lfunc_end0:
.L_simem_size_0:
called_computation.1_lowered:
.L_overlay_start_0:
0x88: {  	s2 =	sld [smem:$0x3FD9]  }
0x89: {  	s3 =	sld [smem:$0x3FFE];
	_ =	sdelay $0x1  }
0x8a: {  	s1 =	srdreg.scid  }
0x8b: {  	s0 =	sand.u32 $0x1, s1  }
0x8c: {  	s16 =	sshll.u32 s0, $0xA;
	s2 =	sadd.s32 s3, s2  }
0x8d: {  	s2 =	sadd.s32 s2, s16  }
0x8e: {  	[smem:$0x3FC0] =	sst s2  }
0x8f: {  	_ = 	snop  }
0x90: {  	(tm) =	ssettm $0x1  }
0x91: {  	s17 =	sld [smem:$0x3FFB];
	_ =	sdelay $0x3  }
0x92: {  	_ =	strace s17  }
0x93: {  	s2 =	sld [smem:$0x3FFC];
	_ =	sdelay $0x3  }
0x94: {  	_ =	strace s2  }
0x95: {  	s2 =	sld [smem:$0x3FFD];
	_ =	sdelay $0x3  }
0x96: {  	_ =	strace s2  }
0x97: {  	_ =	strace $0x8FFFFFFF  }
0x98: {  	s18 =	sld [smem:$0x3FDB];
	_ =	sdelay $0x1  }
0x99: {  	s19 =	simm.s32 $_scs_section_size  }
0x9a: {  	s4 =	simm.s32 $_size__tile_overlayer_lowered;
	s5 =	simm.s32 $_tile_overlayer_lowered  }
0x9b: {  	s22 =	simm.s32 $0x1BFF;
	s21 =	sshll.u32 s5, $0x1;
	s2 =	sadd.s32 s19, s18  }
0x9c: {  	s6 =	simm.s32 $0x0;
	s20 =	sshll.u32 s4, $0x1;
	s4 =	sadd.s32 s21, s2  }
0x9d: {  	[timem:s6], [sflag:s22] =	dma.local [hbm:s4], s20  }
0x9e: {  	_ =	swait.ge [sflag:s22], s20  }
0x9f: {  	s3 =	ssub.s32 $0x0, s20;
	[sflag:s22] =	ssyncset.done $0x0  }
0xa0: {  	[sflag:s22] =	ssyncadd.s32 s3;
	_ =	sdelay $0x1  }
0xa1: {  	s23 =	simm.s32 $0x1B8B  }
0xa2: {  	_ =	swait.ge [sflag:s23], $0x1  }
0xa3: {  	[sflag:s23] =	ssyncset.done $0x0  }
0xa4: {  	s25 =	simm.s32 $0x1B8E;
	s24 =	sld [smem:$0x3FFE];
	[sflag:s23] =	ssyncadd.s32 $0xFFFFFFFF  }
0xa5: {  	s26 =	simm.s32 $execute0_lowered;
	[smem:$0x3FD2] =	sst s25  }
0xa6: {  	s4 =	sshll.u32 s26, $0x1;
	_ =	strace $0x80000049;
	[dreg:$0x1] =	wrdreg $0xFFFFFFFF  }
0xa7: {  	s28 =	simm.s32 $_size_execute0_lowered;
	s2 =	sadd.s32 s2, s4;
	[dreg:$0x0] =	wrdreg $0x0  }
0xa8: {  	s4 =	sshll.u32 s28, $0x1;
	[dreg:$0x2] =	wrdreg s2  }
0xa9: {  	[dreg:$0x3] =	wrdreg s4  }
0xaa: {  	[dreg:$0x4] =	wrdreg $0xC0  }
0xab: {  	_ =	task [dreg:s6], $0x5FFFF  }
0xac: {  	[dreg:$0x1] =	wrdreg $0xFFFFFFFF  }
0xad: {  	[dreg:$0x0] =	wrdreg $0x60  }
0xae: {  	[dreg:$0x2] =	wrdreg s24  }
0xaf: {  	[dreg:$0x3] =	wrdreg $0x5A000  }
0xb0: {  	[dreg:$0x4] =	wrdreg $0x9  }
0xb1: {  	_ =	task.clear_ibuf [dreg:s6], $0x5FFFF;
	_ =	strace $0x90000049  }
0xb2: {  	s29 =	simm.s32 $0x9;
	_ =	strace $0x8000004B  }
0xb3: {  	_ =	swait.ge [sflag:s29], $0x1  }
0xb4: {  	[sflag:s29] =	ssyncadd.s32 $0xFFFFFFFF  }
0xb5: {  	_ =	strace $0x9000004B  }
0xb6: {  	_ =	sfence  }
0xb7: {  	s30 =	sld [smem:$0x0];
	_ =	sdelay $0x2  }
0xb8: {  	s31 =	sshll.u32 s1, $0xD;
	s1 =	sshrl.u32 s1, $0x2  }
0xb9: {  	s3 =	sand.u32 $0x4000, s31;
	s1 =	sadd.s32 s1, s30  }
0xba: {  	s0 =	sor.u32 s3, s0;
	s1 =	sshll.u32 s1, $0x11  }
0xbb: {  	s0 =	sor.u32 s1, s0  }
0xbc: {  	s0 =	sadd.s32 $0x8F2B, s0  }
0xbd: {  	[sflag:s0] =	ssyncadd.remote.s32 $0x1  }
0xbe: {  	_ =	sfence.sel $0xFFFF  }
0xbf: {  	[dreg:$0x0] =	wrdreg $0xFFFFFFFF;
	(pc) =	sbr.abs _section_cstart, $3  }
0xc0: {  	[dreg:$0x1] =	wrdreg $0xFFFFFFFF  }
0xc1: {  	_ =	task.clear_ibuf [dreg:s6], $0x2FFFF;
	_ =	strace $0x9FFFFFFF  }
0xc2: {  	(tm) =	ssettm $0x7FFFFFFF  }
0xc3: {  	_ =	shalt  }
tec
execute0_lowered:
.L_overlay_start_1:
0x0: {  	(tag) =	ssettag $0x1  }
0x1: {  	s0 =	rddreg [dreg:$0x0]  }
0x2: {  	s2 =	rddreg [dreg:$0x1];
	s12 =	stileid.u32  }
0x3: {  	s3 =	simm.s32 $0x0;
	s4 =	srdreg.scid;
	s23 =	simm.s32 $0x7  }
0x4: {  	s13 =	simm.s32 $0x500;
	s14 =	simm.s32 $0x280;
	s15 =	simm.s32 $0xA00  }
0x5: {  	s16 =	simm.s32 $0x780;
	s17 =	simm.s32 $0x1;
	s18 =	simm.s32 $0x80  }
0x6: {  	s28 =	simm.s32 $0x6;
	s29 =	simm.s32 $0x3200;
	s30 =	simm.s32 $0x3  }
0x7: {  	s31 =	simm.s32 $0x2;
	s19 =	simm.s32 $0x5;
	s1 =	smul.u32 $0x3200, s12  }
0x8: {  	[smem:$0x7FF] =	sst s3;
	s5 =	sand.u32 $0x1, s4;
	s7 =	sadd.s32 $0xA2C00, s0  }
0x9: {  	s4 =	sadd.s32 $0x3800, s0;
	s8 =	sadd.s32 $0x104C00, s0;
	s10 =	smul.u32 $0x18800, s12  }
0xa: {  	s26 =	sshll.u32 s12, $0x6;
	s12 =	simm.s32 $0x5200;
	_ =	strace $0x8000004A  }
0xb: {  	s6 =	ssub.s32 $0x2, s5;
	p0 =	seq.s32 s5, $0x0;
	s21 =	sor.u32 $0x1C07, s26  }
0xc: {  	s26 =	simm.s32 $0x2A00;
	s1 =	sadd.s32 s1, s0;
	s9 =	sshrl.u32 s6, $0x1  }
0xd: {  	s0 =	sadd.s32 $0xD3C00, s0;
	s11 =	sadd.s32 s10, s2;
	s10 =	sshrl.u32 s10, $0x3  }
0xe: {  	s4 =	smov.u32 @p0 s7;
	s7 =	simm.s32 $0x880;
	[dreg:$0x5] =	wrdreg s21  }
0xf: {  	s9 =	ssub.s32 s6, s9;
	s5 =	sadd.s32 $0x70C00, s1;
	s6 =	sadd.s32 $0x35800, s1  }
0x10: {  	s25 =	sadd.s32 s4, s10;
	s0 =	smov.u32 @p0 s8;
	s22 =	sshrl.u32 s11, $0x3  }
.Ltmp0:
0x11: {  	s1 =	simm.s32 $0x3A00;
	s8 =	simm.s32 $0x4200;
	(pc) =	sbr.rel .LBB2_1-.Ltmp0, $4  }
0x12: {  	s11 =	simm.s32 $0x980;
	s24 =	smax.u32 s9, $0x1;
	[dreg:$0x4] =	wrdreg s25  }
0x13: {  	s0 =	sadd.s32 s0, s10;
	s25 =	simm.s32 $0x700;
	[dreg:$0x7] =	wrdreg s22  }
0x14: {  	s10 =	simm.s32 $0x900;
	s9 =	simm.s32 $0x4A00;
	[dreg:$0x3] =	wrdreg s24  }
0x15: {  	[dreg:$0x6] =	wrdreg s0;
	s0 =	simm.s32 $0x800;
	s24 =	simm.s32 $0x0  }
.LBB2_4:
0x16: {  	_ =	swait.ge [sflag:s31], $0x2800  }
0x17: {  	[sflag:s31] =	ssyncset.done $0x0  }
0x18: {  	[sflag:s31] =	ssyncadd.s32 $0xFFFFD800  }
0x19: {  	[spmem:s2] =	stream.indirect.scatter.add.f32 [tilespmem:s29], [sflag:$0x4], $0x10, s16, s18, $0xb8;
	[tilespmem:$0x1E200] =	vst v63  }
0x1a: {  	_ = 	snop  }
0x1b: {  	[spmem:s2] =	stream.indirect.scatter.add.f32 [tilespmem:s1], [sflag:$0x4], $0x10, s0, s18, $0xb8;
	[tilespmem:$0x1E200] =	vst v63  }
0x1c: {  	_ = 	snop  }
0x1d: {  	[spmem:s2] =	stream.indirect.scatter.add.f32 [tilespmem:s8], [sflag:$0x4], $0x10, s7, s18, $0xb8;
	[tilespmem:$0x1E200] =	vst v63  }
0x1e: {  	_ = 	snop  }
0x1f: {  	[spmem:s2] =	stream.indirect.scatter.add.f32 [tilespmem:s9], [sflag:$0x4], $0x10, s10, s18, $0xb8;
	[tilespmem:$0x1E200] =	vst v63  }
0x20: {  	s20 =	simm.s32 $0x4  }
0x21: {  	[spmem:s2] =	stream.indirect.scatter.add.f32 [tilespmem:s12], [sflag:$0x4], $0x10, s11, s18, $0xb8;
	[tilespmem:$0x1E200] =	vst v63  }
0x22: {  	_ =	swait.ge [sflag:s20], $0x800  }
0x23: {  	[sflag:s20] =	ssyncset.done $0x0  }
0x24: {  	[sflag:s20] =	ssyncadd.s32 $0xFFFFF800  }
0x25: {  	_ =	swait.ge [sflag:s20], $0x800  }
0x26: {  	[sflag:s20] =	ssyncset.done $0x0  }
0x27: {  	[sflag:s20] =	ssyncadd.s32 $0xFFFFF800  }
0x28: {  	_ =	swait.ge [sflag:s20], $0x800  }
0x29: {  	[sflag:s20] =	ssyncset.done $0x0  }
0x2a: {  	[sflag:s20] =	ssyncadd.s32 $0xFFFFF800  }
0x2b: {  	_ =	swait.ge [sflag:s20], $0x800  }
0x2c: {  	[sflag:s20] =	ssyncset.done $0x0  }
0x2d: {  	[sflag:s20] =	ssyncadd.s32 $0xFFFFF800  }
0x2e: {  	_ =	swait.ge [sflag:s20], $0x800  }
0x2f: {  	[sflag:s20] =	ssyncset.done $0x0  }
0x30: {  	[sflag:s20] =	ssyncadd.s32 $0xFFFFF800  }
0x31: {  	[bflag:$0x0] =	sbarrier.arrive $0xFFFF  }
0x32: {  	s21 =	rddreg [dreg:$0x5]  }
0x33: {  	s24 =	rddreg [dreg:$0x6]  }
0x34: {  	s23 =	simm.s32 $0x7;
	s22 =	rddreg [dreg:$0x7]  }
0x35: {  	[hbm:s24], [sflag:s21] =	dma.local [spmem:s22], $0x3100  }
0x36: {  	_ =	swait.ge [sflag:s23], $0x3100  }
0x37: {  	s24 =	rddreg [dreg:$0x8]  }
0x38: {  	s20 =	rddreg [dreg:$0x3];
	s24 =	sadd.s32 $0x1, s24  }
0x39: {  	p0 =	sne.s32 s24, s20  }
.Ltmp1:
0x3a: {  	_ = 	snop;
	(pc) =	sbr.rel @!p0 .LBB2_5-.Ltmp1, $3  }
0x3b: {  	_ =	sdelay $0x1  }
0x3c: {  	[sflag:s23] =	ssyncset.done $0x0  }
0x3d: {  	[sflag:s23] =	ssyncadd.s32 $0xFFFFCF00  }
.LBB2_1:
0x3e: {  	[dreg:$0x8] =	wrdreg s24  }
0x3f: {  	s20 =	rddreg [dreg:$0x4]  }
0x40: {  	[spmem:s22], [sflag:s21] =	dma.local [hbm:s20], $0x3100  }
0x41: {  	_ =	swait.ge [sflag:s23], $0x3100  }
0x42: {  	[sflag:s23] =	ssyncset.done $0x0  }
0x43: {  	[sflag:s23] =	ssyncadd.s32 $0xFFFFCF00  }
0x44: {  	[bflag:$0x0] =	sbarrier.arrive $0xFFFF  }
0x45: {  	[tilespmem:s3], [sflag:$0x7] =	stream.linear.gather [hbm4b:s5+s3], $0x280, $0x38;
	[tilespmem:$0x1E200] =	vst v63  }
0x46: {  	_ =	swait.ge [sflag:s23], $0x280  }
0x47: {  	[sflag:s23] =	ssyncset.done $0x0  }
0x48: {  	[sflag:s23] =	ssyncadd.s32 $0xFFFFFD80  }
0x49: {  	[tilespmem:s13], [sflag:$0x7] =	stream.linear.gather [hbm4b:s6+s3], $0x280, $0x38;
	[tilespmem:$0x1E200] =	vst v63  }
0x4a: {  	_ =	swait.ge [sflag:s23], $0x280  }
0x4b: {  	[sflag:s23] =	ssyncset.done $0x0  }
0x4c: {  	s20 =	simm.s32 $0x0;
	[sflag:s23] =	ssyncadd.s32 $0xFFFFFD80  }
0x4d: {  	[tilespmem:s15], [sflag:$0x1] =	stream.indirect.gather [hbm4b:s4+s14], $0x10, s3, s14, $0xb8;
	[tilespmem:$0x1E200] =	vst v63  }
.LBB2_2:
0x4e: {  	p0 =	seq.s32 s20, $0x0  }
0x4f: {  	s22 =	simm.s32 @!p0 $0x4  }
0x50: {  	_ =	swait.ge @!p0 [sflag:s22], $0x800  }
0x51: {  	[sflag:s22] =	ssyncset.done @!p0 $0x0  }
0x52: {  	[sflag:s22] =	ssyncadd.s32 @!p0 $0xFFFFF800  }
0x53: {  	_ =	swait.ge @!p0 [sflag:s22], $0x800  }
0x54: {  	[sflag:s22] =	ssyncset.done @!p0 $0x0  }
0x55: {  	[sflag:s22] =	ssyncadd.s32 @!p0 $0xFFFFF800  }
0x56: {  	_ =	swait.ge @!p0 [sflag:s22], $0x800  }
0x57: {  	[sflag:s22] =	ssyncset.done @!p0 $0x0  }
0x58: {  	[sflag:s22] =	ssyncadd.s32 @!p0 $0xFFFFF800  }
0x59: {  	_ =	swait.ge @!p0 [sflag:s22], $0x800  }
0x5a: {  	[sflag:s22] =	ssyncset.done @!p0 $0x0  }
0x5b: {  	[sflag:s22] =	ssyncadd.s32 @!p0 $0xFFFFF800  }
0x5c: {  	_ =	swait.ge @!p0 [sflag:s22], $0x800  }
0x5d: {  	s21 =	sadd.s32 s20, s5;
	[sflag:s22] =	ssyncset.done @!p0 $0x0  }
0x5e: {  	s24 =	sadd.s32 $0x50, s21;
	[sflag:s22] =	ssyncadd.s32 @!p0 $0xFFFFF800;
	s22 =	sadd.s32 s20, s6  }
0x5f: {  	[tilespmem:s14], [sflag:$0x6] =	stream.linear.gather [hbm4b:s24+s3], $0x280, $0x38;
	[tilespmem:$0x1E200] =	vst v63  }
0x60: {  	s23 =	sadd.s32 $0x50, s22  }
0x61: {  	[tilespmem:s16], [sflag:$0x6] =	stream.linear.gather [hbm4b:s23+s3], $0x280, $0x38;
	[tilespmem:$0x1E200] =	vst v63  }
0x62: {  	_ =	swait.ge [sflag:s17], $0x2800  }
0x63: {  	[sflag:s17] =	ssyncset.done $0x0  }
0x64: {  	[sflag:s17] =	ssyncadd.s32 $0xFFFFD800  }
0x65: {  	[spmem:s2] =	stream.indirect.scatter.add.f32 [tilespmem:s15], [sflag:$0x3], $0x10, s13, s18, $0xb8;
	[tilespmem:$0x1E200] =	vst v63  }
0x66: {  	s24 =	simm.s32 $0x1200;
	s23 =	simm.s32 $0x580  }
0x67: {  	[spmem:s2] =	stream.indirect.scatter.add.f32 [tilespmem:s24], [sflag:$0x3], $0x10, s23, s18, $0xb8;
	[tilespmem:$0x1E200] =	vst v63  }
0x68: {  	s23 =	simm.s32 $0x600;
	s24 =	simm.s32 $0x1A00  }
0x69: {  	[spmem:s2] =	stream.indirect.scatter.add.f32 [tilespmem:s24], [sflag:$0x3], $0x10, s23, s18, $0xb8;
	[tilespmem:$0x1E200] =	vst v63  }
0x6a: {  	s23 =	simm.s32 $0x680;
	s24 =	simm.s32 $0x2200  }
0x6b: {  	[spmem:s2] =	stream.indirect.scatter.add.f32 [tilespmem:s24], [sflag:$0x3], $0x10, s23, s18, $0xb8;
	[tilespmem:$0x1E200] =	vst v63  }
0x6c: {  	_ = 	snop  }
0x6d: {  	[spmem:s2] =	stream.indirect.scatter.add.f32 [tilespmem:s26], [sflag:$0x3], $0x10, s25, s18, $0xb8;
	[tilespmem:$0x1E200] =	vst v63  }
0x6e: {  	_ =	swait.ge [sflag:s28], $0x280  }
0x6f: {  	[sflag:s28] =	ssyncset.done $0x0  }
0x70: {  	[sflag:s28] =	ssyncadd.s32 $0xFFFFFD80  }
0x71: {  	_ =	swait.ge [sflag:s28], $0x280  }
0x72: {  	[sflag:s28] =	ssyncset.done $0x0  }
0x73: {  	[sflag:s28] =	ssyncadd.s32 $0xFFFFFD80  }
0x74: {  	[tilespmem:s29], [sflag:$0x2] =	stream.indirect.gather [hbm4b:s4+s14], $0x10, s14, s14, $0xb8;
	[tilespmem:$0x1E200] =	vst v63  }
0x75: {  	_ =	swait.ge [sflag:s30], $0x800  }
0x76: {  	[sflag:s30] =	ssyncset.done $0x0  }
0x77: {  	[sflag:s30] =	ssyncadd.s32 $0xFFFFF800  }
0x78: {  	_ =	swait.ge [sflag:s30], $0x800  }
0x79: {  	[sflag:s30] =	ssyncset.done $0x0  }
0x7a: {  	[sflag:s30] =	ssyncadd.s32 $0xFFFFF800  }
0x7b: {  	_ =	swait.ge [sflag:s30], $0x800  }
0x7c: {  	[sflag:s30] =	ssyncset.done $0x0  }
0x7d: {  	[sflag:s30] =	ssyncadd.s32 $0xFFFFF800  }
0x7e: {  	p0 =	seq.s32 s20, $0x3160;
	_ =	swait.ge [sflag:s30], $0x800  }
.Ltmp2:
0x7f: {  	[sflag:s30] =	ssyncset.done $0x0;
	(pc) =	sbr.rel @p0 .LBB2_4-.Ltmp2, $4  }
0x80: {  	[sflag:s30] =	ssyncadd.s32 $0xFFFFF800  }
0x81: {  	_ =	swait.ge [sflag:s30], $0x800  }
0x82: {  	[sflag:s30] =	ssyncset.done $0x0  }
0x83: {  	[sflag:s30] =	ssyncadd.s32 $0xFFFFF800  }
0x84: {  	s21 =	sadd.s32 $0xA0, s21  }
0x85: {  	[tilespmem:s3], [sflag:$0x5] =	stream.linear.gather [hbm4b:s21+s3], $0x280, $0x38;
	[tilespmem:$0x1E200] =	vst v63  }
0x86: {  	s24 =	sadd.s32 $0xA0, s22  }
0x87: {  	[tilespmem:s13], [sflag:$0x5] =	stream.linear.gather [hbm4b:s24+s3], $0x280, $0x38;
	[tilespmem:$0x1E200] =	vst v63  }
0x88: {  	_ =	swait.ge [sflag:s31], $0x2800  }
0x89: {  	[sflag:s31] =	ssyncset.done $0x0  }
0x8a: {  	[sflag:s31] =	ssyncadd.s32 $0xFFFFD800  }
0x8b: {  	[spmem:s2] =	stream.indirect.scatter.add.f32 [tilespmem:s29], [sflag:$0x4], $0x10, s16, s18, $0xb8;
	[tilespmem:$0x1E200] =	vst v63  }
0x8c: {  	_ = 	snop  }
0x8d: {  	[spmem:s2] =	stream.indirect.scatter.add.f32 [tilespmem:s1], [sflag:$0x4], $0x10, s0, s18, $0xb8;
	[tilespmem:$0x1E200] =	vst v63  }
0x8e: {  	_ = 	snop  }
0x8f: {  	[spmem:s2] =	stream.indirect.scatter.add.f32 [tilespmem:s8], [sflag:$0x4], $0x10, s7, s18, $0xb8;
	[tilespmem:$0x1E200] =	vst v63  }
0x90: {  	_ = 	snop  }
0x91: {  	[spmem:s2] =	stream.indirect.scatter.add.f32 [tilespmem:s9], [sflag:$0x4], $0x10, s10, s18, $0xb8;
	[tilespmem:$0x1E200] =	vst v63  }
0x92: {  	_ = 	snop  }
0x93: {  	[spmem:s2] =	stream.indirect.scatter.add.f32 [tilespmem:s12], [sflag:$0x4], $0x10, s11, s18, $0xb8;
	[tilespmem:$0x1E200] =	vst v63  }
0x94: {  	_ =	swait.ge [sflag:s19], $0x280  }
0x95: {  	[sflag:s19] =	ssyncset.done $0x0  }
.Ltmp3:
0x96: {  	[sflag:s19] =	ssyncadd.s32 $0xFFFFFD80;
	(pc) =	sbr.rel .LBB2_2-.Ltmp3, $4  }
0x97: {  	_ =	swait.ge [sflag:s19], $0x280  }
0x98: {  	[sflag:s19] =	ssyncset.done $0x0  }
0x99: {  	s20 =	sadd.s32 $0xA0, s20;
	[sflag:s19] =	ssyncadd.s32 $0xFFFFFD80  }
0x9a: {  	[tilespmem:s15], [sflag:$0x1] =	stream.indirect.gather [hbm4b:s4+s14], $0x10, s3, s14, $0xb8;
	[tilespmem:$0x1E200] =	vst v63  }
.LBB2_5:
0x9b: {  	_ =	sfence.sel $0x180000  }
0x9c: {  	[bflag:$0x0] =	sbarrier.arrive $0xFFFF  }
0x9d: {  	_ =	strace $0x9000004A  }
0x9e: {  	s0 =	stileid.u32;
	[bflag:$0x2] =	sbarrier.arrive $0xFFFF  }
0x9f: {  	p0 =	sne.s32 s0, $0x0;
	s0 =	rddreg [dreg:$0x2]  }
0xa0: {  	s0 =	sadd.s32 @!p0 $0x100000, s0  }
0xa1: {  	[sflag:s0] =	ssyncadd.tile.s32 @!p0 $0x1;
	_ =	shalt  }
.Lfunc_end2:
_tile_overlayer_lowered:
.L_overlay_start_2:
0xa2: {  	(tag) =	ssettag $0x2  }
0xa3: {  	s0 =	rddreg [dreg:$0x0];
	s2 =	stileid.u32  }
0xa4: {  	s1 =	rddreg [dreg:$0x1];
	p0 =	sne.s32 s2, $0x0  }
0xa5: {  	s3 =	rddreg [dreg:$0x2];
	[bflag:$0x3] =	sbarrier.arrive $0xFFFF;
	s2 =	simm.s32 @!p0 $0x1C07  }
0xa6: {  	[timem:s3], [sflag:s2] =	dma.local @!p0 [hbm:s0], s1  }
0xa7: {  	s0 =	simm.s32 @!p0 $0x7  }
0xa8: {  	_ =	swait.ge @!p0 [sflag:s0], s1  }
0xa9: {  	s1 =	ssub.s32 @!p0 $0x0, s1;
	[sflag:s0] =	ssyncset.done @!p0 $0x0  }
0xaa: {  	[sflag:s0] =	ssyncadd.s32 @!p0 s1  }
0xab: {  	[bflag:$0x3] =	sbarrier.arrive $0xFFFF  }
0xac: {  	_ =	shalt  }

// kernel: kernel.14.cloned.1.call-start
scs
__scs_entry_jumppad:
0x0: {  	(pc) =	sbr.rel $0x88, $3  }
0x1: {  	(tag) =	ssettag $0x0;
	lr =	simm.s32 $0x1  }
0x2: {  	[smem:$0x3F99] =	sst lr;
	_ =	strace $0xD0000000  }
0x3: {  	_ = 	snop  }
0x4: {  	_ = 	snop  }
0x5: {  	_ = 	snop  }
0x6: {  	_ = 	snop  }
0x7: {  	_ = 	snop  }
__scs_overlays_trampoline_lowered:
0x8: {  	[smem:$0x3FA8] =	sst s0  }
0x9: {  	[smem:$0x3FA9] =	sst s1  }
0xa: {  	[smem:$0x3FAA] =	sst s2  }
0xb: {  	[smem:$0x3FAB] =	sst s3  }
0xc: {  	[smem:$0x3FAC] =	sst s4  }
0xd: {  	[smem:$0x3FAD] =	sst s5  }
0xe: {  	[smem:$0x3FAE] =	sst s6  }
0xf: {  	[smem:$0x3FAF] =	sst s7  }
0x10: {  	[smem:$0x3FB0] =	sst s8  }
0x11: {  	[smem:$0x3FB1] =	sst s9;
	s0 =	simm.s32 @!p0 $0x0  }
0x12: {  	s1 =	sld [smem:$0x3F97];
	s0 =	simm.s32 @p0 $0x1  }
0x13: {  	[smem:$0x3FB2] =	sst s0;
	s0 =	simm.s32 @!p1 $0x0  }
0x14: {  	s2 =	sld [smem:$0x3F96];
	s0 =	simm.s32 @p1 $0x1  }
0x15: {  	[smem:$0x3FB3] =	sst s0;
	s0 =	simm.s32 @!p2 $0x0  }
0x16: {  	s3 =	sld [smem:$0x3FDB];
	s0 =	simm.s32 @p2 $0x1  }
0x17: {  	s4 =	simm.s32 $0x1BF5;
	[smem:$0x3FB5] =	sst s0  }
0x18: {  	s0 =	sld [smem:$0x3F98];
	_ =	swait.ge [sflag:s4], $0x0  }
0x19: {  	s7 =	sld [smem:$0x3F99]  }
0x1a: {  	s8 =	sadd.s32 $0xFFFFE003, lr  }
0x1b: {  	s9 =	sadd.s32 $0xFFFFFEF7, lr;
	s5 =	simm.s32 $0xFFFFFFFF;
	p2 =	slt.u32 s8, $0xFFFFF086  }
0x1c: {  	p1 =	slt.u32 s9, $0xF7A;
	s5 =	simm.s32 @!p2 $0x0  }
0x1d: {  	s5 =	simm.s32 @p1 $0x1;
	p0 =	seq.s32 s7, s2  }
0x1e: {  	s7 =	smul.u32 @!p0 $0xF7A, s2;
	p2 =	seq.s32 @!p0 s5, $0x0  }
0x1f: {  	s9 =	smul.u32 $0xF7A, s1;
	s8 =	simm.s32 @!p0 $0x1BF5;
	p2 =	por !p2, p0  }
0x20: {  	[sflag:s8] =	ssyncset.s32 @!p0 $0xFFFFF086;
	s6 =	sadd.s32 @!p0 s3, s7;
	s7 =	simm.s32 @!p0 $0x108  }
0x21: {  	s3 =	sadd.s32 s3, s9;
	s6 =	sadd.s32 @!p0 $0x88, s6;
	s7 =	simm.s32 @p2 $0x1082  }
0x22: {  	[simem:s7], [sflag:s8] =	dma.local @!p0 [hbm:s6], $0xF7A  }
0x23: {  	s9 =	sor.u32 $0xD0000000, s2;
	s6 =	simm.s32 $0x108;
	_ =	swait.ge @!p0 [sflag:s8], $0x0  }
0x24: {  	s3 =	sadd.s32 $0x88, s3;
	s6 =	simm.s32 @!p1 $0x1082;
	[sflag:s4] =	ssyncset.s32 $0xFFFFF086  }
0x25: {  	[simem:s6], [sflag:s4] =	dma.local [hbm:s3], $0xF7A  }
0x26: {  	[smem:$0x3F99] =	sst s1;
	(tag) =	ssettag s2;
	_ =	strace s9  }
0x27: {  	s1 =	sld [smem:$0x3FA9]  }
0x28: {  	s2 =	sld [smem:$0x3FAA]  }
0x29: {  	s4 =	sld [smem:$0x3FAC]  }
0x2a: {  	p0 =	seq.s32 s5, $0x0;
	s5 =	sld [smem:$0x3FAD]  }
0x2b: {  	s6 =	sld [smem:$0x3FAE]  }
0x2c: {  	s7 =	sld [smem:$0x3FAF]  }
0x2d: {  	s3 =	simm.s32 $0x108;
	s8 =	sld [smem:$0x3FB0]  }
0x2e: {  	s3 =	simm.s32 @!p0 $0x1082;
	s9 =	sld [smem:$0x3FB1]  }
0x2f: {  	lr =	sadd.s32 s0, s3;
	s0 =	sld [smem:$0x3FA8]  }
0x30: {  	s3 =	sld [smem:$0x3FAB]  }
0x31: {  	[smem:$0x3FB4] =	sst s10  }
0x32: {  	s10 =	sld [smem:$0x3FB2];
	_ =	sdelay $0x3  }
0x33: {  	p0 =	seq.s32 s10, $0x1;
	s10 =	sld [smem:$0x3FB4];
	_ =	sdelay $0x3  }
0x34: {  	[smem:$0x3FB4] =	sst s10  }
0x35: {  	s10 =	sld [smem:$0x3FB3];
	_ =	sdelay $0x3  }
0x36: {  	p1 =	seq.s32 s10, $0x1;
	s10 =	sld [smem:$0x3FB4];
	_ =	sdelay $0x3  }
0x37: {  	[smem:$0x3FB4] =	sst s10  }
0x38: {  	s10 =	sld [smem:$0x3FB5]  }
0x39: {  	_ = 	snop;
	(pc) =	sbr.ind lr, $3  }
0x3a: {  	_ = 	snop  }
0x3b: {  	_ = 	snop  }
0x3c: {  	p2 =	seq.s32 s10, $0x1;
	s10 =	sld [smem:$0x3FB4]  }
0x3d: {  	_ =	shalt  }
0x3e: {  	_ =	shalt  }
0x3f: {  	_ =	shalt  }
0x40: {  	_ =	shalt  }
0x41: {  	_ =	shalt  }
0x42: {  	_ =	shalt  }
0x43: {  	_ =	shalt  }
0x44: {  	_ =	shalt  }
0x45: {  	_ =	shalt  }
0x46: {  	_ =	shalt  }
0x47: {  	_ =	shalt  }
0x48: {  	_ =	shalt  }
0x49: {  	_ =	shalt  }
0x4a: {  	_ =	shalt  }
0x4b: {  	_ =	shalt  }
0x4c: {  	_ =	shalt  }
0x4d: {  	_ =	shalt  }
0x4e: {  	_ =	shalt  }
0x4f: {  	_ =	shalt  }
0x50: {  	_ =	shalt  }
0x51: {  	_ =	shalt  }
0x52: {  	_ =	shalt  }
0x53: {  	_ =	shalt  }
0x54: {  	_ =	shalt  }
0x55: {  	_ =	shalt  }
0x56: {  	_ =	shalt  }
0x57: {  	_ =	shalt  }
0x58: {  	_ =	shalt  }
0x59: {  	_ =	shalt  }
0x5a: {  	_ =	shalt  }
0x5b: {  	_ =	shalt  }
0x5c: {  	_ =	shalt  }
0x5d: {  	_ =	shalt  }
0x5e: {  	_ =	shalt  }
0x5f: {  	_ =	shalt  }
0x60: {  	_ =	shalt  }
0x61: {  	_ =	shalt  }
0x62: {  	_ =	shalt  }
0x63: {  	_ =	shalt  }
0x64: {  	_ =	shalt  }
0x65: {  	_ =	shalt  }
0x66: {  	_ =	shalt  }
0x67: {  	_ =	shalt  }
0x68: {  	_ =	shalt  }
0x69: {  	_ =	shalt  }
0x6a: {  	_ =	shalt  }
0x6b: {  	_ =	shalt  }
0x6c: {  	_ =	shalt  }
0x6d: {  	_ =	shalt  }
0x6e: {  	_ =	shalt  }
0x6f: {  	_ =	shalt  }
0x70: {  	_ =	shalt  }
0x71: {  	_ =	shalt  }
0x72: {  	_ =	shalt  }
0x73: {  	_ =	shalt  }
0x74: {  	_ =	shalt  }
0x75: {  	_ =	shalt  }
0x76: {  	_ =	shalt  }
0x77: {  	_ =	shalt  }
0x78: {  	_ =	shalt  }
0x79: {  	_ =	shalt  }
0x7a: {  	_ =	shalt  }
0x7b: {  	_ =	shalt  }
0x7c: {  	_ =	shalt  }
0x7d: {  	_ =	shalt  }
0x7e: {  	_ =	shalt  }
0x7f: {  	_ =	shalt  }
0x80: {  	_ =	shalt  }
0x81: {  	_ =	shalt  }
0x82: {  	_ =	shalt  }
0x83: {  	_ =	shalt  }
0x84: {  	_ =	shalt  }
0x85: {  	_ =	shalt  }
0x86: {  	_ =	shalt  }
0x87: {  	_ =	shalt  }
.Lfunc_end0:
.L_simem_size_0:
called_computation.2_lowered:
.L_overlay_start_0:
0x88: {  	s2 =	sld [smem:$0x3FD9]  }
0x89: {  	s3 =	sld [smem:$0x3FFE];
	_ =	sdelay $0x1  }
0x8a: {  	s1 =	srdreg.scid  }
0x8b: {  	s0 =	sand.u32 $0x1, s1  }
0x8c: {  	s16 =	sshll.u32 s0, $0xA;
	s2 =	sadd.s32 s3, s2  }
0x8d: {  	s2 =	sadd.s32 s2, s16  }
0x8e: {  	[smem:$0x3FC0] =	sst s2  }
0x8f: {  	_ = 	snop  }
0x90: {  	(tm) =	ssettm $0x1  }
0x91: {  	s17 =	sld [smem:$0x3FFB];
	_ =	sdelay $0x3  }
0x92: {  	_ =	strace s17  }
0x93: {  	s2 =	sld [smem:$0x3FFC];
	_ =	sdelay $0x3  }
0x94: {  	_ =	strace s2  }
0x95: {  	s2 =	sld [smem:$0x3FFD];
	_ =	sdelay $0x3  }
0x96: {  	_ =	strace s2  }
0x97: {  	_ =	strace $0x8FFFFFFF  }
0x98: {  	s18 =	sld [smem:$0x3FDB];
	_ =	sdelay $0x1  }
0x99: {  	s19 =	simm.s32 $_scs_section_size  }
0x9a: {  	s4 =	simm.s32 $_size__tile_overlayer_lowered;
	s5 =	simm.s32 $_tile_overlayer_lowered  }
0x9b: {  	s22 =	simm.s32 $0x1BFF;
	s21 =	sshll.u32 s5, $0x1;
	s2 =	sadd.s32 s19, s18  }
0x9c: {  	s6 =	simm.s32 $0x0;
	s20 =	sshll.u32 s4, $0x1;
	s4 =	sadd.s32 s21, s2  }
0x9d: {  	[timem:s6], [sflag:s22] =	dma.local [hbm:s4], s20  }
0x9e: {  	_ =	swait.ge [sflag:s22], s20  }
0x9f: {  	s3 =	ssub.s32 $0x0, s20;
	[sflag:s22] =	ssyncset.done $0x0  }
0xa0: {  	[sflag:s22] =	ssyncadd.s32 s3;
	_ =	sdelay $0x1  }
0xa1: {  	s23 =	simm.s32 $0x1B8B  }
0xa2: {  	_ =	swait.ge [sflag:s23], $0x1  }
0xa3: {  	[sflag:s23] =	ssyncset.done $0x0  }
0xa4: {  	s25 =	simm.s32 $0x1B8E;
	s24 =	sld [smem:$0x3FFE];
	[sflag:s23] =	ssyncadd.s32 $0xFFFFFFFF  }
0xa5: {  	s26 =	simm.s32 $execute0_lowered;
	[smem:$0x3FD2] =	sst s25  }
0xa6: {  	s4 =	sshll.u32 s26, $0x1;
	_ =	strace $0x8000004C;
	[dreg:$0x1] =	wrdreg $0xFFFFFFFF  }
0xa7: {  	s28 =	simm.s32 $_size_execute0_lowered;
	s2 =	sadd.s32 s2, s4;
	[dreg:$0x0] =	wrdreg $0x0  }
0xa8: {  	s4 =	sshll.u32 s28, $0x1;
	[dreg:$0x2] =	wrdreg s2  }
0xa9: {  	[dreg:$0x3] =	wrdreg s4  }
0xaa: {  	[dreg:$0x4] =	wrdreg $0xC0  }
0xab: {  	_ =	task [dreg:s6], $0x5FFFF  }
0xac: {  	[dreg:$0x1] =	wrdreg $0xFFFFFFFF  }
0xad: {  	[dreg:$0x0] =	wrdreg $0x60  }
0xae: {  	[dreg:$0x2] =	wrdreg s24  }
0xaf: {  	[dreg:$0x3] =	wrdreg $0x5A000  }
0xb0: {  	[dreg:$0x4] =	wrdreg $0x9  }
0xb1: {  	_ =	task.clear_ibuf [dreg:s6], $0x5FFFF;
	_ =	strace $0x9000004C  }
0xb2: {  	s29 =	simm.s32 $0x9;
	_ =	strace $0x8000004E  }
0xb3: {  	_ =	swait.ge [sflag:s29], $0x1  }
0xb4: {  	[sflag:s29] =	ssyncadd.s32 $0xFFFFFFFF  }
0xb5: {  	_ =	strace $0x9000004E  }
0xb6: {  	_ =	sfence  }
0xb7: {  	s30 =	sld [smem:$0x0];
	_ =	sdelay $0x2  }
0xb8: {  	s31 =	sshll.u32 s1, $0xD;
	s1 =	sshrl.u32 s1, $0x2  }
0xb9: {  	s3 =	sand.u32 $0x4000, s31;
	s1 =	sadd.s32 s1, s30  }
0xba: {  	s0 =	sor.u32 s3, s0;
	s1 =	sshll.u32 s1, $0x11  }
0xbb: {  	s0 =	sor.u32 s1, s0  }
0xbc: {  	s0 =	sadd.s32 $0x8F2B, s0  }
0xbd: {  	[sflag:s0] =	ssyncadd.remote.s32 $0x1  }
0xbe: {  	_ =	sfence.sel $0xFFFF  }
0xbf: {  	[dreg:$0x0] =	wrdreg $0xFFFFFFFF;
	(pc) =	sbr.abs _section_cstart, $3  }
0xc0: {  	[dreg:$0x1] =	wrdreg $0xFFFFFFFF  }
0xc1: {  	_ =	task.clear_ibuf [dreg:s6], $0x2FFFF;
	_ =	strace $0x9FFFFFFF  }
0xc2: {  	(tm) =	ssettm $0x7FFFFFFF  }
0xc3: {  	_ =	shalt  }
tec
execute0_lowered:
.L_overlay_start_1:
0x0: {  	(tag) =	ssettag $0x1  }
0x1: {  	s0 =	rddreg [dreg:$0x0]  }
0x2: {  	s2 =	rddreg [dreg:$0x1];
	s12 =	stileid.u32  }
0x3: {  	s3 =	simm.s32 $0x0;
	s4 =	srdreg.scid;
	s23 =	simm.s32 $0x7  }
0x4: {  	s13 =	simm.s32 $0x500;
	s14 =	simm.s32 $0x280;
	s15 =	simm.s32 $0xA00  }
0x5: {  	s16 =	simm.s32 $0x780;
	s17 =	simm.s32 $0x1;
	s18 =	simm.s32 $0x80  }
0x6: {  	s28 =	simm.s32 $0x6;
	s29 =	simm.s32 $0x3200;
	s30 =	simm.s32 $0x3  }
0x7: {  	s31 =	simm.s32 $0x2;
	s19 =	simm.s32 $0x5;
	s1 =	smul.u32 $0x3200, s12  }
0x8: {  	[smem:$0x7FF] =	sst s3;
	s5 =	sand.u32 $0x1, s4;
	s7 =	sadd.s32 $0xA2C00, s0  }
0x9: {  	s4 =	sadd.s32 $0x3800, s0;
	s8 =	sadd.s32 $0x104C00, s0;
	s10 =	smul.u32 $0x18800, s12  }
0xa: {  	s26 =	sshll.u32 s12, $0x6;
	s12 =	simm.s32 $0x5200;
	_ =	strace $0x8000004D  }
0xb: {  	s6 =	ssub.s32 $0x2, s5;
	p0 =	seq.s32 s5, $0x0;
	s21 =	sor.u32 $0x1C07, s26  }
0xc: {  	s26 =	simm.s32 $0x2A00;
	s1 =	sadd.s32 s1, s0;
	s9 =	sshrl.u32 s6, $0x1  }
0xd: {  	s0 =	sadd.s32 $0xD3C00, s0;
	s11 =	sadd.s32 s10, s2;
	s10 =	sshrl.u32 s10, $0x3  }
0xe: {  	s4 =	smov.u32 @p0 s7;
	s7 =	simm.s32 $0x880;
	[dreg:$0x5] =	wrdreg s21  }
0xf: {  	s9 =	ssub.s32 s6, s9;
	s5 =	sadd.s32 $0x70C00, s1;
	s6 =	sadd.s32 $0x35800, s1  }
0x10: {  	s25 =	sadd.s32 s4, s10;
	s0 =	smov.u32 @p0 s8;
	s22 =	sshrl.u32 s11, $0x3  }
.Ltmp0:
0x11: {  	s1 =	simm.s32 $0x3A00;
	s8 =	simm.s32 $0x4200;
	(pc) =	sbr.rel .LBB2_1-.Ltmp0, $4  }
0x12: {  	s11 =	simm.s32 $0x980;
	s24 =	smax.u32 s9, $0x1;
	[dreg:$0x4] =	wrdreg s25  }
0x13: {  	s0 =	sadd.s32 s0, s10;
	s25 =	simm.s32 $0x700;
	[dreg:$0x7] =	wrdreg s22  }
0x14: {  	s10 =	simm.s32 $0x900;
	s9 =	simm.s32 $0x4A00;
	[dreg:$0x3] =	wrdreg s24  }
0x15: {  	[dreg:$0x6] =	wrdreg s0;
	s0 =	simm.s32 $0x800;
	s24 =	simm.s32 $0x0  }
.LBB2_4:
0x16: {  	_ =	swait.ge [sflag:s31], $0x2800  }
0x17: {  	[sflag:s31] =	ssyncset.done $0x0  }
0x18: {  	[sflag:s31] =	ssyncadd.s32 $0xFFFFD800  }
0x19: {  	[spmem:s2] =	stream.indirect.scatter.add.f32 [tilespmem:s29], [sflag:$0x4], $0x10, s16, s18, $0xb8;
	[tilespmem:$0x1E200] =	vst v63  }
0x1a: {  	_ = 	snop  }
0x1b: {  	[spmem:s2] =	stream.indirect.scatter.add.f32 [tilespmem:s1], [sflag:$0x4], $0x10, s0, s18, $0xb8;
	[tilespmem:$0x1E200] =	vst v63  }
0x1c: {  	_ = 	snop  }
0x1d: {  	[spmem:s2] =	stream.indirect.scatter.add.f32 [tilespmem:s8], [sflag:$0x4], $0x10, s7, s18, $0xb8;
	[tilespmem:$0x1E200] =	vst v63  }
0x1e: {  	_ = 	snop  }
0x1f: {  	[spmem:s2] =	stream.indirect.scatter.add.f32 [tilespmem:s9], [sflag:$0x4], $0x10, s10, s18, $0xb8;
	[tilespmem:$0x1E200] =	vst v63  }
0x20: {  	s20 =	simm.s32 $0x4  }
0x21: {  	[spmem:s2] =	stream.indirect.scatter.add.f32 [tilespmem:s12], [sflag:$0x4], $0x10, s11, s18, $0xb8;
	[tilespmem:$0x1E200] =	vst v63  }
0x22: {  	_ =	swait.ge [sflag:s20], $0x800  }
0x23: {  	[sflag:s20] =	ssyncset.done $0x0  }
0x24: {  	[sflag:s20] =	ssyncadd.s32 $0xFFFFF800  }
0x25: {  	_ =	swait.ge [sflag:s20], $0x800  }
0x26: {  	[sflag:s20] =	ssyncset.done $0x0  }
0x27: {  	[sflag:s20] =	ssyncadd.s32 $0xFFFFF800  }
0x28: {  	_ =	swait.ge [sflag:s20], $0x800  }
0x29: {  	[sflag:s20] =	ssyncset.done $0x0  }
0x2a: {  	[sflag:s20] =	ssyncadd.s32 $0xFFFFF800  }
0x2b: {  	_ =	swait.ge [sflag:s20], $0x800  }
0x2c: {  	[sflag:s20] =	ssyncset.done $0x0  }
0x2d: {  	[sflag:s20] =	ssyncadd.s32 $0xFFFFF800  }
0x2e: {  	_ =	swait.ge [sflag:s20], $0x800  }
0x2f: {  	[sflag:s20] =	ssyncset.done $0x0  }
0x30: {  	[sflag:s20] =	ssyncadd.s32 $0xFFFFF800  }
0x31: {  	[bflag:$0x0] =	sbarrier.arrive $0xFFFF  }
0x32: {  	s21 =	rddreg [dreg:$0x5]  }
0x33: {  	s24 =	rddreg [dreg:$0x6]  }
0x34: {  	s23 =	simm.s32 $0x7;
	s22 =	rddreg [dreg:$0x7]  }
0x35: {  	[hbm:s24], [sflag:s21] =	dma.local [spmem:s22], $0x3100  }
0x36: {  	_ =	swait.ge [sflag:s23], $0x3100  }
0x37: {  	s24 =	rddreg [dreg:$0x8]  }
0x38: {  	s20 =	rddreg [dreg:$0x3];
	s24 =	sadd.s32 $0x1, s24  }
0x39: {  	p0 =	sne.s32 s24, s20  }
.Ltmp1:
0x3a: {  	_ = 	snop;
	(pc) =	sbr.rel @!p0 .LBB2_5-.Ltmp1, $3  }
0x3b: {  	_ =	sdelay $0x1  }
0x3c: {  	[sflag:s23] =	ssyncset.done $0x0  }
0x3d: {  	[sflag:s23] =	ssyncadd.s32 $0xFFFFCF00  }
.LBB2_1:
0x3e: {  	[dreg:$0x8] =	wrdreg s24  }
0x3f: {  	s20 =	rddreg [dreg:$0x4]  }
0x40: {  	[spmem:s22], [sflag:s21] =	dma.local [hbm:s20], $0x3100  }
0x41: {  	_ =	swait.ge [sflag:s23], $0x3100  }
0x42: {  	[sflag:s23] =	ssyncset.done $0x0  }
0x43: {  	[sflag:s23] =	ssyncadd.s32 $0xFFFFCF00  }
0x44: {  	[bflag:$0x0] =	sbarrier.arrive $0xFFFF  }
0x45: {  	[tilespmem:s3], [sflag:$0x7] =	stream.linear.gather [hbm4b:s5+s3], $0x280, $0x38;
	[tilespmem:$0x1E200] =	vst v63  }
0x46: {  	_ =	swait.ge [sflag:s23], $0x280  }
0x47: {  	[sflag:s23] =	ssyncset.done $0x0  }
0x48: {  	[sflag:s23] =	ssyncadd.s32 $0xFFFFFD80  }
0x49: {  	[tilespmem:s13], [sflag:$0x7] =	stream.linear.gather [hbm4b:s6+s3], $0x280, $0x38;
	[tilespmem:$0x1E200] =	vst v63  }
0x4a: {  	_ =	swait.ge [sflag:s23], $0x280  }
0x4b: {  	[sflag:s23] =	ssyncset.done $0x0  }
0x4c: {  	s20 =	simm.s32 $0x0;
	[sflag:s23] =	ssyncadd.s32 $0xFFFFFD80  }
0x4d: {  	[tilespmem:s15], [sflag:$0x1] =	stream.indirect.gather [hbm4b:s4+s14], $0x10, s3, s14, $0xb8;
	[tilespmem:$0x1E200] =	vst v63  }
.LBB2_2:
0x4e: {  	p0 =	seq.s32 s20, $0x0  }
0x4f: {  	s22 =	simm.s32 @!p0 $0x4  }
0x50: {  	_ =	swait.ge @!p0 [sflag:s22], $0x800  }
0x51: {  	[sflag:s22] =	ssyncset.done @!p0 $0x0  }
0x52: {  	[sflag:s22] =	ssyncadd.s32 @!p0 $0xFFFFF800  }
0x53: {  	_ =	swait.ge @!p0 [sflag:s22], $0x800  }
0x54: {  	[sflag:s22] =	ssyncset.done @!p0 $0x0  }
0x55: {  	[sflag:s22] =	ssyncadd.s32 @!p0 $0xFFFFF800  }
0x56: {  	_ =	swait.ge @!p0 [sflag:s22], $0x800  }
0x57: {  	[sflag:s22] =	ssyncset.done @!p0 $0x0  }
0x58: {  	[sflag:s22] =	ssyncadd.s32 @!p0 $0xFFFFF800  }
0x59: {  	_ =	swait.ge @!p0 [sflag:s22], $0x800  }
0x5a: {  	[sflag:s22] =	ssyncset.done @!p0 $0x0  }
0x5b: {  	[sflag:s22] =	ssyncadd.s32 @!p0 $0xFFFFF800  }
0x5c: {  	_ =	swait.ge @!p0 [sflag:s22], $0x800  }
0x5d: {  	s21 =	sadd.s32 s20, s5;
	[sflag:s22] =	ssyncset.done @!p0 $0x0  }
0x5e: {  	s24 =	sadd.s32 $0x50, s21;
	[sflag:s22] =	ssyncadd.s32 @!p0 $0xFFFFF800;
	s22 =	sadd.s32 s20, s6  }
0x5f: {  	[tilespmem:s14], [sflag:$0x6] =	stream.linear.gather [hbm4b:s24+s3], $0x280, $0x38;
	[tilespmem:$0x1E200] =	vst v63  }
0x60: {  	s23 =	sadd.s32 $0x50, s22  }
0x61: {  	[tilespmem:s16], [sflag:$0x6] =	stream.linear.gather [hbm4b:s23+s3], $0x280, $0x38;
	[tilespmem:$0x1E200] =	vst v63  }
0x62: {  	_ =	swait.ge [sflag:s17], $0x2800  }
0x63: {  	[sflag:s17] =	ssyncset.done $0x0  }
0x64: {  	[sflag:s17] =	ssyncadd.s32 $0xFFFFD800  }
0x65: {  	[spmem:s2] =	stream.indirect.scatter.add.f32 [tilespmem:s15], [sflag:$0x3], $0x10, s13, s18, $0xb8;
	[tilespmem:$0x1E200] =	vst v63  }
0x66: {  	s24 =	simm.s32 $0x1200;
	s23 =	simm.s32 $0x580  }
0x67: {  	[spmem:s2] =	stream.indirect.scatter.add.f32 [tilespmem:s24], [sflag:$0x3], $0x10, s23, s18, $0xb8;
	[tilespmem:$0x1E200] =	vst v63  }
0x68: {  	s23 =	simm.s32 $0x600;
	s24 =	simm.s32 $0x1A00  }
0x69: {  	[spmem:s2] =	stream.indirect.scatter.add.f32 [tilespmem:s24], [sflag:$0x3], $0x10, s23, s18, $0xb8;
	[tilespmem:$0x1E200] =	vst v63  }
0x6a: {  	s23 =	simm.s32 $0x680;
	s24 =	simm.s32 $0x2200  }
0x6b: {  	[spmem:s2] =	stream.indirect.scatter.add.f32 [tilespmem:s24], [sflag:$0x3], $0x10, s23, s18, $0xb8;
	[tilespmem:$0x1E200] =	vst v63  }
0x6c: {  	_ = 	snop  }
0x6d: {  	[spmem:s2] =	stream.indirect.scatter.add.f32 [tilespmem:s26], [sflag:$0x3], $0x10, s25, s18, $0xb8;
	[tilespmem:$0x1E200] =	vst v63  }
0x6e: {  	_ =	swait.ge [sflag:s28], $0x280  }
0x6f: {  	[sflag:s28] =	ssyncset.done $0x0  }
0x70: {  	[sflag:s28] =	ssyncadd.s32 $0xFFFFFD80  }
0x71: {  	_ =	swait.ge [sflag:s28], $0x280  }
0x72: {  	[sflag:s28] =	ssyncset.done $0x0  }
0x73: {  	[sflag:s28] =	ssyncadd.s32 $0xFFFFFD80  }
0x74: {  	[tilespmem:s29], [sflag:$0x2] =	stream.indirect.gather [hbm4b:s4+s14], $0x10, s14, s14, $0xb8;
	[tilespmem:$0x1E200] =	vst v63  }
0x75: {  	_ =	swait.ge [sflag:s30], $0x800  }
0x76: {  	[sflag:s30] =	ssyncset.done $0x0  }
0x77: {  	[sflag:s30] =	ssyncadd.s32 $0xFFFFF800  }
0x78: {  	_ =	swait.ge [sflag:s30], $0x800  }
0x79: {  	[sflag:s30] =	ssyncset.done $0x0  }
0x7a: {  	[sflag:s30] =	ssyncadd.s32 $0xFFFFF800  }
0x7b: {  	_ =	swait.ge [sflag:s30], $0x800  }
0x7c: {  	[sflag:s30] =	ssyncset.done $0x0  }
0x7d: {  	[sflag:s30] =	ssyncadd.s32 $0xFFFFF800  }
0x7e: {  	p0 =	seq.s32 s20, $0x3160;
	_ =	swait.ge [sflag:s30], $0x800  }
.Ltmp2:
0x7f: {  	[sflag:s30] =	ssyncset.done $0x0;
	(pc) =	sbr.rel @p0 .LBB2_4-.Ltmp2, $4  }
0x80: {  	[sflag:s30] =	ssyncadd.s32 $0xFFFFF800  }
0x81: {  	_ =	swait.ge [sflag:s30], $0x800  }
0x82: {  	[sflag:s30] =	ssyncset.done $0x0  }
0x83: {  	[sflag:s30] =	ssyncadd.s32 $0xFFFFF800  }
0x84: {  	s21 =	sadd.s32 $0xA0, s21  }
0x85: {  	[tilespmem:s3], [sflag:$0x5] =	stream.linear.gather [hbm4b:s21+s3], $0x280, $0x38;
	[tilespmem:$0x1E200] =	vst v63  }
0x86: {  	s24 =	sadd.s32 $0xA0, s22  }
0x87: {  	[tilespmem:s13], [sflag:$0x5] =	stream.linear.gather [hbm4b:s24+s3], $0x280, $0x38;
	[tilespmem:$0x1E200] =	vst v63  }
0x88: {  	_ =	swait.ge [sflag:s31], $0x2800  }
0x89: {  	[sflag:s31] =	ssyncset.done $0x0  }
0x8a: {  	[sflag:s31] =	ssyncadd.s32 $0xFFFFD800  }
0x8b: {  	[spmem:s2] =	stream.indirect.scatter.add.f32 [tilespmem:s29], [sflag:$0x4], $0x10, s16, s18, $0xb8;
	[tilespmem:$0x1E200] =	vst v63  }
0x8c: {  	_ = 	snop  }
0x8d: {  	[spmem:s2] =	stream.indirect.scatter.add.f32 [tilespmem:s1], [sflag:$0x4], $0x10, s0, s18, $0xb8;
	[tilespmem:$0x1E200] =	vst v63  }
0x8e: {  	_ = 	snop  }
0x8f: {  	[spmem:s2] =	stream.indirect.scatter.add.f32 [tilespmem:s8], [sflag:$0x4], $0x10, s7, s18, $0xb8;
	[tilespmem:$0x1E200] =	vst v63  }
0x90: {  	_ = 	snop  }
0x91: {  	[spmem:s2] =	stream.indirect.scatter.add.f32 [tilespmem:s9], [sflag:$0x4], $0x10, s10, s18, $0xb8;
	[tilespmem:$0x1E200] =	vst v63  }
0x92: {  	_ = 	snop  }
0x93: {  	[spmem:s2] =	stream.indirect.scatter.add.f32 [tilespmem:s12], [sflag:$0x4], $0x10, s11, s18, $0xb8;
	[tilespmem:$0x1E200] =	vst v63  }
0x94: {  	_ =	swait.ge [sflag:s19], $0x280  }
0x95: {  	[sflag:s19] =	ssyncset.done $0x0  }
.Ltmp3:
0x96: {  	[sflag:s19] =	ssyncadd.s32 $0xFFFFFD80;
	(pc) =	sbr.rel .LBB2_2-.Ltmp3, $4  }
0x97: {  	_ =	swait.ge [sflag:s19], $0x280  }
0x98: {  	[sflag:s19] =	ssyncset.done $0x0  }
0x99: {  	s20 =	sadd.s32 $0xA0, s20;
	[sflag:s19] =	ssyncadd.s32 $0xFFFFFD80  }
0x9a: {  	[tilespmem:s15], [sflag:$0x1] =	stream.indirect.gather [hbm4b:s4+s14], $0x10, s3, s14, $0xb8;
	[tilespmem:$0x1E200] =	vst v63  }
.LBB2_5:
0x9b: {  	_ =	sfence.sel $0x180000  }
0x9c: {  	[bflag:$0x0] =	sbarrier.arrive $0xFFFF  }
0x9d: {  	_ =	strace $0x9000004D  }
0x9e: {  	s0 =	stileid.u32;
	[bflag:$0x2] =	sbarrier.arrive $0xFFFF  }
0x9f: {  	p0 =	sne.s32 s0, $0x0;
	s0 =	rddreg [dreg:$0x2]  }
0xa0: {  	s0 =	sadd.s32 @!p0 $0x100000, s0  }
0xa1: {  	[sflag:s0] =	ssyncadd.tile.s32 @!p0 $0x1;
	_ =	shalt  }
.Lfunc_end2:
_tile_overlayer_lowered:
.L_overlay_start_2:
0xa2: {  	(tag) =	ssettag $0x2  }
0xa3: {  	s0 =	rddreg [dreg:$0x0];
	s2 =	stileid.u32  }
0xa4: {  	s1 =	rddreg [dreg:$0x1];
	p0 =	sne.s32 s2, $0x0  }
0xa5: {  	s3 =	rddreg [dreg:$0x2];
	[bflag:$0x3] =	sbarrier.arrive $0xFFFF;
	s2 =	simm.s32 @!p0 $0x1C07  }
0xa6: {  	[timem:s3], [sflag:s2] =	dma.local @!p0 [hbm:s0], s1  }
0xa7: {  	s0 =	simm.s32 @!p0 $0x7  }
0xa8: {  	_ =	swait.ge @!p0 [sflag:s0], s1  }
0xa9: {  	s1 =	ssub.s32 @!p0 $0x0, s1;
	[sflag:s0] =	ssyncset.done @!p0 $0x0  }
0xaa: {  	[sflag:s0] =	ssyncadd.s32 @!p0 s1  }
0xab: {  	[bflag:$0x3] =	sbarrier.arrive $0xFFFF  }
0xac: {  	_ =	shalt  }

// kernel: kernel.8.cloned.1.call-start
scs
__scs_entry_jumppad:
0x0: {  	(pc) =	sbr.rel $0x88, $3  }
0x1: {  	(tag) =	ssettag $0x0;
	lr =	simm.s32 $0x1  }
0x2: {  	[smem:$0x3F99] =	sst lr;
	_ =	strace $0xD0000000  }
0x3: {  	_ = 	snop  }
0x4: {  	_ = 	snop  }
0x5: {  	_ = 	snop  }
0x6: {  	_ = 	snop  }
0x7: {  	_ = 	snop  }
__scs_overlays_trampoline_lowered:
0x8: {  	[smem:$0x3FA8] =	sst s0  }
0x9: {  	[smem:$0x3FA9] =	sst s1  }
0xa: {  	[smem:$0x3FAA] =	sst s2  }
0xb: {  	[smem:$0x3FAB] =	sst s3  }
0xc: {  	[smem:$0x3FAC] =	sst s4  }
0xd: {  	[smem:$0x3FAD] =	sst s5  }
0xe: {  	[smem:$0x3FAE] =	sst s6  }
0xf: {  	[smem:$0x3FAF] =	sst s7  }
0x10: {  	[smem:$0x3FB0] =	sst s8  }
0x11: {  	[smem:$0x3FB1] =	sst s9;
	s0 =	simm.s32 @!p0 $0x0  }
0x12: {  	s1 =	sld [smem:$0x3F97];
	s0 =	simm.s32 @p0 $0x1  }
0x13: {  	[smem:$0x3FB2] =	sst s0;
	s0 =	simm.s32 @!p1 $0x0  }
0x14: {  	s2 =	sld [smem:$0x3F96];
	s0 =	simm.s32 @p1 $0x1  }
0x15: {  	[smem:$0x3FB3] =	sst s0;
	s0 =	simm.s32 @!p2 $0x0  }
0x16: {  	s3 =	sld [smem:$0x3FDB];
	s0 =	simm.s32 @p2 $0x1  }
0x17: {  	s4 =	simm.s32 $0x1BF5;
	[smem:$0x3FB5] =	sst s0  }
0x18: {  	s0 =	sld [smem:$0x3F98];
	_ =	swait.ge [sflag:s4], $0x0  }
0x19: {  	s7 =	sld [smem:$0x3F99]  }
0x1a: {  	s8 =	sadd.s32 $0xFFFFE003, lr  }
0x1b: {  	s9 =	sadd.s32 $0xFFFFFEF7, lr;
	s5 =	simm.s32 $0xFFFFFFFF;
	p2 =	slt.u32 s8, $0xFFFFF086  }
0x1c: {  	p1 =	slt.u32 s9, $0xF7A;
	s5 =	simm.s32 @!p2 $0x0  }
0x1d: {  	s5 =	simm.s32 @p1 $0x1;
	p0 =	seq.s32 s7, s2  }
0x1e: {  	s7 =	smul.u32 @!p0 $0xF7A, s2;
	p2 =	seq.s32 @!p0 s5, $0x0  }
0x1f: {  	s9 =	smul.u32 $0xF7A, s1;
	s8 =	simm.s32 @!p0 $0x1BF5;
	p2 =	por !p2, p0  }
0x20: {  	[sflag:s8] =	ssyncset.s32 @!p0 $0xFFFFF086;
	s6 =	sadd.s32 @!p0 s3, s7;
	s7 =	simm.s32 @!p0 $0x108  }
0x21: {  	s3 =	sadd.s32 s3, s9;
	s6 =	sadd.s32 @!p0 $0x88, s6;
	s7 =	simm.s32 @p2 $0x1082  }
0x22: {  	[simem:s7], [sflag:s8] =	dma.local @!p0 [hbm:s6], $0xF7A  }
0x23: {  	s9 =	sor.u32 $0xD0000000, s2;
	s6 =	simm.s32 $0x108;
	_ =	swait.ge @!p0 [sflag:s8], $0x0  }
0x24: {  	s3 =	sadd.s32 $0x88, s3;
	s6 =	simm.s32 @!p1 $0x1082;
	[sflag:s4] =	ssyncset.s32 $0xFFFFF086  }
0x25: {  	[simem:s6], [sflag:s4] =	dma.local [hbm:s3], $0xF7A  }
0x26: {  	[smem:$0x3F99] =	sst s1;
	(tag) =	ssettag s2;
	_ =	strace s9  }
0x27: {  	s1 =	sld [smem:$0x3FA9]  }
0x28: {  	s2 =	sld [smem:$0x3FAA]  }
0x29: {  	s4 =	sld [smem:$0x3FAC]  }
0x2a: {  	p0 =	seq.s32 s5, $0x0;
	s5 =	sld [smem:$0x3FAD]  }
0x2b: {  	s6 =	sld [smem:$0x3FAE]  }
0x2c: {  	s7 =	sld [smem:$0x3FAF]  }
0x2d: {  	s3 =	simm.s32 $0x108;
	s8 =	sld [smem:$0x3FB0]  }
0x2e: {  	s3 =	simm.s32 @!p0 $0x1082;
	s9 =	sld [smem:$0x3FB1]  }
0x2f: {  	lr =	sadd.s32 s0, s3;
	s0 =	sld [smem:$0x3FA8]  }
0x30: {  	s3 =	sld [smem:$0x3FAB]  }
0x31: {  	[smem:$0x3FB4] =	sst s10  }
0x32: {  	s10 =	sld [smem:$0x3FB2];
	_ =	sdelay $0x3  }
0x33: {  	p0 =	seq.s32 s10, $0x1;
	s10 =	sld [smem:$0x3FB4];
	_ =	sdelay $0x3  }
0x34: {  	[smem:$0x3FB4] =	sst s10  }
0x35: {  	s10 =	sld [smem:$0x3FB3];
	_ =	sdelay $0x3  }
0x36: {  	p1 =	seq.s32 s10, $0x1;
	s10 =	sld [smem:$0x3FB4];
	_ =	sdelay $0x3  }
0x37: {  	[smem:$0x3FB4] =	sst s10  }
0x38: {  	s10 =	sld [smem:$0x3FB5]  }
0x39: {  	_ = 	snop;
	(pc) =	sbr.ind lr, $3  }
0x3a: {  	_ = 	snop  }
0x3b: {  	_ = 	snop  }
0x3c: {  	p2 =	seq.s32 s10, $0x1;
	s10 =	sld [smem:$0x3FB4]  }
0x3d: {  	_ =	shalt  }
0x3e: {  	_ =	shalt  }
0x3f: {  	_ =	shalt  }
0x40: {  	_ =	shalt  }
0x41: {  	_ =	shalt  }
0x42: {  	_ =	shalt  }
0x43: {  	_ =	shalt  }
0x44: {  	_ =	shalt  }
0x45: {  	_ =	shalt  }
0x46: {  	_ =	shalt  }
0x47: {  	_ =	shalt  }
0x48: {  	_ =	shalt  }
0x49: {  	_ =	shalt  }
0x4a: {  	_ =	shalt  }
0x4b: {  	_ =	shalt  }
0x4c: {  	_ =	shalt  }
0x4d: {  	_ =	shalt  }
0x4e: {  	_ =	shalt  }
0x4f: {  	_ =	shalt  }
0x50: {  	_ =	shalt  }
0x51: {  	_ =	shalt  }
0x52: {  	_ =	shalt  }
0x53: {  	_ =	shalt  }
0x54: {  	_ =	shalt  }
0x55: {  	_ =	shalt  }
0x56: {  	_ =	shalt  }
0x57: {  	_ =	shalt  }
0x58: {  	_ =	shalt  }
0x59: {  	_ =	shalt  }
0x5a: {  	_ =	shalt  }
0x5b: {  	_ =	shalt  }
0x5c: {  	_ =	shalt  }
0x5d: {  	_ =	shalt  }
0x5e: {  	_ =	shalt  }
0x5f: {  	_ =	shalt  }
0x60: {  	_ =	shalt  }
0x61: {  	_ =	shalt  }
0x62: {  	_ =	shalt  }
0x63: {  	_ =	shalt  }
0x64: {  	_ =	shalt  }
0x65: {  	_ =	shalt  }
0x66: {  	_ =	shalt  }
0x67: {  	_ =	shalt  }
0x68: {  	_ =	shalt  }
0x69: {  	_ =	shalt  }
0x6a: {  	_ =	shalt  }
0x6b: {  	_ =	shalt  }
0x6c: {  	_ =	shalt  }
0x6d: {  	_ =	shalt  }
0x6e: {  	_ =	shalt  }
0x6f: {  	_ =	shalt  }
0x70: {  	_ =	shalt  }
0x71: {  	_ =	shalt  }
0x72: {  	_ =	shalt  }
0x73: {  	_ =	shalt  }
0x74: {  	_ =	shalt  }
0x75: {  	_ =	shalt  }
0x76: {  	_ =	shalt  }
0x77: {  	_ =	shalt  }
0x78: {  	_ =	shalt  }
0x79: {  	_ =	shalt  }
0x7a: {  	_ =	shalt  }
0x7b: {  	_ =	shalt  }
0x7c: {  	_ =	shalt  }
0x7d: {  	_ =	shalt  }
0x7e: {  	_ =	shalt  }
0x7f: {  	_ =	shalt  }
0x80: {  	_ =	shalt  }
0x81: {  	_ =	shalt  }
0x82: {  	_ =	shalt  }
0x83: {  	_ =	shalt  }
0x84: {  	_ =	shalt  }
0x85: {  	_ =	shalt  }
0x86: {  	_ =	shalt  }
0x87: {  	_ =	shalt  }
.Lfunc_end0:
.L_simem_size_0:
called_computation_lowered:
.L_overlay_start_0:
0x88: {  	s2 =	sld [smem:$0x3FD9]  }
0x89: {  	s3 =	sld [smem:$0x3FFE];
	_ =	sdelay $0x1  }
0x8a: {  	s1 =	srdreg.scid  }
0x8b: {  	s0 =	sand.u32 $0x1, s1  }
0x8c: {  	s16 =	sshll.u32 s0, $0xA;
	s2 =	sadd.s32 s3, s2  }
0x8d: {  	s2 =	sadd.s32 s2, s16  }
0x8e: {  	[smem:$0x3FC0] =	sst s2  }
0x8f: {  	_ = 	snop  }
0x90: {  	(tm) =	ssettm $0x1  }
0x91: {  	s17 =	sld [smem:$0x3FFB];
	_ =	sdelay $0x3  }
0x92: {  	_ =	strace s17  }
0x93: {  	s2 =	sld [smem:$0x3FFC];
	_ =	sdelay $0x3  }
0x94: {  	_ =	strace s2  }
0x95: {  	s2 =	sld [smem:$0x3FFD];
	_ =	sdelay $0x3  }
0x96: {  	_ =	strace s2  }
0x97: {  	_ =	strace $0x8FFFFFFF  }
0x98: {  	s18 =	sld [smem:$0x3FDB];
	_ =	sdelay $0x1  }
0x99: {  	s19 =	simm.s32 $_scs_section_size  }
0x9a: {  	s4 =	simm.s32 $_size__tile_overlayer_lowered;
	s5 =	simm.s32 $_tile_overlayer_lowered  }
0x9b: {  	s22 =	simm.s32 $0x1BFF;
	s21 =	sshll.u32 s5, $0x1;
	s2 =	sadd.s32 s19, s18  }
0x9c: {  	s6 =	simm.s32 $0x0;
	s20 =	sshll.u32 s4, $0x1;
	s4 =	sadd.s32 s21, s2  }
0x9d: {  	[timem:s6], [sflag:s22] =	dma.local [hbm:s4], s20  }
0x9e: {  	_ =	swait.ge [sflag:s22], s20  }
0x9f: {  	s3 =	ssub.s32 $0x0, s20;
	[sflag:s22] =	ssyncset.done $0x0  }
0xa0: {  	[sflag:s22] =	ssyncadd.s32 s3;
	_ =	sdelay $0x1  }
0xa1: {  	s23 =	simm.s32 $0x1B8B  }
0xa2: {  	_ =	swait.ge [sflag:s23], $0x1  }
0xa3: {  	[sflag:s23] =	ssyncset.done $0x0  }
0xa4: {  	s25 =	simm.s32 $0x1B8E;
	s24 =	sld [smem:$0x3FFE];
	[sflag:s23] =	ssyncadd.s32 $0xFFFFFFFF  }
0xa5: {  	s26 =	simm.s32 $execute0_lowered;
	[smem:$0x3FD2] =	sst s25  }
0xa6: {  	s4 =	sshll.u32 s26, $0x1;
	_ =	strace $0x80000046;
	[dreg:$0x1] =	wrdreg $0xFFFFFFFF  }
0xa7: {  	s28 =	simm.s32 $_size_execute0_lowered;
	s2 =	sadd.s32 s2, s4;
	[dreg:$0x0] =	wrdreg $0x0  }
0xa8: {  	s4 =	sshll.u32 s28, $0x1;
	[dreg:$0x2] =	wrdreg s2  }
0xa9: {  	[dreg:$0x3] =	wrdreg s4  }
0xaa: {  	[dreg:$0x4] =	wrdreg $0xC0  }
0xab: {  	_ =	task [dreg:s6], $0x5FFFF  }
0xac: {  	[dreg:$0x1] =	wrdreg $0xFFFFFFFF  }
0xad: {  	[dreg:$0x0] =	wrdreg $0x60  }
0xae: {  	[dreg:$0x2] =	wrdreg s24  }
0xaf: {  	[dreg:$0x3] =	wrdreg $0x8800  }
0xb0: {  	[dreg:$0x4] =	wrdreg $0x9  }
0xb1: {  	_ =	task.clear_ibuf [dreg:s6], $0x5FFFF;
	_ =	strace $0x90000046  }
0xb2: {  	s29 =	simm.s32 $0x9;
	_ =	strace $0x80000048  }
0xb3: {  	_ =	swait.ge [sflag:s29], $0x1  }
0xb4: {  	[sflag:s29] =	ssyncadd.s32 $0xFFFFFFFF  }
0xb5: {  	_ =	strace $0x90000048  }
0xb6: {  	_ =	sfence  }
0xb7: {  	s30 =	sld [smem:$0x0];
	_ =	sdelay $0x2  }
0xb8: {  	s31 =	sshll.u32 s1, $0xD;
	s1 =	sshrl.u32 s1, $0x2  }
0xb9: {  	s3 =	sand.u32 $0x4000, s31;
	s1 =	sadd.s32 s1, s30  }
0xba: {  	s0 =	sor.u32 s3, s0;
	s1 =	sshll.u32 s1, $0x11  }
0xbb: {  	s0 =	sor.u32 s1, s0  }
0xbc: {  	s0 =	sadd.s32 $0x8F2B, s0  }
0xbd: {  	[sflag:s0] =	ssyncadd.remote.s32 $0x1  }
0xbe: {  	_ =	sfence.sel $0xFFFF  }
0xbf: {  	[dreg:$0x0] =	wrdreg $0xFFFFFFFF;
	(pc) =	sbr.abs _section_cstart, $3  }
0xc0: {  	[dreg:$0x1] =	wrdreg $0xFFFFFFFF  }
0xc1: {  	_ =	task.clear_ibuf [dreg:s6], $0x2FFFF;
	_ =	strace $0x9FFFFFFF  }
0xc2: {  	(tm) =	ssettm $0x7FFFFFFF  }
0xc3: {  	_ =	shalt  }
tec
execute0_lowered:
.L_overlay_start_1:
0x0: {  	(tag) =	ssettag $0x1  }
0x1: {  	s0 =	srdreg.scid;
	s1 =	rddreg [dreg:$0x0]  }
0x2: {  	s9 =	stileid.u32;
	s2 =	rddreg [dreg:$0x1];
	s3 =	simm.s32 $0x0  }
0x3: {  	s12 =	simm.s32 $0x5;
	s13 =	simm.s32 $0x400;
	s14 =	simm.s32 $0x80  }
0x4: {  	s15 =	simm.s32 $0x800;
	s16 =	simm.s32 $0x100;
	s17 =	simm.s32 $0x180  }
0x5: {  	s18 =	simm.s32 $0x200;
	s19 =	simm.s32 $0x280;
	s20 =	simm.s32 $0x300  }
0x6: {  	s28 =	simm.s32 $0x600;
	s29 =	simm.s32 $0x680;
	s5 =	smul.u32 $0x190, s9  }
0x7: {  	s30 =	simm.s32 $0x700;
	s31 =	simm.s32 $0x780;
	s21 =	smul.u32 $0x1880, s9  }
0x8: {  	s0 =	sand.u32 $0x1, s0;
	[smem:$0x7FF] =	sst s3;
	s6 =	smul.u32 $0x3100, s9  }
0x9: {  	s24 =	sshll.u32 s9, $0x6;
	s4 =	smul.u32 $0x1900, s0;
	_ =	strace $0x80000047  }
0xa: {  	s7 =	sshll.u32 s0, $0x7;
	s0 =	ssub.s32 $0x2, s0;
	s8 =	sshrl.u32 s21, $0x3  }
0xb: {  	s6 =	sor.u32 s7, s6;
	s23 =	sshrl.u32 s0, $0x1;
	s11 =	sadd.s32 s21, s2  }
0xc: {  	s21 =	simm.s32 $0x380;
	s4 =	sadd.s32 s5, s4;
	s22 =	sadd.s32 s8, s1  }
0xd: {  	s6 =	sshrl.u32 s6, $0x3;
	s0 =	ssub.s32 s0, s23;
	s5 =	sor.u32 $0x1C05, s24  }
0xe: {  	s11 =	sshrl.u32 s11, $0x3;
	s23 =	simm.s32 $0x1;
	s24 =	simm.s32 $0x480  }
0xf: {  	s8 =	simm.s32 $0x10;
	s4 =	sshll.u32 s4, $0x4;
	s25 =	sadd.s32 $0x67800, s22  }
0x10: {  	s0 =	smax.u32 s0, $0x1;
	s22 =	simm.s32 $0x4;
	s4 =	sadd.s32 s4, s1  }
.Ltmp0:
0x11: {  	s1 =	sadd.s32 s6, s1;
	[dreg:$0x3] =	wrdreg s25;
	(pc) =	sbr.rel .LBB2_1-.Ltmp0, $4  }
0x12: {  	[dreg:$0x6] =	wrdreg s0;
	s25 =	simm.s32 $0x500;
	s0 =	simm.s32 $0x3  }
0x13: {  	s26 =	sadd.s32 $0x3800, s4;
	s1 =	sadd.s32 $0x6AA00, s1;
	s9 =	sadd.s32 $0x3900, s4  }
0x14: {  	s10 =	sadd.s32 $0x3880, s4;
	s4 =	simm.s32 $0x0;
	[dreg:$0x4] =	wrdreg s26  }
0x15: {  	v0 =	vimm.f32 $1.000000000e+00;
	[dreg:$0x5] =	wrdreg s1;
	s26 =	simm.s32 $0x580;
	s1 =	simm.s32 $0x2  }
.LBB2_4:
0x16: {  	[spmem:s2] =	stream.indirect.scatter.add.f32 [tilespmem:s15], [sflag:$0x2], $0x1, s13, s14, $0xb8;
	[tilespmem:$0x2100] =	vst v63  }
0x17: {  	_ = 	snop  }
0x18: {  	[spmem:s2] =	stream.indirect.scatter.add.f32 [tilespmem:s15], [sflag:$0x2], $0x1, s24, s14, $0xb8;
	[tilespmem:$0x2100] =	vst v63  }
0x19: {  	_ = 	snop  }
0x1a: {  	[spmem:s2] =	stream.indirect.scatter.add.f32 [tilespmem:s15], [sflag:$0x2], $0x1, s25, s14, $0xb8;
	[tilespmem:$0x2100] =	vst v63  }
0x1b: {  	_ = 	snop  }
0x1c: {  	[spmem:s2] =	stream.indirect.scatter.add.f32 [tilespmem:s15], [sflag:$0x2], $0x1, s26, s14, $0xb8;
	[tilespmem:$0x2100] =	vst v63  }
0x1d: {  	_ = 	snop  }
0x1e: {  	[spmem:s2] =	stream.indirect.scatter.add.f32 [tilespmem:s15], [sflag:$0x2], $0x1, s28, s14, $0xb8;
	[tilespmem:$0x2100] =	vst v63  }
0x1f: {  	_ = 	snop  }
0x20: {  	[spmem:s2] =	stream.indirect.scatter.add.f32 [tilespmem:s15], [sflag:$0x2], $0x1, s29, s14, $0xb8;
	[tilespmem:$0x2100] =	vst v63  }
0x21: {  	_ = 	snop  }
0x22: {  	[spmem:s2] =	stream.indirect.scatter.add.f32 [tilespmem:s15], [sflag:$0x2], $0x1, s30, s14, $0xb8;
	[tilespmem:$0x2100] =	vst v63  }
0x23: {  	_ = 	snop  }
0x24: {  	[spmem:s2] =	stream.indirect.scatter.add.f32 [tilespmem:s15], [sflag:$0x2], $0x1, s31, s14, $0xb8;
	[tilespmem:$0x2100] =	vst v63  }
0x25: {  	_ =	swait.ge [sflag:s1], $0x80  }
0x26: {  	[sflag:s1] =	ssyncset.done $0x0  }
0x27: {  	[sflag:s1] =	ssyncadd.s32 $0xFFFFFF80  }
0x28: {  	_ =	swait.ge [sflag:s1], $0x80  }
0x29: {  	[sflag:s1] =	ssyncset.done $0x0  }
0x2a: {  	[sflag:s1] =	ssyncadd.s32 $0xFFFFFF80  }
0x2b: {  	_ =	swait.ge [sflag:s1], $0x80  }
0x2c: {  	[sflag:s1] =	ssyncset.done $0x0  }
0x2d: {  	[sflag:s1] =	ssyncadd.s32 $0xFFFFFF80  }
0x2e: {  	_ =	swait.ge [sflag:s1], $0x80  }
0x2f: {  	[sflag:s1] =	ssyncset.done $0x0  }
0x30: {  	[sflag:s1] =	ssyncadd.s32 $0xFFFFFF80  }
0x31: {  	_ =	swait.ge [sflag:s1], $0x80  }
0x32: {  	[sflag:s1] =	ssyncset.done $0x0  }
0x33: {  	[sflag:s1] =	ssyncadd.s32 $0xFFFFFF80  }
0x34: {  	_ =	swait.ge [sflag:s1], $0x80  }
0x35: {  	[sflag:s1] =	ssyncset.done $0x0  }
0x36: {  	[sflag:s1] =	ssyncadd.s32 $0xFFFFFF80  }
0x37: {  	_ =	swait.ge [sflag:s1], $0x80  }
0x38: {  	[sflag:s1] =	ssyncset.done $0x0  }
0x39: {  	[sflag:s1] =	ssyncadd.s32 $0xFFFFFF80  }
0x3a: {  	_ =	swait.ge [sflag:s1], $0x80  }
0x3b: {  	[sflag:s1] =	ssyncset.done $0x0  }
0x3c: {  	[sflag:s1] =	ssyncadd.s32 $0xFFFFFF80  }
0x3d: {  	[bflag:$0x0] =	sbarrier.arrive $0xFFFF  }
0x3e: {  	s7 =	simm.s32 $0x20;
	s6 =	rddreg [dreg:$0x5]  }
0x3f: {  	[hbm:s6@s7], [sflag:s5] =	dma.strided [spmem:s11@s8], $0x310, s23, $0x10   }
0x40: {  	_ =	swait.ge [sflag:s12], $0x310  }
0x41: {  	s4 =	sadd.s32 $0x1, s4;
	s7 =	rddreg [dreg:$0x6]  }
0x42: {  	p0 =	sne.s32 s4, s7  }
.Ltmp1:
0x43: {  	_ = 	snop;
	(pc) =	sbr.rel @!p0 .LBB2_5-.Ltmp1, $3  }
0x44: {  	_ =	sdelay $0x1  }
0x45: {  	[sflag:s12] =	ssyncset.done $0x0  }
0x46: {  	[sflag:s12] =	ssyncadd.s32 $0xFFFFFCF0  }
.LBB2_1:
0x47: {  	[tilespmem:$0x800] =	vst v0  }
0x48: {  	[tilespmem:$0x810] =	vst v0  }
0x49: {  	[tilespmem:$0x820] =	vst v0  }
0x4a: {  	[tilespmem:$0x830] =	vst v0  }
0x4b: {  	[tilespmem:$0x840] =	vst v0  }
0x4c: {  	[tilespmem:$0x850] =	vst v0  }
0x4d: {  	[tilespmem:$0x860] =	vst v0  }
0x4e: {  	[tilespmem:$0x870] =	vst v0;
	s6 =	rddreg [dreg:$0x3]  }
0x4f: {  	[spmem:s11], [sflag:s5] =	dma.local [hbm:s6], $0x310  }
0x50: {  	_ =	swait.ge [sflag:s12], $0x310  }
0x51: {  	[sflag:s12] =	ssyncset.done $0x0  }
0x52: {  	[sflag:s12] =	ssyncadd.s32 $0xFFFFFCF0  }
0x53: {  	[bflag:$0x0] =	sbarrier.arrive $0xFFFF  }
0x54: {  	s7 =	rddreg [dreg:$0x4]  }
0x55: {  	[tilespmem:s3], [sflag:$0x5] =	stream.linear.gather [hbm4b:s7+s3], $0x400, $0x38;
	[tilespmem:$0x2100] =	vst v63  }
0x56: {  	_ =	swait.ge [sflag:s12], $0x400  }
0x57: {  	[sflag:s12] =	ssyncset.done $0x0  }
0x58: {  	s6 =	simm.s32 $0x0;
	[sflag:s12] =	ssyncadd.s32 $0xFFFFFC00  }
.LBB2_2:
0x59: {  	p0 =	seq.s32 s6, $0x0  }
0x5a: {  	s7 =	simm.s32 @!p0 $0x2  }
0x5b: {  	_ =	swait.ge @!p0 [sflag:s7], $0x80  }
0x5c: {  	[sflag:s7] =	ssyncset.done @!p0 $0x0  }
0x5d: {  	[sflag:s7] =	ssyncadd.s32 @!p0 $0xFFFFFF80  }
0x5e: {  	_ =	swait.ge @!p0 [sflag:s7], $0x80  }
0x5f: {  	[sflag:s7] =	ssyncset.done @!p0 $0x0  }
0x60: {  	[sflag:s7] =	ssyncadd.s32 @!p0 $0xFFFFFF80  }
0x61: {  	_ =	swait.ge @!p0 [sflag:s7], $0x80  }
0x62: {  	[sflag:s7] =	ssyncset.done @!p0 $0x0  }
0x63: {  	[sflag:s7] =	ssyncadd.s32 @!p0 $0xFFFFFF80  }
0x64: {  	_ =	swait.ge @!p0 [sflag:s7], $0x80  }
0x65: {  	[sflag:s7] =	ssyncset.done @!p0 $0x0  }
0x66: {  	[sflag:s7] =	ssyncadd.s32 @!p0 $0xFFFFFF80  }
0x67: {  	_ =	swait.ge @!p0 [sflag:s7], $0x80  }
0x68: {  	[sflag:s7] =	ssyncset.done @!p0 $0x0  }
0x69: {  	[sflag:s7] =	ssyncadd.s32 @!p0 $0xFFFFFF80  }
0x6a: {  	_ =	swait.ge @!p0 [sflag:s7], $0x80  }
0x6b: {  	[sflag:s7] =	ssyncset.done @!p0 $0x0  }
0x6c: {  	[sflag:s7] =	ssyncadd.s32 @!p0 $0xFFFFFF80  }
0x6d: {  	_ =	swait.ge @!p0 [sflag:s7], $0x80  }
0x6e: {  	[sflag:s7] =	ssyncset.done @!p0 $0x0  }
0x6f: {  	[sflag:s7] =	ssyncadd.s32 @!p0 $0xFFFFFF80  }
0x70: {  	_ =	swait.ge @!p0 [sflag:s7], $0x80  }
0x71: {  	[sflag:s7] =	ssyncset.done @!p0 $0x0  }
0x72: {  	[sflag:s7] =	ssyncadd.s32 @!p0 $0xFFFFFF80;
	s7 =	sadd.s32 s6, s10  }
0x73: {  	[tilespmem:s13], [sflag:$0x4] =	stream.linear.gather [hbm4b:s7+s3], $0x400, $0x38;
	[tilespmem:$0x2100] =	vst v63  }
0x74: {  	_ = 	snop  }
0x75: {  	[spmem:s2] =	stream.indirect.scatter.add.f32 [tilespmem:s15], [sflag:$0x1], $0x1, s3, s14, $0xb8;
	[tilespmem:$0x2100] =	vst v63  }
0x76: {  	_ = 	snop  }
0x77: {  	[spmem:s2] =	stream.indirect.scatter.add.f32 [tilespmem:s15], [sflag:$0x1], $0x1, s14, s14, $0xb8;
	[tilespmem:$0x2100] =	vst v63  }
0x78: {  	_ = 	snop  }
0x79: {  	[spmem:s2] =	stream.indirect.scatter.add.f32 [tilespmem:s15], [sflag:$0x1], $0x1, s16, s14, $0xb8;
	[tilespmem:$0x2100] =	vst v63  }
0x7a: {  	_ = 	snop  }
0x7b: {  	[spmem:s2] =	stream.indirect.scatter.add.f32 [tilespmem:s15], [sflag:$0x1], $0x1, s17, s14, $0xb8;
	[tilespmem:$0x2100] =	vst v63  }
0x7c: {  	_ = 	snop  }
0x7d: {  	[spmem:s2] =	stream.indirect.scatter.add.f32 [tilespmem:s15], [sflag:$0x1], $0x1, s18, s14, $0xb8;
	[tilespmem:$0x2100] =	vst v63  }
0x7e: {  	_ = 	snop  }
0x7f: {  	[spmem:s2] =	stream.indirect.scatter.add.f32 [tilespmem:s15], [sflag:$0x1], $0x1, s19, s14, $0xb8;
	[tilespmem:$0x2100] =	vst v63  }
0x80: {  	_ = 	snop  }
0x81: {  	[spmem:s2] =	stream.indirect.scatter.add.f32 [tilespmem:s15], [sflag:$0x1], $0x1, s20, s14, $0xb8;
	[tilespmem:$0x2100] =	vst v63  }
0x82: {  	_ = 	snop  }
0x83: {  	[spmem:s2] =	stream.indirect.scatter.add.f32 [tilespmem:s15], [sflag:$0x1], $0x1, s21, s14, $0xb8;
	[tilespmem:$0x2100] =	vst v63  }
0x84: {  	_ =	swait.ge [sflag:s22], $0x400  }
0x85: {  	[sflag:s22] =	ssyncset.done $0x0  }
0x86: {  	[sflag:s22] =	ssyncadd.s32 $0xFFFFFC00  }
0x87: {  	_ =	swait.ge [sflag:s23], $0x80  }
0x88: {  	[sflag:s23] =	ssyncset.done $0x0  }
0x89: {  	[sflag:s23] =	ssyncadd.s32 $0xFFFFFF80  }
0x8a: {  	_ =	swait.ge [sflag:s23], $0x80  }
0x8b: {  	[sflag:s23] =	ssyncset.done $0x0  }
0x8c: {  	[sflag:s23] =	ssyncadd.s32 $0xFFFFFF80  }
0x8d: {  	_ =	swait.ge [sflag:s23], $0x80  }
0x8e: {  	[sflag:s23] =	ssyncset.done $0x0  }
0x8f: {  	[sflag:s23] =	ssyncadd.s32 $0xFFFFFF80  }
0x90: {  	_ =	swait.ge [sflag:s23], $0x80  }
0x91: {  	[sflag:s23] =	ssyncset.done $0x0  }
0x92: {  	[sflag:s23] =	ssyncadd.s32 $0xFFFFFF80  }
0x93: {  	_ =	swait.ge [sflag:s23], $0x80  }
0x94: {  	[sflag:s23] =	ssyncset.done $0x0  }
0x95: {  	[sflag:s23] =	ssyncadd.s32 $0xFFFFFF80  }
0x96: {  	_ =	swait.ge [sflag:s23], $0x80  }
0x97: {  	[sflag:s23] =	ssyncset.done $0x0  }
0x98: {  	[sflag:s23] =	ssyncadd.s32 $0xFFFFFF80  }
0x99: {  	p0 =	seq.s32 s6, $0x1800;
	_ =	swait.ge [sflag:s23], $0x80  }
.Ltmp2:
0x9a: {  	[sflag:s23] =	ssyncset.done $0x0;
	(pc) =	sbr.rel @p0 .LBB2_4-.Ltmp2, $4  }
0x9b: {  	[sflag:s23] =	ssyncadd.s32 $0xFFFFFF80  }
0x9c: {  	_ =	swait.ge [sflag:s23], $0x80  }
0x9d: {  	[sflag:s23] =	ssyncset.done $0x0  }
0x9e: {  	[sflag:s23] =	ssyncadd.s32 $0xFFFFFF80  }
0x9f: {  	s7 =	sadd.s32 s6, s9  }
0xa0: {  	[tilespmem:s3], [sflag:$0x3] =	stream.linear.gather [hbm4b:s7+s3], $0x400, $0x38;
	[tilespmem:$0x2100] =	vst v63  }
0xa1: {  	_ = 	snop  }
0xa2: {  	[spmem:s2] =	stream.indirect.scatter.add.f32 [tilespmem:s15], [sflag:$0x2], $0x1, s13, s14, $0xb8;
	[tilespmem:$0x2100] =	vst v63  }
0xa3: {  	_ = 	snop  }
0xa4: {  	[spmem:s2] =	stream.indirect.scatter.add.f32 [tilespmem:s15], [sflag:$0x2], $0x1, s24, s14, $0xb8;
	[tilespmem:$0x2100] =	vst v63  }
0xa5: {  	_ = 	snop  }
0xa6: {  	[spmem:s2] =	stream.indirect.scatter.add.f32 [tilespmem:s15], [sflag:$0x2], $0x1, s25, s14, $0xb8;
	[tilespmem:$0x2100] =	vst v63  }
0xa7: {  	_ = 	snop  }
0xa8: {  	[spmem:s2] =	stream.indirect.scatter.add.f32 [tilespmem:s15], [sflag:$0x2], $0x1, s26, s14, $0xb8;
	[tilespmem:$0x2100] =	vst v63  }
0xa9: {  	_ = 	snop  }
0xaa: {  	[spmem:s2] =	stream.indirect.scatter.add.f32 [tilespmem:s15], [sflag:$0x2], $0x1, s28, s14, $0xb8;
	[tilespmem:$0x2100] =	vst v63  }
0xab: {  	_ = 	snop  }
0xac: {  	[spmem:s2] =	stream.indirect.scatter.add.f32 [tilespmem:s15], [sflag:$0x2], $0x1, s29, s14, $0xb8;
	[tilespmem:$0x2100] =	vst v63  }
0xad: {  	_ = 	snop  }
0xae: {  	[spmem:s2] =	stream.indirect.scatter.add.f32 [tilespmem:s15], [sflag:$0x2], $0x1, s30, s14, $0xb8;
	[tilespmem:$0x2100] =	vst v63  }
.Ltmp3:
0xaf: {  	_ = 	snop;
	(pc) =	sbr.rel .LBB2_2-.Ltmp3, $4  }
0xb0: {  	[spmem:s2] =	stream.indirect.scatter.add.f32 [tilespmem:s15], [sflag:$0x2], $0x1, s31, s14, $0xb8;
	[tilespmem:$0x2100] =	vst v63  }
0xb1: {  	_ =	swait.ge [sflag:s0], $0x400  }
0xb2: {  	[sflag:s0] =	ssyncset.done $0x0  }
0xb3: {  	s6 =	sadd.s32 $0x100, s6;
	[sflag:s0] =	ssyncadd.s32 $0xFFFFFC00  }
.LBB2_5:
0xb4: {  	_ =	sfence.sel $0x180000  }
0xb5: {  	[bflag:$0x0] =	sbarrier.arrive $0xFFFF  }
0xb6: {  	_ =	strace $0x90000047  }
0xb7: {  	s0 =	stileid.u32;
	[bflag:$0x2] =	sbarrier.arrive $0xFFFF  }
0xb8: {  	p0 =	sne.s32 s0, $0x0;
	s0 =	rddreg [dreg:$0x2]  }
0xb9: {  	s0 =	sadd.s32 @!p0 $0x100000, s0  }
0xba: {  	[sflag:s0] =	ssyncadd.tile.s32 @!p0 $0x1;
	_ =	shalt  }
.Lfunc_end2:
_tile_overlayer_lowered:
.L_overlay_start_2:
0xbb: {  	(tag) =	ssettag $0x2  }
0xbc: {  	s0 =	rddreg [dreg:$0x0];
	s2 =	stileid.u32  }
0xbd: {  	s1 =	rddreg [dreg:$0x1];
	p0 =	sne.s32 s2, $0x0  }
0xbe: {  	s3 =	rddreg [dreg:$0x2];
	[bflag:$0x3] =	sbarrier.arrive $0xFFFF;
	s2 =	simm.s32 @!p0 $0x1C05  }
0xbf: {  	[timem:s3], [sflag:s2] =	dma.local @!p0 [hbm:s0], s1  }
0xc0: {  	s0 =	simm.s32 @!p0 $0x5  }
0xc1: {  	_ =	swait.ge @!p0 [sflag:s0], s1  }
0xc2: {  	s1 =	ssub.s32 @!p0 $0x0, s1;
	[sflag:s0] =	ssyncset.done @!p0 $0x0  }
0xc3: {  	[sflag:s0] =	ssyncadd.s32 @!p0 s1  }
0xc4: {  	[bflag:$0x3] =	sbarrier.arrive $0xFFFF  }
0xc5: {  	_ =	shalt  }

</sc_bundles>
